<compile_context>
chip_gen: v7x
topology: tpu7x:2x2x1
jax: 0.10.2.dev20260603
libtpu: 0.0.44.dev20260713+nightly
codegen_flags: <defaults>
</compile_context>

<pallas_src>
import functools

import jax
import jax.numpy as jnp
from jax import lax
from jax.experimental import pallas as pl
from jax.experimental.pallas import tpu as pltpu
from jax.experimental.pallas import tpu_sc as plsc

NC = 2
NS = 16
NW = NC * NS
DPAD = 1024


@functools.cache
def _make_loss_tc(n_blocks, blk, v):
    def body(x_ref, y_ref, t_ref, o_ref, c_ref):
        i = pl.program_id(0)

        @pl.when(i == 0)
        def _init():
            c_ref[...] = jnp.zeros_like(c_ref)

        xb = x_ref[0, 0, :]
        yb = y_ref[0, 0, :]
        ids = lax.broadcasted_iota(jnp.int32, (blk, v), 1)
        ohx = (xb[:, None] == ids).astype(jnp.bfloat16)
        ohy = (yb[:, None] == ids).astype(jnp.bfloat16)
        c_ref[...] += lax.dot_general(
            ohx, ohy, (((0,), (0,)), ((), ())),
            preferred_element_type=jnp.float32)

        @pl.when(i == n_blocks - 1)
        def _finish():
            t = t_ref[...]
            m = jnp.max(t, axis=1)
            lse = m + jnp.log(jnp.sum(jnp.exp(t - m[:, None]), axis=1))
            c = c_ref[...]
            hist_x = jnp.sum(c, axis=1)
            raw = jnp.sum(hist_x * lse) - jnp.sum(c * t)
            o_ref[...] = jnp.full((1, 1), raw, jnp.float32)

    return pl.pallas_call(
        body,
        grid=(n_blocks,),
        in_specs=[
            pl.BlockSpec((1, 1, blk), lambda i: (i, 0, 0)),
            pl.BlockSpec((1, 1, blk), lambda i: (i, 0, 0)),
            pl.BlockSpec((v, v), lambda i: (0, 0)),
        ],
        out_specs=pl.BlockSpec((1, 1), lambda i: (0, 0)),
        out_shape=jax.ShapeDtypeStruct((1, 1), jnp.float32),
        scratch_shapes=[pltpu.VMEM((v, v), jnp.float32)],
    )


@functools.cache
def _make_patch_tc(n, d, blk):
    d_full = (d // 128) * 128
    de = d - d_full
    n_blk = n // blk
    assert n % blk == 0

    def body(alias_ref, edge_h, o_ref, r0, r1, w0, w1, sr0, sr1, sw0, sw1):
        del alias_ref
        rbufs = (r0, r1)
        wbufs = (w0, w1)
        srs = (sr0, sr1)
        sws = (sw0, sw1)

        def fire_r(i):
            return pltpu.async_copy(
                edge_h.at[pl.ds(i * blk, blk)], rbufs[i % 2], srs[i % 2])

        def fire_w(i):
            return pltpu.async_copy(
                wbufs[i % 2],
                o_ref.at[pl.ds(i * blk, blk), pl.ds(d_full, de)],
                sws[i % 2])

        rcps = [None] * n_blk
        wcps = [None] * n_blk
        rcps[0] = fire_r(0)
        for i in range(n_blk):
            if i + 1 < n_blk:
                rcps[i + 1] = fire_r(i + 1)
            rcps[i].wait()
            if i >= 2:
                wcps[i - 2].wait()
            wbufs[i % 2][...] = rbufs[i % 2][:, :de]
            wcps[i] = fire_w(i)
        wcps[n_blk - 2].wait()
        wcps[n_blk - 1].wait()

    return pl.pallas_call(
        body,
        in_specs=[
            pl.BlockSpec(memory_space=pl.ANY),
            pl.BlockSpec(memory_space=pl.ANY),
        ],
        out_specs=pl.BlockSpec(memory_space=pl.ANY),
        out_shape=jax.ShapeDtypeStruct((n, d), jnp.float32),
        scratch_shapes=[
            pltpu.VMEM((blk, 128), jnp.float32),
            pltpu.VMEM((blk, 128), jnp.float32),
            pltpu.VMEM((blk, de), jnp.float32),
            pltpu.VMEM((blk, de), jnp.float32),
            pltpu.SemaphoreType.DMA,
            pltpu.SemaphoreType.DMA,
            pltpu.SemaphoreType.DMA,
            pltpu.SemaphoreType.DMA,
        ],
        input_output_aliases={0: 0},
    )


@functools.cache
def _make_sc_gather(n, v, d, ch, nbuf):
    rows_per = n // NW
    n_chunks = rows_per // ch
    assert rows_per % ch == 0 and n_chunks % nbuf == 0
    mesh = plsc.VectorSubcoreMesh(
        core_axis_name="c", subcore_axis_name="s",
        num_cores=NC, num_subcores=NS,
    )

    row_bufs = [pltpu.VMEM((ch, DPAD), jnp.float32) for _ in range(nbuf)]
    sems = [pltpu.SemaphoreType.DMA for _ in range(2 * nbuf)]

    @functools.partial(
        pl.kernel,
        out_type=(
            jax.ShapeDtypeStruct((n, d), jnp.float32),
            jax.ShapeDtypeStruct((n, 128), jnp.float32),
        ),
        mesh=mesh,
        compiler_params=pltpu.CompilerParams(use_tc_tiling_on_sc=True),
        scratch_types=[pltpu.VMEM((rows_per,), jnp.int32)] + row_bufs + sems,
    )
    def sc_kernel(tpad_h, x_h, out_h, edge_h, x_all, *bufs_and_sems):
        rows = bufs_and_sems[:nbuf]
        sg = bufs_and_sems[nbuf:2 * nbuf]
        ss = bufs_and_sems[2 * nbuf:3 * nbuf]

        cid = lax.axis_index("c")
        sid = lax.axis_index("s")
        wid = sid * NC + cid
        base = wid * rows_per

        pltpu.sync_copy(x_h.at[pl.ds(base, rows_per)], x_all)

        def fire_gather(i, b):
            return pltpu.async_copy(
                tpad_h.at[x_all.at[pl.ds(i * ch, ch)]], rows[b], sg[b])

        def wait_g(b):
            pltpu.make_async_copy(
                tpad_h.at[x_all.at[pl.ds(0, ch)]], rows[b], sg[b]).wait()

        d_full = (d // 128) * 128

        def store(i, b):
            off = base + i * ch
            cps = []
            for cb in range(0, d_full, 128):
                cps.append(pltpu.async_copy(
                    rows[b].at[:, pl.ds(cb, 128)],
                    out_h.at[pl.ds(off, ch), pl.ds(cb, 128)], ss[b]))
            cps.append(pltpu.async_copy(
                rows[b].at[:, pl.ds(d_full, 128)],
                edge_h.at[pl.ds(off, ch)], ss[b]))
            return cps

        for b in range(nbuf):
            fire_gather(b, b)

        def steady(k, carry):
            i0 = k * nbuf
            for b in range(nbuf):
                i = i0 + b
                wait_g(b)
                for cp in store(i, b):
                    cp.wait()
                fire_gather(i + nbuf, b)
            return carry

        lax.fori_loop(0, n_chunks // nbuf - 1, steady, 0)

        i0 = n_chunks - nbuf
        for b in range(nbuf):
            wait_g(b)
            for cp in store(i0 + b, b):
                cp.wait()

    return sc_kernel


def kernel(X, y, table):
    n = X.size
    v, d = table.shape
    blk = 1024
    xf = X.reshape(-1).astype(jnp.int32)
    yf = y.reshape(-1).astype(jnp.int32)
    tpad = jnp.pad(table, ((0, 0), (0, DPAD - d)))
    out1, edge = _make_sc_gather(n, v, d, 16, 5)(tpad, xf)
    x3 = xf.reshape(n // blk, 1, blk)
    raw = _make_loss_tc(n // blk, blk, v)(x3, yf.reshape(n // blk, 1, blk), table)
    out = _make_patch_tc(n, d, 3200)(out1, edge)
    loss = raw[0, 0] / n
    return out, loss

# --- scband reference (transcript-rebuilt; emitter-appended) ---
"""Pipeline reference for scband-bigram-language-model-9869834846972 (READ-ONLY COPY).

The authoritative reference and input builder live on the scoring server;
editing this copy changes nothing except your own understanding.
"""

import jax, jax.numpy as jnp
import numpy as np

V = 1000
B = 1024
T = 50

def setup_inputs(seed: int = 0) -> dict:
    key = jax.random.key(seed)
    k1, k2, k3 = jax.random.split(key, 3)
    X = jax.random.randint(k1, (B, T), 0, V, dtype=jnp.int64 if jax.config.jax_enable_x64 else jnp.int32)
    y = jax.random.randint(k2, (B, T), 0, V, dtype=jnp.int64 if jax.config.jax_enable_x64 else jnp.int32)
    table = jax.random.normal(k3, (V, V), dtype=jnp.float32)
    return {"X": X, "y": y, "table": table}

def reference(X, y, table):
    # logits = embedding lookup: (B, T, V)
    logits = jnp.take(table, X, axis=0)
    Bq, Tq, Vq = logits.shape
    logits2 = logits.reshape(Bq * Tq, Vq)
    y2 = y.reshape(-1)
    # cross entropy, mean reduction (matches F.cross_entropy)
    lse = jax.nn.logsumexp(logits2, axis=-1)
    picked = jnp.take_along_axis(logits2, y2[:, None], axis=1)[:, 0]
    loss = jnp.mean(lse - picked)
    return (logits2, loss)

if __name__ == "__main__":
    import jax
    _d = setup_inputs()
    print(jax.jit(kernel)(*tuple(_d.values())))

</pallas_src>

<mosaic_0001>
#map = affine_map<(d0, d1) -> (0, 0)>
#map1 = affine_map<(d0, d1) -> (0)>
module attributes {stable_mosaic.version = 14 : i64} {
  func.func @sc_kernel(%arg0: i32, %arg1: i32, %arg2: memref<1000x1024xf32, #tpu.memory_space<hbm>>, %arg3: memref<51200xi32, #tpu.memory_space<hbm>>, %arg4: memref<51200x1000xf32, #tpu.memory_space<hbm>>, %arg5: memref<51200x128xf32, #tpu.memory_space<hbm>>, %arg6: memref<1600xi32, #tpu.memory_space<vmem>>, %arg7: memref<16x1024xf32, #tpu.memory_space<vmem>>, %arg8: memref<16x1024xf32, #tpu.memory_space<vmem>>, %arg9: memref<16x1024xf32, #tpu.memory_space<vmem>>, %arg10: memref<16x1024xf32, #tpu.memory_space<vmem>>, %arg11: memref<16x1024xf32, #tpu.memory_space<vmem>>, %arg12: memref<!tpu.dma_semaphore, #tpu.memory_space<semaphore_mem>>, %arg13: memref<!tpu.dma_semaphore, #tpu.memory_space<semaphore_mem>>, %arg14: memref<!tpu.dma_semaphore, #tpu.memory_space<semaphore_mem>>, %arg15: memref<!tpu.dma_semaphore, #tpu.memory_space<semaphore_mem>>, %arg16: memref<!tpu.dma_semaphore, #tpu.memory_space<semaphore_mem>>, %arg17: memref<!tpu.dma_semaphore, #tpu.memory_space<semaphore_mem>>, %arg18: memref<!tpu.dma_semaphore, #tpu.memory_space<semaphore_mem>>, %arg19: memref<!tpu.dma_semaphore, #tpu.memory_space<semaphore_mem>>, %arg20: memref<!tpu.dma_semaphore, #tpu.memory_space<semaphore_mem>>, %arg21: memref<!tpu.dma_semaphore, #tpu.memory_space<semaphore_mem>>) attributes {dimension_semantics = [#tpu.dimension_semantics<core_parallel>, #tpu.dimension_semantics<subcore_parallel>], iteration_bounds = array<i64: 2, 16>, scalar_prefetch = 0 : i64, scratch_operands = 16 : i64, tpu.core_type = #tpu.core_type<sc_vector_subcore>, window_params = [{transform_indices = #map}, {transform_indices = #map1}, {transform_indices = #map}, {transform_indices = #map}]} {
    %mul3A = arith.constant 2 : i32
    %mul3A_0 = arith.muli %arg1, %mul3A : i32
    %add3A = arith.addi %mul3A_0, %arg0 : i32
    %mul3A_1 = arith.constant 1600 : i32
    %mul3A_2 = arith.muli %add3A, %mul3A_1 : i32
    "tpu.region"() ({
      %run_scoped3A = tpu.sem_alloc : memref<!tpu.dma_semaphore, #tpu.memory_space<semaphore_mem>>
      %dma_start3A_866 = tpu.memref_slice %arg3[%mul3A_2] : memref<51200xi32, #tpu.memory_space<hbm>> -> memref<1600xi32, #tpu.memory_space<hbm>>
      %dma_start3A_867 = tpu.memref_slice %arg3[%mul3A_2] : memref<51200xi32, #tpu.memory_space<hbm>> -> memref<1600xi32, #tpu.memory_space<hbm>>
      tpu.enqueue_dma source(%dma_start3A_867 : memref<1600xi32, #tpu.memory_space<hbm>>) target(%arg6 : memref<1600xi32, #tpu.memory_space<vmem>>) target_semaphore(%run_scoped3A : memref<!tpu.dma_semaphore, #tpu.memory_space<semaphore_mem>>)
      %dma_wait3A_868 = tpu.memref_slice %arg3[%mul3A_2] : memref<51200xi32, #tpu.memory_space<hbm>> -> memref<1600xi32, #tpu.memory_space<hbm>>
      %dma_wait3A_869 = tpu.memref_slice %arg3[%mul3A_2] : memref<51200xi32, #tpu.memory_space<hbm>> -> memref<1600xi32, #tpu.memory_space<hbm>>
      tpu.wait_dma2 semaphore(%run_scoped3A : memref<!tpu.dma_semaphore, #tpu.memory_space<semaphore_mem>>) src(%dma_wait3A_869 : memref<1600xi32, #tpu.memory_space<hbm>>) dst(%arg6 : memref<1600xi32, #tpu.memory_space<vmem>>)
      tpu.yield
    }) : () -> ()
    %dma_start3A = arith.constant 0 : i32
    %dma_start3A_3 = tpu.memref_slice %arg6[%dma_start3A] : memref<1600xi32, #tpu.memory_space<vmem>> -> memref<16xi32, #tpu.memory_space<vmem>>
    %dma_start3A_4 = arith.constant 0 : i32
    %dma_start3A_5 = arith.constant 0 : i32
    %dma_start3A_6 = tpu.memref_slice %arg2[%dma_start3A_4, %dma_start3A_5] : memref<1000x1024xf32, #tpu.memory_space<hbm>> -> memref<1000x1024xf32, #tpu.memory_space<hbm>>
    tpu.enqueue_indirect_dma source(%dma_start3A_6 : memref<1000x1024xf32, #tpu.memory_space<hbm>>) target(%arg7 : memref<16x1024xf32, #tpu.memory_space<vmem>>) offsets(%dma_start3A_3 : memref<16xi32, #tpu.memory_space<vmem>>) semaphore(%arg12 : memref<!tpu.dma_semaphore, #tpu.memory_space<semaphore_mem>>)
    %dma_start3A_7 = arith.constant 16 : i32
    %dma_start3A_8 = tpu.memref_slice %arg6[%dma_start3A_7] : memref<1600xi32, #tpu.memory_space<vmem>> -> memref<16xi32, #tpu.memory_space<vmem>>
    %dma_start3A_9 = arith.constant 0 : i32
    %dma_start3A_10 = arith.constant 0 : i32
    %dma_start3A_11 = tpu.memref_slice %arg2[%dma_start3A_9, %dma_start3A_10] : memref<1000x1024xf32, #tpu.memory_space<hbm>> -> memref<1000x1024xf32, #tpu.memory_space<hbm>>
    tpu.enqueue_indirect_dma source(%dma_start3A_11 : memref<1000x1024xf32, #tpu.memory_space<hbm>>) target(%arg8 : memref<16x1024xf32, #tpu.memory_space<vmem>>) offsets(%dma_start3A_8 : memref<16xi32, #tpu.memory_space<vmem>>) semaphore(%arg13 : memref<!tpu.dma_semaphore, #tpu.memory_space<semaphore_mem>>)
    %dma_start3A_12 = arith.constant 32 : i32
    %dma_start3A_13 = tpu.memref_slice %arg6[%dma_start3A_12] : memref<1600xi32, #tpu.memory_space<vmem>> -> memref<16xi32, #tpu.memory_space<vmem>>
    %dma_start3A_14 = arith.constant 0 : i32
    %dma_start3A_15 = arith.constant 0 : i32
    %dma_start3A_16 = tpu.memref_slice %arg2[%dma_start3A_14, %dma_start3A_15] : memref<1000x1024xf32, #tpu.memory_space<hbm>> -> memref<1000x1024xf32, #tpu.memory_space<hbm>>
    tpu.enqueue_indirect_dma source(%dma_start3A_16 : memref<1000x1024xf32, #tpu.memory_space<hbm>>) target(%arg9 : memref<16x1024xf32, #tpu.memory_space<vmem>>) offsets(%dma_start3A_13 : memref<16xi32, #tpu.memory_space<vmem>>) semaphore(%arg14 : memref<!tpu.dma_semaphore, #tpu.memory_space<semaphore_mem>>)
    %dma_start3A_17 = arith.constant 48 : i32
    %dma_start3A_18 = tpu.memref_slice %arg6[%dma_start3A_17] : memref<1600xi32, #tpu.memory_space<vmem>> -> memref<16xi32, #tpu.memory_space<vmem>>
    %dma_start3A_19 = arith.constant 0 : i32
    %dma_start3A_20 = arith.constant 0 : i32
    %dma_start3A_21 = tpu.memref_slice %arg2[%dma_start3A_19, %dma_start3A_20] : memref<1000x1024xf32, #tpu.memory_space<hbm>> -> memref<1000x1024xf32, #tpu.memory_space<hbm>>
    tpu.enqueue_indirect_dma source(%dma_start3A_21 : memref<1000x1024xf32, #tpu.memory_space<hbm>>) target(%arg10 : memref<16x1024xf32, #tpu.memory_space<vmem>>) offsets(%dma_start3A_18 : memref<16xi32, #tpu.memory_space<vmem>>) semaphore(%arg15 : memref<!tpu.dma_semaphore, #tpu.memory_space<semaphore_mem>>)
    %dma_start3A_22 = arith.constant 64 : i32
    %dma_start3A_23 = tpu.memref_slice %arg6[%dma_start3A_22] : memref<1600xi32, #tpu.memory_space<vmem>> -> memref<16xi32, #tpu.memory_space<vmem>>
    %dma_start3A_24 = arith.constant 0 : i32
    %dma_start3A_25 = arith.constant 0 : i32
    %dma_start3A_26 = tpu.memref_slice %arg2[%dma_start3A_24, %dma_start3A_25] : memref<1000x1024xf32, #tpu.memory_space<hbm>> -> memref<1000x1024xf32, #tpu.memory_space<hbm>>
    tpu.enqueue_indirect_dma source(%dma_start3A_26 : memref<1000x1024xf32, #tpu.memory_space<hbm>>) target(%arg11 : memref<16x1024xf32, #tpu.memory_space<vmem>>) offsets(%dma_start3A_23 : memref<16xi32, #tpu.memory_space<vmem>>) semaphore(%arg16 : memref<!tpu.dma_semaphore, #tpu.memory_space<semaphore_mem>>)
    %scan3A = arith.constant 0 : i32
    %scan3A_27 = arith.constant 0 : i32
    %scan3A_28 = arith.constant 19 : i32
    %scan3A_29 = arith.addi %scan3A_27, %scan3A_28 : i32
    %scan3A_30 = arith.constant 1 : i32
    scf.for %scan3A_866 = %scan3A_27 to %scan3A_29 step %scan3A_30  : i32 {
      %mul3A_867 = arith.constant 5 : i32
      %mul3A_868 = arith.muli %scan3A_866, %mul3A_867 : i32
      %add3A_869 = arith.constant 0 : i32
      %add3A_870 = arith.addi %mul3A_868, %add3A_869 : i32
      %dma_wait3A_871 = arith.constant 0 : i32
      %dma_wait3A_872 = tpu.memref_slice %arg6[%dma_wait3A_871] : memref<1600xi32, #tpu.memory_space<vmem>> -> memref<16xi32, #tpu.memory_space<vmem>>
      %dma_wait3A_873 = arith.constant 0 : i32
      %dma_wait3A_874 = arith.constant 0 : i32
      %dma_wait3A_875 = tpu.memref_slice %arg2[%dma_wait3A_873, %dma_wait3A_874] : memref<1000x1024xf32, #tpu.memory_space<hbm>> -> memref<1000x1024xf32, #tpu.memory_space<hbm>>
      tpu.wait_indirect_dma semaphore(%arg12 : memref<!tpu.dma_semaphore, #tpu.memory_space<semaphore_mem>>) src(%dma_wait3A_875 : memref<1000x1024xf32, #tpu.memory_space<hbm>>) dst(%arg7 : memref<16x1024xf32, #tpu.memory_space<vmem>>)
      %mul3A_876 = arith.constant 16 : i32
      %mul3A_877 = arith.muli %add3A_870, %mul3A_876 : i32
      %add3A_878 = arith.addi %mul3A_2, %mul3A_877 : i32
      %dma_start3A_879 = arith.constant 0 : i32
      %dma_start3A_880 = arith.constant 0 : i32
      %dma_start3A_881 = tpu.memref_slice %arg7[%dma_start3A_879, %dma_start3A_880] : memref<16x1024xf32, #tpu.memory_space<vmem>> -> memref<16x128xf32, #tpu.memory_space<vmem>>
      %dma_start3A_882 = arith.constant 0 : i32
      %dma_start3A_883 = tpu.memref_slice %arg4[%add3A_878, %dma_start3A_882] : memref<51200x1000xf32, #tpu.memory_space<hbm>> -> memref<16x128xf32, #tpu.memory_space<hbm>>
      %dma_start3A_884 = arith.constant 0 : i32
      %dma_start3A_885 = tpu.memref_slice %arg4[%add3A_878, %dma_start3A_884] : memref<51200x1000xf32, #tpu.memory_space<hbm>> -> memref<16x128xf32, #tpu.memory_space<hbm>>
      %dma_start3A_886 = arith.constant 0 : i32
      %dma_start3A_887 = arith.constant 0 : i32
      %dma_start3A_888 = tpu.memref_slice %arg7[%dma_start3A_886, %dma_start3A_887] : memref<16x1024xf32, #tpu.memory_space<vmem>> -> memref<16x128xf32, #tpu.memory_space<vmem>>
      tpu.enqueue_dma source(%dma_start3A_888 : memref<16x128xf32, #tpu.memory_space<vmem>>) target(%dma_start3A_885 : memref<16x128xf32, #tpu.memory_space<hbm>>) target_semaphore(%arg17 : memref<!tpu.dma_semaphore, #tpu.memory_space<semaphore_mem>>)
      %dma_start3A_889 = arith.constant 0 : i32
      %dma_start3A_890 = arith.constant 128 : i32
      %dma_start3A_891 = tpu.memref_slice %arg7[%dma_start3A_889, %dma_start3A_890] : memref<16x1024xf32, #tpu.memory_space<vmem>> -> memref<16x128xf32, #tpu.memory_space<vmem>>
      %dma_start3A_892 = arith.constant 128 : i32
      %dma_start3A_893 = tpu.memref_slice %arg4[%add3A_878, %dma_start3A_892] : memref<51200x1000xf32, #tpu.memory_space<hbm>> -> memref<16x128xf32, #tpu.memory_space<hbm>>
      %dma_start3A_894 = arith.constant 128 : i32
      %dma_start3A_895 = tpu.memref_slice %arg4[%add3A_878, %dma_start3A_894] : memref<51200x1000xf32, #tpu.memory_space<hbm>> -> memref<16x128xf32, #tpu.memory_space<hbm>>
      %dma_start3A_896 = arith.constant 0 : i32
      %dma_start3A_897 = arith.constant 128 : i32
      %dma_start3A_898 = tpu.memref_slice %arg7[%dma_start3A_896, %dma_start3A_897] : memref<16x1024xf32, #tpu.memory_space<vmem>> -> memref<16x128xf32, #tpu.memory_space<vmem>>
      tpu.enqueue_dma source(%dma_start3A_898 : memref<16x128xf32, #tpu.memory_space<vmem>>) target(%dma_start3A_895 : memref<16x128xf32, #tpu.memory_space<hbm>>) target_semaphore(%arg17 : memref<!tpu.dma_semaphore, #tpu.memory_space<semaphore_mem>>)
      %dma_start3A_899 = arith.constant 0 : i32
      %dma_start3A_900 = arith.constant 256 : i32
      %dma_start3A_901 = tpu.memref_slice %arg7[%dma_start3A_899, %dma_start3A_900] : memref<16x1024xf32, #tpu.memory_space<vmem>> -> memref<16x128xf32, #tpu.memory_space<vmem>>
      %dma_start3A_902 = arith.constant 256 : i32
      %dma_start3A_903 = tpu.memref_slice %arg4[%add3A_878, %dma_start3A_902] : memref<51200x1000xf32, #tpu.memory_space<hbm>> -> memref<16x128xf32, #tpu.memory_space<hbm>>
      %dma_start3A_904 = arith.constant 256 : i32
      %dma_start3A_905 = tpu.memref_slice %arg4[%add3A_878, %dma_start3A_904] : memref<51200x1000xf32, #tpu.memory_space<hbm>> -> memref<16x128xf32, #tpu.memory_space<hbm>>
      %dma_start3A_906 = arith.constant 0 : i32
      %dma_start3A_907 = arith.constant 256 : i32
      %dma_start3A_908 = tpu.memref_slice %arg7[%dma_start3A_906, %dma_start3A_907] : memref<16x1024xf32, #tpu.memory_space<vmem>> -> memref<16x128xf32, #tpu.memory_space<vmem>>
      tpu.enqueue_dma source(%dma_start3A_908 : memref<16x128xf32, #tpu.memory_space<vmem>>) target(%dma_start3A_905 : memref<16x128xf32, #tpu.memory_space<hbm>>) target_semaphore(%arg17 : memref<!tpu.dma_semaphore, #tpu.memory_space<semaphore_mem>>)
      %dma_start3A_909 = arith.constant 0 : i32
      %dma_start3A_910 = arith.constant 384 : i32
      %dma_start3A_911 = tpu.memref_slice %arg7[%dma_start3A_909, %dma_start3A_910] : memref<16x1024xf32, #tpu.memory_space<vmem>> -> memref<16x128xf32, #tpu.memory_space<vmem>>
      %dma_start3A_912 = arith.constant 384 : i32
      %dma_start3A_913 = tpu.memref_slice %arg4[%add3A_878, %dma_start3A_912] : memref<51200x1000xf32, #tpu.memory_space<hbm>> -> memref<16x128xf32, #tpu.memory_space<hbm>>
      %dma_start3A_914 = arith.constant 384 : i32
      %dma_start3A_915 = tpu.memref_slice %arg4[%add3A_878, %dma_start3A_914] : memref<51200x1000xf32, #tpu.memory_space<hbm>> -> memref<16x128xf32, #tpu.memory_space<hbm>>
      %dma_start3A_916 = arith.constant 0 : i32
      %dma_start3A_917 = arith.constant 384 : i32
      %dma_start3A_918 = tpu.memref_slice %arg7[%dma_start3A_916, %dma_start3A_917] : memref<16x1024xf32, #tpu.memory_space<vmem>> -> memref<16x128xf32, #tpu.memory_space<vmem>>
      tpu.enqueue_dma source(%dma_start3A_918 : memref<16x128xf32, #tpu.memory_space<vmem>>) target(%dma_start3A_915 : memref<16x128xf32, #tpu.memory_space<hbm>>) target_semaphore(%arg17 : memref<!tpu.dma_semaphore, #tpu.memory_space<semaphore_mem>>)
      %dma_start3A_919 = arith.constant 0 : i32
      %dma_start3A_920 = arith.constant 512 : i32
      %dma_start3A_921 = tpu.memref_slice %arg7[%dma_start3A_919, %dma_start3A_920] : memref<16x1024xf32, #tpu.memory_space<vmem>> -> memref<16x128xf32, #tpu.memory_space<vmem>>
      %dma_start3A_922 = arith.constant 512 : i32
      %dma_start3A_923 = tpu.memref_slice %arg4[%add3A_878, %dma_start3A_922] : memref<51200x1000xf32, #tpu.memory_space<hbm>> -> memref<16x128xf32, #tpu.memory_space<hbm>>
      %dma_start3A_924 = arith.constant 512 : i32
      %dma_start3A_925 = tpu.memref_slice %arg4[%add3A_878, %dma_start3A_924] : memref<51200x1000xf32, #tpu.memory_space<hbm>> -> memref<16x128xf32, #tpu.memory_space<hbm>>
      %dma_start3A_926 = arith.constant 0 : i32
      %dma_start3A_927 = arith.constant 512 : i32
      %dma_start3A_928 = tpu.memref_slice %arg7[%dma_start3A_926, %dma_start3A_927] : memref<16x1024xf32, #tpu.memory_space<vmem>> -> memref<16x128xf32, #tpu.memory_space<vmem>>
      tpu.enqueue_dma source(%dma_start3A_928 : memref<16x128xf32, #tpu.memory_space<vmem>>) target(%dma_start3A_925 : memref<16x128xf32, #tpu.memory_space<hbm>>) target_semaphore(%arg17 : memref<!tpu.dma_semaphore, #tpu.memory_space<semaphore_mem>>)
      %dma_start3A_929 = arith.constant 0 : i32
      %dma_start3A_930 = arith.constant 640 : i32
      %dma_start3A_931 = tpu.memref_slice %arg7[%dma_start3A_929, %dma_start3A_930] : memref<16x1024xf32, #tpu.memory_space<vmem>> -> memref<16x128xf32, #tpu.memory_space<vmem>>
      %dma_start3A_932 = arith.constant 640 : i32
      %dma_start3A_933 = tpu.memref_slice %arg4[%add3A_878, %dma_start3A_932] : memref<51200x1000xf32, #tpu.memory_space<hbm>> -> memref<16x128xf32, #tpu.memory_space<hbm>>
      %dma_start3A_934 = arith.constant 640 : i32
      %dma_start3A_935 = tpu.memref_slice %arg4[%add3A_878, %dma_start3A_934] : memref<51200x1000xf32, #tpu.memory_space<hbm>> -> memref<16x128xf32, #tpu.memory_space<hbm>>
      %dma_start3A_936 = arith.constant 0 : i32
      %dma_start3A_937 = arith.constant 640 : i32
      %dma_start3A_938 = tpu.memref_slice %arg7[%dma_start3A_936, %dma_start3A_937] : memref<16x1024xf32, #tpu.memory_space<vmem>> -> memref<16x128xf32, #tpu.memory_space<vmem>>
      tpu.enqueue_dma source(%dma_start3A_938 : memref<16x128xf32, #tpu.memory_space<vmem>>) target(%dma_start3A_935 : memref<16x128xf32, #tpu.memory_space<hbm>>) target_semaphore(%arg17 : memref<!tpu.dma_semaphore, #tpu.memory_space<semaphore_mem>>)
      %dma_start3A_939 = arith.constant 0 : i32
      %dma_start3A_940 = arith.constant 768 : i32
      %dma_start3A_941 = tpu.memref_slice %arg7[%dma_start3A_939, %dma_start3A_940] : memref<16x1024xf32, #tpu.memory_space<vmem>> -> memref<16x128xf32, #tpu.memory_space<vmem>>
      %dma_start3A_942 = arith.constant 768 : i32
      %dma_start3A_943 = tpu.memref_slice %arg4[%add3A_878, %dma_start3A_942] : memref<51200x1000xf32, #tpu.memory_space<hbm>> -> memref<16x128xf32, #tpu.memory_space<hbm>>
      %dma_start3A_944 = arith.constant 768 : i32
      %dma_start3A_945 = tpu.memref_slice %arg4[%add3A_878, %dma_start3A_944] : memref<51200x1000xf32, #tpu.memory_space<hbm>> -> memref<16x128xf32, #tpu.memory_space<hbm>>
      %dma_start3A_946 = arith.constant 0 : i32
      %dma_start3A_947 = arith.constant 768 : i32
      %dma_start3A_948 = tpu.memref_slice %arg7[%dma_start3A_946, %dma_start3A_947] : memref<16x1024xf32, #tpu.memory_space<vmem>> -> memref<16x128xf32, #tpu.memory_space<vmem>>
      tpu.enqueue_dma source(%dma_start3A_948 : memref<16x128xf32, #tpu.memory_space<vmem>>) target(%dma_start3A_945 : memref<16x128xf32, #tpu.memory_space<hbm>>) target_semaphore(%arg17 : memref<!tpu.dma_semaphore, #tpu.memory_space<semaphore_mem>>)
      %dma_start3A_949 = arith.constant 0 : i32
      %dma_start3A_950 = arith.constant 896 : i32
      %dma_start3A_951 = tpu.memref_slice %arg7[%dma_start3A_949, %dma_start3A_950] : memref<16x1024xf32, #tpu.memory_space<vmem>> -> memref<16x128xf32, #tpu.memory_space<vmem>>
      %dma_start3A_952 = arith.constant 0 : i32
      %dma_start3A_953 = tpu.memref_slice %arg5[%add3A_878, %dma_start3A_952] : memref<51200x128xf32, #tpu.memory_space<hbm>> -> memref<16x128xf32, #tpu.memory_space<hbm>>
      %dma_start3A_954 = arith.constant 0 : i32
      %dma_start3A_955 = tpu.memref_slice %arg5[%add3A_878, %dma_start3A_954] : memref<51200x128xf32, #tpu.memory_space<hbm>> -> memref<16x128xf32, #tpu.memory_space<hbm>>
      %dma_start3A_956 = arith.constant 0 : i32
      %dma_start3A_957 = arith.constant 896 : i32
      %dma_start3A_958 = tpu.memref_slice %arg7[%dma_start3A_956, %dma_start3A_957] : memref<16x1024xf32, #tpu.memory_space<vmem>> -> memref<16x128xf32, #tpu.memory_space<vmem>>
      tpu.enqueue_dma source(%dma_start3A_958 : memref<16x128xf32, #tpu.memory_space<vmem>>) target(%dma_start3A_955 : memref<16x128xf32, #tpu.memory_space<hbm>>) target_semaphore(%arg17 : memref<!tpu.dma_semaphore, #tpu.memory_space<semaphore_mem>>)
      %dma_wait3A_959 = arith.constant 0 : i32
      %dma_wait3A_960 = arith.constant 0 : i32
      %dma_wait3A_961 = tpu.memref_slice %arg7[%dma_wait3A_959, %dma_wait3A_960] : memref<16x1024xf32, #tpu.memory_space<vmem>> -> memref<16x128xf32, #tpu.memory_space<vmem>>
      %dma_wait3A_962 = arith.constant 0 : i32
      %dma_wait3A_963 = tpu.memref_slice %arg4[%add3A_878, %dma_wait3A_962] : memref<51200x1000xf32, #tpu.memory_space<hbm>> -> memref<16x128xf32, #tpu.memory_space<hbm>>
      %dma_wait3A_964 = arith.constant 0 : i32
      %dma_wait3A_965 = tpu.memref_slice %arg4[%add3A_878, %dma_wait3A_964] : memref<51200x1000xf32, #tpu.memory_space<hbm>> -> memref<16x128xf32, #tpu.memory_space<hbm>>
      %dma_wait3A_966 = arith.constant 0 : i32
      %dma_wait3A_967 = arith.constant 0 : i32
      %dma_wait3A_968 = tpu.memref_slice %arg7[%dma_wait3A_966, %dma_wait3A_967] : memref<16x1024xf32, #tpu.memory_space<vmem>> -> memref<16x128xf32, #tpu.memory_space<vmem>>
      tpu.wait_dma2 semaphore(%arg17 : memref<!tpu.dma_semaphore, #tpu.memory_space<semaphore_mem>>) src(%dma_wait3A_968 : memref<16x128xf32, #tpu.memory_space<vmem>>) dst(%dma_wait3A_965 : memref<16x128xf32, #tpu.memory_space<hbm>>)
      %dma_wait3A_969 = arith.constant 0 : i32
      %dma_wait3A_970 = arith.constant 128 : i32
      %dma_wait3A_971 = tpu.memref_slice %arg7[%dma_wait3A_969, %dma_wait3A_970] : memref<16x1024xf32, #tpu.memory_space<vmem>> -> memref<16x128xf32, #tpu.memory_space<vmem>>
      %dma_wait3A_972 = arith.constant 128 : i32
      %dma_wait3A_973 = tpu.memref_slice %arg4[%add3A_878, %dma_wait3A_972] : memref<51200x1000xf32, #tpu.memory_space<hbm>> -> memref<16x128xf32, #tpu.memory_space<hbm>>
      %dma_wait3A_974 = arith.constant 128 : i32
      %dma_wait3A_975 = tpu.memref_slice %arg4[%add3A_878, %dma_wait3A_974] : memref<51200x1000xf32, #tpu.memory_space<hbm>> -> memref<16x128xf32, #tpu.memory_space<hbm>>
      %dma_wait3A_976 = arith.constant 0 : i32
      %dma_wait3A_977 = arith.constant 128 : i32
      %dma_wait3A_978 = tpu.memref_slice %arg7[%dma_wait3A_976, %dma_wait3A_977] : memref<16x1024xf32, #tpu.memory_space<vmem>> -> memref<16x128xf32, #tpu.memory_space<vmem>>
      tpu.wait_dma2 semaphore(%arg17 : memref<!tpu.dma_semaphore, #tpu.memory_space<semaphore_mem>>) src(%dma_wait3A_978 : memref<16x128xf32, #tpu.memory_space<vmem>>) dst(%dma_wait3A_975 : memref<16x128xf32, #tpu.memory_space<hbm>>)
      %dma_wait3A_979 = arith.constant 0 : i32
      %dma_wait3A_980 = arith.constant 256 : i32
      %dma_wait3A_981 = tpu.memref_slice %arg7[%dma_wait3A_979, %dma_wait3A_980] : memref<16x1024xf32, #tpu.memory_space<vmem>> -> memref<16x128xf32, #tpu.memory_space<vmem>>
      %dma_wait3A_982 = arith.constant 256 : i32
      %dma_wait3A_983 = tpu.memref_slice %arg4[%add3A_878, %dma_wait3A_982] : memref<51200x1000xf32, #tpu.memory_space<hbm>> -> memref<16x128xf32, #tpu.memory_space<hbm>>
      %dma_wait3A_984 = arith.constant 256 : i32
      %dma_wait3A_985 = tpu.memref_slice %arg4[%add3A_878, %dma_wait3A_984] : memref<51200x1000xf32, #tpu.memory_space<hbm>> -> memref<16x128xf32, #tpu.memory_space<hbm>>
      %dma_wait3A_986 = arith.constant 0 : i32
      %dma_wait3A_987 = arith.constant 256 : i32
      %dma_wait3A_988 = tpu.memref_slice %arg7[%dma_wait3A_986, %dma_wait3A_987] : memref<16x1024xf32, #tpu.memory_space<vmem>> -> memref<16x128xf32, #tpu.memory_space<vmem>>
      tpu.wait_dma2 semaphore(%arg17 : memref<!tpu.dma_semaphore, #tpu.memory_space<semaphore_mem>>) src(%dma_wait3A_988 : memref<16x128xf32, #tpu.memory_space<vmem>>) dst(%dma_wait3A_985 : memref<16x128xf32, #tpu.memory_space<hbm>>)
      %dma_wait3A_989 = arith.constant 0 : i32
      %dma_wait3A_990 = arith.constant 384 : i32
      %dma_wait3A_991 = tpu.memref_slice %arg7[%dma_wait3A_989, %dma_wait3A_990] : memref<16x1024xf32, #tpu.memory_space<vmem>> -> memref<16x128xf32, #tpu.memory_space<vmem>>
      %dma_wait3A_992 = arith.constant 384 : i32
      %dma_wait3A_993 = tpu.memref_slice %arg4[%add3A_878, %dma_wait3A_992] : memref<51200x1000xf32, #tpu.memory_space<hbm>> -> memref<16x128xf32, #tpu.memory_space<hbm>>
      %dma_wait3A_994 = arith.constant 384 : i32
      %dma_wait3A_995 = tpu.memref_slice %arg4[%add3A_878, %dma_wait3A_994] : memref<51200x1000xf32, #tpu.memory_space<hbm>> -> memref<16x128xf32, #tpu.memory_space<hbm>>
      %dma_wait3A_996 = arith.constant 0 : i32
      %dma_wait3A_997 = arith.constant 384 : i32
      %dma_wait3A_998 = tpu.memref_slice %arg7[%dma_wait3A_996, %dma_wait3A_997] : memref<16x1024xf32, #tpu.memory_space<vmem>> -> memref<16x128xf32, #tpu.memory_space<vmem>>
      tpu.wait_dma2 semaphore(%arg17 : memref<!tpu.dma_semaphore, #tpu.memory_space<semaphore_mem>>) src(%dma_wait3A_998 : memref<16x128xf32, #tpu.memory_space<vmem>>) dst(%dma_wait3A_995 : memref<16x128xf32, #tpu.memory_space<hbm>>)
      %dma_wait3A_999 = arith.constant 0 : i32
      %dma_wait3A_1000 = arith.constant 512 : i32
      %dma_wait3A_1001 = tpu.memref_slice %arg7[%dma_wait3A_999, %dma_wait3A_1000] : memref<16x1024xf32, #tpu.memory_space<vmem>> -> memref<16x128xf32, #tpu.memory_space<vmem>>
      %dma_wait3A_1002 = arith.constant 512 : i32
      %dma_wait3A_1003 = tpu.memref_slice %arg4[%add3A_878, %dma_wait3A_1002] : memref<51200x1000xf32, #tpu.memory_space<hbm>> -> memref<16x128xf32, #tpu.memory_space<hbm>>
      %dma_wait3A_1004 = arith.constant 512 : i32
      %dma_wait3A_1005 = tpu.memref_slice %arg4[%add3A_878, %dma_wait3A_1004] : memref<51200x1000xf32, #tpu.memory_space<hbm>> -> memref<16x128xf32, #tpu.memory_space<hbm>>
      %dma_wait3A_1006 = arith.constant 0 : i32
      %dma_wait3A_1007 = arith.constant 512 : i32
      %dma_wait3A_1008 = tpu.memref_slice %arg7[%dma_wait3A_1006, %dma_wait3A_1007] : memref<16x1024xf32, #tpu.memory_space<vmem>> -> memref<16x128xf32, #tpu.memory_space<vmem>>
      tpu.wait_dma2 semaphore(%arg17 : memref<!tpu.dma_semaphore, #tpu.memory_space<semaphore_mem>>) src(%dma_wait3A_1008 : memref<16x128xf32, #tpu.memory_space<vmem>>) dst(%dma_wait3A_1005 : memref<16x128xf32, #tpu.memory_space<hbm>>)
      %dma_wait3A_1009 = arith.constant 0 : i32
      %dma_wait3A_1010 = arith.constant 640 : i32
      %dma_wait3A_1011 = tpu.memref_slice %arg7[%dma_wait3A_1009, %dma_wait3A_1010] : memref<16x1024xf32, #tpu.memory_space<vmem>> -> memref<16x128xf32, #tpu.memory_space<vmem>>
      %dma_wait3A_1012 = arith.constant 640 : i32
      %dma_wait3A_1013 = tpu.memref_slice %arg4[%add3A_878, %dma_wait3A_1012] : memref<51200x1000xf32, #tpu.memory_space<hbm>> -> memref<16x128xf32, #tpu.memory_space<hbm>>
      %dma_wait3A_1014 = arith.constant 640 : i32
      %dma_wait3A_1015 = tpu.memref_slice %arg4[%add3A_878, %dma_wait3A_1014] : memref<51200x1000xf32, #tpu.memory_space<hbm>> -> memref<16x128xf32, #tpu.memory_space<hbm>>
      %dma_wait3A_1016 = arith.constant 0 : i32
      %dma_wait3A_1017 = arith.constant 640 : i32
      %dma_wait3A_1018 = tpu.memref_slice %arg7[%dma_wait3A_1016, %dma_wait3A_1017] : memref<16x1024xf32, #tpu.memory_space<vmem>> -> memref<16x128xf32, #tpu.memory_space<vmem>>
      tpu.wait_dma2 semaphore(%arg17 : memref<!tpu.dma_semaphore, #tpu.memory_space<semaphore_mem>>) src(%dma_wait3A_1018 : memref<16x128xf32, #tpu.memory_space<vmem>>) dst(%dma_wait3A_1015 : memref<16x128xf32, #tpu.memory_space<hbm>>)
      %dma_wait3A_1019 = arith.constant 0 : i32
      %dma_wait3A_1020 = arith.constant 768 : i32
      %dma_wait3A_1021 = tpu.memref_slice %arg7[%dma_wait3A_1019, %dma_wait3A_1020] : memref<16x1024xf32, #tpu.memory_space<vmem>> -> memref<16x128xf32, #tpu.memory_space<vmem>>
      %dma_wait3A_1022 = arith.constant 768 : i32
      %dma_wait3A_1023 = tpu.memref_slice %arg4[%add3A_878, %dma_wait3A_1022] : memref<51200x1000xf32, #tpu.memory_space<hbm>> -> memref<16x128xf32, #tpu.memory_space<hbm>>
      %dma_wait3A_1024 = arith.constant 768 : i32
      %dma_wait3A_1025 = tpu.memref_slice %arg4[%add3A_878, %dma_wait3A_1024] : memref<51200x1000xf32, #tpu.memory_space<hbm>> -> memref<16x128xf32, #tpu.memory_space<hbm>>
      %dma_wait3A_1026 = arith.constant 0 : i32
      %dma_wait3A_1027 = arith.constant 768 : i32
      %dma_wait3A_1028 = tpu.memref_slice %arg7[%dma_wait3A_1026, %dma_wait3A_1027] : memref<16x1024xf32, #tpu.memory_space<vmem>> -> memref<16x128xf32, #tpu.memory_space<vmem>>
      tpu.wait_dma2 semaphore(%arg17 : memref<!tpu.dma_semaphore, #tpu.memory_space<semaphore_mem>>) src(%dma_wait3A_1028 : memref<16x128xf32, #tpu.memory_space<vmem>>) dst(%dma_wait3A_1025 : memref<16x128xf32, #tpu.memory_space<hbm>>)
      %dma_wait3A_1029 = arith.constant 0 : i32
      %dma_wait3A_1030 = arith.constant 896 : i32
      %dma_wait3A_1031 = tpu.memref_slice %arg7[%dma_wait3A_1029, %dma_wait3A_1030] : memref<16x1024xf32, #tpu.memory_space<vmem>> -> memref<16x128xf32, #tpu.memory_space<vmem>>
      %dma_wait3A_1032 = arith.constant 0 : i32
      %dma_wait3A_1033 = tpu.memref_slice %arg5[%add3A_878, %dma_wait3A_1032] : memref<51200x128xf32, #tpu.memory_space<hbm>> -> memref<16x128xf32, #tpu.memory_space<hbm>>
      %dma_wait3A_1034 = arith.constant 0 : i32
      %dma_wait3A_1035 = tpu.memref_slice %arg5[%add3A_878, %dma_wait3A_1034] : memref<51200x128xf32, #tpu.memory_space<hbm>> -> memref<16x128xf32, #tpu.memory_space<hbm>>
      %dma_wait3A_1036 = arith.constant 0 : i32
      %dma_wait3A_1037 = arith.constant 896 : i32
      %dma_wait3A_1038 = tpu.memref_slice %arg7[%dma_wait3A_1036, %dma_wait3A_1037] : memref<16x1024xf32, #tpu.memory_space<vmem>> -> memref<16x128xf32, #tpu.memory_space<vmem>>
      tpu.wait_dma2 semaphore(%arg17 : memref<!tpu.dma_semaphore, #tpu.memory_space<semaphore_mem>>) src(%dma_wait3A_1038 : memref<16x128xf32, #tpu.memory_space<vmem>>) dst(%dma_wait3A_1035 : memref<16x128xf32, #tpu.memory_space<hbm>>)
      %add3A_1039 = arith.constant 5 : i32
      %add3A_1040 = arith.addi %add3A_870, %add3A_1039 : i32
      %mul3A_1041 = arith.constant 16 : i32
      %mul3A_1042 = arith.muli %add3A_1040, %mul3A_1041 : i32
      %dma_start3A_1043 = tpu.memref_slice %arg6[%mul3A_1042] : memref<1600xi32, #tpu.memory_space<vmem>> -> memref<16xi32, #tpu.memory_space<vmem>>
      %dma_start3A_1044 = arith.constant 0 : i32
      %dma_start3A_1045 = arith.constant 0 : i32
      %dma_start3A_1046 = tpu.memref_slice %arg2[%dma_start3A_1044, %dma_start3A_1045] : memref<1000x1024xf32, #tpu.memory_space<hbm>> -> memref<1000x1024xf32, #tpu.memory_space<hbm>>
      tpu.enqueue_indirect_dma source(%dma_start3A_1046 : memref<1000x1024xf32, #tpu.memory_space<hbm>>) target(%arg7 : memref<16x1024xf32, #tpu.memory_space<vmem>>) offsets(%dma_start3A_1043 : memref<16xi32, #tpu.memory_space<vmem>>) semaphore(%arg12 : memref<!tpu.dma_semaphore, #tpu.memory_space<semaphore_mem>>)
      %add3A_1047 = arith.constant 1 : i32
      %add3A_1048 = arith.addi %mul3A_868, %add3A_1047 : i32
      %dma_wait3A_1049 = arith.constant 0 : i32
      %dma_wait3A_1050 = tpu.memref_slice %arg6[%dma_wait3A_1049] : memref<1600xi32, #tpu.memory_space<vmem>> -> memref<16xi32, #tpu.memory_space<vmem>>
      %dma_wait3A_1051 = arith.constant 0 : i32
      %dma_wait3A_1052 = arith.constant 0 : i32
      %dma_wait3A_1053 = tpu.memref_slice %arg2[%dma_wait3A_1051, %dma_wait3A_1052] : memref<1000x1024xf32, #tpu.memory_space<hbm>> -> memref<1000x1024xf32, #tpu.memory_space<hbm>>
      tpu.wait_indirect_dma semaphore(%arg13 : memref<!tpu.dma_semaphore, #tpu.memory_space<semaphore_mem>>) src(%dma_wait3A_1053 : memref<1000x1024xf32, #tpu.memory_space<hbm>>) dst(%arg8 : memref<16x1024xf32, #tpu.memory_space<vmem>>)
      %mul3A_1054 = arith.constant 16 : i32
      %mul3A_1055 = arith.muli %add3A_1048, %mul3A_1054 : i32
      %add3A_1056 = arith.addi %mul3A_2, %mul3A_1055 : i32
      %dma_start3A_1057 = arith.constant 0 : i32
      %dma_start3A_1058 = arith.constant 0 : i32
      %dma_start3A_1059 = tpu.memref_slice %arg8[%dma_start3A_1057, %dma_start3A_1058] : memref<16x1024xf32, #tpu.memory_space<vmem>> -> memref<16x128xf32, #tpu.memory_space<vmem>>
      %dma_start3A_1060 = arith.constant 0 : i32
      %dma_start3A_1061 = tpu.memref_slice %arg4[%add3A_1056, %dma_start3A_1060] : memref<51200x1000xf32, #tpu.memory_space<hbm>> -> memref<16x128xf32, #tpu.memory_space<hbm>>
      %dma_start3A_1062 = arith.constant 0 : i32
      %dma_start3A_1063 = tpu.memref_slice %arg4[%add3A_1056, %dma_start3A_1062] : memref<51200x1000xf32, #tpu.memory_space<hbm>> -> memref<16x128xf32, #tpu.memory_space<hbm>>
      %dma_start3A_1064 = arith.constant 0 : i32
      %dma_start3A_1065 = arith.constant 0 : i32
      %dma_start3A_1066 = tpu.memref_slice %arg8[%dma_start3A_1064, %dma_start3A_1065] : memref<16x1024xf32, #tpu.memory_space<vmem>> -> memref<16x128xf32, #tpu.memory_space<vmem>>
      tpu.enqueue_dma source(%dma_start3A_1066 : memref<16x128xf32, #tpu.memory_space<vmem>>) target(%dma_start3A_1063 : memref<16x128xf32, #tpu.memory_space<hbm>>) target_semaphore(%arg18 : memref<!tpu.dma_semaphore, #tpu.memory_space<semaphore_mem>>)
      %dma_start3A_1067 = arith.constant 0 : i32
      %dma_start3A_1068 = arith.constant 128 : i32
      %dma_start3A_1069 = tpu.memref_slice %arg8[%dma_start3A_1067, %dma_start3A_1068] : memref<16x1024xf32, #tpu.memory_space<vmem>> -> memref<16x128xf32, #tpu.memory_space<vmem>>
      %dma_start3A_1070 = arith.constant 128 : i32
      %dma_start3A_1071 = tpu.memref_slice %arg4[%add3A_1056, %dma_start3A_1070] : memref<51200x1000xf32, #tpu.memory_space<hbm>> -> memref<16x128xf32, #tpu.memory_space<hbm>>
      %dma_start3A_1072 = arith.constant 128 : i32
      %dma_start3A_1073 = tpu.memref_slice %arg4[%add3A_1056, %dma_start3A_1072] : memref<51200x1000xf32, #tpu.memory_space<hbm>> -> memref<16x128xf32, #tpu.memory_space<hbm>>
      %dma_start3A_1074 = arith.constant 0 : i32
      %dma_start3A_1075 = arith.constant 128 : i32
      %dma_start3A_1076 = tpu.memref_slice %arg8[%dma_start3A_1074, %dma_start3A_1075] : memref<16x1024xf32, #tpu.memory_space<vmem>> -> memref<16x128xf32, #tpu.memory_space<vmem>>
      tpu.enqueue_dma source(%dma_start3A_1076 : memref<16x128xf32, #tpu.memory_space<vmem>>) target(%dma_start3A_1073 : memref<16x128xf32, #tpu.memory_space<hbm>>) target_semaphore(%arg18 : memref<!tpu.dma_semaphore, #tpu.memory_space<semaphore_mem>>)
      %dma_start3A_1077 = arith.constant 0 : i32
      %dma_start3A_1078 = arith.constant 256 : i32
      %dma_start3A_1079 = tpu.memref_slice %arg8[%dma_start3A_1077, %dma_start3A_1078] : memref<16x1024xf32, #tpu.memory_space<vmem>> -> memref<16x128xf32, #tpu.memory_space<vmem>>
      %dma_start3A_1080 = arith.constant 256 : i32
      %dma_start3A_1081 = tpu.memref_slice %arg4[%add3A_1056, %dma_start3A_1080] : memref<51200x1000xf32, #tpu.memory_space<hbm>> -> memref<16x128xf32, #tpu.memory_space<hbm>>
      %dma_start3A_1082 = arith.constant 256 : i32
      %dma_start3A_1083 = tpu.memref_slice %arg4[%add3A_1056, %dma_start3A_1082] : memref<51200x1000xf32, #tpu.memory_space<hbm>> -> memref<16x128xf32, #tpu.memory_space<hbm>>
      %dma_start3A_1084 = arith.constant 0 : i32
      %dma_start3A_1085 = arith.constant 256 : i32
      %dma_start3A_1086 = tpu.memref_slice %arg8[%dma_start3A_1084, %dma_start3A_1085] : memref<16x1024xf32, #tpu.memory_space<vmem>> -> memref<16x128xf32, #tpu.memory_space<vmem>>
      tpu.enqueue_dma source(%dma_start3A_1086 : memref<16x128xf32, #tpu.memory_space<vmem>>) target(%dma_start3A_1083 : memref<16x128xf32, #tpu.memory_space<hbm>>) target_semaphore(%arg18 : memref<!tpu.dma_semaphore, #tpu.memory_space<semaphore_mem>>)
      %dma_start3A_1087 = arith.constant 0 : i32
      %dma_start3A_1088 = arith.constant 384 : i32
      %dma_start3A_1089 = tpu.memref_slice %arg8[%dma_start3A_1087, %dma_start3A_1088] : memref<16x1024xf32, #tpu.memory_space<vmem>> -> memref<16x128xf32, #tpu.memory_space<vmem>>
      %dma_start3A_1090 = arith.constant 384 : i32
      %dma_start3A_1091 = tpu.memref_slice %arg4[%add3A_1056, %dma_start3A_1090] : memref<51200x1000xf32, #tpu.memory_space<hbm>> -> memref<16x128xf32, #tpu.memory_space<hbm>>
      %dma_start3A_1092 = arith.constant 384 : i32
      %dma_start3A_1093 = tpu.memref_slice %arg4[%add3A_1056, %dma_start3A_1092] : memref<51200x1000xf32, #tpu.memory_space<hbm>> -> memref<16x128xf32, #tpu.memory_space<hbm>>
      %dma_start3A_1094 = arith.constant 0 : i32
      %dma_start3A_1095 = arith.constant 384 : i32
      %dma_start3A_1096 = tpu.memref_slice %arg8[%dma_start3A_1094, %dma_start3A_1095] : memref<16x1024xf32, #tpu.memory_space<vmem>> -> memref<16x128xf32, #tpu.memory_space<vmem>>
      tpu.enqueue_dma source(%dma_start3A_1096 : memref<16x128xf32, #tpu.memory_space<vmem>>) target(%dma_start3A_1093 : memref<16x128xf32, #tpu.memory_space<hbm>>) target_semaphore(%arg18 : memref<!tpu.dma_semaphore, #tpu.memory_space<semaphore_mem>>)
      %dma_start3A_1097 = arith.constant 0 : i32
      %dma_start3A_1098 = arith.constant 512 : i32
      %dma_start3A_1099 = tpu.memref_slice %arg8[%dma_start3A_1097, %dma_start3A_1098] : memref<16x1024xf32, #tpu.memory_space<vmem>> -> memref<16x128xf32, #tpu.memory_space<vmem>>
      %dma_start3A_1100 = arith.constant 512 : i32
      %dma_start3A_1101 = tpu.memref_slice %arg4[%add3A_1056, %dma_start3A_1100] : memref<51200x1000xf32, #tpu.memory_space<hbm>> -> memref<16x128xf32, #tpu.memory_space<hbm>>
      %dma_start3A_1102 = arith.constant 512 : i32
      %dma_start3A_1103 = tpu.memref_slice %arg4[%add3A_1056, %dma_start3A_1102] : memref<51200x1000xf32, #tpu.memory_space<hbm>> -> memref<16x128xf32, #tpu.memory_space<hbm>>
      %dma_start3A_1104 = arith.constant 0 : i32
      %dma_start3A_1105 = arith.constant 512 : i32
      %dma_start3A_1106 = tpu.memref_slice %arg8[%dma_start3A_1104, %dma_start3A_1105] : memref<16x1024xf32, #tpu.memory_space<vmem>> -> memref<16x128xf32, #tpu.memory_space<vmem>>
      tpu.enqueue_dma source(%dma_start3A_1106 : memref<16x128xf32, #tpu.memory_space<vmem>>) target(%dma_start3A_1103 : memref<16x128xf32, #tpu.memory_space<hbm>>) target_semaphore(%arg18 : memref<!tpu.dma_semaphore, #tpu.memory_space<semaphore_mem>>)
      %dma_start3A_1107 = arith.constant 0 : i32
      %dma_start3A_1108 = arith.constant 640 : i32
      %dma_start3A_1109 = tpu.memref_slice %arg8[%dma_start3A_1107, %dma_start3A_1108] : memref<16x1024xf32, #tpu.memory_space<vmem>> -> memref<16x128xf32, #tpu.memory_space<vmem>>
      %dma_start3A_1110 = arith.constant 640 : i32
      %dma_start3A_1111 = tpu.memref_slice %arg4[%add3A_1056, %dma_start3A_1110] : memref<51200x1000xf32, #tpu.memory_space<hbm>> -> memref<16x128xf32, #tpu.memory_space<hbm>>
      %dma_start3A_1112 = arith.constant 640 : i32
      %dma_start3A_1113 = tpu.memref_slice %arg4[%add3A_1056, %dma_start3A_1112] : memref<51200x1000xf32, #tpu.memory_space<hbm>> -> memref<16x128xf32, #tpu.memory_space<hbm>>
      %dma_start3A_1114 = arith.constant 0 : i32
      %dma_start3A_1115 = arith.constant 640 : i32
      %dma_start3A_1116 = tpu.memref_slice %arg8[%dma_start3A_1114, %dma_start3A_1115] : memref<16x1024xf32, #tpu.memory_space<vmem>> -> memref<16x128xf32, #tpu.memory_space<vmem>>
      tpu.enqueue_dma source(%dma_start3A_1116 : memref<16x128xf32, #tpu.memory_space<vmem>>) target(%dma_start3A_1113 : memref<16x128xf32, #tpu.memory_space<hbm>>) target_semaphore(%arg18 : memref<!tpu.dma_semaphore, #tpu.memory_space<semaphore_mem>>)
      %dma_start3A_1117 = arith.constant 0 : i32
      %dma_start3A_1118 = arith.constant 768 : i32
      %dma_start3A_1119 = tpu.memref_slice %arg8[%dma_start3A_1117, %dma_start3A_1118] : memref<16x1024xf32, #tpu.memory_space<vmem>> -> memref<16x128xf32, #tpu.memory_space<vmem>>
      %dma_start3A_1120 = arith.constant 768 : i32
      %dma_start3A_1121 = tpu.memref_slice %arg4[%add3A_1056, %dma_start3A_1120] : memref<51200x1000xf32, #tpu.memory_space<hbm>> -> memref<16x128xf32, #tpu.memory_space<hbm>>
      %dma_start3A_1122 = arith.constant 768 : i32
      %dma_start3A_1123 = tpu.memref_slice %arg4[%add3A_1056, %dma_start3A_1122] : memref<51200x1000xf32, #tpu.memory_space<hbm>> -> memref<16x128xf32, #tpu.memory_space<hbm>>
      %dma_start3A_1124 = arith.constant 0 : i32
      %dma_start3A_1125 = arith.constant 768 : i32
      %dma_start3A_1126 = tpu.memref_slice %arg8[%dma_start3A_1124, %dma_start3A_1125] : memref<16x1024xf32, #tpu.memory_space<vmem>> -> memref<16x128xf32, #tpu.memory_space<vmem>>
      tpu.enqueue_dma source(%dma_start3A_1126 : memref<16x128xf32, #tpu.memory_space<vmem>>) target(%dma_start3A_1123 : memref<16x128xf32, #tpu.memory_space<hbm>>) target_semaphore(%arg18 : memref<!tpu.dma_semaphore, #tpu.memory_space<semaphore_mem>>)
      %dma_start3A_1127 = arith.constant 0 : i32
      %dma_start3A_1128 = arith.constant 896 : i32
      %dma_start3A_1129 = tpu.memref_slice %arg8[%dma_start3A_1127, %dma_start3A_1128] : memref<16x1024xf32, #tpu.memory_space<vmem>> -> memref<16x128xf32, #tpu.memory_space<vmem>>
      %dma_start3A_1130 = arith.constant 0 : i32
      %dma_start3A_1131 = tpu.memref_slice %arg5[%add3A_1056, %dma_start3A_1130] : memref<51200x128xf32, #tpu.memory_space<hbm>> -> memref<16x128xf32, #tpu.memory_space<hbm>>
      %dma_start3A_1132 = arith.constant 0 : i32
      %dma_start3A_1133 = tpu.memref_slice %arg5[%add3A_1056, %dma_start3A_1132] : memref<51200x128xf32, #tpu.memory_space<hbm>> -> memref<16x128xf32, #tpu.memory_space<hbm>>
      %dma_start3A_1134 = arith.constant 0 : i32
      %dma_start3A_1135 = arith.constant 896 : i32
      %dma_start3A_1136 = tpu.memref_slice %arg8[%dma_start3A_1134, %dma_start3A_1135] : memref<16x1024xf32, #tpu.memory_space<vmem>> -> memref<16x128xf32, #tpu.memory_space<vmem>>
      tpu.enqueue_dma source(%dma_start3A_1136 : memref<16x128xf32, #tpu.memory_space<vmem>>) target(%dma_start3A_1133 : memref<16x128xf32, #tpu.memory_space<hbm>>) target_semaphore(%arg18 : memref<!tpu.dma_semaphore, #tpu.memory_space<semaphore_mem>>)
      %dma_wait3A_1137 = arith.constant 0 : i32
      %dma_wait3A_1138 = arith.constant 0 : i32
      %dma_wait3A_1139 = tpu.memref_slice %arg8[%dma_wait3A_1137, %dma_wait3A_1138] : memref<16x1024xf32, #tpu.memory_space<vmem>> -> memref<16x128xf32, #tpu.memory_space<vmem>>
      %dma_wait3A_1140 = arith.constant 0 : i32
      %dma_wait3A_1141 = tpu.memref_slice %arg4[%add3A_1056, %dma_wait3A_1140] : memref<51200x1000xf32, #tpu.memory_space<hbm>> -> memref<16x128xf32, #tpu.memory_space<hbm>>
      %dma_wait3A_1142 = arith.constant 0 : i32
      %dma_wait3A_1143 = tpu.memref_slice %arg4[%add3A_1056, %dma_wait3A_1142] : memref<51200x1000xf32, #tpu.memory_space<hbm>> -> memref<16x128xf32, #tpu.memory_space<hbm>>
      %dma_wait3A_1144 = arith.constant 0 : i32
      %dma_wait3A_1145 = arith.constant 0 : i32
      %dma_wait3A_1146 = tpu.memref_slice %arg8[%dma_wait3A_1144, %dma_wait3A_1145] : memref<16x1024xf32, #tpu.memory_space<vmem>> -> memref<16x128xf32, #tpu.memory_space<vmem>>
      tpu.wait_dma2 semaphore(%arg18 : memref<!tpu.dma_semaphore, #tpu.memory_space<semaphore_mem>>) src(%dma_wait3A_1146 : memref<16x128xf32, #tpu.memory_space<vmem>>) dst(%dma_wait3A_1143 : memref<16x128xf32, #tpu.memory_space<hbm>>)
      %dma_wait3A_1147 = arith.constant 0 : i32
      %dma_wait3A_1148 = arith.constant 128 : i32
      %dma_wait3A_1149 = tpu.memref_slice %arg8[%dma_wait3A_1147, %dma_wait3A_1148] : memref<16x1024xf32, #tpu.memory_space<vmem>> -> memref<16x128xf32, #tpu.memory_space<vmem>>
      %dma_wait3A_1150 = arith.constant 128 : i32
      %dma_wait3A_1151 = tpu.memref_slice %arg4[%add3A_1056, %dma_wait3A_1150] : memref<51200x1000xf32, #tpu.memory_space<hbm>> -> memref<16x128xf32, #tpu.memory_space<hbm>>
      %dma_wait3A_1152 = arith.constant 128 : i32
      %dma_wait3A_1153 = tpu.memref_slice %arg4[%add3A_1056, %dma_wait3A_1152] : memref<51200x1000xf32, #tpu.memory_space<hbm>> -> memref<16x128xf32, #tpu.memory_space<hbm>>
      %dma_wait3A_1154 = arith.constant 0 : i32
      %dma_wait3A_1155 = arith.constant 128 : i32
      %dma_wait3A_1156 = tpu.memref_slice %arg8[%dma_wait3A_1154, %dma_wait3A_1155] : memref<16x1024xf32, #tpu.memory_space<vmem>> -> memref<16x128xf32, #tpu.memory_space<vmem>>
      tpu.wait_dma2 semaphore(%arg18 : memref<!tpu.dma_semaphore, #tpu.memory_space<semaphore_mem>>) src(%dma_wait3A_1156 : memref<16x128xf32, #tpu.memory_space<vmem>>) dst(%dma_wait3A_1153 : memref<16x128xf32, #tpu.memory_space<hbm>>)
      %dma_wait3A_1157 = arith.constant 0 : i32
      %dma_wait3A_1158 = arith.constant 256 : i32
      %dma_wait3A_1159 = tpu.memref_slice %arg8[%dma_wait3A_1157, %dma_wait3A_1158] : memref<16x1024xf32, #tpu.memory_space<vmem>> -> memref<16x128xf32, #tpu.memory_space<vmem>>
      %dma_wait3A_1160 = arith.constant 256 : i32
      %dma_wait3A_1161 = tpu.memref_slice %arg4[%add3A_1056, %dma_wait3A_1160] : memref<51200x1000xf32, #tpu.memory_space<hbm>> -> memref<16x128xf32, #tpu.memory_space<hbm>>
      %dma_wait3A_1162 = arith.constant 256 : i32
      %dma_wait3A_1163 = tpu.memref_slice %arg4[%add3A_1056, %dma_wait3A_1162] : memref<51200x1000xf32, #tpu.memory_space<hbm>> -> memref<16x128xf32, #tpu.memory_space<hbm>>
      %dma_wait3A_1164 = arith.constant 0 : i32
      %dma_wait3A_1165 = arith.constant 256 : i32
      %dma_wait3A_1166 = tpu.memref_slice %arg8[%dma_wait3A_1164, %dma_wait3A_1165] : memref<16x1024xf32, #tpu.memory_space<vmem>> -> memref<16x128xf32, #tpu.memory_space<vmem>>
      tpu.wait_dma2 semaphore(%arg18 : memref<!tpu.dma_semaphore, #tpu.memory_space<semaphore_mem>>) src(%dma_wait3A_1166 : memref<16x128xf32, #tpu.memory_space<vmem>>) dst(%dma_wait3A_1163 : memref<16x128xf32, #tpu.memory_space<hbm>>)
      %dma_wait3A_1167 = arith.constant 0 : i32
      %dma_wait3A_1168 = arith.constant 384 : i32
      %dma_wait3A_1169 = tpu.memref_slice %arg8[%dma_wait3A_1167, %dma_wait3A_1168] : memref<16x1024xf32, #tpu.memory_space<vmem>> -> memref<16x128xf32, #tpu.memory_space<vmem>>
      %dma_wait3A_1170 = arith.constant 384 : i32
      %dma_wait3A_1171 = tpu.memref_slice %arg4[%add3A_1056, %dma_wait3A_1170] : memref<51200x1000xf32, #tpu.memory_space<hbm>> -> memref<16x128xf32, #tpu.memory_space<hbm>>
      %dma_wait3A_1172 = arith.constant 384 : i32
      %dma_wait3A_1173 = tpu.memref_slice %arg4[%add3A_1056, %dma_wait3A_1172] : memref<51200x1000xf32, #tpu.memory_space<hbm>> -> memref<16x128xf32, #tpu.memory_space<hbm>>
      %dma_wait3A_1174 = arith.constant 0 : i32
      %dma_wait3A_1175 = arith.constant 384 : i32
      %dma_wait3A_1176 = tpu.memref_slice %arg8[%dma_wait3A_1174, %dma_wait3A_1175] : memref<16x1024xf32, #tpu.memory_space<vmem>> -> memref<16x128xf32, #tpu.memory_space<vmem>>
      tpu.wait_dma2 semaphore(%arg18 : memref<!tpu.dma_semaphore, #tpu.memory_space<semaphore_mem>>) src(%dma_wait3A_1176 : memref<16x128xf32, #tpu.memory_space<vmem>>) dst(%dma_wait3A_1173 : memref<16x128xf32, #tpu.memory_space<hbm>>)
      %dma_wait3A_1177 = arith.constant 0 : i32
      %dma_wait3A_1178 = arith.constant 512 : i32
      %dma_wait3A_1179 = tpu.memref_slice %arg8[%dma_wait3A_1177, %dma_wait3A_1178] : memref<16x1024xf32, #tpu.memory_space<vmem>> -> memref<16x128xf32, #tpu.memory_space<vmem>>
      %dma_wait3A_1180 = arith.constant 512 : i32
      %dma_wait3A_1181 = tpu.memref_slice %arg4[%add3A_1056, %dma_wait3A_1180] : memref<51200x1000xf32, #tpu.memory_space<hbm>> -> memref<16x128xf32, #tpu.memory_space<hbm>>
      %dma_wait3A_1182 = arith.constant 512 : i32
      %dma_wait3A_1183 = tpu.memref_slice %arg4[%add3A_1056, %dma_wait3A_1182] : memref<51200x1000xf32, #tpu.memory_space<hbm>> -> memref<16x128xf32, #tpu.memory_space<hbm>>
      %dma_wait3A_1184 = arith.constant 0 : i32
      %dma_wait3A_1185 = arith.constant 512 : i32
      %dma_wait3A_1186 = tpu.memref_slice %arg8[%dma_wait3A_1184, %dma_wait3A_1185] : memref<16x1024xf32, #tpu.memory_space<vmem>> -> memref<16x128xf32, #tpu.memory_space<vmem>>
      tpu.wait_dma2 semaphore(%arg18 : memref<!tpu.dma_semaphore, #tpu.memory_space<semaphore_mem>>) src(%dma_wait3A_1186 : memref<16x128xf32, #tpu.memory_space<vmem>>) dst(%dma_wait3A_1183 : memref<16x128xf32, #tpu.memory_space<hbm>>)
      %dma_wait3A_1187 = arith.constant 0 : i32
      %dma_wait3A_1188 = arith.constant 640 : i32
      %dma_wait3A_1189 = tpu.memref_slice %arg8[%dma_wait3A_1187, %dma_wait3A_1188] : memref<16x1024xf32, #tpu.memory_space<vmem>> -> memref<16x128xf32, #tpu.memory_space<vmem>>
      %dma_wait3A_1190 = arith.constant 640 : i32
      %dma_wait3A_1191 = tpu.memref_slice %arg4[%add3A_1056, %dma_wait3A_1190] : memref<51200x1000xf32, #tpu.memory_space<hbm>> -> memref<16x128xf32, #tpu.memory_space<hbm>>
      %dma_wait3A_1192 = arith.constant 640 : i32
      %dma_wait3A_1193 = tpu.memref_slice %arg4[%add3A_1056, %dma_wait3A_1192] : memref<51200x1000xf32, #tpu.memory_space<hbm>> -> memref<16x128xf32, #tpu.memory_space<hbm>>
      %dma_wait3A_1194 = arith.constant 0 : i32
      %dma_wait3A_1195 = arith.constant 640 : i32
      %dma_wait3A_1196 = tpu.memref_slice %arg8[%dma_wait3A_1194, %dma_wait3A_1195] : memref<16x1024xf32, #tpu.memory_space<vmem>> -> memref<16x128xf32, #tpu.memory_space<vmem>>
      tpu.wait_dma2 semaphore(%arg18 : memref<!tpu.dma_semaphore, #tpu.memory_space<semaphore_mem>>) src(%dma_wait3A_1196 : memref<16x128xf32, #tpu.memory_space<vmem>>) dst(%dma_wait3A_1193 : memref<16x128xf32, #tpu.memory_space<hbm>>)
      %dma_wait3A_1197 = arith.constant 0 : i32
      %dma_wait3A_1198 = arith.constant 768 : i32
      %dma_wait3A_1199 = tpu.memref_slice %arg8[%dma_wait3A_1197, %dma_wait3A_1198] : memref<16x1024xf32, #tpu.memory_space<vmem>> -> memref<16x128xf32, #tpu.memory_space<vmem>>
      %dma_wait3A_1200 = arith.constant 768 : i32
      %dma_wait3A_1201 = tpu.memref_slice %arg4[%add3A_1056, %dma_wait3A_1200] : memref<51200x1000xf32, #tpu.memory_space<hbm>> -> memref<16x128xf32, #tpu.memory_space<hbm>>
      %dma_wait3A_1202 = arith.constant 768 : i32
      %dma_wait3A_1203 = tpu.memref_slice %arg4[%add3A_1056, %dma_wait3A_1202] : memref<51200x1000xf32, #tpu.memory_space<hbm>> -> memref<16x128xf32, #tpu.memory_space<hbm>>
      %dma_wait3A_1204 = arith.constant 0 : i32
      %dma_wait3A_1205 = arith.constant 768 : i32
      %dma_wait3A_1206 = tpu.memref_slice %arg8[%dma_wait3A_1204, %dma_wait3A_1205] : memref<16x1024xf32, #tpu.memory_space<vmem>> -> memref<16x128xf32, #tpu.memory_space<vmem>>
      tpu.wait_dma2 semaphore(%arg18 : memref<!tpu.dma_semaphore, #tpu.memory_space<semaphore_mem>>) src(%dma_wait3A_1206 : memref<16x128xf32, #tpu.memory_space<vmem>>) dst(%dma_wait3A_1203 : memref<16x128xf32, #tpu.memory_space<hbm>>)
      %dma_wait3A_1207 = arith.constant 0 : i32
      %dma_wait3A_1208 = arith.constant 896 : i32
      %dma_wait3A_1209 = tpu.memref_slice %arg8[%dma_wait3A_1207, %dma_wait3A_1208] : memref<16x1024xf32, #tpu.memory_space<vmem>> -> memref<16x128xf32, #tpu.memory_space<vmem>>
      %dma_wait3A_1210 = arith.constant 0 : i32
      %dma_wait3A_1211 = tpu.memref_slice %arg5[%add3A_1056, %dma_wait3A_1210] : memref<51200x128xf32, #tpu.memory_space<hbm>> -> memref<16x128xf32, #tpu.memory_space<hbm>>
      %dma_wait3A_1212 = arith.constant 0 : i32
      %dma_wait3A_1213 = tpu.memref_slice %arg5[%add3A_1056, %dma_wait3A_1212] : memref<51200x128xf32, #tpu.memory_space<hbm>> -> memref<16x128xf32, #tpu.memory_space<hbm>>
      %dma_wait3A_1214 = arith.constant 0 : i32
      %dma_wait3A_1215 = arith.constant 896 : i32
      %dma_wait3A_1216 = tpu.memref_slice %arg8[%dma_wait3A_1214, %dma_wait3A_1215] : memref<16x1024xf32, #tpu.memory_space<vmem>> -> memref<16x128xf32, #tpu.memory_space<vmem>>
      tpu.wait_dma2 semaphore(%arg18 : memref<!tpu.dma_semaphore, #tpu.memory_space<semaphore_mem>>) src(%dma_wait3A_1216 : memref<16x128xf32, #tpu.memory_space<vmem>>) dst(%dma_wait3A_1213 : memref<16x128xf32, #tpu.memory_space<hbm>>)
      %add3A_1217 = arith.constant 5 : i32
      %add3A_1218 = arith.addi %add3A_1048, %add3A_1217 : i32
      %mul3A_1219 = arith.constant 16 : i32
      %mul3A_1220 = arith.muli %add3A_1218, %mul3A_1219 : i32
      %dma_start3A_1221 = tpu.memref_slice %arg6[%mul3A_1220] : memref<1600xi32, #tpu.memory_space<vmem>> -> memref<16xi32, #tpu.memory_space<vmem>>
      %dma_start3A_1222 = arith.constant 0 : i32
      %dma_start3A_1223 = arith.constant 0 : i32
      %dma_start3A_1224 = tpu.memref_slice %arg2[%dma_start3A_1222, %dma_start3A_1223] : memref<1000x1024xf32, #tpu.memory_space<hbm>> -> memref<1000x1024xf32, #tpu.memory_space<hbm>>
      tpu.enqueue_indirect_dma source(%dma_start3A_1224 : memref<1000x1024xf32, #tpu.memory_space<hbm>>) target(%arg8 : memref<16x1024xf32, #tpu.memory_space<vmem>>) offsets(%dma_start3A_1221 : memref<16xi32, #tpu.memory_space<vmem>>) semaphore(%arg13 : memref<!tpu.dma_semaphore, #tpu.memory_space<semaphore_mem>>)
      %add3A_1225 = arith.constant 2 : i32
      %add3A_1226 = arith.addi %mul3A_868, %add3A_1225 : i32
      %dma_wait3A_1227 = arith.constant 0 : i32
      %dma_wait3A_1228 = tpu.memref_slice %arg6[%dma_wait3A_1227] : memref<1600xi32, #tpu.memory_space<vmem>> -> memref<16xi32, #tpu.memory_space<vmem>>
      %dma_wait3A_1229 = arith.constant 0 : i32
      %dma_wait3A_1230 = arith.constant 0 : i32
      %dma_wait3A_1231 = tpu.memref_slice %arg2[%dma_wait3A_1229, %dma_wait3A_1230] : memref<1000x1024xf32, #tpu.memory_space<hbm>> -> memref<1000x1024xf32, #tpu.memory_space<hbm>>
      tpu.wait_indirect_dma semaphore(%arg14 : memref<!tpu.dma_semaphore, #tpu.memory_space<semaphore_mem>>) src(%dma_wait3A_1231 : memref<1000x1024xf32, #tpu.memory_space<hbm>>) dst(%arg9 : memref<16x1024xf32, #tpu.memory_space<vmem>>)
      %mul3A_1232 = arith.constant 16 : i32
      %mul3A_1233 = arith.muli %add3A_1226, %mul3A_1232 : i32
      %add3A_1234 = arith.addi %mul3A_2, %mul3A_1233 : i32
      %dma_start3A_1235 = arith.constant 0 : i32
      %dma_start3A_1236 = arith.constant 0 : i32
      %dma_start3A_1237 = tpu.memref_slice %arg9[%dma_start3A_1235, %dma_start3A_1236] : memref<16x1024xf32, #tpu.memory_space<vmem>> -> memref<16x128xf32, #tpu.memory_space<vmem>>
      %dma_start3A_1238 = arith.constant 0 : i32
      %dma_start3A_1239 = tpu.memref_slice %arg4[%add3A_1234, %dma_start3A_1238] : memref<51200x1000xf32, #tpu.memory_space<hbm>> -> memref<16x128xf32, #tpu.memory_space<hbm>>
      %dma_start3A_1240 = arith.constant 0 : i32
      %dma_start3A_1241 = tpu.memref_slice %arg4[%add3A_1234, %dma_start3A_1240] : memref<51200x1000xf32, #tpu.memory_space<hbm>> -> memref<16x128xf32, #tpu.memory_space<hbm>>
      %dma_start3A_1242 = arith.constant 0 : i32
      %dma_start3A_1243 = arith.constant 0 : i32
      %dma_start3A_1244 = tpu.memref_slice %arg9[%dma_start3A_1242, %dma_start3A_1243] : memref<16x1024xf32, #tpu.memory_space<vmem>> -> memref<16x128xf32, #tpu.memory_space<vmem>>
      tpu.enqueue_dma source(%dma_start3A_1244 : memref<16x128xf32, #tpu.memory_space<vmem>>) target(%dma_start3A_1241 : memref<16x128xf32, #tpu.memory_space<hbm>>) target_semaphore(%arg19 : memref<!tpu.dma_semaphore, #tpu.memory_space<semaphore_mem>>)
      %dma_start3A_1245 = arith.constant 0 : i32
      %dma_start3A_1246 = arith.constant 128 : i32
      %dma_start3A_1247 = tpu.memref_slice %arg9[%dma_start3A_1245, %dma_start3A_1246] : memref<16x1024xf32, #tpu.memory_space<vmem>> -> memref<16x128xf32, #tpu.memory_space<vmem>>
      %dma_start3A_1248 = arith.constant 128 : i32
      %dma_start3A_1249 = tpu.memref_slice %arg4[%add3A_1234, %dma_start3A_1248] : memref<51200x1000xf32, #tpu.memory_space<hbm>> -> memref<16x128xf32, #tpu.memory_space<hbm>>
      %dma_start3A_1250 = arith.constant 128 : i32
      %dma_start3A_1251 = tpu.memref_slice %arg4[%add3A_1234, %dma_start3A_1250] : memref<51200x1000xf32, #tpu.memory_space<hbm>> -> memref<16x128xf32, #tpu.memory_space<hbm>>
      %dma_start3A_1252 = arith.constant 0 : i32
      %dma_start3A_1253 = arith.constant 128 : i32
      %dma_start3A_1254 = tpu.memref_slice %arg9[%dma_start3A_1252, %dma_start3A_1253] : memref<16x1024xf32, #tpu.memory_space<vmem>> -> memref<16x128xf32, #tpu.memory_space<vmem>>
      tpu.enqueue_dma source(%dma_start3A_1254 : memref<16x128xf32, #tpu.memory_space<vmem>>) target(%dma_start3A_1251 : memref<16x128xf32, #tpu.memory_space<hbm>>) target_semaphore(%arg19 : memref<!tpu.dma_semaphore, #tpu.memory_space<semaphore_mem>>)
      %dma_start3A_1255 = arith.constant 0 : i32
      %dma_start3A_1256 = arith.constant 256 : i32
      %dma_start3A_1257 = tpu.memref_slice %arg9[%dma_start3A_1255, %dma_start3A_1256] : memref<16x1024xf32, #tpu.memory_space<vmem>> -> memref<16x128xf32, #tpu.memory_space<vmem>>
      %dma_start3A_1258 = arith.constant 256 : i32
      %dma_start3A_1259 = tpu.memref_slice %arg4[%add3A_1234, %dma_start3A_1258] : memref<51200x1000xf32, #tpu.memory_space<hbm>> -> memref<16x128xf32, #tpu.memory_space<hbm>>
      %dma_start3A_1260 = arith.constant 256 : i32
      %dma_start3A_1261 = tpu.memref_slice %arg4[%add3A_1234, %dma_start3A_1260] : memref<51200x1000xf32, #tpu.memory_space<hbm>> -> memref<16x128xf32, #tpu.memory_space<hbm>>
      %dma_start3A_1262 = arith.constant 0 : i32
      %dma_start3A_1263 = arith.constant 256 : i32
      %dma_start3A_1264 = tpu.memref_slice %arg9[%dma_start3A_1262, %dma_start3A_1263] : memref<16x1024xf32, #tpu.memory_space<vmem>> -> memref<16x128xf32, #tpu.memory_space<vmem>>
      tpu.enqueue_dma source(%dma_start3A_1264 : memref<16x128xf32, #tpu.memory_space<vmem>>) target(%dma_start3A_1261 : memref<16x128xf32, #tpu.memory_space<hbm>>) target_semaphore(%arg19 : memref<!tpu.dma_semaphore, #tpu.memory_space<semaphore_mem>>)
      %dma_start3A_1265 = arith.constant 0 : i32
      %dma_start3A_1266 = arith.constant 384 : i32
      %dma_start3A_1267 = tpu.memref_slice %arg9[%dma_start3A_1265, %dma_start3A_1266] : memref<16x1024xf32, #tpu.memory_space<vmem>> -> memref<16x128xf32, #tpu.memory_space<vmem>>
      %dma_start3A_1268 = arith.constant 384 : i32
      %dma_start3A_1269 = tpu.memref_slice %arg4[%add3A_1234, %dma_start3A_1268] : memref<51200x1000xf32, #tpu.memory_space<hbm>> -> memref<16x128xf32, #tpu.memory_space<hbm>>
      %dma_start3A_1270 = arith.constant 384 : i32
      %dma_start3A_1271 = tpu.memref_slice %arg4[%add3A_1234, %dma_start3A_1270] : memref<51200x1000xf32, #tpu.memory_space<hbm>> -> memref<16x128xf32, #tpu.memory_space<hbm>>
      %dma_start3A_1272 = arith.constant 0 : i32
      %dma_start3A_1273 = arith.constant 384 : i32
      %dma_start3A_1274 = tpu.memref_slice %arg9[%dma_start3A_1272, %dma_start3A_1273] : memref<16x1024xf32, #tpu.memory_space<vmem>> -> memref<16x128xf32, #tpu.memory_space<vmem>>
      tpu.enqueue_dma source(%dma_start3A_1274 : memref<16x128xf32, #tpu.memory_space<vmem>>) target(%dma_start3A_1271 : memref<16x128xf32, #tpu.memory_space<hbm>>) target_semaphore(%arg19 : memref<!tpu.dma_semaphore, #tpu.memory_space<semaphore_mem>>)
      %dma_start3A_1275 = arith.constant 0 : i32
      %dma_start3A_1276 = arith.constant 512 : i32
      %dma_start3A_1277 = tpu.memref_slice %arg9[%dma_start3A_1275, %dma_start3A_1276] : memref<16x1024xf32, #tpu.memory_space<vmem>> -> memref<16x128xf32, #tpu.memory_space<vmem>>
      %dma_start3A_1278 = arith.constant 512 : i32
      %dma_start3A_1279 = tpu.memref_slice %arg4[%add3A_1234, %dma_start3A_1278] : memref<51200x1000xf32, #tpu.memory_space<hbm>> -> memref<16x128xf32, #tpu.memory_space<hbm>>
      %dma_start3A_1280 = arith.constant 512 : i32
      %dma_start3A_1281 = tpu.memref_slice %arg4[%add3A_1234, %dma_start3A_1280] : memref<51200x1000xf32, #tpu.memory_space<hbm>> -> memref<16x128xf32, #tpu.memory_space<hbm>>
      %dma_start3A_1282 = arith.constant 0 : i32
      %dma_start3A_1283 = arith.constant 512 : i32
      %dma_start3A_1284 = tpu.memref_slice %arg9[%dma_start3A_1282, %dma_start3A_1283] : memref<16x1024xf32, #tpu.memory_space<vmem>> -> memref<16x128xf32, #tpu.memory_space<vmem>>
      tpu.enqueue_dma source(%dma_start3A_1284 : memref<16x128xf32, #tpu.memory_space<vmem>>) target(%dma_start3A_1281 : memref<16x128xf32, #tpu.memory_space<hbm>>) target_semaphore(%arg19 : memref<!tpu.dma_semaphore, #tpu.memory_space<semaphore_mem>>)
      %dma_start3A_1285 = arith.constant 0 : i32
      %dma_start3A_1286 = arith.constant 640 : i32
      %dma_start3A_1287 = tpu.memref_slice %arg9[%dma_start3A_1285, %dma_start3A_1286] : memref<16x1024xf32, #tpu.memory_space<vmem>> -> memref<16x128xf32, #tpu.memory_space<vmem>>
      %dma_start3A_1288 = arith.constant 640 : i32
      %dma_start3A_1289 = tpu.memref_slice %arg4[%add3A_1234, %dma_start3A_1288] : memref<51200x1000xf32, #tpu.memory_space<hbm>> -> memref<16x128xf32, #tpu.memory_space<hbm>>
      %dma_start3A_1290 = arith.constant 640 : i32
      %dma_start3A_1291 = tpu.memref_slice %arg4[%add3A_1234, %dma_start3A_1290] : memref<51200x1000xf32, #tpu.memory_space<hbm>> -> memref<16x128xf32, #tpu.memory_space<hbm>>
      %dma_start3A_1292 = arith.constant 0 : i32
      %dma_start3A_1293 = arith.constant 640 : i32
      %dma_start3A_1294 = tpu.memref_slice %arg9[%dma_start3A_1292, %dma_start3A_1293] : memref<16x1024xf32, #tpu.memory_space<vmem>> -> memref<16x128xf32, #tpu.memory_space<vmem>>
      tpu.enqueue_dma source(%dma_start3A_1294 : memref<16x128xf32, #tpu.memory_space<vmem>>) target(%dma_start3A_1291 : memref<16x128xf32, #tpu.memory_space<hbm>>) target_semaphore(%arg19 : memref<!tpu.dma_semaphore, #tpu.memory_space<semaphore_mem>>)
      %dma_start3A_1295 = arith.constant 0 : i32
      %dma_start3A_1296 = arith.constant 768 : i32
      %dma_start3A_1297 = tpu.memref_slice %arg9[%dma_start3A_1295, %dma_start3A_1296] : memref<16x1024xf32, #tpu.memory_space<vmem>> -> memref<16x128xf32, #tpu.memory_space<vmem>>
      %dma_start3A_1298 = arith.constant 768 : i32
      %dma_start3A_1299 = tpu.memref_slice %arg4[%add3A_1234, %dma_start3A_1298] : memref<51200x1000xf32, #tpu.memory_space<hbm>> -> memref<16x128xf32, #tpu.memory_space<hbm>>
      %dma_start3A_1300 = arith.constant 768 : i32
      %dma_start3A_1301 = tpu.memref_slice %arg4[%add3A_1234, %dma_start3A_1300] : memref<51200x1000xf32, #tpu.memory_space<hbm>> -> memref<16x128xf32, #tpu.memory_space<hbm>>
      %dma_start3A_1302 = arith.constant 0 : i32
      %dma_start3A_1303 = arith.constant 768 : i32
      %dma_start3A_1304 = tpu.memref_slice %arg9[%dma_start3A_1302, %dma_start3A_1303] : memref<16x1024xf32, #tpu.memory_space<vmem>> -> memref<16x128xf32, #tpu.memory_space<vmem>>
      tpu.enqueue_dma source(%dma_start3A_1304 : memref<16x128xf32, #tpu.memory_space<vmem>>) target(%dma_start3A_1301 : memref<16x128xf32, #tpu.memory_space<hbm>>) target_semaphore(%arg19 : memref<!tpu.dma_semaphore, #tpu.memory_space<semaphore_mem>>)
      %dma_start3A_1305 = arith.constant 0 : i32
      %dma_start3A_1306 = arith.constant 896 : i32
      %dma_start3A_1307 = tpu.memref_slice %arg9[%dma_start3A_1305, %dma_start3A_1306] : memref<16x1024xf32, #tpu.memory_space<vmem>> -> memref<16x128xf32, #tpu.memory_space<vmem>>
      %dma_start3A_1308 = arith.constant 0 : i32
      %dma_start3A_1309 = tpu.memref_slice %arg5[%add3A_1234, %dma_start3A_1308] : memref<51200x128xf32, #tpu.memory_space<hbm>> -> memref<16x128xf32, #tpu.memory_space<hbm>>
      %dma_start3A_1310 = arith.constant 0 : i32
      %dma_start3A_1311 = tpu.memref_slice %arg5[%add3A_1234, %dma_start3A_1310] : memref<51200x128xf32, #tpu.memory_space<hbm>> -> memref<16x128xf32, #tpu.memory_space<hbm>>
      %dma_start3A_1312 = arith.constant 0 : i32
      %dma_start3A_1313 = arith.constant 896 : i32
      %dma_start3A_1314 = tpu.memref_slice %arg9[%dma_start3A_1312, %dma_start3A_1313] : memref<16x1024xf32, #tpu.memory_space<vmem>> -> memref<16x128xf32, #tpu.memory_space<vmem>>
      tpu.enqueue_dma source(%dma_start3A_1314 : memref<16x128xf32, #tpu.memory_space<vmem>>) target(%dma_start3A_1311 : memref<16x128xf32, #tpu.memory_space<hbm>>) target_semaphore(%arg19 : memref<!tpu.dma_semaphore, #tpu.memory_space<semaphore_mem>>)
      %dma_wait3A_1315 = arith.constant 0 : i32
      %dma_wait3A_1316 = arith.constant 0 : i32
      %dma_wait3A_1317 = tpu.memref_slice %arg9[%dma_wait3A_1315, %dma_wait3A_1316] : memref<16x1024xf32, #tpu.memory_space<vmem>> -> memref<16x128xf32, #tpu.memory_space<vmem>>
      %dma_wait3A_1318 = arith.constant 0 : i32
      %dma_wait3A_1319 = tpu.memref_slice %arg4[%add3A_1234, %dma_wait3A_1318] : memref<51200x1000xf32, #tpu.memory_space<hbm>> -> memref<16x128xf32, #tpu.memory_space<hbm>>
      %dma_wait3A_1320 = arith.constant 0 : i32
      %dma_wait3A_1321 = tpu.memref_slice %arg4[%add3A_1234, %dma_wait3A_1320] : memref<51200x1000xf32, #tpu.memory_space<hbm>> -> memref<16x128xf32, #tpu.memory_space<hbm>>
      %dma_wait3A_1322 = arith.constant 0 : i32
      %dma_wait3A_1323 = arith.constant 0 : i32
      %dma_wait3A_1324 = tpu.memref_slice %arg9[%dma_wait3A_1322, %dma_wait3A_1323] : memref<16x1024xf32, #tpu.memory_space<vmem>> -> memref<16x128xf32, #tpu.memory_space<vmem>>
      tpu.wait_dma2 semaphore(%arg19 : memref<!tpu.dma_semaphore, #tpu.memory_space<semaphore_mem>>) src(%dma_wait3A_1324 : memref<16x128xf32, #tpu.memory_space<vmem>>) dst(%dma_wait3A_1321 : memref<16x128xf32, #tpu.memory_space<hbm>>)
      %dma_wait3A_1325 = arith.constant 0 : i32
      %dma_wait3A_1326 = arith.constant 128 : i32
      %dma_wait3A_1327 = tpu.memref_slice %arg9[%dma_wait3A_1325, %dma_wait3A_1326] : memref<16x1024xf32, #tpu.memory_space<vmem>> -> memref<16x128xf32, #tpu.memory_space<vmem>>
      %dma_wait3A_1328 = arith.constant 128 : i32
      %dma_wait3A_1329 = tpu.memref_slice %arg4[%add3A_1234, %dma_wait3A_1328] : memref<51200x1000xf32, #tpu.memory_space<hbm>> -> memref<16x128xf32, #tpu.memory_space<hbm>>
      %dma_wait3A_1330 = arith.constant 128 : i32
      %dma_wait3A_1331 = tpu.memref_slice %arg4[%add3A_1234, %dma_wait3A_1330] : memref<51200x1000xf32, #tpu.memory_space<hbm>> -> memref<16x128xf32, #tpu.memory_space<hbm>>
      %dma_wait3A_1332 = arith.constant 0 : i32
      %dma_wait3A_1333 = arith.constant 128 : i32
      %dma_wait3A_1334 = tpu.memref_slice %arg9[%dma_wait3A_1332, %dma_wait3A_1333] : memref<16x1024xf32, #tpu.memory_space<vmem>> -> memref<16x128xf32, #tpu.memory_space<vmem>>
      tpu.wait_dma2 semaphore(%arg19 : memref<!tpu.dma_semaphore, #tpu.memory_space<semaphore_mem>>) src(%dma_wait3A_1334 : memref<16x128xf32, #tpu.memory_space<vmem>>) dst(%dma_wait3A_1331 : memref<16x128xf32, #tpu.memory_space<hbm>>)
      %dma_wait3A_1335 = arith.constant 0 : i32
      %dma_wait3A_1336 = arith.constant 256 : i32
      %dma_wait3A_1337 = tpu.memref_slice %arg9[%dma_wait3A_1335, %dma_wait3A_1336] : memref<16x1024xf32, #tpu.memory_space<vmem>> -> memref<16x128xf32, #tpu.memory_space<vmem>>
      %dma_wait3A_1338 = arith.constant 256 : i32
      %dma_wait3A_1339 = tpu.memref_slice %arg4[%add3A_1234, %dma_wait3A_1338] : memref<51200x1000xf32, #tpu.memory_space<hbm>> -> memref<16x128xf32, #tpu.memory_space<hbm>>
      %dma_wait3A_1340 = arith.constant 256 : i32
      %dma_wait3A_1341 = tpu.memref_slice %arg4[%add3A_1234, %dma_wait3A_1340] : memref<51200x1000xf32, #tpu.memory_space<hbm>> -> memref<16x128xf32, #tpu.memory_space<hbm>>
      %dma_wait3A_1342 = arith.constant 0 : i32
      %dma_wait3A_1343 = arith.constant 256 : i32
      %dma_wait3A_1344 = tpu.memref_slice %arg9[%dma_wait3A_1342, %dma_wait3A_1343] : memref<16x1024xf32, #tpu.memory_space<vmem>> -> memref<16x128xf32, #tpu.memory_space<vmem>>
      tpu.wait_dma2 semaphore(%arg19 : memref<!tpu.dma_semaphore, #tpu.memory_space<semaphore_mem>>) src(%dma_wait3A_1344 : memref<16x128xf32, #tpu.memory_space<vmem>>) dst(%dma_wait3A_1341 : memref<16x128xf32, #tpu.memory_space<hbm>>)
      %dma_wait3A_1345 = arith.constant 0 : i32
      %dma_wait3A_1346 = arith.constant 384 : i32
      %dma_wait3A_1347 = tpu.memref_slice %arg9[%dma_wait3A_1345, %dma_wait3A_1346] : memref<16x1024xf32, #tpu.memory_space<vmem>> -> memref<16x128xf32, #tpu.memory_space<vmem>>
      %dma_wait3A_1348 = arith.constant 384 : i32
      %dma_wait3A_1349 = tpu.memref_slice %arg4[%add3A_1234, %dma_wait3A_1348] : memref<51200x1000xf32, #tpu.memory_space<hbm>> -> memref<16x128xf32, #tpu.memory_space<hbm>>
      %dma_wait3A_1350 = arith.constant 384 : i32
      %dma_wait3A_1351 = tpu.memref_slice %arg4[%add3A_1234, %dma_wait3A_1350] : memref<51200x1000xf32, #tpu.memory_space<hbm>> -> memref<16x128xf32, #tpu.memory_space<hbm>>
      %dma_wait3A_1352 = arith.constant 0 : i32
      %dma_wait3A_1353 = arith.constant 384 : i32
      %dma_wait3A_1354 = tpu.memref_slice %arg9[%dma_wait3A_1352, %dma_wait3A_1353] : memref<16x1024xf32, #tpu.memory_space<vmem>> -> memref<16x128xf32, #tpu.memory_space<vmem>>
      tpu.wait_dma2 semaphore(%arg19 : memref<!tpu.dma_semaphore, #tpu.memory_space<semaphore_mem>>) src(%dma_wait3A_1354 : memref<16x128xf32, #tpu.memory_space<vmem>>) dst(%dma_wait3A_1351 : memref<16x128xf32, #tpu.memory_space<hbm>>)
      %dma_wait3A_1355 = arith.constant 0 : i32
      %dma_wait3A_1356 = arith.constant 512 : i32
      %dma_wait3A_1357 = tpu.memref_slice %arg9[%dma_wait3A_1355, %dma_wait3A_1356] : memref<16x1024xf32, #tpu.memory_space<vmem>> -> memref<16x128xf32, #tpu.memory_space<vmem>>
      %dma_wait3A_1358 = arith.constant 512 : i32
      %dma_wait3A_1359 = tpu.memref_slice %arg4[%add3A_1234, %dma_wait3A_1358] : memref<51200x1000xf32, #tpu.memory_space<hbm>> -> memref<16x128xf32, #tpu.memory_space<hbm>>
      %dma_wait3A_1360 = arith.constant 512 : i32
      %dma_wait3A_1361 = tpu.memref_slice %arg4[%add3A_1234, %dma_wait3A_1360] : memref<51200x1000xf32, #tpu.memory_space<hbm>> -> memref<16x128xf32, #tpu.memory_space<hbm>>
      %dma_wait3A_1362 = arith.constant 0 : i32
      %dma_wait3A_1363 = arith.constant 512 : i32
      %dma_wait3A_1364 = tpu.memref_slice %arg9[%dma_wait3A_1362, %dma_wait3A_1363] : memref<16x1024xf32, #tpu.memory_space<vmem>> -> memref<16x128xf32, #tpu.memory_space<vmem>>
      tpu.wait_dma2 semaphore(%arg19 : memref<!tpu.dma_semaphore, #tpu.memory_space<semaphore_mem>>) src(%dma_wait3A_1364 : memref<16x128xf32, #tpu.memory_space<vmem>>) dst(%dma_wait3A_1361 : memref<16x128xf32, #tpu.memory_space<hbm>>)
      %dma_wait3A_1365 = arith.constant 0 : i32
      %dma_wait3A_1366 = arith.constant 640 : i32
      %dma_wait3A_1367 = tpu.memref_slice %arg9[%dma_wait3A_1365, %dma_wait3A_1366] : memref<16x1024xf32, #tpu.memory_space<vmem>> -> memref<16x128xf32, #tpu.memory_space<vmem>>
      %dma_wait3A_1368 = arith.constant 640 : i32
      %dma_wait3A_1369 = tpu.memref_slice %arg4[%add3A_1234, %dma_wait3A_1368] : memref<51200x1000xf32, #tpu.memory_space<hbm>> -> memref<16x128xf32, #tpu.memory_space<hbm>>
      %dma_wait3A_1370 = arith.constant 640 : i32
      %dma_wait3A_1371 = tpu.memref_slice %arg4[%add3A_1234, %dma_wait3A_1370] : memref<51200x1000xf32, #tpu.memory_space<hbm>> -> memref<16x128xf32, #tpu.memory_space<hbm>>
      %dma_wait3A_1372 = arith.constant 0 : i32
      %dma_wait3A_1373 = arith.constant 640 : i32
      %dma_wait3A_1374 = tpu.memref_slice %arg9[%dma_wait3A_1372, %dma_wait3A_1373] : memref<16x1024xf32, #tpu.memory_space<vmem>> -> memref<16x128xf32, #tpu.memory_space<vmem>>
      tpu.wait_dma2 semaphore(%arg19 : memref<!tpu.dma_semaphore, #tpu.memory_space<semaphore_mem>>) src(%dma_wait3A_1374 : memref<16x128xf32, #tpu.memory_space<vmem>>) dst(%dma_wait3A_1371 : memref<16x128xf32, #tpu.memory_space<hbm>>)
      %dma_wait3A_1375 = arith.constant 0 : i32
      %dma_wait3A_1376 = arith.constant 768 : i32
      %dma_wait3A_1377 = tpu.memref_slice %arg9[%dma_wait3A_1375, %dma_wait3A_1376] : memref<16x1024xf32, #tpu.memory_space<vmem>> -> memref<16x128xf32, #tpu.memory_space<vmem>>
      %dma_wait3A_1378 = arith.constant 768 : i32
      %dma_wait3A_1379 = tpu.memref_slice %arg4[%add3A_1234, %dma_wait3A_1378] : memref<51200x1000xf32, #tpu.memory_space<hbm>> -> memref<16x128xf32, #tpu.memory_space<hbm>>
      %dma_wait3A_1380 = arith.constant 768 : i32
      %dma_wait3A_1381 = tpu.memref_slice %arg4[%add3A_1234, %dma_wait3A_1380] : memref<51200x1000xf32, #tpu.memory_space<hbm>> -> memref<16x128xf32, #tpu.memory_space<hbm>>
      %dma_wait3A_1382 = arith.constant 0 : i32
      %dma_wait3A_1383 = arith.constant 768 : i32
      %dma_wait3A_1384 = tpu.memref_slice %arg9[%dma_wait3A_1382, %dma_wait3A_1383] : memref<16x1024xf32, #tpu.memory_space<vmem>> -> memref<16x128xf32, #tpu.memory_space<vmem>>
      tpu.wait_dma2 semaphore(%arg19 : memref<!tpu.dma_semaphore, #tpu.memory_space<semaphore_mem>>) src(%dma_wait3A_1384 : memref<16x128xf32, #tpu.memory_space<vmem>>) dst(%dma_wait3A_1381 : memref<16x128xf32, #tpu.memory_space<hbm>>)
      %dma_wait3A_1385 = arith.constant 0 : i32
      %dma_wait3A_1386 = arith.constant 896 : i32
      %dma_wait3A_1387 = tpu.memref_slice %arg9[%dma_wait3A_1385, %dma_wait3A_1386] : memref<16x1024xf32, #tpu.memory_space<vmem>> -> memref<16x128xf32, #tpu.memory_space<vmem>>
      %dma_wait3A_1388 = arith.constant 0 : i32
      %dma_wait3A_1389 = tpu.memref_slice %arg5[%add3A_1234, %dma_wait3A_1388] : memref<51200x128xf32, #tpu.memory_space<hbm>> -> memref<16x128xf32, #tpu.memory_space<hbm>>
      %dma_wait3A_1390 = arith.constant 0 : i32
      %dma_wait3A_1391 = tpu.memref_slice %arg5[%add3A_1234, %dma_wait3A_1390] : memref<51200x128xf32, #tpu.memory_space<hbm>> -> memref<16x128xf32, #tpu.memory_space<hbm>>
      %dma_wait3A_1392 = arith.constant 0 : i32
      %dma_wait3A_1393 = arith.constant 896 : i32
      %dma_wait3A_1394 = tpu.memref_slice %arg9[%dma_wait3A_1392, %dma_wait3A_1393] : memref<16x1024xf32, #tpu.memory_space<vmem>> -> memref<16x128xf32, #tpu.memory_space<vmem>>
      tpu.wait_dma2 semaphore(%arg19 : memref<!tpu.dma_semaphore, #tpu.memory_space<semaphore_mem>>) src(%dma_wait3A_1394 : memref<16x128xf32, #tpu.memory_space<vmem>>) dst(%dma_wait3A_1391 : memref<16x128xf32, #tpu.memory_space<hbm>>)
      %add3A_1395 = arith.constant 5 : i32
      %add3A_1396 = arith.addi %add3A_1226, %add3A_1395 : i32
      %mul3A_1397 = arith.constant 16 : i32
      %mul3A_1398 = arith.muli %add3A_1396, %mul3A_1397 : i32
      %dma_start3A_1399 = tpu.memref_slice %arg6[%mul3A_1398] : memref<1600xi32, #tpu.memory_space<vmem>> -> memref<16xi32, #tpu.memory_space<vmem>>
      %dma_start3A_1400 = arith.constant 0 : i32
      %dma_start3A_1401 = arith.constant 0 : i32
      %dma_start3A_1402 = tpu.memref_slice %arg2[%dma_start3A_1400, %dma_start3A_1401] : memref<1000x1024xf32, #tpu.memory_space<hbm>> -> memref<1000x1024xf32, #tpu.memory_space<hbm>>
      tpu.enqueue_indirect_dma source(%dma_start3A_1402 : memref<1000x1024xf32, #tpu.memory_space<hbm>>) target(%arg9 : memref<16x1024xf32, #tpu.memory_space<vmem>>) offsets(%dma_start3A_1399 : memref<16xi32, #tpu.memory_space<vmem>>) semaphore(%arg14 : memref<!tpu.dma_semaphore, #tpu.memory_space<semaphore_mem>>)
      %add3A_1403 = arith.constant 3 : i32
      %add3A_1404 = arith.addi %mul3A_868, %add3A_1403 : i32
      %dma_wait3A_1405 = arith.constant 0 : i32
      %dma_wait3A_1406 = tpu.memref_slice %arg6[%dma_wait3A_1405] : memref<1600xi32, #tpu.memory_space<vmem>> -> memref<16xi32, #tpu.memory_space<vmem>>
      %dma_wait3A_1407 = arith.constant 0 : i32
      %dma_wait3A_1408 = arith.constant 0 : i32
      %dma_wait3A_1409 = tpu.memref_slice %arg2[%dma_wait3A_1407, %dma_wait3A_1408] : memref<1000x1024xf32, #tpu.memory_space<hbm>> -> memref<1000x1024xf32, #tpu.memory_space<hbm>>
      tpu.wait_indirect_dma semaphore(%arg15 : memref<!tpu.dma_semaphore, #tpu.memory_space<semaphore_mem>>) src(%dma_wait3A_1409 : memref<1000x1024xf32, #tpu.memory_space<hbm>>) dst(%arg10 : memref<16x1024xf32, #tpu.memory_space<vmem>>)
      %mul3A_1410 = arith.constant 16 : i32
      %mul3A_1411 = arith.muli %add3A_1404, %mul3A_1410 : i32
      %add3A_1412 = arith.addi %mul3A_2, %mul3A_1411 : i32
      %dma_start3A_1413 = arith.constant 0 : i32
      %dma_start3A_1414 = arith.constant 0 : i32
      %dma_start3A_1415 = tpu.memref_slice %arg10[%dma_start3A_1413, %dma_start3A_1414] : memref<16x1024xf32, #tpu.memory_space<vmem>> -> memref<16x128xf32, #tpu.memory_space<vmem>>
      %dma_start3A_1416 = arith.constant 0 : i32
      %dma_start3A_1417 = tpu.memref_slice %arg4[%add3A_1412, %dma_start3A_1416] : memref<51200x1000xf32, #tpu.memory_space<hbm>> -> memref<16x128xf32, #tpu.memory_space<hbm>>
      %dma_start3A_1418 = arith.constant 0 : i32
      %dma_start3A_1419 = tpu.memref_slice %arg4[%add3A_1412, %dma_start3A_1418] : memref<51200x1000xf32, #tpu.memory_space<hbm>> -> memref<16x128xf32, #tpu.memory_space<hbm>>
      %dma_start3A_1420 = arith.constant 0 : i32
      %dma_start3A_1421 = arith.constant 0 : i32
      %dma_start3A_1422 = tpu.memref_slice %arg10[%dma_start3A_1420, %dma_start3A_1421] : memref<16x1024xf32, #tpu.memory_space<vmem>> -> memref<16x128xf32, #tpu.memory_space<vmem>>
      tpu.enqueue_dma source(%dma_start3A_1422 : memref<16x128xf32, #tpu.memory_space<vmem>>) target(%dma_start3A_1419 : memref<16x128xf32, #tpu.memory_space<hbm>>) target_semaphore(%arg20 : memref<!tpu.dma_semaphore, #tpu.memory_space<semaphore_mem>>)
      %dma_start3A_1423 = arith.constant 0 : i32
      %dma_start3A_1424 = arith.constant 128 : i32
      %dma_start3A_1425 = tpu.memref_slice %arg10[%dma_start3A_1423, %dma_start3A_1424] : memref<16x1024xf32, #tpu.memory_space<vmem>> -> memref<16x128xf32, #tpu.memory_space<vmem>>
      %dma_start3A_1426 = arith.constant 128 : i32
      %dma_start3A_1427 = tpu.memref_slice %arg4[%add3A_1412, %dma_start3A_1426] : memref<51200x1000xf32, #tpu.memory_space<hbm>> -> memref<16x128xf32, #tpu.memory_space<hbm>>
      %dma_start3A_1428 = arith.constant 128 : i32
      %dma_start3A_1429 = tpu.memref_slice %arg4[%add3A_1412, %dma_start3A_1428] : memref<51200x1000xf32, #tpu.memory_space<hbm>> -> memref<16x128xf32, #tpu.memory_space<hbm>>
      %dma_start3A_1430 = arith.constant 0 : i32
      %dma_start3A_1431 = arith.constant 128 : i32
      %dma_start3A_1432 = tpu.memref_slice %arg10[%dma_start3A_1430, %dma_start3A_1431] : memref<16x1024xf32, #tpu.memory_space<vmem>> -> memref<16x128xf32, #tpu.memory_space<vmem>>
      tpu.enqueue_dma source(%dma_start3A_1432 : memref<16x128xf32, #tpu.memory_space<vmem>>) target(%dma_start3A_1429 : memref<16x128xf32, #tpu.memory_space<hbm>>) target_semaphore(%arg20 : memref<!tpu.dma_semaphore, #tpu.memory_space<semaphore_mem>>)
      %dma_start3A_1433 = arith.constant 0 : i32
      %dma_start3A_1434 = arith.constant 256 : i32
      %dma_start3A_1435 = tpu.memref_slice %arg10[%dma_start3A_1433, %dma_start3A_1434] : memref<16x1024xf32, #tpu.memory_space<vmem>> -> memref<16x128xf32, #tpu.memory_space<vmem>>
      %dma_start3A_1436 = arith.constant 256 : i32
      %dma_start3A_1437 = tpu.memref_slice %arg4[%add3A_1412, %dma_start3A_1436] : memref<51200x1000xf32, #tpu.memory_space<hbm>> -> memref<16x128xf32, #tpu.memory_space<hbm>>
      %dma_start3A_1438 = arith.constant 256 : i32
      %dma_start3A_1439 = tpu.memref_slice %arg4[%add3A_1412, %dma_start3A_1438] : memref<51200x1000xf32, #tpu.memory_space<hbm>> -> memref<16x128xf32, #tpu.memory_space<hbm>>
      %dma_start3A_1440 = arith.constant 0 : i32
      %dma_start3A_1441 = arith.constant 256 : i32
      %dma_start3A_1442 = tpu.memref_slice %arg10[%dma_start3A_1440, %dma_start3A_1441] : memref<16x1024xf32, #tpu.memory_space<vmem>> -> memref<16x128xf32, #tpu.memory_space<vmem>>
      tpu.enqueue_dma source(%dma_start3A_1442 : memref<16x128xf32, #tpu.memory_space<vmem>>) target(%dma_start3A_1439 : memref<16x128xf32, #tpu.memory_space<hbm>>) target_semaphore(%arg20 : memref<!tpu.dma_semaphore, #tpu.memory_space<semaphore_mem>>)
      %dma_start3A_1443 = arith.constant 0 : i32
      %dma_start3A_1444 = arith.constant 384 : i32
      %dma_start3A_1445 = tpu.memref_slice %arg10[%dma_start3A_1443, %dma_start3A_1444] : memref<16x1024xf32, #tpu.memory_space<vmem>> -> memref<16x128xf32, #tpu.memory_space<vmem>>
      %dma_start3A_1446 = arith.constant 384 : i32
      %dma_start3A_1447 = tpu.memref_slice %arg4[%add3A_1412, %dma_start3A_1446] : memref<51200x1000xf32, #tpu.memory_space<hbm>> -> memref<16x128xf32, #tpu.memory_space<hbm>>
      %dma_start3A_1448 = arith.constant 384 : i32
      %dma_start3A_1449 = tpu.memref_slice %arg4[%add3A_1412, %dma_start3A_1448] : memref<51200x1000xf32, #tpu.memory_space<hbm>> -> memref<16x128xf32, #tpu.memory_space<hbm>>
      %dma_start3A_1450 = arith.constant 0 : i32
      %dma_start3A_1451 = arith.constant 384 : i32
      %dma_start3A_1452 = tpu.memref_slice %arg10[%dma_start3A_1450, %dma_start3A_1451] : memref<16x1024xf32, #tpu.memory_space<vmem>> -> memref<16x128xf32, #tpu.memory_space<vmem>>
      tpu.enqueue_dma source(%dma_start3A_1452 : memref<16x128xf32, #tpu.memory_space<vmem>>) target(%dma_start3A_1449 : memref<16x128xf32, #tpu.memory_space<hbm>>) target_semaphore(%arg20 : memref<!tpu.dma_semaphore, #tpu.memory_space<semaphore_mem>>)
      %dma_start3A_1453 = arith.constant 0 : i32
      %dma_start3A_1454 = arith.constant 512 : i32
      %dma_start3A_1455 = tpu.memref_slice %arg10[%dma_start3A_1453, %dma_start3A_1454] : memref<16x1024xf32, #tpu.memory_space<vmem>> -> memref<16x128xf32, #tpu.memory_space<vmem>>
      %dma_start3A_1456 = arith.constant 512 : i32
      %dma_start3A_1457 = tpu.memref_slice %arg4[%add3A_1412, %dma_start3A_1456] : memref<51200x1000xf32, #tpu.memory_space<hbm>> -> memref<16x128xf32, #tpu.memory_space<hbm>>
      %dma_start3A_1458 = arith.constant 512 : i32
      %dma_start3A_1459 = tpu.memref_slice %arg4[%add3A_1412, %dma_start3A_1458] : memref<51200x1000xf32, #tpu.memory_space<hbm>> -> memref<16x128xf32, #tpu.memory_space<hbm>>
      %dma_start3A_1460 = arith.constant 0 : i32
      %dma_start3A_1461 = arith.constant 512 : i32
      %dma_start3A_1462 = tpu.memref_slice %arg10[%dma_start3A_1460, %dma_start3A_1461] : memref<16x1024xf32, #tpu.memory_space<vmem>> -> memref<16x128xf32, #tpu.memory_space<vmem>>
      tpu.enqueue_dma source(%dma_start3A_1462 : memref<16x128xf32, #tpu.memory_space<vmem>>) target(%dma_start3A_1459 : memref<16x128xf32, #tpu.memory_space<hbm>>) target_semaphore(%arg20 : memref<!tpu.dma_semaphore, #tpu.memory_space<semaphore_mem>>)
      %dma_start3A_1463 = arith.constant 0 : i32
      %dma_start3A_1464 = arith.constant 640 : i32
      %dma_start3A_1465 = tpu.memref_slice %arg10[%dma_start3A_1463, %dma_start3A_1464] : memref<16x1024xf32, #tpu.memory_space<vmem>> -> memref<16x128xf32, #tpu.memory_space<vmem>>
      %dma_start3A_1466 = arith.constant 640 : i32
      %dma_start3A_1467 = tpu.memref_slice %arg4[%add3A_1412, %dma_start3A_1466] : memref<51200x1000xf32, #tpu.memory_space<hbm>> -> memref<16x128xf32, #tpu.memory_space<hbm>>
      %dma_start3A_1468 = arith.constant 640 : i32
      %dma_start3A_1469 = tpu.memref_slice %arg4[%add3A_1412, %dma_start3A_1468] : memref<51200x1000xf32, #tpu.memory_space<hbm>> -> memref<16x128xf32, #tpu.memory_space<hbm>>
      %dma_start3A_1470 = arith.constant 0 : i32
      %dma_start3A_1471 = arith.constant 640 : i32
      %dma_start3A_1472 = tpu.memref_slice %arg10[%dma_start3A_1470, %dma_start3A_1471] : memref<16x1024xf32, #tpu.memory_space<vmem>> -> memref<16x128xf32, #tpu.memory_space<vmem>>
      tpu.enqueue_dma source(%dma_start3A_1472 : memref<16x128xf32, #tpu.memory_space<vmem>>) target(%dma_start3A_1469 : memref<16x128xf32, #tpu.memory_space<hbm>>) target_semaphore(%arg20 : memref<!tpu.dma_semaphore, #tpu.memory_space<semaphore_mem>>)
      %dma_start3A_1473 = arith.constant 0 : i32
      %dma_start3A_1474 = arith.constant 768 : i32
      %dma_start3A_1475 = tpu.memref_slice %arg10[%dma_start3A_1473, %dma_start3A_1474] : memref<16x1024xf32, #tpu.memory_space<vmem>> -> memref<16x128xf32, #tpu.memory_space<vmem>>
      %dma_start3A_1476 = arith.constant 768 : i32
      %dma_start3A_1477 = tpu.memref_slice %arg4[%add3A_1412, %dma_start3A_1476] : memref<51200x1000xf32, #tpu.memory_space<hbm>> -> memref<16x128xf32, #tpu.memory_space<hbm>>
      %dma_start3A_1478 = arith.constant 768 : i32
      %dma_start3A_1479 = tpu.memref_slice %arg4[%add3A_1412, %dma_start3A_1478] : memref<51200x1000xf32, #tpu.memory_space<hbm>> -> memref<16x128xf32, #tpu.memory_space<hbm>>
      %dma_start3A_1480 = arith.constant 0 : i32
      %dma_start3A_1481 = arith.constant 768 : i32
      %dma_start3A_1482 = tpu.memref_slice %arg10[%dma_start3A_1480, %dma_start3A_1481] : memref<16x1024xf32, #tpu.memory_space<vmem>> -> memref<16x128xf32, #tpu.memory_space<vmem>>
      tpu.enqueue_dma source(%dma_start3A_1482 : memref<16x128xf32, #tpu.memory_space<vmem>>) target(%dma_start3A_1479 : memref<16x128xf32, #tpu.memory_space<hbm>>) target_semaphore(%arg20 : memref<!tpu.dma_semaphore, #tpu.memory_space<semaphore_mem>>)
      %dma_start3A_1483 = arith.constant 0 : i32
      %dma_start3A_1484 = arith.constant 896 : i32
      %dma_start3A_1485 = tpu.memref_slice %arg10[%dma_start3A_1483, %dma_start3A_1484] : memref<16x1024xf32, #tpu.memory_space<vmem>> -> memref<16x128xf32, #tpu.memory_space<vmem>>
      %dma_start3A_1486 = arith.constant 0 : i32
      %dma_start3A_1487 = tpu.memref_slice %arg5[%add3A_1412, %dma_start3A_1486] : memref<51200x128xf32, #tpu.memory_space<hbm>> -> memref<16x128xf32, #tpu.memory_space<hbm>>
      %dma_start3A_1488 = arith.constant 0 : i32
      %dma_start3A_1489 = tpu.memref_slice %arg5[%add3A_1412, %dma_start3A_1488] : memref<51200x128xf32, #tpu.memory_space<hbm>> -> memref<16x128xf32, #tpu.memory_space<hbm>>
      %dma_start3A_1490 = arith.constant 0 : i32
      %dma_start3A_1491 = arith.constant 896 : i32
      %dma_start3A_1492 = tpu.memref_slice %arg10[%dma_start3A_1490, %dma_start3A_1491] : memref<16x1024xf32, #tpu.memory_space<vmem>> -> memref<16x128xf32, #tpu.memory_space<vmem>>
      tpu.enqueue_dma source(%dma_start3A_1492 : memref<16x128xf32, #tpu.memory_space<vmem>>) target(%dma_start3A_1489 : memref<16x128xf32, #tpu.memory_space<hbm>>) target_semaphore(%arg20 : memref<!tpu.dma_semaphore, #tpu.memory_space<semaphore_mem>>)
      %dma_wait3A_1493 = arith.constant 0 : i32
      %dma_wait3A_1494 = arith.constant 0 : i32
      %dma_wait3A_1495 = tpu.memref_slice %arg10[%dma_wait3A_1493, %dma_wait3A_1494] : memref<16x1024xf32, #tpu.memory_space<vmem>> -> memref<16x128xf32, #tpu.memory_space<vmem>>
      %dma_wait3A_1496 = arith.constant 0 : i32
      %dma_wait3A_1497 = tpu.memref_slice %arg4[%add3A_1412, %dma_wait3A_1496] : memref<51200x1000xf32, #tpu.memory_space<hbm>> -> memref<16x128xf32, #tpu.memory_space<hbm>>
      %dma_wait3A_1498 = arith.constant 0 : i32
      %dma_wait3A_1499 = tpu.memref_slice %arg4[%add3A_1412, %dma_wait3A_1498] : memref<51200x1000xf32, #tpu.memory_space<hbm>> -> memref<16x128xf32, #tpu.memory_space<hbm>>
      %dma_wait3A_1500 = arith.constant 0 : i32
      %dma_wait3A_1501 = arith.constant 0 : i32
      %dma_wait3A_1502 = tpu.memref_slice %arg10[%dma_wait3A_1500, %dma_wait3A_1501] : memref<16x1024xf32, #tpu.memory_space<vmem>> -> memref<16x128xf32, #tpu.memory_space<vmem>>
      tpu.wait_dma2 semaphore(%arg20 : memref<!tpu.dma_semaphore, #tpu.memory_space<semaphore_mem>>) src(%dma_wait3A_1502 : memref<16x128xf32, #tpu.memory_space<vmem>>) dst(%dma_wait3A_1499 : memref<16x128xf32, #tpu.memory_space<hbm>>)
      %dma_wait3A_1503 = arith.constant 0 : i32
      %dma_wait3A_1504 = arith.constant 128 : i32
      %dma_wait3A_1505 = tpu.memref_slice %arg10[%dma_wait3A_1503, %dma_wait3A_1504] : memref<16x1024xf32, #tpu.memory_space<vmem>> -> memref<16x128xf32, #tpu.memory_space<vmem>>
      %dma_wait3A_1506 = arith.constant 128 : i32
      %dma_wait3A_1507 = tpu.memref_slice %arg4[%add3A_1412, %dma_wait3A_1506] : memref<51200x1000xf32, #tpu.memory_space<hbm>> -> memref<16x128xf32, #tpu.memory_space<hbm>>
      %dma_wait3A_1508 = arith.constant 128 : i32
      %dma_wait3A_1509 = tpu.memref_slice %arg4[%add3A_1412, %dma_wait3A_1508] : memref<51200x1000xf32, #tpu.memory_space<hbm>> -> memref<16x128xf32, #tpu.memory_space<hbm>>
      %dma_wait3A_1510 = arith.constant 0 : i32
      %dma_wait3A_1511 = arith.constant 128 : i32
      %dma_wait3A_1512 = tpu.memref_slice %arg10[%dma_wait3A_1510, %dma_wait3A_1511] : memref<16x1024xf32, #tpu.memory_space<vmem>> -> memref<16x128xf32, #tpu.memory_space<vmem>>
      tpu.wait_dma2 semaphore(%arg20 : memref<!tpu.dma_semaphore, #tpu.memory_space<semaphore_mem>>) src(%dma_wait3A_1512 : memref<16x128xf32, #tpu.memory_space<vmem>>) dst(%dma_wait3A_1509 : memref<16x128xf32, #tpu.memory_space<hbm>>)
      %dma_wait3A_1513 = arith.constant 0 : i32
      %dma_wait3A_1514 = arith.constant 256 : i32
      %dma_wait3A_1515 = tpu.memref_slice %arg10[%dma_wait3A_1513, %dma_wait3A_1514] : memref<16x1024xf32, #tpu.memory_space<vmem>> -> memref<16x128xf32, #tpu.memory_space<vmem>>
      %dma_wait3A_1516 = arith.constant 256 : i32
      %dma_wait3A_1517 = tpu.memref_slice %arg4[%add3A_1412, %dma_wait3A_1516] : memref<51200x1000xf32, #tpu.memory_space<hbm>> -> memref<16x128xf32, #tpu.memory_space<hbm>>
      %dma_wait3A_1518 = arith.constant 256 : i32
      %dma_wait3A_1519 = tpu.memref_slice %arg4[%add3A_1412, %dma_wait3A_1518] : memref<51200x1000xf32, #tpu.memory_space<hbm>> -> memref<16x128xf32, #tpu.memory_space<hbm>>
      %dma_wait3A_1520 = arith.constant 0 : i32
      %dma_wait3A_1521 = arith.constant 256 : i32
      %dma_wait3A_1522 = tpu.memref_slice %arg10[%dma_wait3A_1520, %dma_wait3A_1521] : memref<16x1024xf32, #tpu.memory_space<vmem>> -> memref<16x128xf32, #tpu.memory_space<vmem>>
      tpu.wait_dma2 semaphore(%arg20 : memref<!tpu.dma_semaphore, #tpu.memory_space<semaphore_mem>>) src(%dma_wait3A_1522 : memref<16x128xf32, #tpu.memory_space<vmem>>) dst(%dma_wait3A_1519 : memref<16x128xf32, #tpu.memory_space<hbm>>)
      %dma_wait3A_1523 = arith.constant 0 : i32
      %dma_wait3A_1524 = arith.constant 384 : i32
      %dma_wait3A_1525 = tpu.memref_slice %arg10[%dma_wait3A_1523, %dma_wait3A_1524] : memref<16x1024xf32, #tpu.memory_space<vmem>> -> memref<16x128xf32, #tpu.memory_space<vmem>>
      %dma_wait3A_1526 = arith.constant 384 : i32
      %dma_wait3A_1527 = tpu.memref_slice %arg4[%add3A_1412, %dma_wait3A_1526] : memref<51200x1000xf32, #tpu.memory_space<hbm>> -> memref<16x128xf32, #tpu.memory_space<hbm>>
      %dma_wait3A_1528 = arith.constant 384 : i32
      %dma_wait3A_1529 = tpu.memref_slice %arg4[%add3A_1412, %dma_wait3A_1528] : memref<51200x1000xf32, #tpu.memory_space<hbm>> -> memref<16x128xf32, #tpu.memory_space<hbm>>
      %dma_wait3A_1530 = arith.constant 0 : i32
      %dma_wait3A_1531 = arith.constant 384 : i32
      %dma_wait3A_1532 = tpu.memref_slice %arg10[%dma_wait3A_1530, %dma_wait3A_1531] : memref<16x1024xf32, #tpu.memory_space<vmem>> -> memref<16x128xf32, #tpu.memory_space<vmem>>
      tpu.wait_dma2 semaphore(%arg20 : memref<!tpu.dma_semaphore, #tpu.memory_space<semaphore_mem>>) src(%dma_wait3A_1532 : memref<16x128xf32, #tpu.memory_space<vmem>>) dst(%dma_wait3A_1529 : memref<16x128xf32, #tpu.memory_space<hbm>>)
      %dma_wait3A_1533 = arith.constant 0 : i32
      %dma_wait3A_1534 = arith.constant 512 : i32
      %dma_wait3A_1535 = tpu.memref_slice %arg10[%dma_wait3A_1533, %dma_wait3A_1534] : memref<16x1024xf32, #tpu.memory_space<vmem>> -> memref<16x128xf32, #tpu.memory_space<vmem>>
      %dma_wait3A_1536 = arith.constant 512 : i32
      %dma_wait3A_1537 = tpu.memref_slice %arg4[%add3A_1412, %dma_wait3A_1536] : memref<51200x1000xf32, #tpu.memory_space<hbm>> -> memref<16x128xf32, #tpu.memory_space<hbm>>
      %dma_wait3A_1538 = arith.constant 512 : i32
      %dma_wait3A_1539 = tpu.memref_slice %arg4[%add3A_1412, %dma_wait3A_1538] : memref<51200x1000xf32, #tpu.memory_space<hbm>> -> memref<16x128xf32, #tpu.memory_space<hbm>>
      %dma_wait3A_1540 = arith.constant 0 : i32
      %dma_wait3A_1541 = arith.constant 512 : i32
      %dma_wait3A_1542 = tpu.memref_slice %arg10[%dma_wait3A_1540, %dma_wait3A_1541] : memref<16x1024xf32, #tpu.memory_space<vmem>> -> memref<16x128xf32, #tpu.memory_space<vmem>>
      tpu.wait_dma2 semaphore(%arg20 : memref<!tpu.dma_semaphore, #tpu.memory_space<semaphore_mem>>) src(%dma_wait3A_1542 : memref<16x128xf32, #tpu.memory_space<vmem>>) dst(%dma_wait3A_1539 : memref<16x128xf32, #tpu.memory_space<hbm>>)
      %dma_wait3A_1543 = arith.constant 0 : i32
      %dma_wait3A_1544 = arith.constant 640 : i32
      %dma_wait3A_1545 = tpu.memref_slice %arg10[%dma_wait3A_1543, %dma_wait3A_1544] : memref<16x1024xf32, #tpu.memory_space<vmem>> -> memref<16x128xf32, #tpu.memory_space<vmem>>
      %dma_wait3A_1546 = arith.constant 640 : i32
      %dma_wait3A_1547 = tpu.memref_slice %arg4[%add3A_1412, %dma_wait3A_1546] : memref<51200x1000xf32, #tpu.memory_space<hbm>> -> memref<16x128xf32, #tpu.memory_space<hbm>>
      %dma_wait3A_1548 = arith.constant 640 : i32
      %dma_wait3A_1549 = tpu.memref_slice %arg4[%add3A_1412, %dma_wait3A_1548] : memref<51200x1000xf32, #tpu.memory_space<hbm>> -> memref<16x128xf32, #tpu.memory_space<hbm>>
      %dma_wait3A_1550 = arith.constant 0 : i32
      %dma_wait3A_1551 = arith.constant 640 : i32
      %dma_wait3A_1552 = tpu.memref_slice %arg10[%dma_wait3A_1550, %dma_wait3A_1551] : memref<16x1024xf32, #tpu.memory_space<vmem>> -> memref<16x128xf32, #tpu.memory_space<vmem>>
      tpu.wait_dma2 semaphore(%arg20 : memref<!tpu.dma_semaphore, #tpu.memory_space<semaphore_mem>>) src(%dma_wait3A_1552 : memref<16x128xf32, #tpu.memory_space<vmem>>) dst(%dma_wait3A_1549 : memref<16x128xf32, #tpu.memory_space<hbm>>)
      %dma_wait3A_1553 = arith.constant 0 : i32
      %dma_wait3A_1554 = arith.constant 768 : i32
      %dma_wait3A_1555 = tpu.memref_slice %arg10[%dma_wait3A_1553, %dma_wait3A_1554] : memref<16x1024xf32, #tpu.memory_space<vmem>> -> memref<16x128xf32, #tpu.memory_space<vmem>>
      %dma_wait3A_1556 = arith.constant 768 : i32
      %dma_wait3A_1557 = tpu.memref_slice %arg4[%add3A_1412, %dma_wait3A_1556] : memref<51200x1000xf32, #tpu.memory_space<hbm>> -> memref<16x128xf32, #tpu.memory_space<hbm>>
      %dma_wait3A_1558 = arith.constant 768 : i32
      %dma_wait3A_1559 = tpu.memref_slice %arg4[%add3A_1412, %dma_wait3A_1558] : memref<51200x1000xf32, #tpu.memory_space<hbm>> -> memref<16x128xf32, #tpu.memory_space<hbm>>
      %dma_wait3A_1560 = arith.constant 0 : i32
      %dma_wait3A_1561 = arith.constant 768 : i32
      %dma_wait3A_1562 = tpu.memref_slice %arg10[%dma_wait3A_1560, %dma_wait3A_1561] : memref<16x1024xf32, #tpu.memory_space<vmem>> -> memref<16x128xf32, #tpu.memory_space<vmem>>
      tpu.wait_dma2 semaphore(%arg20 : memref<!tpu.dma_semaphore, #tpu.memory_space<semaphore_mem>>) src(%dma_wait3A_1562 : memref<16x128xf32, #tpu.memory_space<vmem>>) dst(%dma_wait3A_1559 : memref<16x128xf32, #tpu.memory_space<hbm>>)
      %dma_wait3A_1563 = arith.constant 0 : i32
      %dma_wait3A_1564 = arith.constant 896 : i32
      %dma_wait3A_1565 = tpu.memref_slice %arg10[%dma_wait3A_1563, %dma_wait3A_1564] : memref<16x1024xf32, #tpu.memory_space<vmem>> -> memref<16x128xf32, #tpu.memory_space<vmem>>
      %dma_wait3A_1566 = arith.constant 0 : i32
      %dma_wait3A_1567 = tpu.memref_slice %arg5[%add3A_1412, %dma_wait3A_1566] : memref<51200x128xf32, #tpu.memory_space<hbm>> -> memref<16x128xf32, #tpu.memory_space<hbm>>
      %dma_wait3A_1568 = arith.constant 0 : i32
      %dma_wait3A_1569 = tpu.memref_slice %arg5[%add3A_1412, %dma_wait3A_1568] : memref<51200x128xf32, #tpu.memory_space<hbm>> -> memref<16x128xf32, #tpu.memory_space<hbm>>
      %dma_wait3A_1570 = arith.constant 0 : i32
      %dma_wait3A_1571 = arith.constant 896 : i32
      %dma_wait3A_1572 = tpu.memref_slice %arg10[%dma_wait3A_1570, %dma_wait3A_1571] : memref<16x1024xf32, #tpu.memory_space<vmem>> -> memref<16x128xf32, #tpu.memory_space<vmem>>
      tpu.wait_dma2 semaphore(%arg20 : memref<!tpu.dma_semaphore, #tpu.memory_space<semaphore_mem>>) src(%dma_wait3A_1572 : memref<16x128xf32, #tpu.memory_space<vmem>>) dst(%dma_wait3A_1569 : memref<16x128xf32, #tpu.memory_space<hbm>>)
      %add3A_1573 = arith.constant 5 : i32
      %add3A_1574 = arith.addi %add3A_1404, %add3A_1573 : i32
      %mul3A_1575 = arith.constant 16 : i32
      %mul3A_1576 = arith.muli %add3A_1574, %mul3A_1575 : i32
      %dma_start3A_1577 = tpu.memref_slice %arg6[%mul3A_1576] : memref<1600xi32, #tpu.memory_space<vmem>> -> memref<16xi32, #tpu.memory_space<vmem>>
      %dma_start3A_1578 = arith.constant 0 : i32
      %dma_start3A_1579 = arith.constant 0 : i32
      %dma_start3A_1580 = tpu.memref_slice %arg2[%dma_start3A_1578, %dma_start3A_1579] : memref<1000x1024xf32, #tpu.memory_space<hbm>> -> memref<1000x1024xf32, #tpu.memory_space<hbm>>
      tpu.enqueue_indirect_dma source(%dma_start3A_1580 : memref<1000x1024xf32, #tpu.memory_space<hbm>>) target(%arg10 : memref<16x1024xf32, #tpu.memory_space<vmem>>) offsets(%dma_start3A_1577 : memref<16xi32, #tpu.memory_space<vmem>>) semaphore(%arg15 : memref<!tpu.dma_semaphore, #tpu.memory_space<semaphore_mem>>)
      %add3A_1581 = arith.constant 4 : i32
      %add3A_1582 = arith.addi %mul3A_868, %add3A_1581 : i32
      %dma_wait3A_1583 = arith.constant 0 : i32
      %dma_wait3A_1584 = tpu.memref_slice %arg6[%dma_wait3A_1583] : memref<1600xi32, #tpu.memory_space<vmem>> -> memref<16xi32, #tpu.memory_space<vmem>>
      %dma_wait3A_1585 = arith.constant 0 : i32
      %dma_wait3A_1586 = arith.constant 0 : i32
      %dma_wait3A_1587 = tpu.memref_slice %arg2[%dma_wait3A_1585, %dma_wait3A_1586] : memref<1000x1024xf32, #tpu.memory_space<hbm>> -> memref<1000x1024xf32, #tpu.memory_space<hbm>>
      tpu.wait_indirect_dma semaphore(%arg16 : memref<!tpu.dma_semaphore, #tpu.memory_space<semaphore_mem>>) src(%dma_wait3A_1587 : memref<1000x1024xf32, #tpu.memory_space<hbm>>) dst(%arg11 : memref<16x1024xf32, #tpu.memory_space<vmem>>)
      %mul3A_1588 = arith.constant 16 : i32
      %mul3A_1589 = arith.muli %add3A_1582, %mul3A_1588 : i32
      %add3A_1590 = arith.addi %mul3A_2, %mul3A_1589 : i32
      %dma_start3A_1591 = arith.constant 0 : i32
      %dma_start3A_1592 = arith.constant 0 : i32
      %dma_start3A_1593 = tpu.memref_slice %arg11[%dma_start3A_1591, %dma_start3A_1592] : memref<16x1024xf32, #tpu.memory_space<vmem>> -> memref<16x128xf32, #tpu.memory_space<vmem>>
      %dma_start3A_1594 = arith.constant 0 : i32
      %dma_start3A_1595 = tpu.memref_slice %arg4[%add3A_1590, %dma_start3A_1594] : memref<51200x1000xf32, #tpu.memory_space<hbm>> -> memref<16x128xf32, #tpu.memory_space<hbm>>
      %dma_start3A_1596 = arith.constant 0 : i32
      %dma_start3A_1597 = tpu.memref_slice %arg4[%add3A_1590, %dma_start3A_1596] : memref<51200x1000xf32, #tpu.memory_space<hbm>> -> memref<16x128xf32, #tpu.memory_space<hbm>>
      %dma_start3A_1598 = arith.constant 0 : i32
      %dma_start3A_1599 = arith.constant 0 : i32
      %dma_start3A_1600 = tpu.memref_slice %arg11[%dma_start3A_1598, %dma_start3A_1599] : memref<16x1024xf32, #tpu.memory_space<vmem>> -> memref<16x128xf32, #tpu.memory_space<vmem>>
      tpu.enqueue_dma source(%dma_start3A_1600 : memref<16x128xf32, #tpu.memory_space<vmem>>) target(%dma_start3A_1597 : memref<16x128xf32, #tpu.memory_space<hbm>>) target_semaphore(%arg21 : memref<!tpu.dma_semaphore, #tpu.memory_space<semaphore_mem>>)
      %dma_start3A_1601 = arith.constant 0 : i32
      %dma_start3A_1602 = arith.constant 128 : i32
      %dma_start3A_1603 = tpu.memref_slice %arg11[%dma_start3A_1601, %dma_start3A_1602] : memref<16x1024xf32, #tpu.memory_space<vmem>> -> memref<16x128xf32, #tpu.memory_space<vmem>>
      %dma_start3A_1604 = arith.constant 128 : i32
      %dma_start3A_1605 = tpu.memref_slice %arg4[%add3A_1590, %dma_start3A_1604] : memref<51200x1000xf32, #tpu.memory_space<hbm>> -> memref<16x128xf32, #tpu.memory_space<hbm>>
      %dma_start3A_1606 = arith.constant 128 : i32
      %dma_start3A_1607 = tpu.memref_slice %arg4[%add3A_1590, %dma_start3A_1606] : memref<51200x1000xf32, #tpu.memory_space<hbm>> -> memref<16x128xf32, #tpu.memory_space<hbm>>
      %dma_start3A_1608 = arith.constant 0 : i32
      %dma_start3A_1609 = arith.constant 128 : i32
      %dma_start3A_1610 = tpu.memref_slice %arg11[%dma_start3A_1608, %dma_start3A_1609] : memref<16x1024xf32, #tpu.memory_space<vmem>> -> memref<16x128xf32, #tpu.memory_space<vmem>>
      tpu.enqueue_dma source(%dma_start3A_1610 : memref<16x128xf32, #tpu.memory_space<vmem>>) target(%dma_start3A_1607 : memref<16x128xf32, #tpu.memory_space<hbm>>) target_semaphore(%arg21 : memref<!tpu.dma_semaphore, #tpu.memory_space<semaphore_mem>>)
      %dma_start3A_1611 = arith.constant 0 : i32
      %dma_start3A_1612 = arith.constant 256 : i32
      %dma_start3A_1613 = tpu.memref_slice %arg11[%dma_start3A_1611, %dma_start3A_1612] : memref<16x1024xf32, #tpu.memory_space<vmem>> -> memref<16x128xf32, #tpu.memory_space<vmem>>
      %dma_start3A_1614 = arith.constant 256 : i32
      %dma_start3A_1615 = tpu.memref_slice %arg4[%add3A_1590, %dma_start3A_1614] : memref<51200x1000xf32, #tpu.memory_space<hbm>> -> memref<16x128xf32, #tpu.memory_space<hbm>>
      %dma_start3A_1616 = arith.constant 256 : i32
      %dma_start3A_1617 = tpu.memref_slice %arg4[%add3A_1590, %dma_start3A_1616] : memref<51200x1000xf32, #tpu.memory_space<hbm>> -> memref<16x128xf32, #tpu.memory_space<hbm>>
      %dma_start3A_1618 = arith.constant 0 : i32
      %dma_start3A_1619 = arith.constant 256 : i32
      %dma_start3A_1620 = tpu.memref_slice %arg11[%dma_start3A_1618, %dma_start3A_1619] : memref<16x1024xf32, #tpu.memory_space<vmem>> -> memref<16x128xf32, #tpu.memory_space<vmem>>
      tpu.enqueue_dma source(%dma_start3A_1620 : memref<16x128xf32, #tpu.memory_space<vmem>>) target(%dma_start3A_1617 : memref<16x128xf32, #tpu.memory_space<hbm>>) target_semaphore(%arg21 : memref<!tpu.dma_semaphore, #tpu.memory_space<semaphore_mem>>)
      %dma_start3A_1621 = arith.constant 0 : i32
      %dma_start3A_1622 = arith.constant 384 : i32
      %dma_start3A_1623 = tpu.memref_slice %arg11[%dma_start3A_1621, %dma_start3A_1622] : memref<16x1024xf32, #tpu.memory_space<vmem>> -> memref<16x128xf32, #tpu.memory_space<vmem>>
      %dma_start3A_1624 = arith.constant 384 : i32
      %dma_start3A_1625 = tpu.memref_slice %arg4[%add3A_1590, %dma_start3A_1624] : memref<51200x1000xf32, #tpu.memory_space<hbm>> -> memref<16x128xf32, #tpu.memory_space<hbm>>
      %dma_start3A_1626 = arith.constant 384 : i32
      %dma_start3A_1627 = tpu.memref_slice %arg4[%add3A_1590, %dma_start3A_1626] : memref<51200x1000xf32, #tpu.memory_space<hbm>> -> memref<16x128xf32, #tpu.memory_space<hbm>>
      %dma_start3A_1628 = arith.constant 0 : i32
      %dma_start3A_1629 = arith.constant 384 : i32
      %dma_start3A_1630 = tpu.memref_slice %arg11[%dma_start3A_1628, %dma_start3A_1629] : memref<16x1024xf32, #tpu.memory_space<vmem>> -> memref<16x128xf32, #tpu.memory_space<vmem>>
      tpu.enqueue_dma source(%dma_start3A_1630 : memref<16x128xf32, #tpu.memory_space<vmem>>) target(%dma_start3A_1627 : memref<16x128xf32, #tpu.memory_space<hbm>>) target_semaphore(%arg21 : memref<!tpu.dma_semaphore, #tpu.memory_space<semaphore_mem>>)
      %dma_start3A_1631 = arith.constant 0 : i32
      %dma_start3A_1632 = arith.constant 512 : i32
      %dma_start3A_1633 = tpu.memref_slice %arg11[%dma_start3A_1631, %dma_start3A_1632] : memref<16x1024xf32, #tpu.memory_space<vmem>> -> memref<16x128xf32, #tpu.memory_space<vmem>>
      %dma_start3A_1634 = arith.constant 512 : i32
      %dma_start3A_1635 = tpu.memref_slice %arg4[%add3A_1590, %dma_start3A_1634] : memref<51200x1000xf32, #tpu.memory_space<hbm>> -> memref<16x128xf32, #tpu.memory_space<hbm>>
      %dma_start3A_1636 = arith.constant 512 : i32
      %dma_start3A_1637 = tpu.memref_slice %arg4[%add3A_1590, %dma_start3A_1636] : memref<51200x1000xf32, #tpu.memory_space<hbm>> -> memref<16x128xf32, #tpu.memory_space<hbm>>
      %dma_start3A_1638 = arith.constant 0 : i32
      %dma_start3A_1639 = arith.constant 512 : i32
      %dma_start3A_1640 = tpu.memref_slice %arg11[%dma_start3A_1638, %dma_start3A_1639] : memref<16x1024xf32, #tpu.memory_space<vmem>> -> memref<16x128xf32, #tpu.memory_space<vmem>>
      tpu.enqueue_dma source(%dma_start3A_1640 : memref<16x128xf32, #tpu.memory_space<vmem>>) target(%dma_start3A_1637 : memref<16x128xf32, #tpu.memory_space<hbm>>) target_semaphore(%arg21 : memref<!tpu.dma_semaphore, #tpu.memory_space<semaphore_mem>>)
      %dma_start3A_1641 = arith.constant 0 : i32
      %dma_start3A_1642 = arith.constant 640 : i32
      %dma_start3A_1643 = tpu.memref_slice %arg11[%dma_start3A_1641, %dma_start3A_1642] : memref<16x1024xf32, #tpu.memory_space<vmem>> -> memref<16x128xf32, #tpu.memory_space<vmem>>
      %dma_start3A_1644 = arith.constant 640 : i32
      %dma_start3A_1645 = tpu.memref_slice %arg4[%add3A_1590, %dma_start3A_1644] : memref<51200x1000xf32, #tpu.memory_space<hbm>> -> memref<16x128xf32, #tpu.memory_space<hbm>>
      %dma_start3A_1646 = arith.constant 640 : i32
      %dma_start3A_1647 = tpu.memref_slice %arg4[%add3A_1590, %dma_start3A_1646] : memref<51200x1000xf32, #tpu.memory_space<hbm>> -> memref<16x128xf32, #tpu.memory_space<hbm>>
      %dma_start3A_1648 = arith.constant 0 : i32
      %dma_start3A_1649 = arith.constant 640 : i32
      %dma_start3A_1650 = tpu.memref_slice %arg11[%dma_start3A_1648, %dma_start3A_1649] : memref<16x1024xf32, #tpu.memory_space<vmem>> -> memref<16x128xf32, #tpu.memory_space<vmem>>
      tpu.enqueue_dma source(%dma_start3A_1650 : memref<16x128xf32, #tpu.memory_space<vmem>>) target(%dma_start3A_1647 : memref<16x128xf32, #tpu.memory_space<hbm>>) target_semaphore(%arg21 : memref<!tpu.dma_semaphore, #tpu.memory_space<semaphore_mem>>)
      %dma_start3A_1651 = arith.constant 0 : i32
      %dma_start3A_1652 = arith.constant 768 : i32
      %dma_start3A_1653 = tpu.memref_slice %arg11[%dma_start3A_1651, %dma_start3A_1652] : memref<16x1024xf32, #tpu.memory_space<vmem>> -> memref<16x128xf32, #tpu.memory_space<vmem>>
      %dma_start3A_1654 = arith.constant 768 : i32
      %dma_start3A_1655 = tpu.memref_slice %arg4[%add3A_1590, %dma_start3A_1654] : memref<51200x1000xf32, #tpu.memory_space<hbm>> -> memref<16x128xf32, #tpu.memory_space<hbm>>
      %dma_start3A_1656 = arith.constant 768 : i32
      %dma_start3A_1657 = tpu.memref_slice %arg4[%add3A_1590, %dma_start3A_1656] : memref<51200x1000xf32, #tpu.memory_space<hbm>> -> memref<16x128xf32, #tpu.memory_space<hbm>>
      %dma_start3A_1658 = arith.constant 0 : i32
      %dma_start3A_1659 = arith.constant 768 : i32
      %dma_start3A_1660 = tpu.memref_slice %arg11[%dma_start3A_1658, %dma_start3A_1659] : memref<16x1024xf32, #tpu.memory_space<vmem>> -> memref<16x128xf32, #tpu.memory_space<vmem>>
      tpu.enqueue_dma source(%dma_start3A_1660 : memref<16x128xf32, #tpu.memory_space<vmem>>) target(%dma_start3A_1657 : memref<16x128xf32, #tpu.memory_space<hbm>>) target_semaphore(%arg21 : memref<!tpu.dma_semaphore, #tpu.memory_space<semaphore_mem>>)
      %dma_start3A_1661 = arith.constant 0 : i32
      %dma_start3A_1662 = arith.constant 896 : i32
      %dma_start3A_1663 = tpu.memref_slice %arg11[%dma_start3A_1661, %dma_start3A_1662] : memref<16x1024xf32, #tpu.memory_space<vmem>> -> memref<16x128xf32, #tpu.memory_space<vmem>>
      %dma_start3A_1664 = arith.constant 0 : i32
      %dma_start3A_1665 = tpu.memref_slice %arg5[%add3A_1590, %dma_start3A_1664] : memref<51200x128xf32, #tpu.memory_space<hbm>> -> memref<16x128xf32, #tpu.memory_space<hbm>>
      %dma_start3A_1666 = arith.constant 0 : i32
      %dma_start3A_1667 = tpu.memref_slice %arg5[%add3A_1590, %dma_start3A_1666] : memref<51200x128xf32, #tpu.memory_space<hbm>> -> memref<16x128xf32, #tpu.memory_space<hbm>>
      %dma_start3A_1668 = arith.constant 0 : i32
      %dma_start3A_1669 = arith.constant 896 : i32
      %dma_start3A_1670 = tpu.memref_slice %arg11[%dma_start3A_1668, %dma_start3A_1669] : memref<16x1024xf32, #tpu.memory_space<vmem>> -> memref<16x128xf32, #tpu.memory_space<vmem>>
      tpu.enqueue_dma source(%dma_start3A_1670 : memref<16x128xf32, #tpu.memory_space<vmem>>) target(%dma_start3A_1667 : memref<16x128xf32, #tpu.memory_space<hbm>>) target_semaphore(%arg21 : memref<!tpu.dma_semaphore, #tpu.memory_space<semaphore_mem>>)
      %dma_wait3A_1671 = arith.constant 0 : i32
      %dma_wait3A_1672 = arith.constant 0 : i32
      %dma_wait3A_1673 = tpu.memref_slice %arg11[%dma_wait3A_1671, %dma_wait3A_1672] : memref<16x1024xf32, #tpu.memory_space<vmem>> -> memref<16x128xf32, #tpu.memory_space<vmem>>
      %dma_wait3A_1674 = arith.constant 0 : i32
      %dma_wait3A_1675 = tpu.memref_slice %arg4[%add3A_1590, %dma_wait3A_1674] : memref<51200x1000xf32, #tpu.memory_space<hbm>> -> memref<16x128xf32, #tpu.memory_space<hbm>>
      %dma_wait3A_1676 = arith.constant 0 : i32
      %dma_wait3A_1677 = tpu.memref_slice %arg4[%add3A_1590, %dma_wait3A_1676] : memref<51200x1000xf32, #tpu.memory_space<hbm>> -> memref<16x128xf32, #tpu.memory_space<hbm>>
      %dma_wait3A_1678 = arith.constant 0 : i32
      %dma_wait3A_1679 = arith.constant 0 : i32
      %dma_wait3A_1680 = tpu.memref_slice %arg11[%dma_wait3A_1678, %dma_wait3A_1679] : memref<16x1024xf32, #tpu.memory_space<vmem>> -> memref<16x128xf32, #tpu.memory_space<vmem>>
      tpu.wait_dma2 semaphore(%arg21 : memref<!tpu.dma_semaphore, #tpu.memory_space<semaphore_mem>>) src(%dma_wait3A_1680 : memref<16x128xf32, #tpu.memory_space<vmem>>) dst(%dma_wait3A_1677 : memref<16x128xf32, #tpu.memory_space<hbm>>)
      %dma_wait3A_1681 = arith.constant 0 : i32
      %dma_wait3A_1682 = arith.constant 128 : i32
      %dma_wait3A_1683 = tpu.memref_slice %arg11[%dma_wait3A_1681, %dma_wait3A_1682] : memref<16x1024xf32, #tpu.memory_space<vmem>> -> memref<16x128xf32, #tpu.memory_space<vmem>>
      %dma_wait3A_1684 = arith.constant 128 : i32
      %dma_wait3A_1685 = tpu.memref_slice %arg4[%add3A_1590, %dma_wait3A_1684] : memref<51200x1000xf32, #tpu.memory_space<hbm>> -> memref<16x128xf32, #tpu.memory_space<hbm>>
      %dma_wait3A_1686 = arith.constant 128 : i32
      %dma_wait3A_1687 = tpu.memref_slice %arg4[%add3A_1590, %dma_wait3A_1686] : memref<51200x1000xf32, #tpu.memory_space<hbm>> -> memref<16x128xf32, #tpu.memory_space<hbm>>
      %dma_wait3A_1688 = arith.constant 0 : i32
      %dma_wait3A_1689 = arith.constant 128 : i32
      %dma_wait3A_1690 = tpu.memref_slice %arg11[%dma_wait3A_1688, %dma_wait3A_1689] : memref<16x1024xf32, #tpu.memory_space<vmem>> -> memref<16x128xf32, #tpu.memory_space<vmem>>
      tpu.wait_dma2 semaphore(%arg21 : memref<!tpu.dma_semaphore, #tpu.memory_space<semaphore_mem>>) src(%dma_wait3A_1690 : memref<16x128xf32, #tpu.memory_space<vmem>>) dst(%dma_wait3A_1687 : memref<16x128xf32, #tpu.memory_space<hbm>>)
      %dma_wait3A_1691 = arith.constant 0 : i32
      %dma_wait3A_1692 = arith.constant 256 : i32
      %dma_wait3A_1693 = tpu.memref_slice %arg11[%dma_wait3A_1691, %dma_wait3A_1692] : memref<16x1024xf32, #tpu.memory_space<vmem>> -> memref<16x128xf32, #tpu.memory_space<vmem>>
      %dma_wait3A_1694 = arith.constant 256 : i32
      %dma_wait3A_1695 = tpu.memref_slice %arg4[%add3A_1590, %dma_wait3A_1694] : memref<51200x1000xf32, #tpu.memory_space<hbm>> -> memref<16x128xf32, #tpu.memory_space<hbm>>
      %dma_wait3A_1696 = arith.constant 256 : i32
      %dma_wait3A_1697 = tpu.memref_slice %arg4[%add3A_1590, %dma_wait3A_1696] : memref<51200x1000xf32, #tpu.memory_space<hbm>> -> memref<16x128xf32, #tpu.memory_space<hbm>>
      %dma_wait3A_1698 = arith.constant 0 : i32
      %dma_wait3A_1699 = arith.constant 256 : i32
      %dma_wait3A_1700 = tpu.memref_slice %arg11[%dma_wait3A_1698, %dma_wait3A_1699] : memref<16x1024xf32, #tpu.memory_space<vmem>> -> memref<16x128xf32, #tpu.memory_space<vmem>>
      tpu.wait_dma2 semaphore(%arg21 : memref<!tpu.dma_semaphore, #tpu.memory_space<semaphore_mem>>) src(%dma_wait3A_1700 : memref<16x128xf32, #tpu.memory_space<vmem>>) dst(%dma_wait3A_1697 : memref<16x128xf32, #tpu.memory_space<hbm>>)
      %dma_wait3A_1701 = arith.constant 0 : i32
      %dma_wait3A_1702 = arith.constant 384 : i32
      %dma_wait3A_1703 = tpu.memref_slice %arg11[%dma_wait3A_1701, %dma_wait3A_1702] : memref<16x1024xf32, #tpu.memory_space<vmem>> -> memref<16x128xf32, #tpu.memory_space<vmem>>
      %dma_wait3A_1704 = arith.constant 384 : i32
      %dma_wait3A_1705 = tpu.memref_slice %arg4[%add3A_1590, %dma_wait3A_1704] : memref<51200x1000xf32, #tpu.memory_space<hbm>> -> memref<16x128xf32, #tpu.memory_space<hbm>>
      %dma_wait3A_1706 = arith.constant 384 : i32
      %dma_wait3A_1707 = tpu.memref_slice %arg4[%add3A_1590, %dma_wait3A_1706] : memref<51200x1000xf32, #tpu.memory_space<hbm>> -> memref<16x128xf32, #tpu.memory_space<hbm>>
      %dma_wait3A_1708 = arith.constant 0 : i32
      %dma_wait3A_1709 = arith.constant 384 : i32
      %dma_wait3A_1710 = tpu.memref_slice %arg11[%dma_wait3A_1708, %dma_wait3A_1709] : memref<16x1024xf32, #tpu.memory_space<vmem>> -> memref<16x128xf32, #tpu.memory_space<vmem>>
      tpu.wait_dma2 semaphore(%arg21 : memref<!tpu.dma_semaphore, #tpu.memory_space<semaphore_mem>>) src(%dma_wait3A_1710 : memref<16x128xf32, #tpu.memory_space<vmem>>) dst(%dma_wait3A_1707 : memref<16x128xf32, #tpu.memory_space<hbm>>)
      %dma_wait3A_1711 = arith.constant 0 : i32
      %dma_wait3A_1712 = arith.constant 512 : i32
      %dma_wait3A_1713 = tpu.memref_slice %arg11[%dma_wait3A_1711, %dma_wait3A_1712] : memref<16x1024xf32, #tpu.memory_space<vmem>> -> memref<16x128xf32, #tpu.memory_space<vmem>>
      %dma_wait3A_1714 = arith.constant 512 : i32
      %dma_wait3A_1715 = tpu.memref_slice %arg4[%add3A_1590, %dma_wait3A_1714] : memref<51200x1000xf32, #tpu.memory_space<hbm>> -> memref<16x128xf32, #tpu.memory_space<hbm>>
      %dma_wait3A_1716 = arith.constant 512 : i32
      %dma_wait3A_1717 = tpu.memref_slice %arg4[%add3A_1590, %dma_wait3A_1716] : memref<51200x1000xf32, #tpu.memory_space<hbm>> -> memref<16x128xf32, #tpu.memory_space<hbm>>
      %dma_wait3A_1718 = arith.constant 0 : i32
      %dma_wait3A_1719 = arith.constant 512 : i32
      %dma_wait3A_1720 = tpu.memref_slice %arg11[%dma_wait3A_1718, %dma_wait3A_1719] : memref<16x1024xf32, #tpu.memory_space<vmem>> -> memref<16x128xf32, #tpu.memory_space<vmem>>
      tpu.wait_dma2 semaphore(%arg21 : memref<!tpu.dma_semaphore, #tpu.memory_space<semaphore_mem>>) src(%dma_wait3A_1720 : memref<16x128xf32, #tpu.memory_space<vmem>>) dst(%dma_wait3A_1717 : memref<16x128xf32, #tpu.memory_space<hbm>>)
      %dma_wait3A_1721 = arith.constant 0 : i32
      %dma_wait3A_1722 = arith.constant 640 : i32
      %dma_wait3A_1723 = tpu.memref_slice %arg11[%dma_wait3A_1721, %dma_wait3A_1722] : memref<16x1024xf32, #tpu.memory_space<vmem>> -> memref<16x128xf32, #tpu.memory_space<vmem>>
      %dma_wait3A_1724 = arith.constant 640 : i32
      %dma_wait3A_1725 = tpu.memref_slice %arg4[%add3A_1590, %dma_wait3A_1724] : memref<51200x1000xf32, #tpu.memory_space<hbm>> -> memref<16x128xf32, #tpu.memory_space<hbm>>
      %dma_wait3A_1726 = arith.constant 640 : i32
      %dma_wait3A_1727 = tpu.memref_slice %arg4[%add3A_1590, %dma_wait3A_1726] : memref<51200x1000xf32, #tpu.memory_space<hbm>> -> memref<16x128xf32, #tpu.memory_space<hbm>>
      %dma_wait3A_1728 = arith.constant 0 : i32
      %dma_wait3A_1729 = arith.constant 640 : i32
      %dma_wait3A_1730 = tpu.memref_slice %arg11[%dma_wait3A_1728, %dma_wait3A_1729] : memref<16x1024xf32, #tpu.memory_space<vmem>> -> memref<16x128xf32, #tpu.memory_space<vmem>>
      tpu.wait_dma2 semaphore(%arg21 : memref<!tpu.dma_semaphore, #tpu.memory_space<semaphore_mem>>) src(%dma_wait3A_1730 : memref<16x128xf32, #tpu.memory_space<vmem>>) dst(%dma_wait3A_1727 : memref<16x128xf32, #tpu.memory_space<hbm>>)
      %dma_wait3A_1731 = arith.constant 0 : i32
      %dma_wait3A_1732 = arith.constant 768 : i32
      %dma_wait3A_1733 = tpu.memref_slice %arg11[%dma_wait3A_1731, %dma_wait3A_1732] : memref<16x1024xf32, #tpu.memory_space<vmem>> -> memref<16x128xf32, #tpu.memory_space<vmem>>
      %dma_wait3A_1734 = arith.constant 768 : i32
      %dma_wait3A_1735 = tpu.memref_slice %arg4[%add3A_1590, %dma_wait3A_1734] : memref<51200x1000xf32, #tpu.memory_space<hbm>> -> memref<16x128xf32, #tpu.memory_space<hbm>>
      %dma_wait3A_1736 = arith.constant 768 : i32
      %dma_wait3A_1737 = tpu.memref_slice %arg4[%add3A_1590, %dma_wait3A_1736] : memref<51200x1000xf32, #tpu.memory_space<hbm>> -> memref<16x128xf32, #tpu.memory_space<hbm>>
      %dma_wait3A_1738 = arith.constant 0 : i32
      %dma_wait3A_1739 = arith.constant 768 : i32
      %dma_wait3A_1740 = tpu.memref_slice %arg11[%dma_wait3A_1738, %dma_wait3A_1739] : memref<16x1024xf32, #tpu.memory_space<vmem>> -> memref<16x128xf32, #tpu.memory_space<vmem>>
      tpu.wait_dma2 semaphore(%arg21 : memref<!tpu.dma_semaphore, #tpu.memory_space<semaphore_mem>>) src(%dma_wait3A_1740 : memref<16x128xf32, #tpu.memory_space<vmem>>) dst(%dma_wait3A_1737 : memref<16x128xf32, #tpu.memory_space<hbm>>)
      %dma_wait3A_1741 = arith.constant 0 : i32
      %dma_wait3A_1742 = arith.constant 896 : i32
      %dma_wait3A_1743 = tpu.memref_slice %arg11[%dma_wait3A_1741, %dma_wait3A_1742] : memref<16x1024xf32, #tpu.memory_space<vmem>> -> memref<16x128xf32, #tpu.memory_space<vmem>>
      %dma_wait3A_1744 = arith.constant 0 : i32
      %dma_wait3A_1745 = tpu.memref_slice %arg5[%add3A_1590, %dma_wait3A_1744] : memref<51200x128xf32, #tpu.memory_space<hbm>> -> memref<16x128xf32, #tpu.memory_space<hbm>>
      %dma_wait3A_1746 = arith.constant 0 : i32
      %dma_wait3A_1747 = tpu.memref_slice %arg5[%add3A_1590, %dma_wait3A_1746] : memref<51200x128xf32, #tpu.memory_space<hbm>> -> memref<16x128xf32, #tpu.memory_space<hbm>>
      %dma_wait3A_1748 = arith.constant 0 : i32
      %dma_wait3A_1749 = arith.constant 896 : i32
      %dma_wait3A_1750 = tpu.memref_slice %arg11[%dma_wait3A_1748, %dma_wait3A_1749] : memref<16x1024xf32, #tpu.memory_space<vmem>> -> memref<16x128xf32, #tpu.memory_space<vmem>>
      tpu.wait_dma2 semaphore(%arg21 : memref<!tpu.dma_semaphore, #tpu.memory_space<semaphore_mem>>) src(%dma_wait3A_1750 : memref<16x128xf32, #tpu.memory_space<vmem>>) dst(%dma_wait3A_1747 : memref<16x128xf32, #tpu.memory_space<hbm>>)
      %add3A_1751 = arith.constant 5 : i32
      %add3A_1752 = arith.addi %add3A_1582, %add3A_1751 : i32
      %mul3A_1753 = arith.constant 16 : i32
      %mul3A_1754 = arith.muli %add3A_1752, %mul3A_1753 : i32
      %dma_start3A_1755 = tpu.memref_slice %arg6[%mul3A_1754] : memref<1600xi32, #tpu.memory_space<vmem>> -> memref<16xi32, #tpu.memory_space<vmem>>
      %dma_start3A_1756 = arith.constant 0 : i32
      %dma_start3A_1757 = arith.constant 0 : i32
      %dma_start3A_1758 = tpu.memref_slice %arg2[%dma_start3A_1756, %dma_start3A_1757] : memref<1000x1024xf32, #tpu.memory_space<hbm>> -> memref<1000x1024xf32, #tpu.memory_space<hbm>>
      tpu.enqueue_indirect_dma source(%dma_start3A_1758 : memref<1000x1024xf32, #tpu.memory_space<hbm>>) target(%arg11 : memref<16x1024xf32, #tpu.memory_space<vmem>>) offsets(%dma_start3A_1755 : memref<16xi32, #tpu.memory_space<vmem>>) semaphore(%arg16 : memref<!tpu.dma_semaphore, #tpu.memory_space<semaphore_mem>>)
    }
    %scan3A_31 = arith.constant 19 : i32
    %dma_wait3A = arith.constant 0 : i32
    %dma_wait3A_32 = tpu.memref_slice %arg6[%dma_wait3A] : memref<1600xi32, #tpu.memory_space<vmem>> -> memref<16xi32, #tpu.memory_space<vmem>>
    %dma_wait3A_33 = arith.constant 0 : i32
    %dma_wait3A_34 = arith.constant 0 : i32
    %dma_wait3A_35 = tpu.memref_slice %arg2[%dma_wait3A_33, %dma_wait3A_34] : memref<1000x1024xf32, #tpu.memory_space<hbm>> -> memref<1000x1024xf32, #tpu.memory_space<hbm>>
    tpu.wait_indirect_dma semaphore(%arg12 : memref<!tpu.dma_semaphore, #tpu.memory_space<semaphore_mem>>) src(%dma_wait3A_35 : memref<1000x1024xf32, #tpu.memory_space<hbm>>) dst(%arg7 : memref<16x1024xf32, #tpu.memory_space<vmem>>)
    %add3A_36 = arith.constant 1520 : i32
    %add3A_37 = arith.addi %mul3A_2, %add3A_36 : i32
    %dma_start3A_38 = arith.constant 0 : i32
    %dma_start3A_39 = arith.constant 0 : i32
    %dma_start3A_40 = tpu.memref_slice %arg7[%dma_start3A_38, %dma_start3A_39] : memref<16x1024xf32, #tpu.memory_space<vmem>> -> memref<16x128xf32, #tpu.memory_space<vmem>>
    %dma_start3A_41 = arith.constant 0 : i32
    %dma_start3A_42 = tpu.memref_slice %arg4[%add3A_37, %dma_start3A_41] : memref<51200x1000xf32, #tpu.memory_space<hbm>> -> memref<16x128xf32, #tpu.memory_space<hbm>>
    %dma_start3A_43 = arith.constant 0 : i32
    %dma_start3A_44 = tpu.memref_slice %arg4[%add3A_37, %dma_start3A_43] : memref<51200x1000xf32, #tpu.memory_space<hbm>> -> memref<16x128xf32, #tpu.memory_space<hbm>>
    %dma_start3A_45 = arith.constant 0 : i32
    %dma_start3A_46 = arith.constant 0 : i32
    %dma_start3A_47 = tpu.memref_slice %arg7[%dma_start3A_45, %dma_start3A_46] : memref<16x1024xf32, #tpu.memory_space<vmem>> -> memref<16x128xf32, #tpu.memory_space<vmem>>
    tpu.enqueue_dma source(%dma_start3A_47 : memref<16x128xf32, #tpu.memory_space<vmem>>) target(%dma_start3A_44 : memref<16x128xf32, #tpu.memory_space<hbm>>) target_semaphore(%arg17 : memref<!tpu.dma_semaphore, #tpu.memory_space<semaphore_mem>>)
    %dma_start3A_48 = arith.constant 0 : i32
    %dma_start3A_49 = arith.constant 128 : i32
    %dma_start3A_50 = tpu.memref_slice %arg7[%dma_start3A_48, %dma_start3A_49] : memref<16x1024xf32, #tpu.memory_space<vmem>> -> memref<16x128xf32, #tpu.memory_space<vmem>>
    %dma_start3A_51 = arith.constant 128 : i32
    %dma_start3A_52 = tpu.memref_slice %arg4[%add3A_37, %dma_start3A_51] : memref<51200x1000xf32, #tpu.memory_space<hbm>> -> memref<16x128xf32, #tpu.memory_space<hbm>>
    %dma_start3A_53 = arith.constant 128 : i32
    %dma_start3A_54 = tpu.memref_slice %arg4[%add3A_37, %dma_start3A_53] : memref<51200x1000xf32, #tpu.memory_space<hbm>> -> memref<16x128xf32, #tpu.memory_space<hbm>>
    %dma_start3A_55 = arith.constant 0 : i32
    %dma_start3A_56 = arith.constant 128 : i32
    %dma_start3A_57 = tpu.memref_slice %arg7[%dma_start3A_55, %dma_start3A_56] : memref<16x1024xf32, #tpu.memory_space<vmem>> -> memref<16x128xf32, #tpu.memory_space<vmem>>
    tpu.enqueue_dma source(%dma_start3A_57 : memref<16x128xf32, #tpu.memory_space<vmem>>) target(%dma_start3A_54 : memref<16x128xf32, #tpu.memory_space<hbm>>) target_semaphore(%arg17 : memref<!tpu.dma_semaphore, #tpu.memory_space<semaphore_mem>>)
    %dma_start3A_58 = arith.constant 0 : i32
    %dma_start3A_59 = arith.constant 256 : i32
    %dma_start3A_60 = tpu.memref_slice %arg7[%dma_start3A_58, %dma_start3A_59] : memref<16x1024xf32, #tpu.memory_space<vmem>> -> memref<16x128xf32, #tpu.memory_space<vmem>>
    %dma_start3A_61 = arith.constant 256 : i32
    %dma_start3A_62 = tpu.memref_slice %arg4[%add3A_37, %dma_start3A_61] : memref<51200x1000xf32, #tpu.memory_space<hbm>> -> memref<16x128xf32, #tpu.memory_space<hbm>>
    %dma_start3A_63 = arith.constant 256 : i32
    %dma_start3A_64 = tpu.memref_slice %arg4[%add3A_37, %dma_start3A_63] : memref<51200x1000xf32, #tpu.memory_space<hbm>> -> memref<16x128xf32, #tpu.memory_space<hbm>>
    %dma_start3A_65 = arith.constant 0 : i32
    %dma_start3A_66 = arith.constant 256 : i32
    %dma_start3A_67 = tpu.memref_slice %arg7[%dma_start3A_65, %dma_start3A_66] : memref<16x1024xf32, #tpu.memory_space<vmem>> -> memref<16x128xf32, #tpu.memory_space<vmem>>
    tpu.enqueue_dma source(%dma_start3A_67 : memref<16x128xf32, #tpu.memory_space<vmem>>) target(%dma_start3A_64 : memref<16x128xf32, #tpu.memory_space<hbm>>) target_semaphore(%arg17 : memref<!tpu.dma_semaphore, #tpu.memory_space<semaphore_mem>>)
    %dma_start3A_68 = arith.constant 0 : i32
    %dma_start3A_69 = arith.constant 384 : i32
    %dma_start3A_70 = tpu.memref_slice %arg7[%dma_start3A_68, %dma_start3A_69] : memref<16x1024xf32, #tpu.memory_space<vmem>> -> memref<16x128xf32, #tpu.memory_space<vmem>>
    %dma_start3A_71 = arith.constant 384 : i32
    %dma_start3A_72 = tpu.memref_slice %arg4[%add3A_37, %dma_start3A_71] : memref<51200x1000xf32, #tpu.memory_space<hbm>> -> memref<16x128xf32, #tpu.memory_space<hbm>>
    %dma_start3A_73 = arith.constant 384 : i32
    %dma_start3A_74 = tpu.memref_slice %arg4[%add3A_37, %dma_start3A_73] : memref<51200x1000xf32, #tpu.memory_space<hbm>> -> memref<16x128xf32, #tpu.memory_space<hbm>>
    %dma_start3A_75 = arith.constant 0 : i32
    %dma_start3A_76 = arith.constant 384 : i32
    %dma_start3A_77 = tpu.memref_slice %arg7[%dma_start3A_75, %dma_start3A_76] : memref<16x1024xf32, #tpu.memory_space<vmem>> -> memref<16x128xf32, #tpu.memory_space<vmem>>
    tpu.enqueue_dma source(%dma_start3A_77 : memref<16x128xf32, #tpu.memory_space<vmem>>) target(%dma_start3A_74 : memref<16x128xf32, #tpu.memory_space<hbm>>) target_semaphore(%arg17 : memref<!tpu.dma_semaphore, #tpu.memory_space<semaphore_mem>>)
    %dma_start3A_78 = arith.constant 0 : i32
    %dma_start3A_79 = arith.constant 512 : i32
    %dma_start3A_80 = tpu.memref_slice %arg7[%dma_start3A_78, %dma_start3A_79] : memref<16x1024xf32, #tpu.memory_space<vmem>> -> memref<16x128xf32, #tpu.memory_space<vmem>>
    %dma_start3A_81 = arith.constant 512 : i32
    %dma_start3A_82 = tpu.memref_slice %arg4[%add3A_37, %dma_start3A_81] : memref<51200x1000xf32, #tpu.memory_space<hbm>> -> memref<16x128xf32, #tpu.memory_space<hbm>>
    %dma_start3A_83 = arith.constant 512 : i32
    %dma_start3A_84 = tpu.memref_slice %arg4[%add3A_37, %dma_start3A_83] : memref<51200x1000xf32, #tpu.memory_space<hbm>> -> memref<16x128xf32, #tpu.memory_space<hbm>>
    %dma_start3A_85 = arith.constant 0 : i32
    %dma_start3A_86 = arith.constant 512 : i32
    %dma_start3A_87 = tpu.memref_slice %arg7[%dma_start3A_85, %dma_start3A_86] : memref<16x1024xf32, #tpu.memory_space<vmem>> -> memref<16x128xf32, #tpu.memory_space<vmem>>
    tpu.enqueue_dma source(%dma_start3A_87 : memref<16x128xf32, #tpu.memory_space<vmem>>) target(%dma_start3A_84 : memref<16x128xf32, #tpu.memory_space<hbm>>) target_semaphore(%arg17 : memref<!tpu.dma_semaphore, #tpu.memory_space<semaphore_mem>>)
    %dma_start3A_88 = arith.constant 0 : i32
    %dma_start3A_89 = arith.constant 640 : i32
    %dma_start3A_90 = tpu.memref_slice %arg7[%dma_start3A_88, %dma_start3A_89] : memref<16x1024xf32, #tpu.memory_space<vmem>> -> memref<16x128xf32, #tpu.memory_space<vmem>>
    %dma_start3A_91 = arith.constant 640 : i32
    %dma_start3A_92 = tpu.memref_slice %arg4[%add3A_37, %dma_start3A_91] : memref<51200x1000xf32, #tpu.memory_space<hbm>> -> memref<16x128xf32, #tpu.memory_space<hbm>>
    %dma_start3A_93 = arith.constant 640 : i32
    %dma_start3A_94 = tpu.memref_slice %arg4[%add3A_37, %dma_start3A_93] : memref<51200x1000xf32, #tpu.memory_space<hbm>> -> memref<16x128xf32, #tpu.memory_space<hbm>>
    %dma_start3A_95 = arith.constant 0 : i32
    %dma_start3A_96 = arith.constant 640 : i32
    %dma_start3A_97 = tpu.memref_slice %arg7[%dma_start3A_95, %dma_start3A_96] : memref<16x1024xf32, #tpu.memory_space<vmem>> -> memref<16x128xf32, #tpu.memory_space<vmem>>
    tpu.enqueue_dma source(%dma_start3A_97 : memref<16x128xf32, #tpu.memory_space<vmem>>) target(%dma_start3A_94 : memref<16x128xf32, #tpu.memory_space<hbm>>) target_semaphore(%arg17 : memref<!tpu.dma_semaphore, #tpu.memory_space<semaphore_mem>>)
    %dma_start3A_98 = arith.constant 0 : i32
    %dma_start3A_99 = arith.constant 768 : i32
    %dma_start3A_100 = tpu.memref_slice %arg7[%dma_start3A_98, %dma_start3A_99] : memref<16x1024xf32, #tpu.memory_space<vmem>> -> memref<16x128xf32, #tpu.memory_space<vmem>>
    %dma_start3A_101 = arith.constant 768 : i32
    %dma_start3A_102 = tpu.memref_slice %arg4[%add3A_37, %dma_start3A_101] : memref<51200x1000xf32, #tpu.memory_space<hbm>> -> memref<16x128xf32, #tpu.memory_space<hbm>>
    %dma_start3A_103 = arith.constant 768 : i32
    %dma_start3A_104 = tpu.memref_slice %arg4[%add3A_37, %dma_start3A_103] : memref<51200x1000xf32, #tpu.memory_space<hbm>> -> memref<16x128xf32, #tpu.memory_space<hbm>>
    %dma_start3A_105 = arith.constant 0 : i32
    %dma_start3A_106 = arith.constant 768 : i32
    %dma_start3A_107 = tpu.memref_slice %arg7[%dma_start3A_105, %dma_start3A_106] : memref<16x1024xf32, #tpu.memory_space<vmem>> -> memref<16x128xf32, #tpu.memory_space<vmem>>
    tpu.enqueue_dma source(%dma_start3A_107 : memref<16x128xf32, #tpu.memory_space<vmem>>) target(%dma_start3A_104 : memref<16x128xf32, #tpu.memory_space<hbm>>) target_semaphore(%arg17 : memref<!tpu.dma_semaphore, #tpu.memory_space<semaphore_mem>>)
    %dma_start3A_108 = arith.constant 0 : i32
    %dma_start3A_109 = arith.constant 896 : i32
    %dma_start3A_110 = tpu.memref_slice %arg7[%dma_start3A_108, %dma_start3A_109] : memref<16x1024xf32, #tpu.memory_space<vmem>> -> memref<16x128xf32, #tpu.memory_space<vmem>>
    %dma_start3A_111 = arith.constant 0 : i32
    %dma_start3A_112 = tpu.memref_slice %arg5[%add3A_37, %dma_start3A_111] : memref<51200x128xf32, #tpu.memory_space<hbm>> -> memref<16x128xf32, #tpu.memory_space<hbm>>
    %dma_start3A_113 = arith.constant 0 : i32
    %dma_start3A_114 = tpu.memref_slice %arg5[%add3A_37, %dma_start3A_113] : memref<51200x128xf32, #tpu.memory_space<hbm>> -> memref<16x128xf32, #tpu.memory_space<hbm>>
    %dma_start3A_115 = arith.constant 0 : i32
    %dma_start3A_116 = arith.constant 896 : i32
    %dma_start3A_117 = tpu.memref_slice %arg7[%dma_start3A_115, %dma_start3A_116] : memref<16x1024xf32, #tpu.memory_space<vmem>> -> memref<16x128xf32, #tpu.memory_space<vmem>>
    tpu.enqueue_dma source(%dma_start3A_117 : memref<16x128xf32, #tpu.memory_space<vmem>>) target(%dma_start3A_114 : memref<16x128xf32, #tpu.memory_space<hbm>>) target_semaphore(%arg17 : memref<!tpu.dma_semaphore, #tpu.memory_space<semaphore_mem>>)
    %dma_wait3A_118 = arith.constant 0 : i32
    %dma_wait3A_119 = arith.constant 0 : i32
    %dma_wait3A_120 = tpu.memref_slice %arg7[%dma_wait3A_118, %dma_wait3A_119] : memref<16x1024xf32, #tpu.memory_space<vmem>> -> memref<16x128xf32, #tpu.memory_space<vmem>>
    %dma_wait3A_121 = arith.constant 0 : i32
    %dma_wait3A_122 = tpu.memref_slice %arg4[%add3A_37, %dma_wait3A_121] : memref<51200x1000xf32, #tpu.memory_space<hbm>> -> memref<16x128xf32, #tpu.memory_space<hbm>>
    %dma_wait3A_123 = arith.constant 0 : i32
    %dma_wait3A_124 = tpu.memref_slice %arg4[%add3A_37, %dma_wait3A_123] : memref<51200x1000xf32, #tpu.memory_space<hbm>> -> memref<16x128xf32, #tpu.memory_space<hbm>>
    %dma_wait3A_125 = arith.constant 0 : i32
    %dma_wait3A_126 = arith.constant 0 : i32
    %dma_wait3A_127 = tpu.memref_slice %arg7[%dma_wait3A_125, %dma_wait3A_126] : memref<16x1024xf32, #tpu.memory_space<vmem>> -> memref<16x128xf32, #tpu.memory_space<vmem>>
    tpu.wait_dma2 semaphore(%arg17 : memref<!tpu.dma_semaphore, #tpu.memory_space<semaphore_mem>>) src(%dma_wait3A_127 : memref<16x128xf32, #tpu.memory_space<vmem>>) dst(%dma_wait3A_124 : memref<16x128xf32, #tpu.memory_space<hbm>>)
    %dma_wait3A_128 = arith.constant 0 : i32
    %dma_wait3A_129 = arith.constant 128 : i32
    %dma_wait3A_130 = tpu.memref_slice %arg7[%dma_wait3A_128, %dma_wait3A_129] : memref<16x1024xf32, #tpu.memory_space<vmem>> -> memref<16x128xf32, #tpu.memory_space<vmem>>
    %dma_wait3A_131 = arith.constant 128 : i32
    %dma_wait3A_132 = tpu.memref_slice %arg4[%add3A_37, %dma_wait3A_131] : memref<51200x1000xf32, #tpu.memory_space<hbm>> -> memref<16x128xf32, #tpu.memory_space<hbm>>
    %dma_wait3A_133 = arith.constant 128 : i32
    %dma_wait3A_134 = tpu.memref_slice %arg4[%add3A_37, %dma_wait3A_133] : memref<51200x1000xf32, #tpu.memory_space<hbm>> -> memref<16x128xf32, #tpu.memory_space<hbm>>
    %dma_wait3A_135 = arith.constant 0 : i32
    %dma_wait3A_136 = arith.constant 128 : i32
    %dma_wait3A_137 = tpu.memref_slice %arg7[%dma_wait3A_135, %dma_wait3A_136] : memref<16x1024xf32, #tpu.memory_space<vmem>> -> memref<16x128xf32, #tpu.memory_space<vmem>>
    tpu.wait_dma2 semaphore(%arg17 : memref<!tpu.dma_semaphore, #tpu.memory_space<semaphore_mem>>) src(%dma_wait3A_137 : memref<16x128xf32, #tpu.memory_space<vmem>>) dst(%dma_wait3A_134 : memref<16x128xf32, #tpu.memory_space<hbm>>)
    %dma_wait3A_138 = arith.constant 0 : i32
    %dma_wait3A_139 = arith.constant 256 : i32
    %dma_wait3A_140 = tpu.memref_slice %arg7[%dma_wait3A_138, %dma_wait3A_139] : memref<16x1024xf32, #tpu.memory_space<vmem>> -> memref<16x128xf32, #tpu.memory_space<vmem>>
    %dma_wait3A_141 = arith.constant 256 : i32
    %dma_wait3A_142 = tpu.memref_slice %arg4[%add3A_37, %dma_wait3A_141] : memref<51200x1000xf32, #tpu.memory_space<hbm>> -> memref<16x128xf32, #tpu.memory_space<hbm>>
    %dma_wait3A_143 = arith.constant 256 : i32
    %dma_wait3A_144 = tpu.memref_slice %arg4[%add3A_37, %dma_wait3A_143] : memref<51200x1000xf32, #tpu.memory_space<hbm>> -> memref<16x128xf32, #tpu.memory_space<hbm>>
    %dma_wait3A_145 = arith.constant 0 : i32
    %dma_wait3A_146 = arith.constant 256 : i32
    %dma_wait3A_147 = tpu.memref_slice %arg7[%dma_wait3A_145, %dma_wait3A_146] : memref<16x1024xf32, #tpu.memory_space<vmem>> -> memref<16x128xf32, #tpu.memory_space<vmem>>
    tpu.wait_dma2 semaphore(%arg17 : memref<!tpu.dma_semaphore, #tpu.memory_space<semaphore_mem>>) src(%dma_wait3A_147 : memref<16x128xf32, #tpu.memory_space<vmem>>) dst(%dma_wait3A_144 : memref<16x128xf32, #tpu.memory_space<hbm>>)
    %dma_wait3A_148 = arith.constant 0 : i32
    %dma_wait3A_149 = arith.constant 384 : i32
    %dma_wait3A_150 = tpu.memref_slice %arg7[%dma_wait3A_148, %dma_wait3A_149] : memref<16x1024xf32, #tpu.memory_space<vmem>> -> memref<16x128xf32, #tpu.memory_space<vmem>>
    %dma_wait3A_151 = arith.constant 384 : i32
    %dma_wait3A_152 = tpu.memref_slice %arg4[%add3A_37, %dma_wait3A_151] : memref<51200x1000xf32, #tpu.memory_space<hbm>> -> memref<16x128xf32, #tpu.memory_space<hbm>>
    %dma_wait3A_153 = arith.constant 384 : i32
    %dma_wait3A_154 = tpu.memref_slice %arg4[%add3A_37, %dma_wait3A_153] : memref<51200x1000xf32, #tpu.memory_space<hbm>> -> memref<16x128xf32, #tpu.memory_space<hbm>>
    %dma_wait3A_155 = arith.constant 0 : i32
    %dma_wait3A_156 = arith.constant 384 : i32
    %dma_wait3A_157 = tpu.memref_slice %arg7[%dma_wait3A_155, %dma_wait3A_156] : memref<16x1024xf32, #tpu.memory_space<vmem>> -> memref<16x128xf32, #tpu.memory_space<vmem>>
    tpu.wait_dma2 semaphore(%arg17 : memref<!tpu.dma_semaphore, #tpu.memory_space<semaphore_mem>>) src(%dma_wait3A_157 : memref<16x128xf32, #tpu.memory_space<vmem>>) dst(%dma_wait3A_154 : memref<16x128xf32, #tpu.memory_space<hbm>>)
    %dma_wait3A_158 = arith.constant 0 : i32
    %dma_wait3A_159 = arith.constant 512 : i32
    %dma_wait3A_160 = tpu.memref_slice %arg7[%dma_wait3A_158, %dma_wait3A_159] : memref<16x1024xf32, #tpu.memory_space<vmem>> -> memref<16x128xf32, #tpu.memory_space<vmem>>
    %dma_wait3A_161 = arith.constant 512 : i32
    %dma_wait3A_162 = tpu.memref_slice %arg4[%add3A_37, %dma_wait3A_161] : memref<51200x1000xf32, #tpu.memory_space<hbm>> -> memref<16x128xf32, #tpu.memory_space<hbm>>
    %dma_wait3A_163 = arith.constant 512 : i32
    %dma_wait3A_164 = tpu.memref_slice %arg4[%add3A_37, %dma_wait3A_163] : memref<51200x1000xf32, #tpu.memory_space<hbm>> -> memref<16x128xf32, #tpu.memory_space<hbm>>
    %dma_wait3A_165 = arith.constant 0 : i32
    %dma_wait3A_166 = arith.constant 512 : i32
    %dma_wait3A_167 = tpu.memref_slice %arg7[%dma_wait3A_165, %dma_wait3A_166] : memref<16x1024xf32, #tpu.memory_space<vmem>> -> memref<16x128xf32, #tpu.memory_space<vmem>>
    tpu.wait_dma2 semaphore(%arg17 : memref<!tpu.dma_semaphore, #tpu.memory_space<semaphore_mem>>) src(%dma_wait3A_167 : memref<16x128xf32, #tpu.memory_space<vmem>>) dst(%dma_wait3A_164 : memref<16x128xf32, #tpu.memory_space<hbm>>)
    %dma_wait3A_168 = arith.constant 0 : i32
    %dma_wait3A_169 = arith.constant 640 : i32
    %dma_wait3A_170 = tpu.memref_slice %arg7[%dma_wait3A_168, %dma_wait3A_169] : memref<16x1024xf32, #tpu.memory_space<vmem>> -> memref<16x128xf32, #tpu.memory_space<vmem>>
    %dma_wait3A_171 = arith.constant 640 : i32
    %dma_wait3A_172 = tpu.memref_slice %arg4[%add3A_37, %dma_wait3A_171] : memref<51200x1000xf32, #tpu.memory_space<hbm>> -> memref<16x128xf32, #tpu.memory_space<hbm>>
    %dma_wait3A_173 = arith.constant 640 : i32
    %dma_wait3A_174 = tpu.memref_slice %arg4[%add3A_37, %dma_wait3A_173] : memref<51200x1000xf32, #tpu.memory_space<hbm>> -> memref<16x128xf32, #tpu.memory_space<hbm>>
    %dma_wait3A_175 = arith.constant 0 : i32
    %dma_wait3A_176 = arith.constant 640 : i32
    %dma_wait3A_177 = tpu.memref_slice %arg7[%dma_wait3A_175, %dma_wait3A_176] : memref<16x1024xf32, #tpu.memory_space<vmem>> -> memref<16x128xf32, #tpu.memory_space<vmem>>
    tpu.wait_dma2 semaphore(%arg17 : memref<!tpu.dma_semaphore, #tpu.memory_space<semaphore_mem>>) src(%dma_wait3A_177 : memref<16x128xf32, #tpu.memory_space<vmem>>) dst(%dma_wait3A_174 : memref<16x128xf32, #tpu.memory_space<hbm>>)
    %dma_wait3A_178 = arith.constant 0 : i32
    %dma_wait3A_179 = arith.constant 768 : i32
    %dma_wait3A_180 = tpu.memref_slice %arg7[%dma_wait3A_178, %dma_wait3A_179] : memref<16x1024xf32, #tpu.memory_space<vmem>> -> memref<16x128xf32, #tpu.memory_space<vmem>>
    %dma_wait3A_181 = arith.constant 768 : i32
    %dma_wait3A_182 = tpu.memref_slice %arg4[%add3A_37, %dma_wait3A_181] : memref<51200x1000xf32, #tpu.memory_space<hbm>> -> memref<16x128xf32, #tpu.memory_space<hbm>>
    %dma_wait3A_183 = arith.constant 768 : i32
    %dma_wait3A_184 = tpu.memref_slice %arg4[%add3A_37, %dma_wait3A_183] : memref<51200x1000xf32, #tpu.memory_space<hbm>> -> memref<16x128xf32, #tpu.memory_space<hbm>>
    %dma_wait3A_185 = arith.constant 0 : i32
    %dma_wait3A_186 = arith.constant 768 : i32
    %dma_wait3A_187 = tpu.memref_slice %arg7[%dma_wait3A_185, %dma_wait3A_186] : memref<16x1024xf32, #tpu.memory_space<vmem>> -> memref<16x128xf32, #tpu.memory_space<vmem>>
    tpu.wait_dma2 semaphore(%arg17 : memref<!tpu.dma_semaphore, #tpu.memory_space<semaphore_mem>>) src(%dma_wait3A_187 : memref<16x128xf32, #tpu.memory_space<vmem>>) dst(%dma_wait3A_184 : memref<16x128xf32, #tpu.memory_space<hbm>>)
    %dma_wait3A_188 = arith.constant 0 : i32
    %dma_wait3A_189 = arith.constant 896 : i32
    %dma_wait3A_190 = tpu.memref_slice %arg7[%dma_wait3A_188, %dma_wait3A_189] : memref<16x1024xf32, #tpu.memory_space<vmem>> -> memref<16x128xf32, #tpu.memory_space<vmem>>
    %dma_wait3A_191 = arith.constant 0 : i32
    %dma_wait3A_192 = tpu.memref_slice %arg5[%add3A_37, %dma_wait3A_191] : memref<51200x128xf32, #tpu.memory_space<hbm>> -> memref<16x128xf32, #tpu.memory_space<hbm>>
    %dma_wait3A_193 = arith.constant 0 : i32
    %dma_wait3A_194 = tpu.memref_slice %arg5[%add3A_37, %dma_wait3A_193] : memref<51200x128xf32, #tpu.memory_space<hbm>> -> memref<16x128xf32, #tpu.memory_space<hbm>>
    %dma_wait3A_195 = arith.constant 0 : i32
    %dma_wait3A_196 = arith.constant 896 : i32
    %dma_wait3A_197 = tpu.memref_slice %arg7[%dma_wait3A_195, %dma_wait3A_196] : memref<16x1024xf32, #tpu.memory_space<vmem>> -> memref<16x128xf32, #tpu.memory_space<vmem>>
    tpu.wait_dma2 semaphore(%arg17 : memref<!tpu.dma_semaphore, #tpu.memory_space<semaphore_mem>>) src(%dma_wait3A_197 : memref<16x128xf32, #tpu.memory_space<vmem>>) dst(%dma_wait3A_194 : memref<16x128xf32, #tpu.memory_space<hbm>>)
    %dma_wait3A_198 = arith.constant 0 : i32
    %dma_wait3A_199 = tpu.memref_slice %arg6[%dma_wait3A_198] : memref<1600xi32, #tpu.memory_space<vmem>> -> memref<16xi32, #tpu.memory_space<vmem>>
    %dma_wait3A_200 = arith.constant 0 : i32
    %dma_wait3A_201 = arith.constant 0 : i32
    %dma_wait3A_202 = tpu.memref_slice %arg2[%dma_wait3A_200, %dma_wait3A_201] : memref<1000x1024xf32, #tpu.memory_space<hbm>> -> memref<1000x1024xf32, #tpu.memory_space<hbm>>
    tpu.wait_indirect_dma semaphore(%arg13 : memref<!tpu.dma_semaphore, #tpu.memory_space<semaphore_mem>>) src(%dma_wait3A_202 : memref<1000x1024xf32, #tpu.memory_space<hbm>>) dst(%arg8 : memref<16x1024xf32, #tpu.memory_space<vmem>>)
    %add3A_203 = arith.constant 1536 : i32
    %add3A_204 = arith.addi %mul3A_2, %add3A_203 : i32
    %dma_start3A_205 = arith.constant 0 : i32
    %dma_start3A_206 = arith.constant 0 : i32
    %dma_start3A_207 = tpu.memref_slice %arg8[%dma_start3A_205, %dma_start3A_206] : memref<16x1024xf32, #tpu.memory_space<vmem>> -> memref<16x128xf32, #tpu.memory_space<vmem>>
    %dma_start3A_208 = arith.constant 0 : i32
    %dma_start3A_209 = tpu.memref_slice %arg4[%add3A_204, %dma_start3A_208] : memref<51200x1000xf32, #tpu.memory_space<hbm>> -> memref<16x128xf32, #tpu.memory_space<hbm>>
    %dma_start3A_210 = arith.constant 0 : i32
    %dma_start3A_211 = tpu.memref_slice %arg4[%add3A_204, %dma_start3A_210] : memref<51200x1000xf32, #tpu.memory_space<hbm>> -> memref<16x128xf32, #tpu.memory_space<hbm>>
    %dma_start3A_212 = arith.constant 0 : i32
    %dma_start3A_213 = arith.constant 0 : i32
    %dma_start3A_214 = tpu.memref_slice %arg8[%dma_start3A_212, %dma_start3A_213] : memref<16x1024xf32, #tpu.memory_space<vmem>> -> memref<16x128xf32, #tpu.memory_space<vmem>>
    tpu.enqueue_dma source(%dma_start3A_214 : memref<16x128xf32, #tpu.memory_space<vmem>>) target(%dma_start3A_211 : memref<16x128xf32, #tpu.memory_space<hbm>>) target_semaphore(%arg18 : memref<!tpu.dma_semaphore, #tpu.memory_space<semaphore_mem>>)
    %dma_start3A_215 = arith.constant 0 : i32
    %dma_start3A_216 = arith.constant 128 : i32
    %dma_start3A_217 = tpu.memref_slice %arg8[%dma_start3A_215, %dma_start3A_216] : memref<16x1024xf32, #tpu.memory_space<vmem>> -> memref<16x128xf32, #tpu.memory_space<vmem>>
    %dma_start3A_218 = arith.constant 128 : i32
    %dma_start3A_219 = tpu.memref_slice %arg4[%add3A_204, %dma_start3A_218] : memref<51200x1000xf32, #tpu.memory_space<hbm>> -> memref<16x128xf32, #tpu.memory_space<hbm>>
    %dma_start3A_220 = arith.constant 128 : i32
    %dma_start3A_221 = tpu.memref_slice %arg4[%add3A_204, %dma_start3A_220] : memref<51200x1000xf32, #tpu.memory_space<hbm>> -> memref<16x128xf32, #tpu.memory_space<hbm>>
    %dma_start3A_222 = arith.constant 0 : i32
    %dma_start3A_223 = arith.constant 128 : i32
    %dma_start3A_224 = tpu.memref_slice %arg8[%dma_start3A_222, %dma_start3A_223] : memref<16x1024xf32, #tpu.memory_space<vmem>> -> memref<16x128xf32, #tpu.memory_space<vmem>>
    tpu.enqueue_dma source(%dma_start3A_224 : memref<16x128xf32, #tpu.memory_space<vmem>>) target(%dma_start3A_221 : memref<16x128xf32, #tpu.memory_space<hbm>>) target_semaphore(%arg18 : memref<!tpu.dma_semaphore, #tpu.memory_space<semaphore_mem>>)
    %dma_start3A_225 = arith.constant 0 : i32
    %dma_start3A_226 = arith.constant 256 : i32
    %dma_start3A_227 = tpu.memref_slice %arg8[%dma_start3A_225, %dma_start3A_226] : memref<16x1024xf32, #tpu.memory_space<vmem>> -> memref<16x128xf32, #tpu.memory_space<vmem>>
    %dma_start3A_228 = arith.constant 256 : i32
    %dma_start3A_229 = tpu.memref_slice %arg4[%add3A_204, %dma_start3A_228] : memref<51200x1000xf32, #tpu.memory_space<hbm>> -> memref<16x128xf32, #tpu.memory_space<hbm>>
    %dma_start3A_230 = arith.constant 256 : i32
    %dma_start3A_231 = tpu.memref_slice %arg4[%add3A_204, %dma_start3A_230] : memref<51200x1000xf32, #tpu.memory_space<hbm>> -> memref<16x128xf32, #tpu.memory_space<hbm>>
    %dma_start3A_232 = arith.constant 0 : i32
    %dma_start3A_233 = arith.constant 256 : i32
    %dma_start3A_234 = tpu.memref_slice %arg8[%dma_start3A_232, %dma_start3A_233] : memref<16x1024xf32, #tpu.memory_space<vmem>> -> memref<16x128xf32, #tpu.memory_space<vmem>>
    tpu.enqueue_dma source(%dma_start3A_234 : memref<16x128xf32, #tpu.memory_space<vmem>>) target(%dma_start3A_231 : memref<16x128xf32, #tpu.memory_space<hbm>>) target_semaphore(%arg18 : memref<!tpu.dma_semaphore, #tpu.memory_space<semaphore_mem>>)
    %dma_start3A_235 = arith.constant 0 : i32
    %dma_start3A_236 = arith.constant 384 : i32
    %dma_start3A_237 = tpu.memref_slice %arg8[%dma_start3A_235, %dma_start3A_236] : memref<16x1024xf32, #tpu.memory_space<vmem>> -> memref<16x128xf32, #tpu.memory_space<vmem>>
    %dma_start3A_238 = arith.constant 384 : i32
    %dma_start3A_239 = tpu.memref_slice %arg4[%add3A_204, %dma_start3A_238] : memref<51200x1000xf32, #tpu.memory_space<hbm>> -> memref<16x128xf32, #tpu.memory_space<hbm>>
    %dma_start3A_240 = arith.constant 384 : i32
    %dma_start3A_241 = tpu.memref_slice %arg4[%add3A_204, %dma_start3A_240] : memref<51200x1000xf32, #tpu.memory_space<hbm>> -> memref<16x128xf32, #tpu.memory_space<hbm>>
    %dma_start3A_242 = arith.constant 0 : i32
    %dma_start3A_243 = arith.constant 384 : i32
    %dma_start3A_244 = tpu.memref_slice %arg8[%dma_start3A_242, %dma_start3A_243] : memref<16x1024xf32, #tpu.memory_space<vmem>> -> memref<16x128xf32, #tpu.memory_space<vmem>>
    tpu.enqueue_dma source(%dma_start3A_244 : memref<16x128xf32, #tpu.memory_space<vmem>>) target(%dma_start3A_241 : memref<16x128xf32, #tpu.memory_space<hbm>>) target_semaphore(%arg18 : memref<!tpu.dma_semaphore, #tpu.memory_space<semaphore_mem>>)
    %dma_start3A_245 = arith.constant 0 : i32
    %dma_start3A_246 = arith.constant 512 : i32
    %dma_start3A_247 = tpu.memref_slice %arg8[%dma_start3A_245, %dma_start3A_246] : memref<16x1024xf32, #tpu.memory_space<vmem>> -> memref<16x128xf32, #tpu.memory_space<vmem>>
    %dma_start3A_248 = arith.constant 512 : i32
    %dma_start3A_249 = tpu.memref_slice %arg4[%add3A_204, %dma_start3A_248] : memref<51200x1000xf32, #tpu.memory_space<hbm>> -> memref<16x128xf32, #tpu.memory_space<hbm>>
    %dma_start3A_250 = arith.constant 512 : i32
    %dma_start3A_251 = tpu.memref_slice %arg4[%add3A_204, %dma_start3A_250] : memref<51200x1000xf32, #tpu.memory_space<hbm>> -> memref<16x128xf32, #tpu.memory_space<hbm>>
    %dma_start3A_252 = arith.constant 0 : i32
    %dma_start3A_253 = arith.constant 512 : i32
    %dma_start3A_254 = tpu.memref_slice %arg8[%dma_start3A_252, %dma_start3A_253] : memref<16x1024xf32, #tpu.memory_space<vmem>> -> memref<16x128xf32, #tpu.memory_space<vmem>>
    tpu.enqueue_dma source(%dma_start3A_254 : memref<16x128xf32, #tpu.memory_space<vmem>>) target(%dma_start3A_251 : memref<16x128xf32, #tpu.memory_space<hbm>>) target_semaphore(%arg18 : memref<!tpu.dma_semaphore, #tpu.memory_space<semaphore_mem>>)
    %dma_start3A_255 = arith.constant 0 : i32
    %dma_start3A_256 = arith.constant 640 : i32
    %dma_start3A_257 = tpu.memref_slice %arg8[%dma_start3A_255, %dma_start3A_256] : memref<16x1024xf32, #tpu.memory_space<vmem>> -> memref<16x128xf32, #tpu.memory_space<vmem>>
    %dma_start3A_258 = arith.constant 640 : i32
    %dma_start3A_259 = tpu.memref_slice %arg4[%add3A_204, %dma_start3A_258] : memref<51200x1000xf32, #tpu.memory_space<hbm>> -> memref<16x128xf32, #tpu.memory_space<hbm>>
    %dma_start3A_260 = arith.constant 640 : i32
    %dma_start3A_261 = tpu.memref_slice %arg4[%add3A_204, %dma_start3A_260] : memref<51200x1000xf32, #tpu.memory_space<hbm>> -> memref<16x128xf32, #tpu.memory_space<hbm>>
    %dma_start3A_262 = arith.constant 0 : i32
    %dma_start3A_263 = arith.constant 640 : i32
    %dma_start3A_264 = tpu.memref_slice %arg8[%dma_start3A_262, %dma_start3A_263] : memref<16x1024xf32, #tpu.memory_space<vmem>> -> memref<16x128xf32, #tpu.memory_space<vmem>>
    tpu.enqueue_dma source(%dma_start3A_264 : memref<16x128xf32, #tpu.memory_space<vmem>>) target(%dma_start3A_261 : memref<16x128xf32, #tpu.memory_space<hbm>>) target_semaphore(%arg18 : memref<!tpu.dma_semaphore, #tpu.memory_space<semaphore_mem>>)
    %dma_start3A_265 = arith.constant 0 : i32
    %dma_start3A_266 = arith.constant 768 : i32
    %dma_start3A_267 = tpu.memref_slice %arg8[%dma_start3A_265, %dma_start3A_266] : memref<16x1024xf32, #tpu.memory_space<vmem>> -> memref<16x128xf32, #tpu.memory_space<vmem>>
    %dma_start3A_268 = arith.constant 768 : i32
    %dma_start3A_269 = tpu.memref_slice %arg4[%add3A_204, %dma_start3A_268] : memref<51200x1000xf32, #tpu.memory_space<hbm>> -> memref<16x128xf32, #tpu.memory_space<hbm>>
    %dma_start3A_270 = arith.constant 768 : i32
    %dma_start3A_271 = tpu.memref_slice %arg4[%add3A_204, %dma_start3A_270] : memref<51200x1000xf32, #tpu.memory_space<hbm>> -> memref<16x128xf32, #tpu.memory_space<hbm>>
    %dma_start3A_272 = arith.constant 0 : i32
    %dma_start3A_273 = arith.constant 768 : i32
    %dma_start3A_274 = tpu.memref_slice %arg8[%dma_start3A_272, %dma_start3A_273] : memref<16x1024xf32, #tpu.memory_space<vmem>> -> memref<16x128xf32, #tpu.memory_space<vmem>>
    tpu.enqueue_dma source(%dma_start3A_274 : memref<16x128xf32, #tpu.memory_space<vmem>>) target(%dma_start3A_271 : memref<16x128xf32, #tpu.memory_space<hbm>>) target_semaphore(%arg18 : memref<!tpu.dma_semaphore, #tpu.memory_space<semaphore_mem>>)
    %dma_start3A_275 = arith.constant 0 : i32
    %dma_start3A_276 = arith.constant 896 : i32
    %dma_start3A_277 = tpu.memref_slice %arg8[%dma_start3A_275, %dma_start3A_276] : memref<16x1024xf32, #tpu.memory_space<vmem>> -> memref<16x128xf32, #tpu.memory_space<vmem>>
    %dma_start3A_278 = arith.constant 0 : i32
    %dma_start3A_279 = tpu.memref_slice %arg5[%add3A_204, %dma_start3A_278] : memref<51200x128xf32, #tpu.memory_space<hbm>> -> memref<16x128xf32, #tpu.memory_space<hbm>>
    %dma_start3A_280 = arith.constant 0 : i32
    %dma_start3A_281 = tpu.memref_slice %arg5[%add3A_204, %dma_start3A_280] : memref<51200x128xf32, #tpu.memory_space<hbm>> -> memref<16x128xf32, #tpu.memory_space<hbm>>
    %dma_start3A_282 = arith.constant 0 : i32
    %dma_start3A_283 = arith.constant 896 : i32
    %dma_start3A_284 = tpu.memref_slice %arg8[%dma_start3A_282, %dma_start3A_283] : memref<16x1024xf32, #tpu.memory_space<vmem>> -> memref<16x128xf32, #tpu.memory_space<vmem>>
    tpu.enqueue_dma source(%dma_start3A_284 : memref<16x128xf32, #tpu.memory_space<vmem>>) target(%dma_start3A_281 : memref<16x128xf32, #tpu.memory_space<hbm>>) target_semaphore(%arg18 : memref<!tpu.dma_semaphore, #tpu.memory_space<semaphore_mem>>)
    %dma_wait3A_285 = arith.constant 0 : i32
    %dma_wait3A_286 = arith.constant 0 : i32
    %dma_wait3A_287 = tpu.memref_slice %arg8[%dma_wait3A_285, %dma_wait3A_286] : memref<16x1024xf32, #tpu.memory_space<vmem>> -> memref<16x128xf32, #tpu.memory_space<vmem>>
    %dma_wait3A_288 = arith.constant 0 : i32
    %dma_wait3A_289 = tpu.memref_slice %arg4[%add3A_204, %dma_wait3A_288] : memref<51200x1000xf32, #tpu.memory_space<hbm>> -> memref<16x128xf32, #tpu.memory_space<hbm>>
    %dma_wait3A_290 = arith.constant 0 : i32
    %dma_wait3A_291 = tpu.memref_slice %arg4[%add3A_204, %dma_wait3A_290] : memref<51200x1000xf32, #tpu.memory_space<hbm>> -> memref<16x128xf32, #tpu.memory_space<hbm>>
    %dma_wait3A_292 = arith.constant 0 : i32
    %dma_wait3A_293 = arith.constant 0 : i32
    %dma_wait3A_294 = tpu.memref_slice %arg8[%dma_wait3A_292, %dma_wait3A_293] : memref<16x1024xf32, #tpu.memory_space<vmem>> -> memref<16x128xf32, #tpu.memory_space<vmem>>
    tpu.wait_dma2 semaphore(%arg18 : memref<!tpu.dma_semaphore, #tpu.memory_space<semaphore_mem>>) src(%dma_wait3A_294 : memref<16x128xf32, #tpu.memory_space<vmem>>) dst(%dma_wait3A_291 : memref<16x128xf32, #tpu.memory_space<hbm>>)
    %dma_wait3A_295 = arith.constant 0 : i32
    %dma_wait3A_296 = arith.constant 128 : i32
    %dma_wait3A_297 = tpu.memref_slice %arg8[%dma_wait3A_295, %dma_wait3A_296] : memref<16x1024xf32, #tpu.memory_space<vmem>> -> memref<16x128xf32, #tpu.memory_space<vmem>>
    %dma_wait3A_298 = arith.constant 128 : i32
    %dma_wait3A_299 = tpu.memref_slice %arg4[%add3A_204, %dma_wait3A_298] : memref<51200x1000xf32, #tpu.memory_space<hbm>> -> memref<16x128xf32, #tpu.memory_space<hbm>>
    %dma_wait3A_300 = arith.constant 128 : i32
    %dma_wait3A_301 = tpu.memref_slice %arg4[%add3A_204, %dma_wait3A_300] : memref<51200x1000xf32, #tpu.memory_space<hbm>> -> memref<16x128xf32, #tpu.memory_space<hbm>>
    %dma_wait3A_302 = arith.constant 0 : i32
    %dma_wait3A_303 = arith.constant 128 : i32
    %dma_wait3A_304 = tpu.memref_slice %arg8[%dma_wait3A_302, %dma_wait3A_303] : memref<16x1024xf32, #tpu.memory_space<vmem>> -> memref<16x128xf32, #tpu.memory_space<vmem>>
    tpu.wait_dma2 semaphore(%arg18 : memref<!tpu.dma_semaphore, #tpu.memory_space<semaphore_mem>>) src(%dma_wait3A_304 : memref<16x128xf32, #tpu.memory_space<vmem>>) dst(%dma_wait3A_301 : memref<16x128xf32, #tpu.memory_space<hbm>>)
    %dma_wait3A_305 = arith.constant 0 : i32
    %dma_wait3A_306 = arith.constant 256 : i32
    %dma_wait3A_307 = tpu.memref_slice %arg8[%dma_wait3A_305, %dma_wait3A_306] : memref<16x1024xf32, #tpu.memory_space<vmem>> -> memref<16x128xf32, #tpu.memory_space<vmem>>
    %dma_wait3A_308 = arith.constant 256 : i32
    %dma_wait3A_309 = tpu.memref_slice %arg4[%add3A_204, %dma_wait3A_308] : memref<51200x1000xf32, #tpu.memory_space<hbm>> -> memref<16x128xf32, #tpu.memory_space<hbm>>
    %dma_wait3A_310 = arith.constant 256 : i32
    %dma_wait3A_311 = tpu.memref_slice %arg4[%add3A_204, %dma_wait3A_310] : memref<51200x1000xf32, #tpu.memory_space<hbm>> -> memref<16x128xf32, #tpu.memory_space<hbm>>
    %dma_wait3A_312 = arith.constant 0 : i32
    %dma_wait3A_313 = arith.constant 256 : i32
    %dma_wait3A_314 = tpu.memref_slice %arg8[%dma_wait3A_312, %dma_wait3A_313] : memref<16x1024xf32, #tpu.memory_space<vmem>> -> memref<16x128xf32, #tpu.memory_space<vmem>>
    tpu.wait_dma2 semaphore(%arg18 : memref<!tpu.dma_semaphore, #tpu.memory_space<semaphore_mem>>) src(%dma_wait3A_314 : memref<16x128xf32, #tpu.memory_space<vmem>>) dst(%dma_wait3A_311 : memref<16x128xf32, #tpu.memory_space<hbm>>)
    %dma_wait3A_315 = arith.constant 0 : i32
    %dma_wait3A_316 = arith.constant 384 : i32
    %dma_wait3A_317 = tpu.memref_slice %arg8[%dma_wait3A_315, %dma_wait3A_316] : memref<16x1024xf32, #tpu.memory_space<vmem>> -> memref<16x128xf32, #tpu.memory_space<vmem>>
    %dma_wait3A_318 = arith.constant 384 : i32
    %dma_wait3A_319 = tpu.memref_slice %arg4[%add3A_204, %dma_wait3A_318] : memref<51200x1000xf32, #tpu.memory_space<hbm>> -> memref<16x128xf32, #tpu.memory_space<hbm>>
    %dma_wait3A_320 = arith.constant 384 : i32
    %dma_wait3A_321 = tpu.memref_slice %arg4[%add3A_204, %dma_wait3A_320] : memref<51200x1000xf32, #tpu.memory_space<hbm>> -> memref<16x128xf32, #tpu.memory_space<hbm>>
    %dma_wait3A_322 = arith.constant 0 : i32
    %dma_wait3A_323 = arith.constant 384 : i32
    %dma_wait3A_324 = tpu.memref_slice %arg8[%dma_wait3A_322, %dma_wait3A_323] : memref<16x1024xf32, #tpu.memory_space<vmem>> -> memref<16x128xf32, #tpu.memory_space<vmem>>
    tpu.wait_dma2 semaphore(%arg18 : memref<!tpu.dma_semaphore, #tpu.memory_space<semaphore_mem>>) src(%dma_wait3A_324 : memref<16x128xf32, #tpu.memory_space<vmem>>) dst(%dma_wait3A_321 : memref<16x128xf32, #tpu.memory_space<hbm>>)
    %dma_wait3A_325 = arith.constant 0 : i32
    %dma_wait3A_326 = arith.constant 512 : i32
    %dma_wait3A_327 = tpu.memref_slice %arg8[%dma_wait3A_325, %dma_wait3A_326] : memref<16x1024xf32, #tpu.memory_space<vmem>> -> memref<16x128xf32, #tpu.memory_space<vmem>>
    %dma_wait3A_328 = arith.constant 512 : i32
    %dma_wait3A_329 = tpu.memref_slice %arg4[%add3A_204, %dma_wait3A_328] : memref<51200x1000xf32, #tpu.memory_space<hbm>> -> memref<16x128xf32, #tpu.memory_space<hbm>>
    %dma_wait3A_330 = arith.constant 512 : i32
    %dma_wait3A_331 = tpu.memref_slice %arg4[%add3A_204, %dma_wait3A_330] : memref<51200x1000xf32, #tpu.memory_space<hbm>> -> memref<16x128xf32, #tpu.memory_space<hbm>>
    %dma_wait3A_332 = arith.constant 0 : i32
    %dma_wait3A_333 = arith.constant 512 : i32
    %dma_wait3A_334 = tpu.memref_slice %arg8[%dma_wait3A_332, %dma_wait3A_333] : memref<16x1024xf32, #tpu.memory_space<vmem>> -> memref<16x128xf32, #tpu.memory_space<vmem>>
    tpu.wait_dma2 semaphore(%arg18 : memref<!tpu.dma_semaphore, #tpu.memory_space<semaphore_mem>>) src(%dma_wait3A_334 : memref<16x128xf32, #tpu.memory_space<vmem>>) dst(%dma_wait3A_331 : memref<16x128xf32, #tpu.memory_space<hbm>>)
    %dma_wait3A_335 = arith.constant 0 : i32
    %dma_wait3A_336 = arith.constant 640 : i32
    %dma_wait3A_337 = tpu.memref_slice %arg8[%dma_wait3A_335, %dma_wait3A_336] : memref<16x1024xf32, #tpu.memory_space<vmem>> -> memref<16x128xf32, #tpu.memory_space<vmem>>
    %dma_wait3A_338 = arith.constant 640 : i32
    %dma_wait3A_339 = tpu.memref_slice %arg4[%add3A_204, %dma_wait3A_338] : memref<51200x1000xf32, #tpu.memory_space<hbm>> -> memref<16x128xf32, #tpu.memory_space<hbm>>
    %dma_wait3A_340 = arith.constant 640 : i32
    %dma_wait3A_341 = tpu.memref_slice %arg4[%add3A_204, %dma_wait3A_340] : memref<51200x1000xf32, #tpu.memory_space<hbm>> -> memref<16x128xf32, #tpu.memory_space<hbm>>
    %dma_wait3A_342 = arith.constant 0 : i32
    %dma_wait3A_343 = arith.constant 640 : i32
    %dma_wait3A_344 = tpu.memref_slice %arg8[%dma_wait3A_342, %dma_wait3A_343] : memref<16x1024xf32, #tpu.memory_space<vmem>> -> memref<16x128xf32, #tpu.memory_space<vmem>>
    tpu.wait_dma2 semaphore(%arg18 : memref<!tpu.dma_semaphore, #tpu.memory_space<semaphore_mem>>) src(%dma_wait3A_344 : memref<16x128xf32, #tpu.memory_space<vmem>>) dst(%dma_wait3A_341 : memref<16x128xf32, #tpu.memory_space<hbm>>)
    %dma_wait3A_345 = arith.constant 0 : i32
    %dma_wait3A_346 = arith.constant 768 : i32
    %dma_wait3A_347 = tpu.memref_slice %arg8[%dma_wait3A_345, %dma_wait3A_346] : memref<16x1024xf32, #tpu.memory_space<vmem>> -> memref<16x128xf32, #tpu.memory_space<vmem>>
    %dma_wait3A_348 = arith.constant 768 : i32
    %dma_wait3A_349 = tpu.memref_slice %arg4[%add3A_204, %dma_wait3A_348] : memref<51200x1000xf32, #tpu.memory_space<hbm>> -> memref<16x128xf32, #tpu.memory_space<hbm>>
    %dma_wait3A_350 = arith.constant 768 : i32
    %dma_wait3A_351 = tpu.memref_slice %arg4[%add3A_204, %dma_wait3A_350] : memref<51200x1000xf32, #tpu.memory_space<hbm>> -> memref<16x128xf32, #tpu.memory_space<hbm>>
    %dma_wait3A_352 = arith.constant 0 : i32
    %dma_wait3A_353 = arith.constant 768 : i32
    %dma_wait3A_354 = tpu.memref_slice %arg8[%dma_wait3A_352, %dma_wait3A_353] : memref<16x1024xf32, #tpu.memory_space<vmem>> -> memref<16x128xf32, #tpu.memory_space<vmem>>
    tpu.wait_dma2 semaphore(%arg18 : memref<!tpu.dma_semaphore, #tpu.memory_space<semaphore_mem>>) src(%dma_wait3A_354 : memref<16x128xf32, #tpu.memory_space<vmem>>) dst(%dma_wait3A_351 : memref<16x128xf32, #tpu.memory_space<hbm>>)
    %dma_wait3A_355 = arith.constant 0 : i32
    %dma_wait3A_356 = arith.constant 896 : i32
    %dma_wait3A_357 = tpu.memref_slice %arg8[%dma_wait3A_355, %dma_wait3A_356] : memref<16x1024xf32, #tpu.memory_space<vmem>> -> memref<16x128xf32, #tpu.memory_space<vmem>>
    %dma_wait3A_358 = arith.constant 0 : i32
    %dma_wait3A_359 = tpu.memref_slice %arg5[%add3A_204, %dma_wait3A_358] : memref<51200x128xf32, #tpu.memory_space<hbm>> -> memref<16x128xf32, #tpu.memory_space<hbm>>
    %dma_wait3A_360 = arith.constant 0 : i32
    %dma_wait3A_361 = tpu.memref_slice %arg5[%add3A_204, %dma_wait3A_360] : memref<51200x128xf32, #tpu.memory_space<hbm>> -> memref<16x128xf32, #tpu.memory_space<hbm>>
    %dma_wait3A_362 = arith.constant 0 : i32
    %dma_wait3A_363 = arith.constant 896 : i32
    %dma_wait3A_364 = tpu.memref_slice %arg8[%dma_wait3A_362, %dma_wait3A_363] : memref<16x1024xf32, #tpu.memory_space<vmem>> -> memref<16x128xf32, #tpu.memory_space<vmem>>
    tpu.wait_dma2 semaphore(%arg18 : memref<!tpu.dma_semaphore, #tpu.memory_space<semaphore_mem>>) src(%dma_wait3A_364 : memref<16x128xf32, #tpu.memory_space<vmem>>) dst(%dma_wait3A_361 : memref<16x128xf32, #tpu.memory_space<hbm>>)
    %dma_wait3A_365 = arith.constant 0 : i32
    %dma_wait3A_366 = tpu.memref_slice %arg6[%dma_wait3A_365] : memref<1600xi32, #tpu.memory_space<vmem>> -> memref<16xi32, #tpu.memory_space<vmem>>
    %dma_wait3A_367 = arith.constant 0 : i32
    %dma_wait3A_368 = arith.constant 0 : i32
    %dma_wait3A_369 = tpu.memref_slice %arg2[%dma_wait3A_367, %dma_wait3A_368] : memref<1000x1024xf32, #tpu.memory_space<hbm>> -> memref<1000x1024xf32, #tpu.memory_space<hbm>>
    tpu.wait_indirect_dma semaphore(%arg14 : memref<!tpu.dma_semaphore, #tpu.memory_space<semaphore_mem>>) src(%dma_wait3A_369 : memref<1000x1024xf32, #tpu.memory_space<hbm>>) dst(%arg9 : memref<16x1024xf32, #tpu.memory_space<vmem>>)
    %add3A_370 = arith.constant 1552 : i32
    %add3A_371 = arith.addi %mul3A_2, %add3A_370 : i32
    %dma_start3A_372 = arith.constant 0 : i32
    %dma_start3A_373 = arith.constant 0 : i32
    %dma_start3A_374 = tpu.memref_slice %arg9[%dma_start3A_372, %dma_start3A_373] : memref<16x1024xf32, #tpu.memory_space<vmem>> -> memref<16x128xf32, #tpu.memory_space<vmem>>
    %dma_start3A_375 = arith.constant 0 : i32
    %dma_start3A_376 = tpu.memref_slice %arg4[%add3A_371, %dma_start3A_375] : memref<51200x1000xf32, #tpu.memory_space<hbm>> -> memref<16x128xf32, #tpu.memory_space<hbm>>
    %dma_start3A_377 = arith.constant 0 : i32
    %dma_start3A_378 = tpu.memref_slice %arg4[%add3A_371, %dma_start3A_377] : memref<51200x1000xf32, #tpu.memory_space<hbm>> -> memref<16x128xf32, #tpu.memory_space<hbm>>
    %dma_start3A_379 = arith.constant 0 : i32
    %dma_start3A_380 = arith.constant 0 : i32
    %dma_start3A_381 = tpu.memref_slice %arg9[%dma_start3A_379, %dma_start3A_380] : memref<16x1024xf32, #tpu.memory_space<vmem>> -> memref<16x128xf32, #tpu.memory_space<vmem>>
    tpu.enqueue_dma source(%dma_start3A_381 : memref<16x128xf32, #tpu.memory_space<vmem>>) target(%dma_start3A_378 : memref<16x128xf32, #tpu.memory_space<hbm>>) target_semaphore(%arg19 : memref<!tpu.dma_semaphore, #tpu.memory_space<semaphore_mem>>)
    %dma_start3A_382 = arith.constant 0 : i32
    %dma_start3A_383 = arith.constant 128 : i32
    %dma_start3A_384 = tpu.memref_slice %arg9[%dma_start3A_382, %dma_start3A_383] : memref<16x1024xf32, #tpu.memory_space<vmem>> -> memref<16x128xf32, #tpu.memory_space<vmem>>
    %dma_start3A_385 = arith.constant 128 : i32
    %dma_start3A_386 = tpu.memref_slice %arg4[%add3A_371, %dma_start3A_385] : memref<51200x1000xf32, #tpu.memory_space<hbm>> -> memref<16x128xf32, #tpu.memory_space<hbm>>
    %dma_start3A_387 = arith.constant 128 : i32
    %dma_start3A_388 = tpu.memref_slice %arg4[%add3A_371, %dma_start3A_387] : memref<51200x1000xf32, #tpu.memory_space<hbm>> -> memref<16x128xf32, #tpu.memory_space<hbm>>
    %dma_start3A_389 = arith.constant 0 : i32
    %dma_start3A_390 = arith.constant 128 : i32
    %dma_start3A_391 = tpu.memref_slice %arg9[%dma_start3A_389, %dma_start3A_390] : memref<16x1024xf32, #tpu.memory_space<vmem>> -> memref<16x128xf32, #tpu.memory_space<vmem>>
    tpu.enqueue_dma source(%dma_start3A_391 : memref<16x128xf32, #tpu.memory_space<vmem>>) target(%dma_start3A_388 : memref<16x128xf32, #tpu.memory_space<hbm>>) target_semaphore(%arg19 : memref<!tpu.dma_semaphore, #tpu.memory_space<semaphore_mem>>)
    %dma_start3A_392 = arith.constant 0 : i32
    %dma_start3A_393 = arith.constant 256 : i32
    %dma_start3A_394 = tpu.memref_slice %arg9[%dma_start3A_392, %dma_start3A_393] : memref<16x1024xf32, #tpu.memory_space<vmem>> -> memref<16x128xf32, #tpu.memory_space<vmem>>
    %dma_start3A_395 = arith.constant 256 : i32
    %dma_start3A_396 = tpu.memref_slice %arg4[%add3A_371, %dma_start3A_395] : memref<51200x1000xf32, #tpu.memory_space<hbm>> -> memref<16x128xf32, #tpu.memory_space<hbm>>
    %dma_start3A_397 = arith.constant 256 : i32
    %dma_start3A_398 = tpu.memref_slice %arg4[%add3A_371, %dma_start3A_397] : memref<51200x1000xf32, #tpu.memory_space<hbm>> -> memref<16x128xf32, #tpu.memory_space<hbm>>
    %dma_start3A_399 = arith.constant 0 : i32
    %dma_start3A_400 = arith.constant 256 : i32
    %dma_start3A_401 = tpu.memref_slice %arg9[%dma_start3A_399, %dma_start3A_400] : memref<16x1024xf32, #tpu.memory_space<vmem>> -> memref<16x128xf32, #tpu.memory_space<vmem>>
    tpu.enqueue_dma source(%dma_start3A_401 : memref<16x128xf32, #tpu.memory_space<vmem>>) target(%dma_start3A_398 : memref<16x128xf32, #tpu.memory_space<hbm>>) target_semaphore(%arg19 : memref<!tpu.dma_semaphore, #tpu.memory_space<semaphore_mem>>)
    %dma_start3A_402 = arith.constant 0 : i32
    %dma_start3A_403 = arith.constant 384 : i32
    %dma_start3A_404 = tpu.memref_slice %arg9[%dma_start3A_402, %dma_start3A_403] : memref<16x1024xf32, #tpu.memory_space<vmem>> -> memref<16x128xf32, #tpu.memory_space<vmem>>
    %dma_start3A_405 = arith.constant 384 : i32
    %dma_start3A_406 = tpu.memref_slice %arg4[%add3A_371, %dma_start3A_405] : memref<51200x1000xf32, #tpu.memory_space<hbm>> -> memref<16x128xf32, #tpu.memory_space<hbm>>
    %dma_start3A_407 = arith.constant 384 : i32
    %dma_start3A_408 = tpu.memref_slice %arg4[%add3A_371, %dma_start3A_407] : memref<51200x1000xf32, #tpu.memory_space<hbm>> -> memref<16x128xf32, #tpu.memory_space<hbm>>
    %dma_start3A_409 = arith.constant 0 : i32
    %dma_start3A_410 = arith.constant 384 : i32
    %dma_start3A_411 = tpu.memref_slice %arg9[%dma_start3A_409, %dma_start3A_410] : memref<16x1024xf32, #tpu.memory_space<vmem>> -> memref<16x128xf32, #tpu.memory_space<vmem>>
    tpu.enqueue_dma source(%dma_start3A_411 : memref<16x128xf32, #tpu.memory_space<vmem>>) target(%dma_start3A_408 : memref<16x128xf32, #tpu.memory_space<hbm>>) target_semaphore(%arg19 : memref<!tpu.dma_semaphore, #tpu.memory_space<semaphore_mem>>)
    %dma_start3A_412 = arith.constant 0 : i32
    %dma_start3A_413 = arith.constant 512 : i32
    %dma_start3A_414 = tpu.memref_slice %arg9[%dma_start3A_412, %dma_start3A_413] : memref<16x1024xf32, #tpu.memory_space<vmem>> -> memref<16x128xf32, #tpu.memory_space<vmem>>
    %dma_start3A_415 = arith.constant 512 : i32
    %dma_start3A_416 = tpu.memref_slice %arg4[%add3A_371, %dma_start3A_415] : memref<51200x1000xf32, #tpu.memory_space<hbm>> -> memref<16x128xf32, #tpu.memory_space<hbm>>
    %dma_start3A_417 = arith.constant 512 : i32
    %dma_start3A_418 = tpu.memref_slice %arg4[%add3A_371, %dma_start3A_417] : memref<51200x1000xf32, #tpu.memory_space<hbm>> -> memref<16x128xf32, #tpu.memory_space<hbm>>
    %dma_start3A_419 = arith.constant 0 : i32
    %dma_start3A_420 = arith.constant 512 : i32
    %dma_start3A_421 = tpu.memref_slice %arg9[%dma_start3A_419, %dma_start3A_420] : memref<16x1024xf32, #tpu.memory_space<vmem>> -> memref<16x128xf32, #tpu.memory_space<vmem>>
    tpu.enqueue_dma source(%dma_start3A_421 : memref<16x128xf32, #tpu.memory_space<vmem>>) target(%dma_start3A_418 : memref<16x128xf32, #tpu.memory_space<hbm>>) target_semaphore(%arg19 : memref<!tpu.dma_semaphore, #tpu.memory_space<semaphore_mem>>)
    %dma_start3A_422 = arith.constant 0 : i32
    %dma_start3A_423 = arith.constant 640 : i32
    %dma_start3A_424 = tpu.memref_slice %arg9[%dma_start3A_422, %dma_start3A_423] : memref<16x1024xf32, #tpu.memory_space<vmem>> -> memref<16x128xf32, #tpu.memory_space<vmem>>
    %dma_start3A_425 = arith.constant 640 : i32
    %dma_start3A_426 = tpu.memref_slice %arg4[%add3A_371, %dma_start3A_425] : memref<51200x1000xf32, #tpu.memory_space<hbm>> -> memref<16x128xf32, #tpu.memory_space<hbm>>
    %dma_start3A_427 = arith.constant 640 : i32
    %dma_start3A_428 = tpu.memref_slice %arg4[%add3A_371, %dma_start3A_427] : memref<51200x1000xf32, #tpu.memory_space<hbm>> -> memref<16x128xf32, #tpu.memory_space<hbm>>
    %dma_start3A_429 = arith.constant 0 : i32
    %dma_start3A_430 = arith.constant 640 : i32
    %dma_start3A_431 = tpu.memref_slice %arg9[%dma_start3A_429, %dma_start3A_430] : memref<16x1024xf32, #tpu.memory_space<vmem>> -> memref<16x128xf32, #tpu.memory_space<vmem>>
    tpu.enqueue_dma source(%dma_start3A_431 : memref<16x128xf32, #tpu.memory_space<vmem>>) target(%dma_start3A_428 : memref<16x128xf32, #tpu.memory_space<hbm>>) target_semaphore(%arg19 : memref<!tpu.dma_semaphore, #tpu.memory_space<semaphore_mem>>)
    %dma_start3A_432 = arith.constant 0 : i32
    %dma_start3A_433 = arith.constant 768 : i32
    %dma_start3A_434 = tpu.memref_slice %arg9[%dma_start3A_432, %dma_start3A_433] : memref<16x1024xf32, #tpu.memory_space<vmem>> -> memref<16x128xf32, #tpu.memory_space<vmem>>
    %dma_start3A_435 = arith.constant 768 : i32
    %dma_start3A_436 = tpu.memref_slice %arg4[%add3A_371, %dma_start3A_435] : memref<51200x1000xf32, #tpu.memory_space<hbm>> -> memref<16x128xf32, #tpu.memory_space<hbm>>
    %dma_start3A_437 = arith.constant 768 : i32
    %dma_start3A_438 = tpu.memref_slice %arg4[%add3A_371, %dma_start3A_437] : memref<51200x1000xf32, #tpu.memory_space<hbm>> -> memref<16x128xf32, #tpu.memory_space<hbm>>
    %dma_start3A_439 = arith.constant 0 : i32
    %dma_start3A_440 = arith.constant 768 : i32
    %dma_start3A_441 = tpu.memref_slice %arg9[%dma_start3A_439, %dma_start3A_440] : memref<16x1024xf32, #tpu.memory_space<vmem>> -> memref<16x128xf32, #tpu.memory_space<vmem>>
    tpu.enqueue_dma source(%dma_start3A_441 : memref<16x128xf32, #tpu.memory_space<vmem>>) target(%dma_start3A_438 : memref<16x128xf32, #tpu.memory_space<hbm>>) target_semaphore(%arg19 : memref<!tpu.dma_semaphore, #tpu.memory_space<semaphore_mem>>)
    %dma_start3A_442 = arith.constant 0 : i32
    %dma_start3A_443 = arith.constant 896 : i32
    %dma_start3A_444 = tpu.memref_slice %arg9[%dma_start3A_442, %dma_start3A_443] : memref<16x1024xf32, #tpu.memory_space<vmem>> -> memref<16x128xf32, #tpu.memory_space<vmem>>
    %dma_start3A_445 = arith.constant 0 : i32
    %dma_start3A_446 = tpu.memref_slice %arg5[%add3A_371, %dma_start3A_445] : memref<51200x128xf32, #tpu.memory_space<hbm>> -> memref<16x128xf32, #tpu.memory_space<hbm>>
    %dma_start3A_447 = arith.constant 0 : i32
    %dma_start3A_448 = tpu.memref_slice %arg5[%add3A_371, %dma_start3A_447] : memref<51200x128xf32, #tpu.memory_space<hbm>> -> memref<16x128xf32, #tpu.memory_space<hbm>>
    %dma_start3A_449 = arith.constant 0 : i32
    %dma_start3A_450 = arith.constant 896 : i32
    %dma_start3A_451 = tpu.memref_slice %arg9[%dma_start3A_449, %dma_start3A_450] : memref<16x1024xf32, #tpu.memory_space<vmem>> -> memref<16x128xf32, #tpu.memory_space<vmem>>
    tpu.enqueue_dma source(%dma_start3A_451 : memref<16x128xf32, #tpu.memory_space<vmem>>) target(%dma_start3A_448 : memref<16x128xf32, #tpu.memory_space<hbm>>) target_semaphore(%arg19 : memref<!tpu.dma_semaphore, #tpu.memory_space<semaphore_mem>>)
    %dma_wait3A_452 = arith.constant 0 : i32
    %dma_wait3A_453 = arith.constant 0 : i32
    %dma_wait3A_454 = tpu.memref_slice %arg9[%dma_wait3A_452, %dma_wait3A_453] : memref<16x1024xf32, #tpu.memory_space<vmem>> -> memref<16x128xf32, #tpu.memory_space<vmem>>
    %dma_wait3A_455 = arith.constant 0 : i32
    %dma_wait3A_456 = tpu.memref_slice %arg4[%add3A_371, %dma_wait3A_455] : memref<51200x1000xf32, #tpu.memory_space<hbm>> -> memref<16x128xf32, #tpu.memory_space<hbm>>
    %dma_wait3A_457 = arith.constant 0 : i32
    %dma_wait3A_458 = tpu.memref_slice %arg4[%add3A_371, %dma_wait3A_457] : memref<51200x1000xf32, #tpu.memory_space<hbm>> -> memref<16x128xf32, #tpu.memory_space<hbm>>
    %dma_wait3A_459 = arith.constant 0 : i32
    %dma_wait3A_460 = arith.constant 0 : i32
    %dma_wait3A_461 = tpu.memref_slice %arg9[%dma_wait3A_459, %dma_wait3A_460] : memref<16x1024xf32, #tpu.memory_space<vmem>> -> memref<16x128xf32, #tpu.memory_space<vmem>>
    tpu.wait_dma2 semaphore(%arg19 : memref<!tpu.dma_semaphore, #tpu.memory_space<semaphore_mem>>) src(%dma_wait3A_461 : memref<16x128xf32, #tpu.memory_space<vmem>>) dst(%dma_wait3A_458 : memref<16x128xf32, #tpu.memory_space<hbm>>)
    %dma_wait3A_462 = arith.constant 0 : i32
    %dma_wait3A_463 = arith.constant 128 : i32
    %dma_wait3A_464 = tpu.memref_slice %arg9[%dma_wait3A_462, %dma_wait3A_463] : memref<16x1024xf32, #tpu.memory_space<vmem>> -> memref<16x128xf32, #tpu.memory_space<vmem>>
    %dma_wait3A_465 = arith.constant 128 : i32
    %dma_wait3A_466 = tpu.memref_slice %arg4[%add3A_371, %dma_wait3A_465] : memref<51200x1000xf32, #tpu.memory_space<hbm>> -> memref<16x128xf32, #tpu.memory_space<hbm>>
    %dma_wait3A_467 = arith.constant 128 : i32
    %dma_wait3A_468 = tpu.memref_slice %arg4[%add3A_371, %dma_wait3A_467] : memref<51200x1000xf32, #tpu.memory_space<hbm>> -> memref<16x128xf32, #tpu.memory_space<hbm>>
    %dma_wait3A_469 = arith.constant 0 : i32
    %dma_wait3A_470 = arith.constant 128 : i32
    %dma_wait3A_471 = tpu.memref_slice %arg9[%dma_wait3A_469, %dma_wait3A_470] : memref<16x1024xf32, #tpu.memory_space<vmem>> -> memref<16x128xf32, #tpu.memory_space<vmem>>
    tpu.wait_dma2 semaphore(%arg19 : memref<!tpu.dma_semaphore, #tpu.memory_space<semaphore_mem>>) src(%dma_wait3A_471 : memref<16x128xf32, #tpu.memory_space<vmem>>) dst(%dma_wait3A_468 : memref<16x128xf32, #tpu.memory_space<hbm>>)
    %dma_wait3A_472 = arith.constant 0 : i32
    %dma_wait3A_473 = arith.constant 256 : i32
    %dma_wait3A_474 = tpu.memref_slice %arg9[%dma_wait3A_472, %dma_wait3A_473] : memref<16x1024xf32, #tpu.memory_space<vmem>> -> memref<16x128xf32, #tpu.memory_space<vmem>>
    %dma_wait3A_475 = arith.constant 256 : i32
    %dma_wait3A_476 = tpu.memref_slice %arg4[%add3A_371, %dma_wait3A_475] : memref<51200x1000xf32, #tpu.memory_space<hbm>> -> memref<16x128xf32, #tpu.memory_space<hbm>>
    %dma_wait3A_477 = arith.constant 256 : i32
    %dma_wait3A_478 = tpu.memref_slice %arg4[%add3A_371, %dma_wait3A_477] : memref<51200x1000xf32, #tpu.memory_space<hbm>> -> memref<16x128xf32, #tpu.memory_space<hbm>>
    %dma_wait3A_479 = arith.constant 0 : i32
    %dma_wait3A_480 = arith.constant 256 : i32
    %dma_wait3A_481 = tpu.memref_slice %arg9[%dma_wait3A_479, %dma_wait3A_480] : memref<16x1024xf32, #tpu.memory_space<vmem>> -> memref<16x128xf32, #tpu.memory_space<vmem>>
    tpu.wait_dma2 semaphore(%arg19 : memref<!tpu.dma_semaphore, #tpu.memory_space<semaphore_mem>>) src(%dma_wait3A_481 : memref<16x128xf32, #tpu.memory_space<vmem>>) dst(%dma_wait3A_478 : memref<16x128xf32, #tpu.memory_space<hbm>>)
    %dma_wait3A_482 = arith.constant 0 : i32
    %dma_wait3A_483 = arith.constant 384 : i32
    %dma_wait3A_484 = tpu.memref_slice %arg9[%dma_wait3A_482, %dma_wait3A_483] : memref<16x1024xf32, #tpu.memory_space<vmem>> -> memref<16x128xf32, #tpu.memory_space<vmem>>
    %dma_wait3A_485 = arith.constant 384 : i32
    %dma_wait3A_486 = tpu.memref_slice %arg4[%add3A_371, %dma_wait3A_485] : memref<51200x1000xf32, #tpu.memory_space<hbm>> -> memref<16x128xf32, #tpu.memory_space<hbm>>
    %dma_wait3A_487 = arith.constant 384 : i32
    %dma_wait3A_488 = tpu.memref_slice %arg4[%add3A_371, %dma_wait3A_487] : memref<51200x1000xf32, #tpu.memory_space<hbm>> -> memref<16x128xf32, #tpu.memory_space<hbm>>
    %dma_wait3A_489 = arith.constant 0 : i32
    %dma_wait3A_490 = arith.constant 384 : i32
    %dma_wait3A_491 = tpu.memref_slice %arg9[%dma_wait3A_489, %dma_wait3A_490] : memref<16x1024xf32, #tpu.memory_space<vmem>> -> memref<16x128xf32, #tpu.memory_space<vmem>>
    tpu.wait_dma2 semaphore(%arg19 : memref<!tpu.dma_semaphore, #tpu.memory_space<semaphore_mem>>) src(%dma_wait3A_491 : memref<16x128xf32, #tpu.memory_space<vmem>>) dst(%dma_wait3A_488 : memref<16x128xf32, #tpu.memory_space<hbm>>)
    %dma_wait3A_492 = arith.constant 0 : i32
    %dma_wait3A_493 = arith.constant 512 : i32
    %dma_wait3A_494 = tpu.memref_slice %arg9[%dma_wait3A_492, %dma_wait3A_493] : memref<16x1024xf32, #tpu.memory_space<vmem>> -> memref<16x128xf32, #tpu.memory_space<vmem>>
    %dma_wait3A_495 = arith.constant 512 : i32
    %dma_wait3A_496 = tpu.memref_slice %arg4[%add3A_371, %dma_wait3A_495] : memref<51200x1000xf32, #tpu.memory_space<hbm>> -> memref<16x128xf32, #tpu.memory_space<hbm>>
    %dma_wait3A_497 = arith.constant 512 : i32
    %dma_wait3A_498 = tpu.memref_slice %arg4[%add3A_371, %dma_wait3A_497] : memref<51200x1000xf32, #tpu.memory_space<hbm>> -> memref<16x128xf32, #tpu.memory_space<hbm>>
    %dma_wait3A_499 = arith.constant 0 : i32
    %dma_wait3A_500 = arith.constant 512 : i32
    %dma_wait3A_501 = tpu.memref_slice %arg9[%dma_wait3A_499, %dma_wait3A_500] : memref<16x1024xf32, #tpu.memory_space<vmem>> -> memref<16x128xf32, #tpu.memory_space<vmem>>
    tpu.wait_dma2 semaphore(%arg19 : memref<!tpu.dma_semaphore, #tpu.memory_space<semaphore_mem>>) src(%dma_wait3A_501 : memref<16x128xf32, #tpu.memory_space<vmem>>) dst(%dma_wait3A_498 : memref<16x128xf32, #tpu.memory_space<hbm>>)
    %dma_wait3A_502 = arith.constant 0 : i32
    %dma_wait3A_503 = arith.constant 640 : i32
    %dma_wait3A_504 = tpu.memref_slice %arg9[%dma_wait3A_502, %dma_wait3A_503] : memref<16x1024xf32, #tpu.memory_space<vmem>> -> memref<16x128xf32, #tpu.memory_space<vmem>>
    %dma_wait3A_505 = arith.constant 640 : i32
    %dma_wait3A_506 = tpu.memref_slice %arg4[%add3A_371, %dma_wait3A_505] : memref<51200x1000xf32, #tpu.memory_space<hbm>> -> memref<16x128xf32, #tpu.memory_space<hbm>>
    %dma_wait3A_507 = arith.constant 640 : i32
    %dma_wait3A_508 = tpu.memref_slice %arg4[%add3A_371, %dma_wait3A_507] : memref<51200x1000xf32, #tpu.memory_space<hbm>> -> memref<16x128xf32, #tpu.memory_space<hbm>>
    %dma_wait3A_509 = arith.constant 0 : i32
    %dma_wait3A_510 = arith.constant 640 : i32
    %dma_wait3A_511 = tpu.memref_slice %arg9[%dma_wait3A_509, %dma_wait3A_510] : memref<16x1024xf32, #tpu.memory_space<vmem>> -> memref<16x128xf32, #tpu.memory_space<vmem>>
    tpu.wait_dma2 semaphore(%arg19 : memref<!tpu.dma_semaphore, #tpu.memory_space<semaphore_mem>>) src(%dma_wait3A_511 : memref<16x128xf32, #tpu.memory_space<vmem>>) dst(%dma_wait3A_508 : memref<16x128xf32, #tpu.memory_space<hbm>>)
    %dma_wait3A_512 = arith.constant 0 : i32
    %dma_wait3A_513 = arith.constant 768 : i32
    %dma_wait3A_514 = tpu.memref_slice %arg9[%dma_wait3A_512, %dma_wait3A_513] : memref<16x1024xf32, #tpu.memory_space<vmem>> -> memref<16x128xf32, #tpu.memory_space<vmem>>
    %dma_wait3A_515 = arith.constant 768 : i32
    %dma_wait3A_516 = tpu.memref_slice %arg4[%add3A_371, %dma_wait3A_515] : memref<51200x1000xf32, #tpu.memory_space<hbm>> -> memref<16x128xf32, #tpu.memory_space<hbm>>
    %dma_wait3A_517 = arith.constant 768 : i32
    %dma_wait3A_518 = tpu.memref_slice %arg4[%add3A_371, %dma_wait3A_517] : memref<51200x1000xf32, #tpu.memory_space<hbm>> -> memref<16x128xf32, #tpu.memory_space<hbm>>
    %dma_wait3A_519 = arith.constant 0 : i32
    %dma_wait3A_520 = arith.constant 768 : i32
    %dma_wait3A_521 = tpu.memref_slice %arg9[%dma_wait3A_519, %dma_wait3A_520] : memref<16x1024xf32, #tpu.memory_space<vmem>> -> memref<16x128xf32, #tpu.memory_space<vmem>>
    tpu.wait_dma2 semaphore(%arg19 : memref<!tpu.dma_semaphore, #tpu.memory_space<semaphore_mem>>) src(%dma_wait3A_521 : memref<16x128xf32, #tpu.memory_space<vmem>>) dst(%dma_wait3A_518 : memref<16x128xf32, #tpu.memory_space<hbm>>)
    %dma_wait3A_522 = arith.constant 0 : i32
    %dma_wait3A_523 = arith.constant 896 : i32
    %dma_wait3A_524 = tpu.memref_slice %arg9[%dma_wait3A_522, %dma_wait3A_523] : memref<16x1024xf32, #tpu.memory_space<vmem>> -> memref<16x128xf32, #tpu.memory_space<vmem>>
    %dma_wait3A_525 = arith.constant 0 : i32
    %dma_wait3A_526 = tpu.memref_slice %arg5[%add3A_371, %dma_wait3A_525] : memref<51200x128xf32, #tpu.memory_space<hbm>> -> memref<16x128xf32, #tpu.memory_space<hbm>>
    %dma_wait3A_527 = arith.constant 0 : i32
    %dma_wait3A_528 = tpu.memref_slice %arg5[%add3A_371, %dma_wait3A_527] : memref<51200x128xf32, #tpu.memory_space<hbm>> -> memref<16x128xf32, #tpu.memory_space<hbm>>
    %dma_wait3A_529 = arith.constant 0 : i32
    %dma_wait3A_530 = arith.constant 896 : i32
    %dma_wait3A_531 = tpu.memref_slice %arg9[%dma_wait3A_529, %dma_wait3A_530] : memref<16x1024xf32, #tpu.memory_space<vmem>> -> memref<16x128xf32, #tpu.memory_space<vmem>>
    tpu.wait_dma2 semaphore(%arg19 : memref<!tpu.dma_semaphore, #tpu.memory_space<semaphore_mem>>) src(%dma_wait3A_531 : memref<16x128xf32, #tpu.memory_space<vmem>>) dst(%dma_wait3A_528 : memref<16x128xf32, #tpu.memory_space<hbm>>)
    %dma_wait3A_532 = arith.constant 0 : i32
    %dma_wait3A_533 = tpu.memref_slice %arg6[%dma_wait3A_532] : memref<1600xi32, #tpu.memory_space<vmem>> -> memref<16xi32, #tpu.memory_space<vmem>>
    %dma_wait3A_534 = arith.constant 0 : i32
    %dma_wait3A_535 = arith.constant 0 : i32
    %dma_wait3A_536 = tpu.memref_slice %arg2[%dma_wait3A_534, %dma_wait3A_535] : memref<1000x1024xf32, #tpu.memory_space<hbm>> -> memref<1000x1024xf32, #tpu.memory_space<hbm>>
    tpu.wait_indirect_dma semaphore(%arg15 : memref<!tpu.dma_semaphore, #tpu.memory_space<semaphore_mem>>) src(%dma_wait3A_536 : memref<1000x1024xf32, #tpu.memory_space<hbm>>) dst(%arg10 : memref<16x1024xf32, #tpu.memory_space<vmem>>)
    %add3A_537 = arith.constant 1568 : i32
    %add3A_538 = arith.addi %mul3A_2, %add3A_537 : i32
    %dma_start3A_539 = arith.constant 0 : i32
    %dma_start3A_540 = arith.constant 0 : i32
    %dma_start3A_541 = tpu.memref_slice %arg10[%dma_start3A_539, %dma_start3A_540] : memref<16x1024xf32, #tpu.memory_space<vmem>> -> memref<16x128xf32, #tpu.memory_space<vmem>>
    %dma_start3A_542 = arith.constant 0 : i32
    %dma_start3A_543 = tpu.memref_slice %arg4[%add3A_538, %dma_start3A_542] : memref<51200x1000xf32, #tpu.memory_space<hbm>> -> memref<16x128xf32, #tpu.memory_space<hbm>>
    %dma_start3A_544 = arith.constant 0 : i32
    %dma_start3A_545 = tpu.memref_slice %arg4[%add3A_538, %dma_start3A_544] : memref<51200x1000xf32, #tpu.memory_space<hbm>> -> memref<16x128xf32, #tpu.memory_space<hbm>>
    %dma_start3A_546 = arith.constant 0 : i32
    %dma_start3A_547 = arith.constant 0 : i32
    %dma_start3A_548 = tpu.memref_slice %arg10[%dma_start3A_546, %dma_start3A_547] : memref<16x1024xf32, #tpu.memory_space<vmem>> -> memref<16x128xf32, #tpu.memory_space<vmem>>
    tpu.enqueue_dma source(%dma_start3A_548 : memref<16x128xf32, #tpu.memory_space<vmem>>) target(%dma_start3A_545 : memref<16x128xf32, #tpu.memory_space<hbm>>) target_semaphore(%arg20 : memref<!tpu.dma_semaphore, #tpu.memory_space<semaphore_mem>>)
    %dma_start3A_549 = arith.constant 0 : i32
    %dma_start3A_550 = arith.constant 128 : i32
    %dma_start3A_551 = tpu.memref_slice %arg10[%dma_start3A_549, %dma_start3A_550] : memref<16x1024xf32, #tpu.memory_space<vmem>> -> memref<16x128xf32, #tpu.memory_space<vmem>>
    %dma_start3A_552 = arith.constant 128 : i32
    %dma_start3A_553 = tpu.memref_slice %arg4[%add3A_538, %dma_start3A_552] : memref<51200x1000xf32, #tpu.memory_space<hbm>> -> memref<16x128xf32, #tpu.memory_space<hbm>>
    %dma_start3A_554 = arith.constant 128 : i32
    %dma_start3A_555 = tpu.memref_slice %arg4[%add3A_538, %dma_start3A_554] : memref<51200x1000xf32, #tpu.memory_space<hbm>> -> memref<16x128xf32, #tpu.memory_space<hbm>>
    %dma_start3A_556 = arith.constant 0 : i32
    %dma_start3A_557 = arith.constant 128 : i32
    %dma_start3A_558 = tpu.memref_slice %arg10[%dma_start3A_556, %dma_start3A_557] : memref<16x1024xf32, #tpu.memory_space<vmem>> -> memref<16x128xf32, #tpu.memory_space<vmem>>
    tpu.enqueue_dma source(%dma_start3A_558 : memref<16x128xf32, #tpu.memory_space<vmem>>) target(%dma_start3A_555 : memref<16x128xf32, #tpu.memory_space<hbm>>) target_semaphore(%arg20 : memref<!tpu.dma_semaphore, #tpu.memory_space<semaphore_mem>>)
    %dma_start3A_559 = arith.constant 0 : i32
    %dma_start3A_560 = arith.constant 256 : i32
    %dma_start3A_561 = tpu.memref_slice %arg10[%dma_start3A_559, %dma_start3A_560] : memref<16x1024xf32, #tpu.memory_space<vmem>> -> memref<16x128xf32, #tpu.memory_space<vmem>>
    %dma_start3A_562 = arith.constant 256 : i32
    %dma_start3A_563 = tpu.memref_slice %arg4[%add3A_538, %dma_start3A_562] : memref<51200x1000xf32, #tpu.memory_space<hbm>> -> memref<16x128xf32, #tpu.memory_space<hbm>>
    %dma_start3A_564 = arith.constant 256 : i32
    %dma_start3A_565 = tpu.memref_slice %arg4[%add3A_538, %dma_start3A_564] : memref<51200x1000xf32, #tpu.memory_space<hbm>> -> memref<16x128xf32, #tpu.memory_space<hbm>>
    %dma_start3A_566 = arith.constant 0 : i32
    %dma_start3A_567 = arith.constant 256 : i32
    %dma_start3A_568 = tpu.memref_slice %arg10[%dma_start3A_566, %dma_start3A_567] : memref<16x1024xf32, #tpu.memory_space<vmem>> -> memref<16x128xf32, #tpu.memory_space<vmem>>
    tpu.enqueue_dma source(%dma_start3A_568 : memref<16x128xf32, #tpu.memory_space<vmem>>) target(%dma_start3A_565 : memref<16x128xf32, #tpu.memory_space<hbm>>) target_semaphore(%arg20 : memref<!tpu.dma_semaphore, #tpu.memory_space<semaphore_mem>>)
    %dma_start3A_569 = arith.constant 0 : i32
    %dma_start3A_570 = arith.constant 384 : i32
    %dma_start3A_571 = tpu.memref_slice %arg10[%dma_start3A_569, %dma_start3A_570] : memref<16x1024xf32, #tpu.memory_space<vmem>> -> memref<16x128xf32, #tpu.memory_space<vmem>>
    %dma_start3A_572 = arith.constant 384 : i32
    %dma_start3A_573 = tpu.memref_slice %arg4[%add3A_538, %dma_start3A_572] : memref<51200x1000xf32, #tpu.memory_space<hbm>> -> memref<16x128xf32, #tpu.memory_space<hbm>>
    %dma_start3A_574 = arith.constant 384 : i32
    %dma_start3A_575 = tpu.memref_slice %arg4[%add3A_538, %dma_start3A_574] : memref<51200x1000xf32, #tpu.memory_space<hbm>> -> memref<16x128xf32, #tpu.memory_space<hbm>>
    %dma_start3A_576 = arith.constant 0 : i32
    %dma_start3A_577 = arith.constant 384 : i32
    %dma_start3A_578 = tpu.memref_slice %arg10[%dma_start3A_576, %dma_start3A_577] : memref<16x1024xf32, #tpu.memory_space<vmem>> -> memref<16x128xf32, #tpu.memory_space<vmem>>
    tpu.enqueue_dma source(%dma_start3A_578 : memref<16x128xf32, #tpu.memory_space<vmem>>) target(%dma_start3A_575 : memref<16x128xf32, #tpu.memory_space<hbm>>) target_semaphore(%arg20 : memref<!tpu.dma_semaphore, #tpu.memory_space<semaphore_mem>>)
    %dma_start3A_579 = arith.constant 0 : i32
    %dma_start3A_580 = arith.constant 512 : i32
    %dma_start3A_581 = tpu.memref_slice %arg10[%dma_start3A_579, %dma_start3A_580] : memref<16x1024xf32, #tpu.memory_space<vmem>> -> memref<16x128xf32, #tpu.memory_space<vmem>>
    %dma_start3A_582 = arith.constant 512 : i32
    %dma_start3A_583 = tpu.memref_slice %arg4[%add3A_538, %dma_start3A_582] : memref<51200x1000xf32, #tpu.memory_space<hbm>> -> memref<16x128xf32, #tpu.memory_space<hbm>>
    %dma_start3A_584 = arith.constant 512 : i32
    %dma_start3A_585 = tpu.memref_slice %arg4[%add3A_538, %dma_start3A_584] : memref<51200x1000xf32, #tpu.memory_space<hbm>> -> memref<16x128xf32, #tpu.memory_space<hbm>>
    %dma_start3A_586 = arith.constant 0 : i32
    %dma_start3A_587 = arith.constant 512 : i32
    %dma_start3A_588 = tpu.memref_slice %arg10[%dma_start3A_586, %dma_start3A_587] : memref<16x1024xf32, #tpu.memory_space<vmem>> -> memref<16x128xf32, #tpu.memory_space<vmem>>
    tpu.enqueue_dma source(%dma_start3A_588 : memref<16x128xf32, #tpu.memory_space<vmem>>) target(%dma_start3A_585 : memref<16x128xf32, #tpu.memory_space<hbm>>) target_semaphore(%arg20 : memref<!tpu.dma_semaphore, #tpu.memory_space<semaphore_mem>>)
    %dma_start3A_589 = arith.constant 0 : i32
    %dma_start3A_590 = arith.constant 640 : i32
    %dma_start3A_591 = tpu.memref_slice %arg10[%dma_start3A_589, %dma_start3A_590] : memref<16x1024xf32, #tpu.memory_space<vmem>> -> memref<16x128xf32, #tpu.memory_space<vmem>>
    %dma_start3A_592 = arith.constant 640 : i32
    %dma_start3A_593 = tpu.memref_slice %arg4[%add3A_538, %dma_start3A_592] : memref<51200x1000xf32, #tpu.memory_space<hbm>> -> memref<16x128xf32, #tpu.memory_space<hbm>>
    %dma_start3A_594 = arith.constant 640 : i32
    %dma_start3A_595 = tpu.memref_slice %arg4[%add3A_538, %dma_start3A_594] : memref<51200x1000xf32, #tpu.memory_space<hbm>> -> memref<16x128xf32, #tpu.memory_space<hbm>>
    %dma_start3A_596 = arith.constant 0 : i32
    %dma_start3A_597 = arith.constant 640 : i32
    %dma_start3A_598 = tpu.memref_slice %arg10[%dma_start3A_596, %dma_start3A_597] : memref<16x1024xf32, #tpu.memory_space<vmem>> -> memref<16x128xf32, #tpu.memory_space<vmem>>
    tpu.enqueue_dma source(%dma_start3A_598 : memref<16x128xf32, #tpu.memory_space<vmem>>) target(%dma_start3A_595 : memref<16x128xf32, #tpu.memory_space<hbm>>) target_semaphore(%arg20 : memref<!tpu.dma_semaphore, #tpu.memory_space<semaphore_mem>>)
    %dma_start3A_599 = arith.constant 0 : i32
    %dma_start3A_600 = arith.constant 768 : i32
    %dma_start3A_601 = tpu.memref_slice %arg10[%dma_start3A_599, %dma_start3A_600] : memref<16x1024xf32, #tpu.memory_space<vmem>> -> memref<16x128xf32, #tpu.memory_space<vmem>>
    %dma_start3A_602 = arith.constant 768 : i32
    %dma_start3A_603 = tpu.memref_slice %arg4[%add3A_538, %dma_start3A_602] : memref<51200x1000xf32, #tpu.memory_space<hbm>> -> memref<16x128xf32, #tpu.memory_space<hbm>>
    %dma_start3A_604 = arith.constant 768 : i32
    %dma_start3A_605 = tpu.memref_slice %arg4[%add3A_538, %dma_start3A_604] : memref<51200x1000xf32, #tpu.memory_space<hbm>> -> memref<16x128xf32, #tpu.memory_space<hbm>>
    %dma_start3A_606 = arith.constant 0 : i32
    %dma_start3A_607 = arith.constant 768 : i32
    %dma_start3A_608 = tpu.memref_slice %arg10[%dma_start3A_606, %dma_start3A_607] : memref<16x1024xf32, #tpu.memory_space<vmem>> -> memref<16x128xf32, #tpu.memory_space<vmem>>
    tpu.enqueue_dma source(%dma_start3A_608 : memref<16x128xf32, #tpu.memory_space<vmem>>) target(%dma_start3A_605 : memref<16x128xf32, #tpu.memory_space<hbm>>) target_semaphore(%arg20 : memref<!tpu.dma_semaphore, #tpu.memory_space<semaphore_mem>>)
    %dma_start3A_609 = arith.constant 0 : i32
    %dma_start3A_610 = arith.constant 896 : i32
    %dma_start3A_611 = tpu.memref_slice %arg10[%dma_start3A_609, %dma_start3A_610] : memref<16x1024xf32, #tpu.memory_space<vmem>> -> memref<16x128xf32, #tpu.memory_space<vmem>>
    %dma_start3A_612 = arith.constant 0 : i32
    %dma_start3A_613 = tpu.memref_slice %arg5[%add3A_538, %dma_start3A_612] : memref<51200x128xf32, #tpu.memory_space<hbm>> -> memref<16x128xf32, #tpu.memory_space<hbm>>
    %dma_start3A_614 = arith.constant 0 : i32
    %dma_start3A_615 = tpu.memref_slice %arg5[%add3A_538, %dma_start3A_614] : memref<51200x128xf32, #tpu.memory_space<hbm>> -> memref<16x128xf32, #tpu.memory_space<hbm>>
    %dma_start3A_616 = arith.constant 0 : i32
    %dma_start3A_617 = arith.constant 896 : i32
    %dma_start3A_618 = tpu.memref_slice %arg10[%dma_start3A_616, %dma_start3A_617] : memref<16x1024xf32, #tpu.memory_space<vmem>> -> memref<16x128xf32, #tpu.memory_space<vmem>>
    tpu.enqueue_dma source(%dma_start3A_618 : memref<16x128xf32, #tpu.memory_space<vmem>>) target(%dma_start3A_615 : memref<16x128xf32, #tpu.memory_space<hbm>>) target_semaphore(%arg20 : memref<!tpu.dma_semaphore, #tpu.memory_space<semaphore_mem>>)
    %dma_wait3A_619 = arith.constant 0 : i32
    %dma_wait3A_620 = arith.constant 0 : i32
    %dma_wait3A_621 = tpu.memref_slice %arg10[%dma_wait3A_619, %dma_wait3A_620] : memref<16x1024xf32, #tpu.memory_space<vmem>> -> memref<16x128xf32, #tpu.memory_space<vmem>>
    %dma_wait3A_622 = arith.constant 0 : i32
    %dma_wait3A_623 = tpu.memref_slice %arg4[%add3A_538, %dma_wait3A_622] : memref<51200x1000xf32, #tpu.memory_space<hbm>> -> memref<16x128xf32, #tpu.memory_space<hbm>>
    %dma_wait3A_624 = arith.constant 0 : i32
    %dma_wait3A_625 = tpu.memref_slice %arg4[%add3A_538, %dma_wait3A_624] : memref<51200x1000xf32, #tpu.memory_space<hbm>> -> memref<16x128xf32, #tpu.memory_space<hbm>>
    %dma_wait3A_626 = arith.constant 0 : i32
    %dma_wait3A_627 = arith.constant 0 : i32
    %dma_wait3A_628 = tpu.memref_slice %arg10[%dma_wait3A_626, %dma_wait3A_627] : memref<16x1024xf32, #tpu.memory_space<vmem>> -> memref<16x128xf32, #tpu.memory_space<vmem>>
    tpu.wait_dma2 semaphore(%arg20 : memref<!tpu.dma_semaphore, #tpu.memory_space<semaphore_mem>>) src(%dma_wait3A_628 : memref<16x128xf32, #tpu.memory_space<vmem>>) dst(%dma_wait3A_625 : memref<16x128xf32, #tpu.memory_space<hbm>>)
    %dma_wait3A_629 = arith.constant 0 : i32
    %dma_wait3A_630 = arith.constant 128 : i32
    %dma_wait3A_631 = tpu.memref_slice %arg10[%dma_wait3A_629, %dma_wait3A_630] : memref<16x1024xf32, #tpu.memory_space<vmem>> -> memref<16x128xf32, #tpu.memory_space<vmem>>
    %dma_wait3A_632 = arith.constant 128 : i32
    %dma_wait3A_633 = tpu.memref_slice %arg4[%add3A_538, %dma_wait3A_632] : memref<51200x1000xf32, #tpu.memory_space<hbm>> -> memref<16x128xf32, #tpu.memory_space<hbm>>
    %dma_wait3A_634 = arith.constant 128 : i32
    %dma_wait3A_635 = tpu.memref_slice %arg4[%add3A_538, %dma_wait3A_634] : memref<51200x1000xf32, #tpu.memory_space<hbm>> -> memref<16x128xf32, #tpu.memory_space<hbm>>
    %dma_wait3A_636 = arith.constant 0 : i32
    %dma_wait3A_637 = arith.constant 128 : i32
    %dma_wait3A_638 = tpu.memref_slice %arg10[%dma_wait3A_636, %dma_wait3A_637] : memref<16x1024xf32, #tpu.memory_space<vmem>> -> memref<16x128xf32, #tpu.memory_space<vmem>>
    tpu.wait_dma2 semaphore(%arg20 : memref<!tpu.dma_semaphore, #tpu.memory_space<semaphore_mem>>) src(%dma_wait3A_638 : memref<16x128xf32, #tpu.memory_space<vmem>>) dst(%dma_wait3A_635 : memref<16x128xf32, #tpu.memory_space<hbm>>)
    %dma_wait3A_639 = arith.constant 0 : i32
    %dma_wait3A_640 = arith.constant 256 : i32
    %dma_wait3A_641 = tpu.memref_slice %arg10[%dma_wait3A_639, %dma_wait3A_640] : memref<16x1024xf32, #tpu.memory_space<vmem>> -> memref<16x128xf32, #tpu.memory_space<vmem>>
    %dma_wait3A_642 = arith.constant 256 : i32
    %dma_wait3A_643 = tpu.memref_slice %arg4[%add3A_538, %dma_wait3A_642] : memref<51200x1000xf32, #tpu.memory_space<hbm>> -> memref<16x128xf32, #tpu.memory_space<hbm>>
    %dma_wait3A_644 = arith.constant 256 : i32
    %dma_wait3A_645 = tpu.memref_slice %arg4[%add3A_538, %dma_wait3A_644] : memref<51200x1000xf32, #tpu.memory_space<hbm>> -> memref<16x128xf32, #tpu.memory_space<hbm>>
    %dma_wait3A_646 = arith.constant 0 : i32
    %dma_wait3A_647 = arith.constant 256 : i32
    %dma_wait3A_648 = tpu.memref_slice %arg10[%dma_wait3A_646, %dma_wait3A_647] : memref<16x1024xf32, #tpu.memory_space<vmem>> -> memref<16x128xf32, #tpu.memory_space<vmem>>
    tpu.wait_dma2 semaphore(%arg20 : memref<!tpu.dma_semaphore, #tpu.memory_space<semaphore_mem>>) src(%dma_wait3A_648 : memref<16x128xf32, #tpu.memory_space<vmem>>) dst(%dma_wait3A_645 : memref<16x128xf32, #tpu.memory_space<hbm>>)
    %dma_wait3A_649 = arith.constant 0 : i32
    %dma_wait3A_650 = arith.constant 384 : i32
    %dma_wait3A_651 = tpu.memref_slice %arg10[%dma_wait3A_649, %dma_wait3A_650] : memref<16x1024xf32, #tpu.memory_space<vmem>> -> memref<16x128xf32, #tpu.memory_space<vmem>>
    %dma_wait3A_652 = arith.constant 384 : i32
    %dma_wait3A_653 = tpu.memref_slice %arg4[%add3A_538, %dma_wait3A_652] : memref<51200x1000xf32, #tpu.memory_space<hbm>> -> memref<16x128xf32, #tpu.memory_space<hbm>>
    %dma_wait3A_654 = arith.constant 384 : i32
    %dma_wait3A_655 = tpu.memref_slice %arg4[%add3A_538, %dma_wait3A_654] : memref<51200x1000xf32, #tpu.memory_space<hbm>> -> memref<16x128xf32, #tpu.memory_space<hbm>>
    %dma_wait3A_656 = arith.constant 0 : i32
    %dma_wait3A_657 = arith.constant 384 : i32
    %dma_wait3A_658 = tpu.memref_slice %arg10[%dma_wait3A_656, %dma_wait3A_657] : memref<16x1024xf32, #tpu.memory_space<vmem>> -> memref<16x128xf32, #tpu.memory_space<vmem>>
    tpu.wait_dma2 semaphore(%arg20 : memref<!tpu.dma_semaphore, #tpu.memory_space<semaphore_mem>>) src(%dma_wait3A_658 : memref<16x128xf32, #tpu.memory_space<vmem>>) dst(%dma_wait3A_655 : memref<16x128xf32, #tpu.memory_space<hbm>>)
    %dma_wait3A_659 = arith.constant 0 : i32
    %dma_wait3A_660 = arith.constant 512 : i32
    %dma_wait3A_661 = tpu.memref_slice %arg10[%dma_wait3A_659, %dma_wait3A_660] : memref<16x1024xf32, #tpu.memory_space<vmem>> -> memref<16x128xf32, #tpu.memory_space<vmem>>
    %dma_wait3A_662 = arith.constant 512 : i32
    %dma_wait3A_663 = tpu.memref_slice %arg4[%add3A_538, %dma_wait3A_662] : memref<51200x1000xf32, #tpu.memory_space<hbm>> -> memref<16x128xf32, #tpu.memory_space<hbm>>
    %dma_wait3A_664 = arith.constant 512 : i32
    %dma_wait3A_665 = tpu.memref_slice %arg4[%add3A_538, %dma_wait3A_664] : memref<51200x1000xf32, #tpu.memory_space<hbm>> -> memref<16x128xf32, #tpu.memory_space<hbm>>
    %dma_wait3A_666 = arith.constant 0 : i32
    %dma_wait3A_667 = arith.constant 512 : i32
    %dma_wait3A_668 = tpu.memref_slice %arg10[%dma_wait3A_666, %dma_wait3A_667] : memref<16x1024xf32, #tpu.memory_space<vmem>> -> memref<16x128xf32, #tpu.memory_space<vmem>>
    tpu.wait_dma2 semaphore(%arg20 : memref<!tpu.dma_semaphore, #tpu.memory_space<semaphore_mem>>) src(%dma_wait3A_668 : memref<16x128xf32, #tpu.memory_space<vmem>>) dst(%dma_wait3A_665 : memref<16x128xf32, #tpu.memory_space<hbm>>)
    %dma_wait3A_669 = arith.constant 0 : i32
    %dma_wait3A_670 = arith.constant 640 : i32
    %dma_wait3A_671 = tpu.memref_slice %arg10[%dma_wait3A_669, %dma_wait3A_670] : memref<16x1024xf32, #tpu.memory_space<vmem>> -> memref<16x128xf32, #tpu.memory_space<vmem>>
    %dma_wait3A_672 = arith.constant 640 : i32
    %dma_wait3A_673 = tpu.memref_slice %arg4[%add3A_538, %dma_wait3A_672] : memref<51200x1000xf32, #tpu.memory_space<hbm>> -> memref<16x128xf32, #tpu.memory_space<hbm>>
    %dma_wait3A_674 = arith.constant 640 : i32
    %dma_wait3A_675 = tpu.memref_slice %arg4[%add3A_538, %dma_wait3A_674] : memref<51200x1000xf32, #tpu.memory_space<hbm>> -> memref<16x128xf32, #tpu.memory_space<hbm>>
    %dma_wait3A_676 = arith.constant 0 : i32
    %dma_wait3A_677 = arith.constant 640 : i32
    %dma_wait3A_678 = tpu.memref_slice %arg10[%dma_wait3A_676, %dma_wait3A_677] : memref<16x1024xf32, #tpu.memory_space<vmem>> -> memref<16x128xf32, #tpu.memory_space<vmem>>
    tpu.wait_dma2 semaphore(%arg20 : memref<!tpu.dma_semaphore, #tpu.memory_space<semaphore_mem>>) src(%dma_wait3A_678 : memref<16x128xf32, #tpu.memory_space<vmem>>) dst(%dma_wait3A_675 : memref<16x128xf32, #tpu.memory_space<hbm>>)
    %dma_wait3A_679 = arith.constant 0 : i32
    %dma_wait3A_680 = arith.constant 768 : i32
    %dma_wait3A_681 = tpu.memref_slice %arg10[%dma_wait3A_679, %dma_wait3A_680] : memref<16x1024xf32, #tpu.memory_space<vmem>> -> memref<16x128xf32, #tpu.memory_space<vmem>>
    %dma_wait3A_682 = arith.constant 768 : i32
    %dma_wait3A_683 = tpu.memref_slice %arg4[%add3A_538, %dma_wait3A_682] : memref<51200x1000xf32, #tpu.memory_space<hbm>> -> memref<16x128xf32, #tpu.memory_space<hbm>>
    %dma_wait3A_684 = arith.constant 768 : i32
    %dma_wait3A_685 = tpu.memref_slice %arg4[%add3A_538, %dma_wait3A_684] : memref<51200x1000xf32, #tpu.memory_space<hbm>> -> memref<16x128xf32, #tpu.memory_space<hbm>>
    %dma_wait3A_686 = arith.constant 0 : i32
    %dma_wait3A_687 = arith.constant 768 : i32
    %dma_wait3A_688 = tpu.memref_slice %arg10[%dma_wait3A_686, %dma_wait3A_687] : memref<16x1024xf32, #tpu.memory_space<vmem>> -> memref<16x128xf32, #tpu.memory_space<vmem>>
    tpu.wait_dma2 semaphore(%arg20 : memref<!tpu.dma_semaphore, #tpu.memory_space<semaphore_mem>>) src(%dma_wait3A_688 : memref<16x128xf32, #tpu.memory_space<vmem>>) dst(%dma_wait3A_685 : memref<16x128xf32, #tpu.memory_space<hbm>>)
    %dma_wait3A_689 = arith.constant 0 : i32
    %dma_wait3A_690 = arith.constant 896 : i32
    %dma_wait3A_691 = tpu.memref_slice %arg10[%dma_wait3A_689, %dma_wait3A_690] : memref<16x1024xf32, #tpu.memory_space<vmem>> -> memref<16x128xf32, #tpu.memory_space<vmem>>
    %dma_wait3A_692 = arith.constant 0 : i32
    %dma_wait3A_693 = tpu.memref_slice %arg5[%add3A_538, %dma_wait3A_692] : memref<51200x128xf32, #tpu.memory_space<hbm>> -> memref<16x128xf32, #tpu.memory_space<hbm>>
    %dma_wait3A_694 = arith.constant 0 : i32
    %dma_wait3A_695 = tpu.memref_slice %arg5[%add3A_538, %dma_wait3A_694] : memref<51200x128xf32, #tpu.memory_space<hbm>> -> memref<16x128xf32, #tpu.memory_space<hbm>>
    %dma_wait3A_696 = arith.constant 0 : i32
    %dma_wait3A_697 = arith.constant 896 : i32
    %dma_wait3A_698 = tpu.memref_slice %arg10[%dma_wait3A_696, %dma_wait3A_697] : memref<16x1024xf32, #tpu.memory_space<vmem>> -> memref<16x128xf32, #tpu.memory_space<vmem>>
    tpu.wait_dma2 semaphore(%arg20 : memref<!tpu.dma_semaphore, #tpu.memory_space<semaphore_mem>>) src(%dma_wait3A_698 : memref<16x128xf32, #tpu.memory_space<vmem>>) dst(%dma_wait3A_695 : memref<16x128xf32, #tpu.memory_space<hbm>>)
    %dma_wait3A_699 = arith.constant 0 : i32
    %dma_wait3A_700 = tpu.memref_slice %arg6[%dma_wait3A_699] : memref<1600xi32, #tpu.memory_space<vmem>> -> memref<16xi32, #tpu.memory_space<vmem>>
    %dma_wait3A_701 = arith.constant 0 : i32
    %dma_wait3A_702 = arith.constant 0 : i32
    %dma_wait3A_703 = tpu.memref_slice %arg2[%dma_wait3A_701, %dma_wait3A_702] : memref<1000x1024xf32, #tpu.memory_space<hbm>> -> memref<1000x1024xf32, #tpu.memory_space<hbm>>
    tpu.wait_indirect_dma semaphore(%arg16 : memref<!tpu.dma_semaphore, #tpu.memory_space<semaphore_mem>>) src(%dma_wait3A_703 : memref<1000x1024xf32, #tpu.memory_space<hbm>>) dst(%arg11 : memref<16x1024xf32, #tpu.memory_space<vmem>>)
    %add3A_704 = arith.constant 1584 : i32
    %add3A_705 = arith.addi %mul3A_2, %add3A_704 : i32
    %dma_start3A_706 = arith.constant 0 : i32
    %dma_start3A_707 = arith.constant 0 : i32
    %dma_start3A_708 = tpu.memref_slice %arg11[%dma_start3A_706, %dma_start3A_707] : memref<16x1024xf32, #tpu.memory_space<vmem>> -> memref<16x128xf32, #tpu.memory_space<vmem>>
    %dma_start3A_709 = arith.constant 0 : i32
    %dma_start3A_710 = tpu.memref_slice %arg4[%add3A_705, %dma_start3A_709] : memref<51200x1000xf32, #tpu.memory_space<hbm>> -> memref<16x128xf32, #tpu.memory_space<hbm>>
    %dma_start3A_711 = arith.constant 0 : i32
    %dma_start3A_712 = tpu.memref_slice %arg4[%add3A_705, %dma_start3A_711] : memref<51200x1000xf32, #tpu.memory_space<hbm>> -> memref<16x128xf32, #tpu.memory_space<hbm>>
    %dma_start3A_713 = arith.constant 0 : i32
    %dma_start3A_714 = arith.constant 0 : i32
    %dma_start3A_715 = tpu.memref_slice %arg11[%dma_start3A_713, %dma_start3A_714] : memref<16x1024xf32, #tpu.memory_space<vmem>> -> memref<16x128xf32, #tpu.memory_space<vmem>>
    tpu.enqueue_dma source(%dma_start3A_715 : memref<16x128xf32, #tpu.memory_space<vmem>>) target(%dma_start3A_712 : memref<16x128xf32, #tpu.memory_space<hbm>>) target_semaphore(%arg21 : memref<!tpu.dma_semaphore, #tpu.memory_space<semaphore_mem>>)
    %dma_start3A_716 = arith.constant 0 : i32
    %dma_start3A_717 = arith.constant 128 : i32
    %dma_start3A_718 = tpu.memref_slice %arg11[%dma_start3A_716, %dma_start3A_717] : memref<16x1024xf32, #tpu.memory_space<vmem>> -> memref<16x128xf32, #tpu.memory_space<vmem>>
    %dma_start3A_719 = arith.constant 128 : i32
    %dma_start3A_720 = tpu.memref_slice %arg4[%add3A_705, %dma_start3A_719] : memref<51200x1000xf32, #tpu.memory_space<hbm>> -> memref<16x128xf32, #tpu.memory_space<hbm>>
    %dma_start3A_721 = arith.constant 128 : i32
    %dma_start3A_722 = tpu.memref_slice %arg4[%add3A_705, %dma_start3A_721] : memref<51200x1000xf32, #tpu.memory_space<hbm>> -> memref<16x128xf32, #tpu.memory_space<hbm>>
    %dma_start3A_723 = arith.constant 0 : i32
    %dma_start3A_724 = arith.constant 128 : i32
    %dma_start3A_725 = tpu.memref_slice %arg11[%dma_start3A_723, %dma_start3A_724] : memref<16x1024xf32, #tpu.memory_space<vmem>> -> memref<16x128xf32, #tpu.memory_space<vmem>>
    tpu.enqueue_dma source(%dma_start3A_725 : memref<16x128xf32, #tpu.memory_space<vmem>>) target(%dma_start3A_722 : memref<16x128xf32, #tpu.memory_space<hbm>>) target_semaphore(%arg21 : memref<!tpu.dma_semaphore, #tpu.memory_space<semaphore_mem>>)
    %dma_start3A_726 = arith.constant 0 : i32
    %dma_start3A_727 = arith.constant 256 : i32
    %dma_start3A_728 = tpu.memref_slice %arg11[%dma_start3A_726, %dma_start3A_727] : memref<16x1024xf32, #tpu.memory_space<vmem>> -> memref<16x128xf32, #tpu.memory_space<vmem>>
    %dma_start3A_729 = arith.constant 256 : i32
    %dma_start3A_730 = tpu.memref_slice %arg4[%add3A_705, %dma_start3A_729] : memref<51200x1000xf32, #tpu.memory_space<hbm>> -> memref<16x128xf32, #tpu.memory_space<hbm>>
    %dma_start3A_731 = arith.constant 256 : i32
    %dma_start3A_732 = tpu.memref_slice %arg4[%add3A_705, %dma_start3A_731] : memref<51200x1000xf32, #tpu.memory_space<hbm>> -> memref<16x128xf32, #tpu.memory_space<hbm>>
    %dma_start3A_733 = arith.constant 0 : i32
    %dma_start3A_734 = arith.constant 256 : i32
    %dma_start3A_735 = tpu.memref_slice %arg11[%dma_start3A_733, %dma_start3A_734] : memref<16x1024xf32, #tpu.memory_space<vmem>> -> memref<16x128xf32, #tpu.memory_space<vmem>>
    tpu.enqueue_dma source(%dma_start3A_735 : memref<16x128xf32, #tpu.memory_space<vmem>>) target(%dma_start3A_732 : memref<16x128xf32, #tpu.memory_space<hbm>>) target_semaphore(%arg21 : memref<!tpu.dma_semaphore, #tpu.memory_space<semaphore_mem>>)
    %dma_start3A_736 = arith.constant 0 : i32
    %dma_start3A_737 = arith.constant 384 : i32
    %dma_start3A_738 = tpu.memref_slice %arg11[%dma_start3A_736, %dma_start3A_737] : memref<16x1024xf32, #tpu.memory_space<vmem>> -> memref<16x128xf32, #tpu.memory_space<vmem>>
    %dma_start3A_739 = arith.constant 384 : i32
    %dma_start3A_740 = tpu.memref_slice %arg4[%add3A_705, %dma_start3A_739] : memref<51200x1000xf32, #tpu.memory_space<hbm>> -> memref<16x128xf32, #tpu.memory_space<hbm>>
    %dma_start3A_741 = arith.constant 384 : i32
    %dma_start3A_742 = tpu.memref_slice %arg4[%add3A_705, %dma_start3A_741] : memref<51200x1000xf32, #tpu.memory_space<hbm>> -> memref<16x128xf32, #tpu.memory_space<hbm>>
    %dma_start3A_743 = arith.constant 0 : i32
    %dma_start3A_744 = arith.constant 384 : i32
    %dma_start3A_745 = tpu.memref_slice %arg11[%dma_start3A_743, %dma_start3A_744] : memref<16x1024xf32, #tpu.memory_space<vmem>> -> memref<16x128xf32, #tpu.memory_space<vmem>>
    tpu.enqueue_dma source(%dma_start3A_745 : memref<16x128xf32, #tpu.memory_space<vmem>>) target(%dma_start3A_742 : memref<16x128xf32, #tpu.memory_space<hbm>>) target_semaphore(%arg21 : memref<!tpu.dma_semaphore, #tpu.memory_space<semaphore_mem>>)
    %dma_start3A_746 = arith.constant 0 : i32
    %dma_start3A_747 = arith.constant 512 : i32
    %dma_start3A_748 = tpu.memref_slice %arg11[%dma_start3A_746, %dma_start3A_747] : memref<16x1024xf32, #tpu.memory_space<vmem>> -> memref<16x128xf32, #tpu.memory_space<vmem>>
    %dma_start3A_749 = arith.constant 512 : i32
    %dma_start3A_750 = tpu.memref_slice %arg4[%add3A_705, %dma_start3A_749] : memref<51200x1000xf32, #tpu.memory_space<hbm>> -> memref<16x128xf32, #tpu.memory_space<hbm>>
    %dma_start3A_751 = arith.constant 512 : i32
    %dma_start3A_752 = tpu.memref_slice %arg4[%add3A_705, %dma_start3A_751] : memref<51200x1000xf32, #tpu.memory_space<hbm>> -> memref<16x128xf32, #tpu.memory_space<hbm>>
    %dma_start3A_753 = arith.constant 0 : i32
    %dma_start3A_754 = arith.constant 512 : i32
    %dma_start3A_755 = tpu.memref_slice %arg11[%dma_start3A_753, %dma_start3A_754] : memref<16x1024xf32, #tpu.memory_space<vmem>> -> memref<16x128xf32, #tpu.memory_space<vmem>>
    tpu.enqueue_dma source(%dma_start3A_755 : memref<16x128xf32, #tpu.memory_space<vmem>>) target(%dma_start3A_752 : memref<16x128xf32, #tpu.memory_space<hbm>>) target_semaphore(%arg21 : memref<!tpu.dma_semaphore, #tpu.memory_space<semaphore_mem>>)
    %dma_start3A_756 = arith.constant 0 : i32
    %dma_start3A_757 = arith.constant 640 : i32
    %dma_start3A_758 = tpu.memref_slice %arg11[%dma_start3A_756, %dma_start3A_757] : memref<16x1024xf32, #tpu.memory_space<vmem>> -> memref<16x128xf32, #tpu.memory_space<vmem>>
    %dma_start3A_759 = arith.constant 640 : i32
    %dma_start3A_760 = tpu.memref_slice %arg4[%add3A_705, %dma_start3A_759] : memref<51200x1000xf32, #tpu.memory_space<hbm>> -> memref<16x128xf32, #tpu.memory_space<hbm>>
    %dma_start3A_761 = arith.constant 640 : i32
    %dma_start3A_762 = tpu.memref_slice %arg4[%add3A_705, %dma_start3A_761] : memref<51200x1000xf32, #tpu.memory_space<hbm>> -> memref<16x128xf32, #tpu.memory_space<hbm>>
    %dma_start3A_763 = arith.constant 0 : i32
    %dma_start3A_764 = arith.constant 640 : i32
    %dma_start3A_765 = tpu.memref_slice %arg11[%dma_start3A_763, %dma_start3A_764] : memref<16x1024xf32, #tpu.memory_space<vmem>> -> memref<16x128xf32, #tpu.memory_space<vmem>>
    tpu.enqueue_dma source(%dma_start3A_765 : memref<16x128xf32, #tpu.memory_space<vmem>>) target(%dma_start3A_762 : memref<16x128xf32, #tpu.memory_space<hbm>>) target_semaphore(%arg21 : memref<!tpu.dma_semaphore, #tpu.memory_space<semaphore_mem>>)
    %dma_start3A_766 = arith.constant 0 : i32
    %dma_start3A_767 = arith.constant 768 : i32
    %dma_start3A_768 = tpu.memref_slice %arg11[%dma_start3A_766, %dma_start3A_767] : memref<16x1024xf32, #tpu.memory_space<vmem>> -> memref<16x128xf32, #tpu.memory_space<vmem>>
    %dma_start3A_769 = arith.constant 768 : i32
    %dma_start3A_770 = tpu.memref_slice %arg4[%add3A_705, %dma_start3A_769] : memref<51200x1000xf32, #tpu.memory_space<hbm>> -> memref<16x128xf32, #tpu.memory_space<hbm>>
    %dma_start3A_771 = arith.constant 768 : i32
    %dma_start3A_772 = tpu.memref_slice %arg4[%add3A_705, %dma_start3A_771] : memref<51200x1000xf32, #tpu.memory_space<hbm>> -> memref<16x128xf32, #tpu.memory_space<hbm>>
    %dma_start3A_773 = arith.constant 0 : i32
    %dma_start3A_774 = arith.constant 768 : i32
    %dma_start3A_775 = tpu.memref_slice %arg11[%dma_start3A_773, %dma_start3A_774] : memref<16x1024xf32, #tpu.memory_space<vmem>> -> memref<16x128xf32, #tpu.memory_space<vmem>>
    tpu.enqueue_dma source(%dma_start3A_775 : memref<16x128xf32, #tpu.memory_space<vmem>>) target(%dma_start3A_772 : memref<16x128xf32, #tpu.memory_space<hbm>>) target_semaphore(%arg21 : memref<!tpu.dma_semaphore, #tpu.memory_space<semaphore_mem>>)
    %dma_start3A_776 = arith.constant 0 : i32
    %dma_start3A_777 = arith.constant 896 : i32
    %dma_start3A_778 = tpu.memref_slice %arg11[%dma_start3A_776, %dma_start3A_777] : memref<16x1024xf32, #tpu.memory_space<vmem>> -> memref<16x128xf32, #tpu.memory_space<vmem>>
    %dma_start3A_779 = arith.constant 0 : i32
    %dma_start3A_780 = tpu.memref_slice %arg5[%add3A_705, %dma_start3A_779] : memref<51200x128xf32, #tpu.memory_space<hbm>> -> memref<16x128xf32, #tpu.memory_space<hbm>>
    %dma_start3A_781 = arith.constant 0 : i32
    %dma_start3A_782 = tpu.memref_slice %arg5[%add3A_705, %dma_start3A_781] : memref<51200x128xf32, #tpu.memory_space<hbm>> -> memref<16x128xf32, #tpu.memory_space<hbm>>
    %dma_start3A_783 = arith.constant 0 : i32
    %dma_start3A_784 = arith.constant 896 : i32
    %dma_start3A_785 = tpu.memref_slice %arg11[%dma_start3A_783, %dma_start3A_784] : memref<16x1024xf32, #tpu.memory_space<vmem>> -> memref<16x128xf32, #tpu.memory_space<vmem>>
    tpu.enqueue_dma source(%dma_start3A_785 : memref<16x128xf32, #tpu.memory_space<vmem>>) target(%dma_start3A_782 : memref<16x128xf32, #tpu.memory_space<hbm>>) target_semaphore(%arg21 : memref<!tpu.dma_semaphore, #tpu.memory_space<semaphore_mem>>)
    %dma_wait3A_786 = arith.constant 0 : i32
    %dma_wait3A_787 = arith.constant 0 : i32
    %dma_wait3A_788 = tpu.memref_slice %arg11[%dma_wait3A_786, %dma_wait3A_787] : memref<16x1024xf32, #tpu.memory_space<vmem>> -> memref<16x128xf32, #tpu.memory_space<vmem>>
    %dma_wait3A_789 = arith.constant 0 : i32
    %dma_wait3A_790 = tpu.memref_slice %arg4[%add3A_705, %dma_wait3A_789] : memref<51200x1000xf32, #tpu.memory_space<hbm>> -> memref<16x128xf32, #tpu.memory_space<hbm>>
    %dma_wait3A_791 = arith.constant 0 : i32
    %dma_wait3A_792 = tpu.memref_slice %arg4[%add3A_705, %dma_wait3A_791] : memref<51200x1000xf32, #tpu.memory_space<hbm>> -> memref<16x128xf32, #tpu.memory_space<hbm>>
    %dma_wait3A_793 = arith.constant 0 : i32
    %dma_wait3A_794 = arith.constant 0 : i32
    %dma_wait3A_795 = tpu.memref_slice %arg11[%dma_wait3A_793, %dma_wait3A_794] : memref<16x1024xf32, #tpu.memory_space<vmem>> -> memref<16x128xf32, #tpu.memory_space<vmem>>
    tpu.wait_dma2 semaphore(%arg21 : memref<!tpu.dma_semaphore, #tpu.memory_space<semaphore_mem>>) src(%dma_wait3A_795 : memref<16x128xf32, #tpu.memory_space<vmem>>) dst(%dma_wait3A_792 : memref<16x128xf32, #tpu.memory_space<hbm>>)
    %dma_wait3A_796 = arith.constant 0 : i32
    %dma_wait3A_797 = arith.constant 128 : i32
    %dma_wait3A_798 = tpu.memref_slice %arg11[%dma_wait3A_796, %dma_wait3A_797] : memref<16x1024xf32, #tpu.memory_space<vmem>> -> memref<16x128xf32, #tpu.memory_space<vmem>>
    %dma_wait3A_799 = arith.constant 128 : i32
    %dma_wait3A_800 = tpu.memref_slice %arg4[%add3A_705, %dma_wait3A_799] : memref<51200x1000xf32, #tpu.memory_space<hbm>> -> memref<16x128xf32, #tpu.memory_space<hbm>>
    %dma_wait3A_801 = arith.constant 128 : i32
    %dma_wait3A_802 = tpu.memref_slice %arg4[%add3A_705, %dma_wait3A_801] : memref<51200x1000xf32, #tpu.memory_space<hbm>> -> memref<16x128xf32, #tpu.memory_space<hbm>>
    %dma_wait3A_803 = arith.constant 0 : i32
    %dma_wait3A_804 = arith.constant 128 : i32
    %dma_wait3A_805 = tpu.memref_slice %arg11[%dma_wait3A_803, %dma_wait3A_804] : memref<16x1024xf32, #tpu.memory_space<vmem>> -> memref<16x128xf32, #tpu.memory_space<vmem>>
    tpu.wait_dma2 semaphore(%arg21 : memref<!tpu.dma_semaphore, #tpu.memory_space<semaphore_mem>>) src(%dma_wait3A_805 : memref<16x128xf32, #tpu.memory_space<vmem>>) dst(%dma_wait3A_802 : memref<16x128xf32, #tpu.memory_space<hbm>>)
    %dma_wait3A_806 = arith.constant 0 : i32
    %dma_wait3A_807 = arith.constant 256 : i32
    %dma_wait3A_808 = tpu.memref_slice %arg11[%dma_wait3A_806, %dma_wait3A_807] : memref<16x1024xf32, #tpu.memory_space<vmem>> -> memref<16x128xf32, #tpu.memory_space<vmem>>
    %dma_wait3A_809 = arith.constant 256 : i32
    %dma_wait3A_810 = tpu.memref_slice %arg4[%add3A_705, %dma_wait3A_809] : memref<51200x1000xf32, #tpu.memory_space<hbm>> -> memref<16x128xf32, #tpu.memory_space<hbm>>
    %dma_wait3A_811 = arith.constant 256 : i32
    %dma_wait3A_812 = tpu.memref_slice %arg4[%add3A_705, %dma_wait3A_811] : memref<51200x1000xf32, #tpu.memory_space<hbm>> -> memref<16x128xf32, #tpu.memory_space<hbm>>
    %dma_wait3A_813 = arith.constant 0 : i32
    %dma_wait3A_814 = arith.constant 256 : i32
    %dma_wait3A_815 = tpu.memref_slice %arg11[%dma_wait3A_813, %dma_wait3A_814] : memref<16x1024xf32, #tpu.memory_space<vmem>> -> memref<16x128xf32, #tpu.memory_space<vmem>>
    tpu.wait_dma2 semaphore(%arg21 : memref<!tpu.dma_semaphore, #tpu.memory_space<semaphore_mem>>) src(%dma_wait3A_815 : memref<16x128xf32, #tpu.memory_space<vmem>>) dst(%dma_wait3A_812 : memref<16x128xf32, #tpu.memory_space<hbm>>)
    %dma_wait3A_816 = arith.constant 0 : i32
    %dma_wait3A_817 = arith.constant 384 : i32
    %dma_wait3A_818 = tpu.memref_slice %arg11[%dma_wait3A_816, %dma_wait3A_817] : memref<16x1024xf32, #tpu.memory_space<vmem>> -> memref<16x128xf32, #tpu.memory_space<vmem>>
    %dma_wait3A_819 = arith.constant 384 : i32
    %dma_wait3A_820 = tpu.memref_slice %arg4[%add3A_705, %dma_wait3A_819] : memref<51200x1000xf32, #tpu.memory_space<hbm>> -> memref<16x128xf32, #tpu.memory_space<hbm>>
    %dma_wait3A_821 = arith.constant 384 : i32
    %dma_wait3A_822 = tpu.memref_slice %arg4[%add3A_705, %dma_wait3A_821] : memref<51200x1000xf32, #tpu.memory_space<hbm>> -> memref<16x128xf32, #tpu.memory_space<hbm>>
    %dma_wait3A_823 = arith.constant 0 : i32
    %dma_wait3A_824 = arith.constant 384 : i32
    %dma_wait3A_825 = tpu.memref_slice %arg11[%dma_wait3A_823, %dma_wait3A_824] : memref<16x1024xf32, #tpu.memory_space<vmem>> -> memref<16x128xf32, #tpu.memory_space<vmem>>
    tpu.wait_dma2 semaphore(%arg21 : memref<!tpu.dma_semaphore, #tpu.memory_space<semaphore_mem>>) src(%dma_wait3A_825 : memref<16x128xf32, #tpu.memory_space<vmem>>) dst(%dma_wait3A_822 : memref<16x128xf32, #tpu.memory_space<hbm>>)
    %dma_wait3A_826 = arith.constant 0 : i32
    %dma_wait3A_827 = arith.constant 512 : i32
    %dma_wait3A_828 = tpu.memref_slice %arg11[%dma_wait3A_826, %dma_wait3A_827] : memref<16x1024xf32, #tpu.memory_space<vmem>> -> memref<16x128xf32, #tpu.memory_space<vmem>>
    %dma_wait3A_829 = arith.constant 512 : i32
    %dma_wait3A_830 = tpu.memref_slice %arg4[%add3A_705, %dma_wait3A_829] : memref<51200x1000xf32, #tpu.memory_space<hbm>> -> memref<16x128xf32, #tpu.memory_space<hbm>>
    %dma_wait3A_831 = arith.constant 512 : i32
    %dma_wait3A_832 = tpu.memref_slice %arg4[%add3A_705, %dma_wait3A_831] : memref<51200x1000xf32, #tpu.memory_space<hbm>> -> memref<16x128xf32, #tpu.memory_space<hbm>>
    %dma_wait3A_833 = arith.constant 0 : i32
    %dma_wait3A_834 = arith.constant 512 : i32
    %dma_wait3A_835 = tpu.memref_slice %arg11[%dma_wait3A_833, %dma_wait3A_834] : memref<16x1024xf32, #tpu.memory_space<vmem>> -> memref<16x128xf32, #tpu.memory_space<vmem>>
    tpu.wait_dma2 semaphore(%arg21 : memref<!tpu.dma_semaphore, #tpu.memory_space<semaphore_mem>>) src(%dma_wait3A_835 : memref<16x128xf32, #tpu.memory_space<vmem>>) dst(%dma_wait3A_832 : memref<16x128xf32, #tpu.memory_space<hbm>>)
    %dma_wait3A_836 = arith.constant 0 : i32
    %dma_wait3A_837 = arith.constant 640 : i32
    %dma_wait3A_838 = tpu.memref_slice %arg11[%dma_wait3A_836, %dma_wait3A_837] : memref<16x1024xf32, #tpu.memory_space<vmem>> -> memref<16x128xf32, #tpu.memory_space<vmem>>
    %dma_wait3A_839 = arith.constant 640 : i32
    %dma_wait3A_840 = tpu.memref_slice %arg4[%add3A_705, %dma_wait3A_839] : memref<51200x1000xf32, #tpu.memory_space<hbm>> -> memref<16x128xf32, #tpu.memory_space<hbm>>
    %dma_wait3A_841 = arith.constant 640 : i32
    %dma_wait3A_842 = tpu.memref_slice %arg4[%add3A_705, %dma_wait3A_841] : memref<51200x1000xf32, #tpu.memory_space<hbm>> -> memref<16x128xf32, #tpu.memory_space<hbm>>
    %dma_wait3A_843 = arith.constant 0 : i32
    %dma_wait3A_844 = arith.constant 640 : i32
    %dma_wait3A_845 = tpu.memref_slice %arg11[%dma_wait3A_843, %dma_wait3A_844] : memref<16x1024xf32, #tpu.memory_space<vmem>> -> memref<16x128xf32, #tpu.memory_space<vmem>>
    tpu.wait_dma2 semaphore(%arg21 : memref<!tpu.dma_semaphore, #tpu.memory_space<semaphore_mem>>) src(%dma_wait3A_845 : memref<16x128xf32, #tpu.memory_space<vmem>>) dst(%dma_wait3A_842 : memref<16x128xf32, #tpu.memory_space<hbm>>)
    %dma_wait3A_846 = arith.constant 0 : i32
    %dma_wait3A_847 = arith.constant 768 : i32
    %dma_wait3A_848 = tpu.memref_slice %arg11[%dma_wait3A_846, %dma_wait3A_847] : memref<16x1024xf32, #tpu.memory_space<vmem>> -> memref<16x128xf32, #tpu.memory_space<vmem>>
    %dma_wait3A_849 = arith.constant 768 : i32
    %dma_wait3A_850 = tpu.memref_slice %arg4[%add3A_705, %dma_wait3A_849] : memref<51200x1000xf32, #tpu.memory_space<hbm>> -> memref<16x128xf32, #tpu.memory_space<hbm>>
    %dma_wait3A_851 = arith.constant 768 : i32
    %dma_wait3A_852 = tpu.memref_slice %arg4[%add3A_705, %dma_wait3A_851] : memref<51200x1000xf32, #tpu.memory_space<hbm>> -> memref<16x128xf32, #tpu.memory_space<hbm>>
    %dma_wait3A_853 = arith.constant 0 : i32
    %dma_wait3A_854 = arith.constant 768 : i32
    %dma_wait3A_855 = tpu.memref_slice %arg11[%dma_wait3A_853, %dma_wait3A_854] : memref<16x1024xf32, #tpu.memory_space<vmem>> -> memref<16x128xf32, #tpu.memory_space<vmem>>
    tpu.wait_dma2 semaphore(%arg21 : memref<!tpu.dma_semaphore, #tpu.memory_space<semaphore_mem>>) src(%dma_wait3A_855 : memref<16x128xf32, #tpu.memory_space<vmem>>) dst(%dma_wait3A_852 : memref<16x128xf32, #tpu.memory_space<hbm>>)
    %dma_wait3A_856 = arith.constant 0 : i32
    %dma_wait3A_857 = arith.constant 896 : i32
    %dma_wait3A_858 = tpu.memref_slice %arg11[%dma_wait3A_856, %dma_wait3A_857] : memref<16x1024xf32, #tpu.memory_space<vmem>> -> memref<16x128xf32, #tpu.memory_space<vmem>>
    %dma_wait3A_859 = arith.constant 0 : i32
    %dma_wait3A_860 = tpu.memref_slice %arg5[%add3A_705, %dma_wait3A_859] : memref<51200x128xf32, #tpu.memory_space<hbm>> -> memref<16x128xf32, #tpu.memory_space<hbm>>
    %dma_wait3A_861 = arith.constant 0 : i32
    %dma_wait3A_862 = tpu.memref_slice %arg5[%add3A_705, %dma_wait3A_861] : memref<51200x128xf32, #tpu.memory_space<hbm>> -> memref<16x128xf32, #tpu.memory_space<hbm>>
    %dma_wait3A_863 = arith.constant 0 : i32
    %dma_wait3A_864 = arith.constant 896 : i32
    %dma_wait3A_865 = tpu.memref_slice %arg11[%dma_wait3A_863, %dma_wait3A_864] : memref<16x1024xf32, #tpu.memory_space<vmem>> -> memref<16x128xf32, #tpu.memory_space<vmem>>
    tpu.wait_dma2 semaphore(%arg21 : memref<!tpu.dma_semaphore, #tpu.memory_space<semaphore_mem>>) src(%dma_wait3A_865 : memref<16x128xf32, #tpu.memory_space<vmem>>) dst(%dma_wait3A_862 : memref<16x128xf32, #tpu.memory_space<hbm>>)
    return
  }
}

module attributes {stable_mosaic.version = 14 : i64} {
  func.func @body(%arg0: i32, %arg1: memref<1x1x1024xi32, #tpu.memory_space<vmem>>, %arg2: memref<1x1x1024xi32, #tpu.memory_space<vmem>>, %arg3: memref<1000x1000xf32, #tpu.memory_space<vmem>>, %arg4: memref<1x1xf32, #tpu.memory_space<vmem>>, %arg5: memref<1000x1000xf32, #tpu.memory_space<vmem>>) attributes {dimension_semantics = [#tpu.dimension_semantics<arbitrary>], iteration_bounds = array<i64: 50>, scalar_prefetch = 0 : i64, scratch_operands = 1 : i64, tpu.core_type = #tpu.core_type<tc>, window_params = [{transform_indices = @transform_0, window_bounds = array<i64: 1, 1, 1024>}, {transform_indices = @transform_1, window_bounds = array<i64: 1, 1, 1024>}, {pipeline_mode = #tpu.pipeline_mode<synchronous>, transform_indices = @transform_2, window_bounds = array<i64: 1000, 1000>}, {pipeline_mode = #tpu.pipeline_mode<synchronous>, transform_indices = @transform_3, window_bounds = array<i64: 1, 1>}]} {
    %eq3A = arith.constant 0 : i32
    %eq3A_0 = arith.cmpi eq, %arg0, %eq3A : i32
    %convert_element_type3A = arith.extui %eq3A_0 : i1 to i32
    %cond3A = arith.constant 0 : i32
    %cond3A_1 = arith.cmpi ne, %convert_element_type3A, %cond3A : i32
    scf.if %cond3A_1 {
      %broadcast_in_dim3A_33 = arith.constant 0.000000e+00 : f32
      %broadcast_in_dim3A_34 = vector.broadcast %broadcast_in_dim3A_33 : f32 to vector<1000x1000xf32>
      %swap3A_35 = arith.constant 0 : index
      %swap3A_36 = arith.constant 0 : index
      %swap3A_37 = vector.load %arg5[%swap3A_35, %swap3A_36] : memref<1000x1000xf32, #tpu.memory_space<vmem>>, vector<1000x1000xf32>
      tpu.vector_store %arg5[%swap3A_35, %swap3A_36], %broadcast_in_dim3A_34 {strides = array<i32>} : memref<1000x1000xf32, #tpu.memory_space<vmem>>, vector<1000x1000xf32>,
    } else {
    }
    %get3A = arith.constant 0 : index
    %get3A_2 = arith.constant 0 : index
    %get3A_3 = arith.constant 0 : index
    %get3A_4 = vector.load %arg1[%get3A, %get3A_2, %get3A_3] : memref<1x1x1024xi32, #tpu.memory_space<vmem>>, vector<1x1x1024xi32>
    %get3A_5 = vector.shape_cast %get3A_4 : vector<1x1x1024xi32> to vector<1024xi32>
    %get3A_6 = arith.constant 0 : index
    %get3A_7 = arith.constant 0 : index
    %get3A_8 = arith.constant 0 : index
    %get3A_9 = vector.load %arg2[%get3A_6, %get3A_7, %get3A_8] : memref<1x1x1024xi32, #tpu.memory_space<vmem>>, vector<1x1x1024xi32>
    %get3A_10 = vector.shape_cast %get3A_9 : vector<1x1x1024xi32> to vector<1024xi32>
    %iota3A = tpu.iota {dimensions = array<i32: 1>} : vector<1024x1000xi32>
    %broadcast_in_dim3A = vector.shape_cast %get3A_5 : vector<1024xi32> to vector<1024x1xi32>
    %eq3A_11 = vector.broadcast %broadcast_in_dim3A : vector<1024x1xi32> to vector<1024x1000xi32>
    %eq3A_12 = arith.cmpi eq, %eq3A_11, %iota3A : vector<1024x1000xi32>
    %convert_element_type3A_13 = arith.extui %eq3A_12 : vector<1024x1000xi1> to vector<1024x1000xi32>
    %convert_element_type3A_14 = arith.sitofp %convert_element_type3A_13 : vector<1024x1000xi32> to vector<1024x1000xf32>
    %convert_element_type3A_15 = arith.truncf %convert_element_type3A_14 : vector<1024x1000xf32> to vector<1024x1000xbf16>
    %broadcast_in_dim3A_16 = vector.shape_cast %get3A_10 : vector<1024xi32> to vector<1024x1xi32>
    %eq3A_17 = vector.broadcast %broadcast_in_dim3A_16 : vector<1024x1xi32> to vector<1024x1000xi32>
    %eq3A_18 = arith.cmpi eq, %eq3A_17, %iota3A : vector<1024x1000xi32>
    %convert_element_type3A_19 = arith.extui %eq3A_18 : vector<1024x1000xi1> to vector<1024x1000xi32>
    %convert_element_type3A_20 = arith.sitofp %convert_element_type3A_19 : vector<1024x1000xi32> to vector<1024x1000xf32>
    %convert_element_type3A_21 = arith.truncf %convert_element_type3A_20 : vector<1024x1000xf32> to vector<1024x1000xbf16>
    %get3A_22 = arith.constant 0 : index
    %get3A_23 = arith.constant 0 : index
    %get3A_24 = vector.load %arg5[%get3A_22, %get3A_23] : memref<1000x1000xf32, #tpu.memory_space<vmem>>, vector<1000x1000xf32>
    %dot_general3A = arith.constant dense<0.000000e+00> : vector<1000x1000xf32>
    %dot_general3A_25 = tpu.matmul %convert_element_type3A_15, %convert_element_type3A_21, %dot_general3A {dimension_numbers = #tpu.dot_dimension_numbers<[0], [0], [1], [1], [0, 1, 1, 1], [], []>, transpose_lhs_hint = false} : vector<1024x1000xbf16>, vector<1024x1000xbf16>, vector<1000x1000xf32> -> vector<1000x1000xf32>
    %add3A = arith.addf %get3A_24, %dot_general3A_25 : vector<1000x1000xf32>
    %swap3A = arith.constant 0 : index
    %swap3A_26 = arith.constant 0 : index
    %swap3A_27 = vector.load %arg5[%swap3A, %swap3A_26] : memref<1000x1000xf32, #tpu.memory_space<vmem>>, vector<1000x1000xf32>
    tpu.vector_store %arg5[%swap3A, %swap3A_26], %add3A {strides = array<i32>} : memref<1000x1000xf32, #tpu.memory_space<vmem>>, vector<1000x1000xf32>,
    %eq3A_28 = arith.constant 49 : i32
    %eq3A_29 = arith.cmpi eq, %arg0, %eq3A_28 : i32
    %convert_element_type3A_30 = arith.extui %eq3A_29 : i1 to i32
    %cond3A_31 = arith.constant 0 : i32
    %cond3A_32 = arith.cmpi ne, %convert_element_type3A_30, %cond3A_31 : i32
    scf.if %cond3A_32 {
      %get3A_33 = arith.constant 0 : index
      %get3A_34 = arith.constant 0 : index
      %get3A_35 = vector.load %arg3[%get3A_33, %get3A_34] : memref<1000x1000xf32, #tpu.memory_space<vmem>>, vector<1000x1000xf32>
      %reduce_max3A = arith.constant dense<0xFF800000> : vector<1000xf32>
      %reduce_max3A_36 = vector.multi_reduction <maximumf>, %get3A_35, %reduce_max3A [1] : vector<1000x1000xf32> to vector<1000xf32>
      %broadcast_in_dim3A_37 = vector.shape_cast %reduce_max3A_36 : vector<1000xf32> to vector<1000x1xf32>
      %sub3A = vector.broadcast %broadcast_in_dim3A_37 : vector<1000x1xf32> to vector<1000x1000xf32>
      %sub3A_38 = arith.subf %get3A_35, %sub3A : vector<1000x1000xf32>
      %exp3A = math.exp %sub3A_38 : vector<1000x1000xf32>
      %reduce_sum3A = arith.constant dense<0.000000e+00> : vector<1000xf32>
      %reduce_sum3A_39 = vector.multi_reduction <add>, %exp3A, %reduce_sum3A [1] : vector<1000x1000xf32> to vector<1000xf32>
      %log3A = math.log %reduce_sum3A_39 : vector<1000xf32>
      %add3A_40 = arith.addf %reduce_max3A_36, %log3A : vector<1000xf32>
      %get3A_41 = arith.constant 0 : index
      %get3A_42 = arith.constant 0 : index
      %get3A_43 = vector.load %arg5[%get3A_41, %get3A_42] : memref<1000x1000xf32, #tpu.memory_space<vmem>>, vector<1000x1000xf32>
      %reduce_sum3A_44 = arith.constant dense<0.000000e+00> : vector<1000xf32>
      %reduce_sum3A_45 = vector.multi_reduction <add>, %get3A_43, %reduce_sum3A_44 [1] : vector<1000x1000xf32> to vector<1000xf32>
      %mul3A = arith.mulf %reduce_sum3A_45, %add3A_40 : vector<1000xf32>
      %reduce_sum3A_46 = vector.shape_cast %mul3A : vector<1000xf32> to vector<1x1000xf32>
      %reduce_sum3A_47 = arith.constant dense<0.000000e+00> : vector<1xf32>
      %reduce_sum3A_48 = vector.multi_reduction <add>, %reduce_sum3A_46, %reduce_sum3A_47 [1] : vector<1x1000xf32> to vector<1xf32>
      %reduce_sum3A_49 = vector.shape_cast %reduce_sum3A_48 : vector<1xf32> to vector<1x1xf32>
      %reduce_sum3A_50 = vector.extract %reduce_sum3A_49[0, 0] : f32 from vector<1x1xf32>
      %mul3A_51 = arith.mulf %get3A_43, %get3A_35 : vector<1000x1000xf32>
      %reduce_sum3A_52 = vector.shape_cast %mul3A_51 : vector<1000x1000xf32> to vector<1x1000x1000xf32>
      %reduce_sum3A_53 = arith.constant dense<0.000000e+00> : vector<1xf32>
      %reduce_sum3A_54 = vector.multi_reduction <add>, %reduce_sum3A_52, %reduce_sum3A_53 [1, 2] : vector<1x1000x1000xf32> to vector<1xf32>
      %reduce_sum3A_55 = vector.shape_cast %reduce_sum3A_54 : vector<1xf32> to vector<1x1x1xf32>
      %reduce_sum3A_56 = vector.extract %reduce_sum3A_55[0, 0, 0] : f32 from vector<1x1x1xf32>
      %sub3A_57 = arith.subf %reduce_sum3A_50, %reduce_sum3A_56 : f32
      %broadcast_in_dim3A_58 = vector.broadcast %sub3A_57 : f32 to vector<1x1xf32>
      %swap3A_59 = arith.constant 0 : index
      %swap3A_60 = arith.constant 0 : index
      %swap3A_61 = vector.load %arg4[%swap3A_59, %swap3A_60] : memref<1x1xf32, #tpu.memory_space<vmem>>, vector<1x1xf32>
      tpu.vector_store %arg4[%swap3A_59, %swap3A_60], %broadcast_in_dim3A_58 {strides = array<i32>} : memref<1x1xf32, #tpu.memory_space<vmem>>, vector<1x1xf32>,
    } else {
    }
    return
  }
  func.func @transform_0(%arg0: i32) -> (i32, i32, i32) {
    %c0_i32 = arith.constant 0 : i32
    %c0_i32_0 = arith.constant 0 : i32
    %c0_i32_1 = arith.constant 0 : i32
    return %arg0, %c0_i32, %c0_i32_0 : i32, i32, i32
  }
  func.func @transform_1(%arg0: i32) -> (i32, i32, i32) {
    %c0_i32 = arith.constant 0 : i32
    %c0_i32_0 = arith.constant 0 : i32
    %c0_i32_1 = arith.constant 0 : i32
    return %arg0, %c0_i32, %c0_i32_0 : i32, i32, i32
  }
  func.func @transform_2(%arg0: i32) -> (i32, i32) {
    %c0_i32 = arith.constant 0 : i32
    %c0_i32_0 = arith.constant 0 : i32
    %c0_i32_1 = arith.constant 0 : i32
    return %c0_i32, %c0_i32_0 : i32, i32
  }
  func.func @transform_3(%arg0: i32) -> (i32, i32) {
    %c0_i32 = arith.constant 0 : i32
    %c0_i32_0 = arith.constant 0 : i32
    %c0_i32_1 = arith.constant 0 : i32
    return %c0_i32, %c0_i32_0 : i32, i32
  }
}

module attributes {stable_mosaic.version = 14 : i64} {
  func.func @body(%arg0: memref<51200x1000xf32, #tpu.memory_space<any>>, %arg1: memref<51200x128xf32, #tpu.memory_space<any>>, %arg2: memref<51200x1000xf32, #tpu.memory_space<any>>, %arg3: memref<3200x128xf32, #tpu.memory_space<vmem>>, %arg4: memref<3200x128xf32, #tpu.memory_space<vmem>>, %arg5: memref<3200x104xf32, #tpu.memory_space<vmem>>, %arg6: memref<3200x104xf32, #tpu.memory_space<vmem>>, %arg7: memref<!tpu.dma_semaphore, #tpu.memory_space<semaphore_mem>>, %arg8: memref<!tpu.dma_semaphore, #tpu.memory_space<semaphore_mem>>, %arg9: memref<!tpu.dma_semaphore, #tpu.memory_space<semaphore_mem>>, %arg10: memref<!tpu.dma_semaphore, #tpu.memory_space<semaphore_mem>>) attributes {dimension_semantics = [], scalar_prefetch = 0 : i64, scratch_operands = 8 : i64, tpu.core_type = #tpu.core_type<tc>} {
    %dma_start3A = arith.constant 0 : i32
    %dma_start3A_0 = arith.constant 0 : i32
    %dma_start3A_1 = tpu.memref_slice %arg1[%dma_start3A, %dma_start3A_0] : memref<51200x128xf32, #tpu.memory_space<any>> -> memref<3200x128xf32, #tpu.memory_space<any>>
    tpu.enqueue_dma source(%dma_start3A_1 : memref<3200x128xf32, #tpu.memory_space<any>>) target(%arg3 : memref<3200x128xf32, #tpu.memory_space<vmem>>) target_semaphore(%arg7 : memref<!tpu.dma_semaphore, #tpu.memory_space<semaphore_mem>>)
    %dma_start3A_2 = arith.constant 3200 : i32
    %dma_start3A_3 = arith.constant 0 : i32
    %dma_start3A_4 = tpu.memref_slice %arg1[%dma_start3A_2, %dma_start3A_3] : memref<51200x128xf32, #tpu.memory_space<any>> -> memref<3200x128xf32, #tpu.memory_space<any>>
    tpu.enqueue_dma source(%dma_start3A_4 : memref<3200x128xf32, #tpu.memory_space<any>>) target(%arg4 : memref<3200x128xf32, #tpu.memory_space<vmem>>) target_semaphore(%arg8 : memref<!tpu.dma_semaphore, #tpu.memory_space<semaphore_mem>>)
    %dma_wait3A = arith.constant 0 : i32
    %dma_wait3A_5 = arith.constant 0 : i32
    %dma_wait3A_6 = tpu.memref_slice %arg1[%dma_wait3A, %dma_wait3A_5] : memref<51200x128xf32, #tpu.memory_space<any>> -> memref<3200x128xf32, #tpu.memory_space<any>>
    tpu.wait_dma2 semaphore(%arg7 : memref<!tpu.dma_semaphore, #tpu.memory_space<semaphore_mem>>) src(%dma_wait3A_6 : memref<3200x128xf32, #tpu.memory_space<any>>) dst(%arg3 : memref<3200x128xf32, #tpu.memory_space<vmem>>)
    %get3A = arith.constant 0 : index
    %get3A_7 = arith.constant 0 : index
    %get3A_8 = vector.load %arg3[%get3A, %get3A_7] : memref<3200x128xf32, #tpu.memory_space<vmem>>, vector<3200x104xf32>
    %swap3A = arith.constant 0 : index
    %swap3A_9 = arith.constant 0 : index
    %swap3A_10 = vector.load %arg5[%swap3A, %swap3A_9] : memref<3200x104xf32, #tpu.memory_space<vmem>>, vector<3200x104xf32>
    tpu.vector_store %arg5[%swap3A, %swap3A_9], %get3A_8 {strides = array<i32>} : memref<3200x104xf32, #tpu.memory_space<vmem>>, vector<3200x104xf32>,
    %dma_start3A_11 = arith.constant 0 : i32
    %dma_start3A_12 = arith.constant 896 : i32
    %dma_start3A_13 = tpu.memref_slice %arg2[%dma_start3A_11, %dma_start3A_12] : memref<51200x1000xf32, #tpu.memory_space<any>> -> memref<3200x104xf32, #tpu.memory_space<any>>
    tpu.enqueue_dma source(%arg5 : memref<3200x104xf32, #tpu.memory_space<vmem>>) target(%dma_start3A_13 : memref<3200x104xf32, #tpu.memory_space<any>>) target_semaphore(%arg9 : memref<!tpu.dma_semaphore, #tpu.memory_space<semaphore_mem>>)
    %dma_start3A_14 = arith.constant 6400 : i32
    %dma_start3A_15 = arith.constant 0 : i32
    %dma_start3A_16 = tpu.memref_slice %arg1[%dma_start3A_14, %dma_start3A_15] : memref<51200x128xf32, #tpu.memory_space<any>> -> memref<3200x128xf32, #tpu.memory_space<any>>
    tpu.enqueue_dma source(%dma_start3A_16 : memref<3200x128xf32, #tpu.memory_space<any>>) target(%arg3 : memref<3200x128xf32, #tpu.memory_space<vmem>>) target_semaphore(%arg7 : memref<!tpu.dma_semaphore, #tpu.memory_space<semaphore_mem>>)
    %dma_wait3A_17 = arith.constant 3200 : i32
    %dma_wait3A_18 = arith.constant 0 : i32
    %dma_wait3A_19 = tpu.memref_slice %arg1[%dma_wait3A_17, %dma_wait3A_18] : memref<51200x128xf32, #tpu.memory_space<any>> -> memref<3200x128xf32, #tpu.memory_space<any>>
    tpu.wait_dma2 semaphore(%arg8 : memref<!tpu.dma_semaphore, #tpu.memory_space<semaphore_mem>>) src(%dma_wait3A_19 : memref<3200x128xf32, #tpu.memory_space<any>>) dst(%arg4 : memref<3200x128xf32, #tpu.memory_space<vmem>>)
    %get3A_20 = arith.constant 0 : index
    %get3A_21 = arith.constant 0 : index
    %get3A_22 = vector.load %arg4[%get3A_20, %get3A_21] : memref<3200x128xf32, #tpu.memory_space<vmem>>, vector<3200x104xf32>
    %swap3A_23 = arith.constant 0 : index
    %swap3A_24 = arith.constant 0 : index
    %swap3A_25 = vector.load %arg6[%swap3A_23, %swap3A_24] : memref<3200x104xf32, #tpu.memory_space<vmem>>, vector<3200x104xf32>
    tpu.vector_store %arg6[%swap3A_23, %swap3A_24], %get3A_22 {strides = array<i32>} : memref<3200x104xf32, #tpu.memory_space<vmem>>, vector<3200x104xf32>,
    %dma_start3A_26 = arith.constant 3200 : i32
    %dma_start3A_27 = arith.constant 896 : i32
    %dma_start3A_28 = tpu.memref_slice %arg2[%dma_start3A_26, %dma_start3A_27] : memref<51200x1000xf32, #tpu.memory_space<any>> -> memref<3200x104xf32, #tpu.memory_space<any>>
    tpu.enqueue_dma source(%arg6 : memref<3200x104xf32, #tpu.memory_space<vmem>>) target(%dma_start3A_28 : memref<3200x104xf32, #tpu.memory_space<any>>) target_semaphore(%arg10 : memref<!tpu.dma_semaphore, #tpu.memory_space<semaphore_mem>>)
    %dma_start3A_29 = arith.constant 9600 : i32
    %dma_start3A_30 = arith.constant 0 : i32
    %dma_start3A_31 = tpu.memref_slice %arg1[%dma_start3A_29, %dma_start3A_30] : memref<51200x128xf32, #tpu.memory_space<any>> -> memref<3200x128xf32, #tpu.memory_space<any>>
    tpu.enqueue_dma source(%dma_start3A_31 : memref<3200x128xf32, #tpu.memory_space<any>>) target(%arg4 : memref<3200x128xf32, #tpu.memory_space<vmem>>) target_semaphore(%arg8 : memref<!tpu.dma_semaphore, #tpu.memory_space<semaphore_mem>>)
    %dma_wait3A_32 = arith.constant 6400 : i32
    %dma_wait3A_33 = arith.constant 0 : i32
    %dma_wait3A_34 = tpu.memref_slice %arg1[%dma_wait3A_32, %dma_wait3A_33] : memref<51200x128xf32, #tpu.memory_space<any>> -> memref<3200x128xf32, #tpu.memory_space<any>>
    tpu.wait_dma2 semaphore(%arg7 : memref<!tpu.dma_semaphore, #tpu.memory_space<semaphore_mem>>) src(%dma_wait3A_34 : memref<3200x128xf32, #tpu.memory_space<any>>) dst(%arg3 : memref<3200x128xf32, #tpu.memory_space<vmem>>)
    %dma_wait3A_35 = arith.constant 0 : i32
    %dma_wait3A_36 = arith.constant 896 : i32
    %dma_wait3A_37 = tpu.memref_slice %arg2[%dma_wait3A_35, %dma_wait3A_36] : memref<51200x1000xf32, #tpu.memory_space<any>> -> memref<3200x104xf32, #tpu.memory_space<any>>
    tpu.wait_dma2 semaphore(%arg9 : memref<!tpu.dma_semaphore, #tpu.memory_space<semaphore_mem>>) src(%arg5 : memref<3200x104xf32, #tpu.memory_space<vmem>>) dst(%dma_wait3A_37 : memref<3200x104xf32, #tpu.memory_space<any>>)
    %get3A_38 = arith.constant 0 : index
    %get3A_39 = arith.constant 0 : index
    %get3A_40 = vector.load %arg3[%get3A_38, %get3A_39] : memref<3200x128xf32, #tpu.memory_space<vmem>>, vector<3200x104xf32>
    %swap3A_41 = arith.constant 0 : index
    %swap3A_42 = arith.constant 0 : index
    %swap3A_43 = vector.load %arg5[%swap3A_41, %swap3A_42] : memref<3200x104xf32, #tpu.memory_space<vmem>>, vector<3200x104xf32>
    tpu.vector_store %arg5[%swap3A_41, %swap3A_42], %get3A_40 {strides = array<i32>} : memref<3200x104xf32, #tpu.memory_space<vmem>>, vector<3200x104xf32>,
    %dma_start3A_44 = arith.constant 6400 : i32
    %dma_start3A_45 = arith.constant 896 : i32
    %dma_start3A_46 = tpu.memref_slice %arg2[%dma_start3A_44, %dma_start3A_45] : memref<51200x1000xf32, #tpu.memory_space<any>> -> memref<3200x104xf32, #tpu.memory_space<any>>
    tpu.enqueue_dma source(%arg5 : memref<3200x104xf32, #tpu.memory_space<vmem>>) target(%dma_start3A_46 : memref<3200x104xf32, #tpu.memory_space<any>>) target_semaphore(%arg9 : memref<!tpu.dma_semaphore, #tpu.memory_space<semaphore_mem>>)
    %dma_start3A_47 = arith.constant 12800 : i32
    %dma_start3A_48 = arith.constant 0 : i32
    %dma_start3A_49 = tpu.memref_slice %arg1[%dma_start3A_47, %dma_start3A_48] : memref<51200x128xf32, #tpu.memory_space<any>> -> memref<3200x128xf32, #tpu.memory_space<any>>
    tpu.enqueue_dma source(%dma_start3A_49 : memref<3200x128xf32, #tpu.memory_space<any>>) target(%arg3 : memref<3200x128xf32, #tpu.memory_space<vmem>>) target_semaphore(%arg7 : memref<!tpu.dma_semaphore, #tpu.memory_space<semaphore_mem>>)
    %dma_wait3A_50 = arith.constant 9600 : i32
    %dma_wait3A_51 = arith.constant 0 : i32
    %dma_wait3A_52 = tpu.memref_slice %arg1[%dma_wait3A_50, %dma_wait3A_51] : memref<51200x128xf32, #tpu.memory_space<any>> -> memref<3200x128xf32, #tpu.memory_space<any>>
    tpu.wait_dma2 semaphore(%arg8 : memref<!tpu.dma_semaphore, #tpu.memory_space<semaphore_mem>>) src(%dma_wait3A_52 : memref<3200x128xf32, #tpu.memory_space<any>>) dst(%arg4 : memref<3200x128xf32, #tpu.memory_space<vmem>>)
    %dma_wait3A_53 = arith.constant 3200 : i32
    %dma_wait3A_54 = arith.constant 896 : i32
    %dma_wait3A_55 = tpu.memref_slice %arg2[%dma_wait3A_53, %dma_wait3A_54] : memref<51200x1000xf32, #tpu.memory_space<any>> -> memref<3200x104xf32, #tpu.memory_space<any>>
    tpu.wait_dma2 semaphore(%arg10 : memref<!tpu.dma_semaphore, #tpu.memory_space<semaphore_mem>>) src(%arg6 : memref<3200x104xf32, #tpu.memory_space<vmem>>) dst(%dma_wait3A_55 : memref<3200x104xf32, #tpu.memory_space<any>>)
    %get3A_56 = arith.constant 0 : index
    %get3A_57 = arith.constant 0 : index
    %get3A_58 = vector.load %arg4[%get3A_56, %get3A_57] : memref<3200x128xf32, #tpu.memory_space<vmem>>, vector<3200x104xf32>
    %swap3A_59 = arith.constant 0 : index
    %swap3A_60 = arith.constant 0 : index
    %swap3A_61 = vector.load %arg6[%swap3A_59, %swap3A_60] : memref<3200x104xf32, #tpu.memory_space<vmem>>, vector<3200x104xf32>
    tpu.vector_store %arg6[%swap3A_59, %swap3A_60], %get3A_58 {strides = array<i32>} : memref<3200x104xf32, #tpu.memory_space<vmem>>, vector<3200x104xf32>,
    %dma_start3A_62 = arith.constant 9600 : i32
    %dma_start3A_63 = arith.constant 896 : i32
    %dma_start3A_64 = tpu.memref_slice %arg2[%dma_start3A_62, %dma_start3A_63] : memref<51200x1000xf32, #tpu.memory_space<any>> -> memref<3200x104xf32, #tpu.memory_space<any>>
    tpu.enqueue_dma source(%arg6 : memref<3200x104xf32, #tpu.memory_space<vmem>>) target(%dma_start3A_64 : memref<3200x104xf32, #tpu.memory_space<any>>) target_semaphore(%arg10 : memref<!tpu.dma_semaphore, #tpu.memory_space<semaphore_mem>>)
    %dma_start3A_65 = arith.constant 16000 : i32
    %dma_start3A_66 = arith.constant 0 : i32
    %dma_start3A_67 = tpu.memref_slice %arg1[%dma_start3A_65, %dma_start3A_66] : memref<51200x128xf32, #tpu.memory_space<any>> -> memref<3200x128xf32, #tpu.memory_space<any>>
    tpu.enqueue_dma source(%dma_start3A_67 : memref<3200x128xf32, #tpu.memory_space<any>>) target(%arg4 : memref<3200x128xf32, #tpu.memory_space<vmem>>) target_semaphore(%arg8 : memref<!tpu.dma_semaphore, #tpu.memory_space<semaphore_mem>>)
    %dma_wait3A_68 = arith.constant 12800 : i32
    %dma_wait3A_69 = arith.constant 0 : i32
    %dma_wait3A_70 = tpu.memref_slice %arg1[%dma_wait3A_68, %dma_wait3A_69] : memref<51200x128xf32, #tpu.memory_space<any>> -> memref<3200x128xf32, #tpu.memory_space<any>>
    tpu.wait_dma2 semaphore(%arg7 : memref<!tpu.dma_semaphore, #tpu.memory_space<semaphore_mem>>) src(%dma_wait3A_70 : memref<3200x128xf32, #tpu.memory_space<any>>) dst(%arg3 : memref<3200x128xf32, #tpu.memory_space<vmem>>)
    %dma_wait3A_71 = arith.constant 6400 : i32
    %dma_wait3A_72 = arith.constant 896 : i32
    %dma_wait3A_73 = tpu.memref_slice %arg2[%dma_wait3A_71, %dma_wait3A_72] : memref<51200x1000xf32, #tpu.memory_space<any>> -> memref<3200x104xf32, #tpu.memory_space<any>>
    tpu.wait_dma2 semaphore(%arg9 : memref<!tpu.dma_semaphore, #tpu.memory_space<semaphore_mem>>) src(%arg5 : memref<3200x104xf32, #tpu.memory_space<vmem>>) dst(%dma_wait3A_73 : memref<3200x104xf32, #tpu.memory_space<any>>)
    %get3A_74 = arith.constant 0 : index
    %get3A_75 = arith.constant 0 : index
    %get3A_76 = vector.load %arg3[%get3A_74, %get3A_75] : memref<3200x128xf32, #tpu.memory_space<vmem>>, vector<3200x104xf32>
    %swap3A_77 = arith.constant 0 : index
    %swap3A_78 = arith.constant 0 : index
    %swap3A_79 = vector.load %arg5[%swap3A_77, %swap3A_78] : memref<3200x104xf32, #tpu.memory_space<vmem>>, vector<3200x104xf32>
    tpu.vector_store %arg5[%swap3A_77, %swap3A_78], %get3A_76 {strides = array<i32>} : memref<3200x104xf32, #tpu.memory_space<vmem>>, vector<3200x104xf32>,
    %dma_start3A_80 = arith.constant 12800 : i32
    %dma_start3A_81 = arith.constant 896 : i32
    %dma_start3A_82 = tpu.memref_slice %arg2[%dma_start3A_80, %dma_start3A_81] : memref<51200x1000xf32, #tpu.memory_space<any>> -> memref<3200x104xf32, #tpu.memory_space<any>>
    tpu.enqueue_dma source(%arg5 : memref<3200x104xf32, #tpu.memory_space<vmem>>) target(%dma_start3A_82 : memref<3200x104xf32, #tpu.memory_space<any>>) target_semaphore(%arg9 : memref<!tpu.dma_semaphore, #tpu.memory_space<semaphore_mem>>)
    %dma_start3A_83 = arith.constant 19200 : i32
    %dma_start3A_84 = arith.constant 0 : i32
    %dma_start3A_85 = tpu.memref_slice %arg1[%dma_start3A_83, %dma_start3A_84] : memref<51200x128xf32, #tpu.memory_space<any>> -> memref<3200x128xf32, #tpu.memory_space<any>>
    tpu.enqueue_dma source(%dma_start3A_85 : memref<3200x128xf32, #tpu.memory_space<any>>) target(%arg3 : memref<3200x128xf32, #tpu.memory_space<vmem>>) target_semaphore(%arg7 : memref<!tpu.dma_semaphore, #tpu.memory_space<semaphore_mem>>)
    %dma_wait3A_86 = arith.constant 16000 : i32
    %dma_wait3A_87 = arith.constant 0 : i32
    %dma_wait3A_88 = tpu.memref_slice %arg1[%dma_wait3A_86, %dma_wait3A_87] : memref<51200x128xf32, #tpu.memory_space<any>> -> memref<3200x128xf32, #tpu.memory_space<any>>
    tpu.wait_dma2 semaphore(%arg8 : memref<!tpu.dma_semaphore, #tpu.memory_space<semaphore_mem>>) src(%dma_wait3A_88 : memref<3200x128xf32, #tpu.memory_space<any>>) dst(%arg4 : memref<3200x128xf32, #tpu.memory_space<vmem>>)
    %dma_wait3A_89 = arith.constant 9600 : i32
    %dma_wait3A_90 = arith.constant 896 : i32
    %dma_wait3A_91 = tpu.memref_slice %arg2[%dma_wait3A_89, %dma_wait3A_90] : memref<51200x1000xf32, #tpu.memory_space<any>> -> memref<3200x104xf32, #tpu.memory_space<any>>
    tpu.wait_dma2 semaphore(%arg10 : memref<!tpu.dma_semaphore, #tpu.memory_space<semaphore_mem>>) src(%arg6 : memref<3200x104xf32, #tpu.memory_space<vmem>>) dst(%dma_wait3A_91 : memref<3200x104xf32, #tpu.memory_space<any>>)
    %get3A_92 = arith.constant 0 : index
    %get3A_93 = arith.constant 0 : index
    %get3A_94 = vector.load %arg4[%get3A_92, %get3A_93] : memref<3200x128xf32, #tpu.memory_space<vmem>>, vector<3200x104xf32>
    %swap3A_95 = arith.constant 0 : index
    %swap3A_96 = arith.constant 0 : index
    %swap3A_97 = vector.load %arg6[%swap3A_95, %swap3A_96] : memref<3200x104xf32, #tpu.memory_space<vmem>>, vector<3200x104xf32>
    tpu.vector_store %arg6[%swap3A_95, %swap3A_96], %get3A_94 {strides = array<i32>} : memref<3200x104xf32, #tpu.memory_space<vmem>>, vector<3200x104xf32>,
    %dma_start3A_98 = arith.constant 16000 : i32
    %dma_start3A_99 = arith.constant 896 : i32
    %dma_start3A_100 = tpu.memref_slice %arg2[%dma_start3A_98, %dma_start3A_99] : memref<51200x1000xf32, #tpu.memory_space<any>> -> memref<3200x104xf32, #tpu.memory_space<any>>
    tpu.enqueue_dma source(%arg6 : memref<3200x104xf32, #tpu.memory_space<vmem>>) target(%dma_start3A_100 : memref<3200x104xf32, #tpu.memory_space<any>>) target_semaphore(%arg10 : memref<!tpu.dma_semaphore, #tpu.memory_space<semaphore_mem>>)
    %dma_start3A_101 = arith.constant 22400 : i32
    %dma_start3A_102 = arith.constant 0 : i32
    %dma_start3A_103 = tpu.memref_slice %arg1[%dma_start3A_101, %dma_start3A_102] : memref<51200x128xf32, #tpu.memory_space<any>> -> memref<3200x128xf32, #tpu.memory_space<any>>
    tpu.enqueue_dma source(%dma_start3A_103 : memref<3200x128xf32, #tpu.memory_space<any>>) target(%arg4 : memref<3200x128xf32, #tpu.memory_space<vmem>>) target_semaphore(%arg8 : memref<!tpu.dma_semaphore, #tpu.memory_space<semaphore_mem>>)
    %dma_wait3A_104 = arith.constant 19200 : i32
    %dma_wait3A_105 = arith.constant 0 : i32
    %dma_wait3A_106 = tpu.memref_slice %arg1[%dma_wait3A_104, %dma_wait3A_105] : memref<51200x128xf32, #tpu.memory_space<any>> -> memref<3200x128xf32, #tpu.memory_space<any>>
    tpu.wait_dma2 semaphore(%arg7 : memref<!tpu.dma_semaphore, #tpu.memory_space<semaphore_mem>>) src(%dma_wait3A_106 : memref<3200x128xf32, #tpu.memory_space<any>>) dst(%arg3 : memref<3200x128xf32, #tpu.memory_space<vmem>>)
    %dma_wait3A_107 = arith.constant 12800 : i32
    %dma_wait3A_108 = arith.constant 896 : i32
    %dma_wait3A_109 = tpu.memref_slice %arg2[%dma_wait3A_107, %dma_wait3A_108] : memref<51200x1000xf32, #tpu.memory_space<any>> -> memref<3200x104xf32, #tpu.memory_space<any>>
    tpu.wait_dma2 semaphore(%arg9 : memref<!tpu.dma_semaphore, #tpu.memory_space<semaphore_mem>>) src(%arg5 : memref<3200x104xf32, #tpu.memory_space<vmem>>) dst(%dma_wait3A_109 : memref<3200x104xf32, #tpu.memory_space<any>>)
    %get3A_110 = arith.constant 0 : index
    %get3A_111 = arith.constant 0 : index
    %get3A_112 = vector.load %arg3[%get3A_110, %get3A_111] : memref<3200x128xf32, #tpu.memory_space<vmem>>, vector<3200x104xf32>
    %swap3A_113 = arith.constant 0 : index
    %swap3A_114 = arith.constant 0 : index
    %swap3A_115 = vector.load %arg5[%swap3A_113, %swap3A_114] : memref<3200x104xf32, #tpu.memory_space<vmem>>, vector<3200x104xf32>
    tpu.vector_store %arg5[%swap3A_113, %swap3A_114], %get3A_112 {strides = array<i32>} : memref<3200x104xf32, #tpu.memory_space<vmem>>, vector<3200x104xf32>,
    %dma_start3A_116 = arith.constant 19200 : i32
    %dma_start3A_117 = arith.constant 896 : i32
    %dma_start3A_118 = tpu.memref_slice %arg2[%dma_start3A_116, %dma_start3A_117] : memref<51200x1000xf32, #tpu.memory_space<any>> -> memref<3200x104xf32, #tpu.memory_space<any>>
    tpu.enqueue_dma source(%arg5 : memref<3200x104xf32, #tpu.memory_space<vmem>>) target(%dma_start3A_118 : memref<3200x104xf32, #tpu.memory_space<any>>) target_semaphore(%arg9 : memref<!tpu.dma_semaphore, #tpu.memory_space<semaphore_mem>>)
    %dma_start3A_119 = arith.constant 25600 : i32
    %dma_start3A_120 = arith.constant 0 : i32
    %dma_start3A_121 = tpu.memref_slice %arg1[%dma_start3A_119, %dma_start3A_120] : memref<51200x128xf32, #tpu.memory_space<any>> -> memref<3200x128xf32, #tpu.memory_space<any>>
    tpu.enqueue_dma source(%dma_start3A_121 : memref<3200x128xf32, #tpu.memory_space<any>>) target(%arg3 : memref<3200x128xf32, #tpu.memory_space<vmem>>) target_semaphore(%arg7 : memref<!tpu.dma_semaphore, #tpu.memory_space<semaphore_mem>>)
    %dma_wait3A_122 = arith.constant 22400 : i32
    %dma_wait3A_123 = arith.constant 0 : i32
    %dma_wait3A_124 = tpu.memref_slice %arg1[%dma_wait3A_122, %dma_wait3A_123] : memref<51200x128xf32, #tpu.memory_space<any>> -> memref<3200x128xf32, #tpu.memory_space<any>>
    tpu.wait_dma2 semaphore(%arg8 : memref<!tpu.dma_semaphore, #tpu.memory_space<semaphore_mem>>) src(%dma_wait3A_124 : memref<3200x128xf32, #tpu.memory_space<any>>) dst(%arg4 : memref<3200x128xf32, #tpu.memory_space<vmem>>)
    %dma_wait3A_125 = arith.constant 16000 : i32
    %dma_wait3A_126 = arith.constant 896 : i32
    %dma_wait3A_127 = tpu.memref_slice %arg2[%dma_wait3A_125, %dma_wait3A_126] : memref<51200x1000xf32, #tpu.memory_space<any>> -> memref<3200x104xf32, #tpu.memory_space<any>>
    tpu.wait_dma2 semaphore(%arg10 : memref<!tpu.dma_semaphore, #tpu.memory_space<semaphore_mem>>) src(%arg6 : memref<3200x104xf32, #tpu.memory_space<vmem>>) dst(%dma_wait3A_127 : memref<3200x104xf32, #tpu.memory_space<any>>)
    %get3A_128 = arith.constant 0 : index
    %get3A_129 = arith.constant 0 : index
    %get3A_130 = vector.load %arg4[%get3A_128, %get3A_129] : memref<3200x128xf32, #tpu.memory_space<vmem>>, vector<3200x104xf32>
    %swap3A_131 = arith.constant 0 : index
    %swap3A_132 = arith.constant 0 : index
    %swap3A_133 = vector.load %arg6[%swap3A_131, %swap3A_132] : memref<3200x104xf32, #tpu.memory_space<vmem>>, vector<3200x104xf32>
    tpu.vector_store %arg6[%swap3A_131, %swap3A_132], %get3A_130 {strides = array<i32>} : memref<3200x104xf32, #tpu.memory_space<vmem>>, vector<3200x104xf32>,
    %dma_start3A_134 = arith.constant 22400 : i32
    %dma_start3A_135 = arith.constant 896 : i32
    %dma_start3A_136 = tpu.memref_slice %arg2[%dma_start3A_134, %dma_start3A_135] : memref<51200x1000xf32, #tpu.memory_space<any>> -> memref<3200x104xf32, #tpu.memory_space<any>>
    tpu.enqueue_dma source(%arg6 : memref<3200x104xf32, #tpu.memory_space<vmem>>) target(%dma_start3A_136 : memref<3200x104xf32, #tpu.memory_space<any>>) target_semaphore(%arg10 : memref<!tpu.dma_semaphore, #tpu.memory_space<semaphore_mem>>)
    %dma_start3A_137 = arith.constant 28800 : i32
    %dma_start3A_138 = arith.constant 0 : i32
    %dma_start3A_139 = tpu.memref_slice %arg1[%dma_start3A_137, %dma_start3A_138] : memref<51200x128xf32, #tpu.memory_space<any>> -> memref<3200x128xf32, #tpu.memory_space<any>>
    tpu.enqueue_dma source(%dma_start3A_139 : memref<3200x128xf32, #tpu.memory_space<any>>) target(%arg4 : memref<3200x128xf32, #tpu.memory_space<vmem>>) target_semaphore(%arg8 : memref<!tpu.dma_semaphore, #tpu.memory_space<semaphore_mem>>)
    %dma_wait3A_140 = arith.constant 25600 : i32
    %dma_wait3A_141 = arith.constant 0 : i32
    %dma_wait3A_142 = tpu.memref_slice %arg1[%dma_wait3A_140, %dma_wait3A_141] : memref<51200x128xf32, #tpu.memory_space<any>> -> memref<3200x128xf32, #tpu.memory_space<any>>
    tpu.wait_dma2 semaphore(%arg7 : memref<!tpu.dma_semaphore, #tpu.memory_space<semaphore_mem>>) src(%dma_wait3A_142 : memref<3200x128xf32, #tpu.memory_space<any>>) dst(%arg3 : memref<3200x128xf32, #tpu.memory_space<vmem>>)
    %dma_wait3A_143 = arith.constant 19200 : i32
    %dma_wait3A_144 = arith.constant 896 : i32
    %dma_wait3A_145 = tpu.memref_slice %arg2[%dma_wait3A_143, %dma_wait3A_144] : memref<51200x1000xf32, #tpu.memory_space<any>> -> memref<3200x104xf32, #tpu.memory_space<any>>
    tpu.wait_dma2 semaphore(%arg9 : memref<!tpu.dma_semaphore, #tpu.memory_space<semaphore_mem>>) src(%arg5 : memref<3200x104xf32, #tpu.memory_space<vmem>>) dst(%dma_wait3A_145 : memref<3200x104xf32, #tpu.memory_space<any>>)
    %get3A_146 = arith.constant 0 : index
    %get3A_147 = arith.constant 0 : index
    %get3A_148 = vector.load %arg3[%get3A_146, %get3A_147] : memref<3200x128xf32, #tpu.memory_space<vmem>>, vector<3200x104xf32>
    %swap3A_149 = arith.constant 0 : index
    %swap3A_150 = arith.constant 0 : index
    %swap3A_151 = vector.load %arg5[%swap3A_149, %swap3A_150] : memref<3200x104xf32, #tpu.memory_space<vmem>>, vector<3200x104xf32>
    tpu.vector_store %arg5[%swap3A_149, %swap3A_150], %get3A_148 {strides = array<i32>} : memref<3200x104xf32, #tpu.memory_space<vmem>>, vector<3200x104xf32>,
    %dma_start3A_152 = arith.constant 25600 : i32
    %dma_start3A_153 = arith.constant 896 : i32
    %dma_start3A_154 = tpu.memref_slice %arg2[%dma_start3A_152, %dma_start3A_153] : memref<51200x1000xf32, #tpu.memory_space<any>> -> memref<3200x104xf32, #tpu.memory_space<any>>
    tpu.enqueue_dma source(%arg5 : memref<3200x104xf32, #tpu.memory_space<vmem>>) target(%dma_start3A_154 : memref<3200x104xf32, #tpu.memory_space<any>>) target_semaphore(%arg9 : memref<!tpu.dma_semaphore, #tpu.memory_space<semaphore_mem>>)
    %dma_start3A_155 = arith.constant 32000 : i32
    %dma_start3A_156 = arith.constant 0 : i32
    %dma_start3A_157 = tpu.memref_slice %arg1[%dma_start3A_155, %dma_start3A_156] : memref<51200x128xf32, #tpu.memory_space<any>> -> memref<3200x128xf32, #tpu.memory_space<any>>
    tpu.enqueue_dma source(%dma_start3A_157 : memref<3200x128xf32, #tpu.memory_space<any>>) target(%arg3 : memref<3200x128xf32, #tpu.memory_space<vmem>>) target_semaphore(%arg7 : memref<!tpu.dma_semaphore, #tpu.memory_space<semaphore_mem>>)
    %dma_wait3A_158 = arith.constant 28800 : i32
    %dma_wait3A_159 = arith.constant 0 : i32
    %dma_wait3A_160 = tpu.memref_slice %arg1[%dma_wait3A_158, %dma_wait3A_159] : memref<51200x128xf32, #tpu.memory_space<any>> -> memref<3200x128xf32, #tpu.memory_space<any>>
    tpu.wait_dma2 semaphore(%arg8 : memref<!tpu.dma_semaphore, #tpu.memory_space<semaphore_mem>>) src(%dma_wait3A_160 : memref<3200x128xf32, #tpu.memory_space<any>>) dst(%arg4 : memref<3200x128xf32, #tpu.memory_space<vmem>>)
    %dma_wait3A_161 = arith.constant 22400 : i32
    %dma_wait3A_162 = arith.constant 896 : i32
    %dma_wait3A_163 = tpu.memref_slice %arg2[%dma_wait3A_161, %dma_wait3A_162] : memref<51200x1000xf32, #tpu.memory_space<any>> -> memref<3200x104xf32, #tpu.memory_space<any>>
    tpu.wait_dma2 semaphore(%arg10 : memref<!tpu.dma_semaphore, #tpu.memory_space<semaphore_mem>>) src(%arg6 : memref<3200x104xf32, #tpu.memory_space<vmem>>) dst(%dma_wait3A_163 : memref<3200x104xf32, #tpu.memory_space<any>>)
    %get3A_164 = arith.constant 0 : index
    %get3A_165 = arith.constant 0 : index
    %get3A_166 = vector.load %arg4[%get3A_164, %get3A_165] : memref<3200x128xf32, #tpu.memory_space<vmem>>, vector<3200x104xf32>
    %swap3A_167 = arith.constant 0 : index
    %swap3A_168 = arith.constant 0 : index
    %swap3A_169 = vector.load %arg6[%swap3A_167, %swap3A_168] : memref<3200x104xf32, #tpu.memory_space<vmem>>, vector<3200x104xf32>
    tpu.vector_store %arg6[%swap3A_167, %swap3A_168], %get3A_166 {strides = array<i32>} : memref<3200x104xf32, #tpu.memory_space<vmem>>, vector<3200x104xf32>,
    %dma_start3A_170 = arith.constant 28800 : i32
    %dma_start3A_171 = arith.constant 896 : i32
    %dma_start3A_172 = tpu.memref_slice %arg2[%dma_start3A_170, %dma_start3A_171] : memref<51200x1000xf32, #tpu.memory_space<any>> -> memref<3200x104xf32, #tpu.memory_space<any>>
    tpu.enqueue_dma source(%arg6 : memref<3200x104xf32, #tpu.memory_space<vmem>>) target(%dma_start3A_172 : memref<3200x104xf32, #tpu.memory_space<any>>) target_semaphore(%arg10 : memref<!tpu.dma_semaphore, #tpu.memory_space<semaphore_mem>>)
    %dma_start3A_173 = arith.constant 35200 : i32
    %dma_start3A_174 = arith.constant 0 : i32
    %dma_start3A_175 = tpu.memref_slice %arg1[%dma_start3A_173, %dma_start3A_174] : memref<51200x128xf32, #tpu.memory_space<any>> -> memref<3200x128xf32, #tpu.memory_space<any>>
    tpu.enqueue_dma source(%dma_start3A_175 : memref<3200x128xf32, #tpu.memory_space<any>>) target(%arg4 : memref<3200x128xf32, #tpu.memory_space<vmem>>) target_semaphore(%arg8 : memref<!tpu.dma_semaphore, #tpu.memory_space<semaphore_mem>>)
    %dma_wait3A_176 = arith.constant 32000 : i32
    %dma_wait3A_177 = arith.constant 0 : i32
    %dma_wait3A_178 = tpu.memref_slice %arg1[%dma_wait3A_176, %dma_wait3A_177] : memref<51200x128xf32, #tpu.memory_space<any>> -> memref<3200x128xf32, #tpu.memory_space<any>>
    tpu.wait_dma2 semaphore(%arg7 : memref<!tpu.dma_semaphore, #tpu.memory_space<semaphore_mem>>) src(%dma_wait3A_178 : memref<3200x128xf32, #tpu.memory_space<any>>) dst(%arg3 : memref<3200x128xf32, #tpu.memory_space<vmem>>)
    %dma_wait3A_179 = arith.constant 25600 : i32
    %dma_wait3A_180 = arith.constant 896 : i32
    %dma_wait3A_181 = tpu.memref_slice %arg2[%dma_wait3A_179, %dma_wait3A_180] : memref<51200x1000xf32, #tpu.memory_space<any>> -> memref<3200x104xf32, #tpu.memory_space<any>>
    tpu.wait_dma2 semaphore(%arg9 : memref<!tpu.dma_semaphore, #tpu.memory_space<semaphore_mem>>) src(%arg5 : memref<3200x104xf32, #tpu.memory_space<vmem>>) dst(%dma_wait3A_181 : memref<3200x104xf32, #tpu.memory_space<any>>)
    %get3A_182 = arith.constant 0 : index
    %get3A_183 = arith.constant 0 : index
    %get3A_184 = vector.load %arg3[%get3A_182, %get3A_183] : memref<3200x128xf32, #tpu.memory_space<vmem>>, vector<3200x104xf32>
    %swap3A_185 = arith.constant 0 : index
    %swap3A_186 = arith.constant 0 : index
    %swap3A_187 = vector.load %arg5[%swap3A_185, %swap3A_186] : memref<3200x104xf32, #tpu.memory_space<vmem>>, vector<3200x104xf32>
    tpu.vector_store %arg5[%swap3A_185, %swap3A_186], %get3A_184 {strides = array<i32>} : memref<3200x104xf32, #tpu.memory_space<vmem>>, vector<3200x104xf32>,
    %dma_start3A_188 = arith.constant 32000 : i32
    %dma_start3A_189 = arith.constant 896 : i32
    %dma_start3A_190 = tpu.memref_slice %arg2[%dma_start3A_188, %dma_start3A_189] : memref<51200x1000xf32, #tpu.memory_space<any>> -> memref<3200x104xf32, #tpu.memory_space<any>>
    tpu.enqueue_dma source(%arg5 : memref<3200x104xf32, #tpu.memory_space<vmem>>) target(%dma_start3A_190 : memref<3200x104xf32, #tpu.memory_space<any>>) target_semaphore(%arg9 : memref<!tpu.dma_semaphore, #tpu.memory_space<semaphore_mem>>)
    %dma_start3A_191 = arith.constant 38400 : i32
    %dma_start3A_192 = arith.constant 0 : i32
    %dma_start3A_193 = tpu.memref_slice %arg1[%dma_start3A_191, %dma_start3A_192] : memref<51200x128xf32, #tpu.memory_space<any>> -> memref<3200x128xf32, #tpu.memory_space<any>>
    tpu.enqueue_dma source(%dma_start3A_193 : memref<3200x128xf32, #tpu.memory_space<any>>) target(%arg3 : memref<3200x128xf32, #tpu.memory_space<vmem>>) target_semaphore(%arg7 : memref<!tpu.dma_semaphore, #tpu.memory_space<semaphore_mem>>)
    %dma_wait3A_194 = arith.constant 35200 : i32
    %dma_wait3A_195 = arith.constant 0 : i32
    %dma_wait3A_196 = tpu.memref_slice %arg1[%dma_wait3A_194, %dma_wait3A_195] : memref<51200x128xf32, #tpu.memory_space<any>> -> memref<3200x128xf32, #tpu.memory_space<any>>
    tpu.wait_dma2 semaphore(%arg8 : memref<!tpu.dma_semaphore, #tpu.memory_space<semaphore_mem>>) src(%dma_wait3A_196 : memref<3200x128xf32, #tpu.memory_space<any>>) dst(%arg4 : memref<3200x128xf32, #tpu.memory_space<vmem>>)
    %dma_wait3A_197 = arith.constant 28800 : i32
    %dma_wait3A_198 = arith.constant 896 : i32
    %dma_wait3A_199 = tpu.memref_slice %arg2[%dma_wait3A_197, %dma_wait3A_198] : memref<51200x1000xf32, #tpu.memory_space<any>> -> memref<3200x104xf32, #tpu.memory_space<any>>
    tpu.wait_dma2 semaphore(%arg10 : memref<!tpu.dma_semaphore, #tpu.memory_space<semaphore_mem>>) src(%arg6 : memref<3200x104xf32, #tpu.memory_space<vmem>>) dst(%dma_wait3A_199 : memref<3200x104xf32, #tpu.memory_space<any>>)
    %get3A_200 = arith.constant 0 : index
    %get3A_201 = arith.constant 0 : index
    %get3A_202 = vector.load %arg4[%get3A_200, %get3A_201] : memref<3200x128xf32, #tpu.memory_space<vmem>>, vector<3200x104xf32>
    %swap3A_203 = arith.constant 0 : index
    %swap3A_204 = arith.constant 0 : index
    %swap3A_205 = vector.load %arg6[%swap3A_203, %swap3A_204] : memref<3200x104xf32, #tpu.memory_space<vmem>>, vector<3200x104xf32>
    tpu.vector_store %arg6[%swap3A_203, %swap3A_204], %get3A_202 {strides = array<i32>} : memref<3200x104xf32, #tpu.memory_space<vmem>>, vector<3200x104xf32>,
    %dma_start3A_206 = arith.constant 35200 : i32
    %dma_start3A_207 = arith.constant 896 : i32
    %dma_start3A_208 = tpu.memref_slice %arg2[%dma_start3A_206, %dma_start3A_207] : memref<51200x1000xf32, #tpu.memory_space<any>> -> memref<3200x104xf32, #tpu.memory_space<any>>
    tpu.enqueue_dma source(%arg6 : memref<3200x104xf32, #tpu.memory_space<vmem>>) target(%dma_start3A_208 : memref<3200x104xf32, #tpu.memory_space<any>>) target_semaphore(%arg10 : memref<!tpu.dma_semaphore, #tpu.memory_space<semaphore_mem>>)
    %dma_start3A_209 = arith.constant 41600 : i32
    %dma_start3A_210 = arith.constant 0 : i32
    %dma_start3A_211 = tpu.memref_slice %arg1[%dma_start3A_209, %dma_start3A_210] : memref<51200x128xf32, #tpu.memory_space<any>> -> memref<3200x128xf32, #tpu.memory_space<any>>
    tpu.enqueue_dma source(%dma_start3A_211 : memref<3200x128xf32, #tpu.memory_space<any>>) target(%arg4 : memref<3200x128xf32, #tpu.memory_space<vmem>>) target_semaphore(%arg8 : memref<!tpu.dma_semaphore, #tpu.memory_space<semaphore_mem>>)
    %dma_wait3A_212 = arith.constant 38400 : i32
    %dma_wait3A_213 = arith.constant 0 : i32
    %dma_wait3A_214 = tpu.memref_slice %arg1[%dma_wait3A_212, %dma_wait3A_213] : memref<51200x128xf32, #tpu.memory_space<any>> -> memref<3200x128xf32, #tpu.memory_space<any>>
    tpu.wait_dma2 semaphore(%arg7 : memref<!tpu.dma_semaphore, #tpu.memory_space<semaphore_mem>>) src(%dma_wait3A_214 : memref<3200x128xf32, #tpu.memory_space<any>>) dst(%arg3 : memref<3200x128xf32, #tpu.memory_space<vmem>>)
    %dma_wait3A_215 = arith.constant 32000 : i32
    %dma_wait3A_216 = arith.constant 896 : i32
    %dma_wait3A_217 = tpu.memref_slice %arg2[%dma_wait3A_215, %dma_wait3A_216] : memref<51200x1000xf32, #tpu.memory_space<any>> -> memref<3200x104xf32, #tpu.memory_space<any>>
    tpu.wait_dma2 semaphore(%arg9 : memref<!tpu.dma_semaphore, #tpu.memory_space<semaphore_mem>>) src(%arg5 : memref<3200x104xf32, #tpu.memory_space<vmem>>) dst(%dma_wait3A_217 : memref<3200x104xf32, #tpu.memory_space<any>>)
    %get3A_218 = arith.constant 0 : index
    %get3A_219 = arith.constant 0 : index
    %get3A_220 = vector.load %arg3[%get3A_218, %get3A_219] : memref<3200x128xf32, #tpu.memory_space<vmem>>, vector<3200x104xf32>
    %swap3A_221 = arith.constant 0 : index
    %swap3A_222 = arith.constant 0 : index
    %swap3A_223 = vector.load %arg5[%swap3A_221, %swap3A_222] : memref<3200x104xf32, #tpu.memory_space<vmem>>, vector<3200x104xf32>
    tpu.vector_store %arg5[%swap3A_221, %swap3A_222], %get3A_220 {strides = array<i32>} : memref<3200x104xf32, #tpu.memory_space<vmem>>, vector<3200x104xf32>,
    %dma_start3A_224 = arith.constant 38400 : i32
    %dma_start3A_225 = arith.constant 896 : i32
    %dma_start3A_226 = tpu.memref_slice %arg2[%dma_start3A_224, %dma_start3A_225] : memref<51200x1000xf32, #tpu.memory_space<any>> -> memref<3200x104xf32, #tpu.memory_space<any>>
    tpu.enqueue_dma source(%arg5 : memref<3200x104xf32, #tpu.memory_space<vmem>>) target(%dma_start3A_226 : memref<3200x104xf32, #tpu.memory_space<any>>) target_semaphore(%arg9 : memref<!tpu.dma_semaphore, #tpu.memory_space<semaphore_mem>>)
    %dma_start3A_227 = arith.constant 44800 : i32
    %dma_start3A_228 = arith.constant 0 : i32
    %dma_start3A_229 = tpu.memref_slice %arg1[%dma_start3A_227, %dma_start3A_228] : memref<51200x128xf32, #tpu.memory_space<any>> -> memref<3200x128xf32, #tpu.memory_space<any>>
    tpu.enqueue_dma source(%dma_start3A_229 : memref<3200x128xf32, #tpu.memory_space<any>>) target(%arg3 : memref<3200x128xf32, #tpu.memory_space<vmem>>) target_semaphore(%arg7 : memref<!tpu.dma_semaphore, #tpu.memory_space<semaphore_mem>>)
    %dma_wait3A_230 = arith.constant 41600 : i32
    %dma_wait3A_231 = arith.constant 0 : i32
    %dma_wait3A_232 = tpu.memref_slice %arg1[%dma_wait3A_230, %dma_wait3A_231] : memref<51200x128xf32, #tpu.memory_space<any>> -> memref<3200x128xf32, #tpu.memory_space<any>>
    tpu.wait_dma2 semaphore(%arg8 : memref<!tpu.dma_semaphore, #tpu.memory_space<semaphore_mem>>) src(%dma_wait3A_232 : memref<3200x128xf32, #tpu.memory_space<any>>) dst(%arg4 : memref<3200x128xf32, #tpu.memory_space<vmem>>)
    %dma_wait3A_233 = arith.constant 35200 : i32
    %dma_wait3A_234 = arith.constant 896 : i32
    %dma_wait3A_235 = tpu.memref_slice %arg2[%dma_wait3A_233, %dma_wait3A_234] : memref<51200x1000xf32, #tpu.memory_space<any>> -> memref<3200x104xf32, #tpu.memory_space<any>>
    tpu.wait_dma2 semaphore(%arg10 : memref<!tpu.dma_semaphore, #tpu.memory_space<semaphore_mem>>) src(%arg6 : memref<3200x104xf32, #tpu.memory_space<vmem>>) dst(%dma_wait3A_235 : memref<3200x104xf32, #tpu.memory_space<any>>)
    %get3A_236 = arith.constant 0 : index
    %get3A_237 = arith.constant 0 : index
    %get3A_238 = vector.load %arg4[%get3A_236, %get3A_237] : memref<3200x128xf32, #tpu.memory_space<vmem>>, vector<3200x104xf32>
    %swap3A_239 = arith.constant 0 : index
    %swap3A_240 = arith.constant 0 : index
    %swap3A_241 = vector.load %arg6[%swap3A_239, %swap3A_240] : memref<3200x104xf32, #tpu.memory_space<vmem>>, vector<3200x104xf32>
    tpu.vector_store %arg6[%swap3A_239, %swap3A_240], %get3A_238 {strides = array<i32>} : memref<3200x104xf32, #tpu.memory_space<vmem>>, vector<3200x104xf32>,
    %dma_start3A_242 = arith.constant 41600 : i32
    %dma_start3A_243 = arith.constant 896 : i32
    %dma_start3A_244 = tpu.memref_slice %arg2[%dma_start3A_242, %dma_start3A_243] : memref<51200x1000xf32, #tpu.memory_space<any>> -> memref<3200x104xf32, #tpu.memory_space<any>>
    tpu.enqueue_dma source(%arg6 : memref<3200x104xf32, #tpu.memory_space<vmem>>) target(%dma_start3A_244 : memref<3200x104xf32, #tpu.memory_space<any>>) target_semaphore(%arg10 : memref<!tpu.dma_semaphore, #tpu.memory_space<semaphore_mem>>)
    %dma_start3A_245 = arith.constant 48000 : i32
    %dma_start3A_246 = arith.constant 0 : i32
    %dma_start3A_247 = tpu.memref_slice %arg1[%dma_start3A_245, %dma_start3A_246] : memref<51200x128xf32, #tpu.memory_space<any>> -> memref<3200x128xf32, #tpu.memory_space<any>>
    tpu.enqueue_dma source(%dma_start3A_247 : memref<3200x128xf32, #tpu.memory_space<any>>) target(%arg4 : memref<3200x128xf32, #tpu.memory_space<vmem>>) target_semaphore(%arg8 : memref<!tpu.dma_semaphore, #tpu.memory_space<semaphore_mem>>)
    %dma_wait3A_248 = arith.constant 44800 : i32
    %dma_wait3A_249 = arith.constant 0 : i32
    %dma_wait3A_250 = tpu.memref_slice %arg1[%dma_wait3A_248, %dma_wait3A_249] : memref<51200x128xf32, #tpu.memory_space<any>> -> memref<3200x128xf32, #tpu.memory_space<any>>
    tpu.wait_dma2 semaphore(%arg7 : memref<!tpu.dma_semaphore, #tpu.memory_space<semaphore_mem>>) src(%dma_wait3A_250 : memref<3200x128xf32, #tpu.memory_space<any>>) dst(%arg3 : memref<3200x128xf32, #tpu.memory_space<vmem>>)
    %dma_wait3A_251 = arith.constant 38400 : i32
    %dma_wait3A_252 = arith.constant 896 : i32
    %dma_wait3A_253 = tpu.memref_slice %arg2[%dma_wait3A_251, %dma_wait3A_252] : memref<51200x1000xf32, #tpu.memory_space<any>> -> memref<3200x104xf32, #tpu.memory_space<any>>
    tpu.wait_dma2 semaphore(%arg9 : memref<!tpu.dma_semaphore, #tpu.memory_space<semaphore_mem>>) src(%arg5 : memref<3200x104xf32, #tpu.memory_space<vmem>>) dst(%dma_wait3A_253 : memref<3200x104xf32, #tpu.memory_space<any>>)
    %get3A_254 = arith.constant 0 : index
    %get3A_255 = arith.constant 0 : index
    %get3A_256 = vector.load %arg3[%get3A_254, %get3A_255] : memref<3200x128xf32, #tpu.memory_space<vmem>>, vector<3200x104xf32>
    %swap3A_257 = arith.constant 0 : index
    %swap3A_258 = arith.constant 0 : index
    %swap3A_259 = vector.load %arg5[%swap3A_257, %swap3A_258] : memref<3200x104xf32, #tpu.memory_space<vmem>>, vector<3200x104xf32>
    tpu.vector_store %arg5[%swap3A_257, %swap3A_258], %get3A_256 {strides = array<i32>} : memref<3200x104xf32, #tpu.memory_space<vmem>>, vector<3200x104xf32>,
    %dma_start3A_260 = arith.constant 44800 : i32
    %dma_start3A_261 = arith.constant 896 : i32
    %dma_start3A_262 = tpu.memref_slice %arg2[%dma_start3A_260, %dma_start3A_261] : memref<51200x1000xf32, #tpu.memory_space<any>> -> memref<3200x104xf32, #tpu.memory_space<any>>
    tpu.enqueue_dma source(%arg5 : memref<3200x104xf32, #tpu.memory_space<vmem>>) target(%dma_start3A_262 : memref<3200x104xf32, #tpu.memory_space<any>>) target_semaphore(%arg9 : memref<!tpu.dma_semaphore, #tpu.memory_space<semaphore_mem>>)
    %dma_wait3A_263 = arith.constant 48000 : i32
    %dma_wait3A_264 = arith.constant 0 : i32
    %dma_wait3A_265 = tpu.memref_slice %arg1[%dma_wait3A_263, %dma_wait3A_264] : memref<51200x128xf32, #tpu.memory_space<any>> -> memref<3200x128xf32, #tpu.memory_space<any>>
    tpu.wait_dma2 semaphore(%arg8 : memref<!tpu.dma_semaphore, #tpu.memory_space<semaphore_mem>>) src(%dma_wait3A_265 : memref<3200x128xf32, #tpu.memory_space<any>>) dst(%arg4 : memref<3200x128xf32, #tpu.memory_space<vmem>>)
    %dma_wait3A_266 = arith.constant 41600 : i32
    %dma_wait3A_267 = arith.constant 896 : i32
    %dma_wait3A_268 = tpu.memref_slice %arg2[%dma_wait3A_266, %dma_wait3A_267] : memref<51200x1000xf32, #tpu.memory_space<any>> -> memref<3200x104xf32, #tpu.memory_space<any>>
    tpu.wait_dma2 semaphore(%arg10 : memref<!tpu.dma_semaphore, #tpu.memory_space<semaphore_mem>>) src(%arg6 : memref<3200x104xf32, #tpu.memory_space<vmem>>) dst(%dma_wait3A_268 : memref<3200x104xf32, #tpu.memory_space<any>>)
    %get3A_269 = arith.constant 0 : index
    %get3A_270 = arith.constant 0 : index
    %get3A_271 = vector.load %arg4[%get3A_269, %get3A_270] : memref<3200x128xf32, #tpu.memory_space<vmem>>, vector<3200x104xf32>
    %swap3A_272 = arith.constant 0 : index
    %swap3A_273 = arith.constant 0 : index
    %swap3A_274 = vector.load %arg6[%swap3A_272, %swap3A_273] : memref<3200x104xf32, #tpu.memory_space<vmem>>, vector<3200x104xf32>
    tpu.vector_store %arg6[%swap3A_272, %swap3A_273], %get3A_271 {strides = array<i32>} : memref<3200x104xf32, #tpu.memory_space<vmem>>, vector<3200x104xf32>,
    %dma_start3A_275 = arith.constant 48000 : i32
    %dma_start3A_276 = arith.constant 896 : i32
    %dma_start3A_277 = tpu.memref_slice %arg2[%dma_start3A_275, %dma_start3A_276] : memref<51200x1000xf32, #tpu.memory_space<any>> -> memref<3200x104xf32, #tpu.memory_space<any>>
    tpu.enqueue_dma source(%arg6 : memref<3200x104xf32, #tpu.memory_space<vmem>>) target(%dma_start3A_277 : memref<3200x104xf32, #tpu.memory_space<any>>) target_semaphore(%arg10 : memref<!tpu.dma_semaphore, #tpu.memory_space<semaphore_mem>>)
    %dma_wait3A_278 = arith.constant 44800 : i32
    %dma_wait3A_279 = arith.constant 896 : i32
    %dma_wait3A_280 = tpu.memref_slice %arg2[%dma_wait3A_278, %dma_wait3A_279] : memref<51200x1000xf32, #tpu.memory_space<any>> -> memref<3200x104xf32, #tpu.memory_space<any>>
    tpu.wait_dma2 semaphore(%arg9 : memref<!tpu.dma_semaphore, #tpu.memory_space<semaphore_mem>>) src(%arg5 : memref<3200x104xf32, #tpu.memory_space<vmem>>) dst(%dma_wait3A_280 : memref<3200x104xf32, #tpu.memory_space<any>>)
    %dma_wait3A_281 = arith.constant 48000 : i32
    %dma_wait3A_282 = arith.constant 896 : i32
    %dma_wait3A_283 = tpu.memref_slice %arg2[%dma_wait3A_281, %dma_wait3A_282] : memref<51200x1000xf32, #tpu.memory_space<any>> -> memref<3200x104xf32, #tpu.memory_space<any>>
    tpu.wait_dma2 semaphore(%arg10 : memref<!tpu.dma_semaphore, #tpu.memory_space<semaphore_mem>>) src(%arg6 : memref<3200x104xf32, #tpu.memory_space<vmem>>) dst(%dma_wait3A_283 : memref<3200x104xf32, #tpu.memory_space<any>>)
    return
  }
}

</mosaic_0001>

<sc_bundles>
// kernel: kernel.5.cloned.1.call-start
scs
__scs_entry_jumppad:
0x0: {  	(pc) =	sbr.rel $0x88, $3  }
0x1: {  	(tag) =	ssettag $0x0;
	lr =	simm.s32 $0x1  }
0x2: {  	[smem:$0x3F9E] =	sst lr;
	_ =	strace $0xD0000000  }
0x3: {  	_ = 	snop  }
0x4: {  	_ = 	snop  }
0x5: {  	_ = 	snop  }
0x6: {  	_ = 	snop  }
0x7: {  	_ = 	snop  }
__scs_overlays_trampoline_lowered:
0x8: {  	[smem:$0x3FAD] =	sst s0  }
0x9: {  	[smem:$0x3FAE] =	sst s1  }
0xa: {  	[smem:$0x3FAF] =	sst s2  }
0xb: {  	[smem:$0x3FB0] =	sst s3  }
0xc: {  	[smem:$0x3FB1] =	sst s4  }
0xd: {  	[smem:$0x3FB2] =	sst s5  }
0xe: {  	[smem:$0x3FB3] =	sst s6  }
0xf: {  	[smem:$0x3FB4] =	sst s7  }
0x10: {  	[smem:$0x3FB5] =	sst s8  }
0x11: {  	[smem:$0x3FB6] =	sst s9;
	s0 =	simm.s32 @!p0 $0x0  }
0x12: {  	s1 =	sld [smem:$0x3F9C];
	s0 =	simm.s32 @p0 $0x1  }
0x13: {  	[smem:$0x3FB7] =	sst s0;
	s0 =	simm.s32 @!p1 $0x0  }
0x14: {  	s2 =	sld [smem:$0x3F9B];
	s0 =	simm.s32 @p1 $0x1  }
0x15: {  	[smem:$0x3FB8] =	sst s0;
	s0 =	simm.s32 @!p2 $0x0  }
0x16: {  	s3 =	sld [smem:$0x3FDB];
	s0 =	simm.s32 @p2 $0x1  }
0x17: {  	s4 =	simm.s32 $0x1BF5;
	[smem:$0x3FBA] =	sst s0  }
0x18: {  	s0 =	sld [smem:$0x3F9D];
	_ =	swait.ge [sflag:s4], $0x0  }
0x19: {  	s7 =	sld [smem:$0x3F9E]  }
0x1a: {  	s8 =	sadd.s32 $0xFFFFE003, lr  }
0x1b: {  	s9 =	sadd.s32 $0xFFFFFEF7, lr;
	s5 =	simm.s32 $0xFFFFFFFF;
	p2 =	slt.u32 s8, $0xFFFFF086  }
0x1c: {  	p1 =	slt.u32 s9, $0xF7A;
	s5 =	simm.s32 @!p2 $0x0  }
0x1d: {  	s5 =	simm.s32 @p1 $0x1;
	p0 =	seq.s32 s7, s2  }
0x1e: {  	s7 =	smul.u32 @!p0 $0xF7A, s2;
	p2 =	seq.s32 @!p0 s5, $0x0  }
0x1f: {  	s9 =	smul.u32 $0xF7A, s1;
	s8 =	simm.s32 @!p0 $0x1BF5;
	p2 =	por !p2, p0  }
0x20: {  	[sflag:s8] =	ssyncset.s32 @!p0 $0xFFFFF086;
	s6 =	sadd.s32 @!p0 s3, s7;
	s7 =	simm.s32 @!p0 $0x108  }
0x21: {  	s3 =	sadd.s32 s3, s9;
	s6 =	sadd.s32 @!p0 $0x88, s6;
	s7 =	simm.s32 @p2 $0x1082  }
0x22: {  	[simem:s7], [sflag:s8] =	dma.local @!p0 [hbm:s6], $0xF7A  }
0x23: {  	s9 =	sor.u32 $0xD0000000, s2;
	s6 =	simm.s32 $0x108;
	_ =	swait.ge @!p0 [sflag:s8], $0x0  }
0x24: {  	s3 =	sadd.s32 $0x88, s3;
	s6 =	simm.s32 @!p1 $0x1082;
	[sflag:s4] =	ssyncset.s32 $0xFFFFF086  }
0x25: {  	[simem:s6], [sflag:s4] =	dma.local [hbm:s3], $0xF7A  }
0x26: {  	[smem:$0x3F9E] =	sst s1;
	(tag) =	ssettag s2;
	_ =	strace s9  }
0x27: {  	s1 =	sld [smem:$0x3FAE]  }
0x28: {  	s2 =	sld [smem:$0x3FAF]  }
0x29: {  	s4 =	sld [smem:$0x3FB1]  }
0x2a: {  	p0 =	seq.s32 s5, $0x0;
	s5 =	sld [smem:$0x3FB2]  }
0x2b: {  	s6 =	sld [smem:$0x3FB3]  }
0x2c: {  	s7 =	sld [smem:$0x3FB4]  }
0x2d: {  	s3 =	simm.s32 $0x108;
	s8 =	sld [smem:$0x3FB5]  }
0x2e: {  	s3 =	simm.s32 @!p0 $0x1082;
	s9 =	sld [smem:$0x3FB6]  }
0x2f: {  	lr =	sadd.s32 s0, s3;
	s0 =	sld [smem:$0x3FAD]  }
0x30: {  	s3 =	sld [smem:$0x3FB0]  }
0x31: {  	[smem:$0x3FB9] =	sst s10  }
0x32: {  	s10 =	sld [smem:$0x3FB7];
	_ =	sdelay $0x3  }
0x33: {  	p0 =	seq.s32 s10, $0x1;
	s10 =	sld [smem:$0x3FB9];
	_ =	sdelay $0x3  }
0x34: {  	[smem:$0x3FB9] =	sst s10  }
0x35: {  	s10 =	sld [smem:$0x3FB8];
	_ =	sdelay $0x3  }
0x36: {  	p1 =	seq.s32 s10, $0x1;
	s10 =	sld [smem:$0x3FB9];
	_ =	sdelay $0x3  }
0x37: {  	[smem:$0x3FB9] =	sst s10  }
0x38: {  	s10 =	sld [smem:$0x3FBA]  }
0x39: {  	_ = 	snop;
	(pc) =	sbr.ind lr, $3  }
0x3a: {  	_ = 	snop  }
0x3b: {  	_ = 	snop  }
0x3c: {  	p2 =	seq.s32 s10, $0x1;
	s10 =	sld [smem:$0x3FB9]  }
0x3d: {  	_ =	shalt  }
0x3e: {  	_ =	shalt  }
0x3f: {  	_ =	shalt  }
0x40: {  	_ =	shalt  }
0x41: {  	_ =	shalt  }
0x42: {  	_ =	shalt  }
0x43: {  	_ =	shalt  }
0x44: {  	_ =	shalt  }
0x45: {  	_ =	shalt  }
0x46: {  	_ =	shalt  }
0x47: {  	_ =	shalt  }
0x48: {  	_ =	shalt  }
0x49: {  	_ =	shalt  }
0x4a: {  	_ =	shalt  }
0x4b: {  	_ =	shalt  }
0x4c: {  	_ =	shalt  }
0x4d: {  	_ =	shalt  }
0x4e: {  	_ =	shalt  }
0x4f: {  	_ =	shalt  }
0x50: {  	_ =	shalt  }
0x51: {  	_ =	shalt  }
0x52: {  	_ =	shalt  }
0x53: {  	_ =	shalt  }
0x54: {  	_ =	shalt  }
0x55: {  	_ =	shalt  }
0x56: {  	_ =	shalt  }
0x57: {  	_ =	shalt  }
0x58: {  	_ =	shalt  }
0x59: {  	_ =	shalt  }
0x5a: {  	_ =	shalt  }
0x5b: {  	_ =	shalt  }
0x5c: {  	_ =	shalt  }
0x5d: {  	_ =	shalt  }
0x5e: {  	_ =	shalt  }
0x5f: {  	_ =	shalt  }
0x60: {  	_ =	shalt  }
0x61: {  	_ =	shalt  }
0x62: {  	_ =	shalt  }
0x63: {  	_ =	shalt  }
0x64: {  	_ =	shalt  }
0x65: {  	_ =	shalt  }
0x66: {  	_ =	shalt  }
0x67: {  	_ =	shalt  }
0x68: {  	_ =	shalt  }
0x69: {  	_ =	shalt  }
0x6a: {  	_ =	shalt  }
0x6b: {  	_ =	shalt  }
0x6c: {  	_ =	shalt  }
0x6d: {  	_ =	shalt  }
0x6e: {  	_ =	shalt  }
0x6f: {  	_ =	shalt  }
0x70: {  	_ =	shalt  }
0x71: {  	_ =	shalt  }
0x72: {  	_ =	shalt  }
0x73: {  	_ =	shalt  }
0x74: {  	_ =	shalt  }
0x75: {  	_ =	shalt  }
0x76: {  	_ =	shalt  }
0x77: {  	_ =	shalt  }
0x78: {  	_ =	shalt  }
0x79: {  	_ =	shalt  }
0x7a: {  	_ =	shalt  }
0x7b: {  	_ =	shalt  }
0x7c: {  	_ =	shalt  }
0x7d: {  	_ =	shalt  }
0x7e: {  	_ =	shalt  }
0x7f: {  	_ =	shalt  }
0x80: {  	_ =	shalt  }
0x81: {  	_ =	shalt  }
0x82: {  	_ =	shalt  }
0x83: {  	_ =	shalt  }
0x84: {  	_ =	shalt  }
0x85: {  	_ =	shalt  }
0x86: {  	_ =	shalt  }
0x87: {  	_ =	shalt  }
.Lfunc_end0:
.L_simem_size_0:
called_computation_lowered:
.L_overlay_start_0:
0x88: {  	s2 =	sld [smem:$0x3FD9]  }
0x89: {  	s3 =	sld [smem:$0x3FFE];
	_ =	sdelay $0x1  }
0x8a: {  	s1 =	srdreg.scid  }
0x8b: {  	s0 =	sand.u32 $0x1, s1  }
0x8c: {  	s14 =	sshll.u32 s0, $0xA;
	s2 =	sadd.s32 s3, s2  }
0x8d: {  	s2 =	sadd.s32 s2, s14  }
0x8e: {  	[smem:$0x3FC5] =	sst s2  }
0x8f: {  	_ = 	snop  }
0x90: {  	s2 =	sld [smem:$0x3FD0];
	_ =	sdelay $0x2  }
0x91: {  	s15 =	simm.s32 $0xA;
	s4 =	simm.s32 $0x10  }
0x92: {  	[smem:s4], [sflag:s15] =	dma.local [hbm:s2], $0x1  }
0x93: {  	_ =	swait.eq [sflag:s15], $0x1  }
0x94: {  	[sflag:s15] =	ssyncset.done $0x0  }
0x95: {  	[sflag:s15] =	ssyncadd.s32 $0xFFFFFFFF  }
0x96: {  	s16 =	sld [smem:$0x10];
	(tm) =	ssettm $0x1  }
0x97: {  	s17 =	sld [smem:$0x3FFB];
	_ =	sdelay $0x3  }
0x98: {  	_ =	strace s17  }
0x99: {  	s3 =	sld [smem:$0x3FFC];
	_ =	sdelay $0x3  }
0x9a: {  	_ =	strace s3  }
0x9b: {  	s3 =	sld [smem:$0x3FFD];
	_ =	sdelay $0x3  }
0x9c: {  	_ =	strace s3  }
0x9d: {  	_ =	strace $0x8FFFFFFF  }
0x9e: {  	s18 =	sld [smem:$0x3FDB];
	_ =	sdelay $0x1  }
0x9f: {  	s19 =	simm.s32 $_scs_section_size  }
0xa0: {  	s5 =	simm.s32 $_size__tile_overlayer_lowered;
	s6 =	simm.s32 $_tile_overlayer_lowered  }
0xa1: {  	s22 =	simm.s32 $0x1BFF;
	s21 =	sshll.u32 s6, $0x1;
	s3 =	sadd.s32 s19, s18  }
0xa2: {  	s7 =	simm.s32 $0x0;
	s20 =	sshll.u32 s5, $0x1;
	s5 =	sadd.s32 s21, s3  }
0xa3: {  	[timem:s7], [sflag:s22] =	dma.local [hbm:s5], s20  }
0xa4: {  	_ =	swait.ge [sflag:s22], s20  }
0xa5: {  	s4 =	ssub.s32 $0x0, s20;
	[sflag:s22] =	ssyncset.done $0x0  }
0xa6: {  	[sflag:s22] =	ssyncadd.s32 s4;
	_ =	sdelay $0x1  }
0xa7: {  	s23 =	simm.s32 $0x1B8B  }
0xa8: {  	_ =	swait.ge [sflag:s23], $0x1  }
0xa9: {  	[sflag:s23] =	ssyncset.done $0x0  }
0xaa: {  	s25 =	simm.s32 $0x1B8E;
	s24 =	sld [smem:$0x3FFE];
	[sflag:s23] =	ssyncadd.s32 $0xFFFFFFFF  }
0xab: {  	s26 =	simm.s32 $execute0_lowered;
	[smem:$0x3FD2] =	sst s25  }
0xac: {  	s5 =	sshll.u32 s26, $0x1;
	_ =	strace $0x80000046;
	[dreg:$0x1] =	wrdreg $0xFFFFFFFF  }
0xad: {  	s28 =	simm.s32 $_size_execute0_lowered;
	s3 =	sadd.s32 s3, s5;
	[dreg:$0x0] =	wrdreg $0x0  }
0xae: {  	s5 =	sshll.u32 s28, $0x1;
	[dreg:$0x2] =	wrdreg s3  }
0xaf: {  	[dreg:$0x3] =	wrdreg s5  }
0xb0: {  	[dreg:$0x4] =	wrdreg $0xC0  }
0xb1: {  	_ =	task [dreg:s7], $0x5FFFF  }
0xb2: {  	[dreg:$0x1] =	wrdreg $0xFFFFFFFF  }
0xb3: {  	[dreg:$0x0] =	wrdreg $0x60  }
0xb4: {  	[dreg:$0x2] =	wrdreg s24  }
0xb5: {  	[dreg:$0x3] =	wrdreg s16  }
0xb6: {  	[dreg:$0x4] =	wrdreg $0x9  }
0xb7: {  	_ =	task.clear_ibuf [dreg:s7], $0x5FFFF;
	_ =	strace $0x90000046  }
0xb8: {  	s29 =	simm.s32 $0x9;
	_ =	strace $0x80000048  }
0xb9: {  	_ =	swait.ge [sflag:s29], $0x1  }
0xba: {  	[sflag:s29] =	ssyncadd.s32 $0xFFFFFFFF  }
0xbb: {  	_ =	strace $0x90000048  }
0xbc: {  	_ =	sfence  }
0xbd: {  	s30 =	sld [smem:$0x0];
	_ =	sdelay $0x2  }
0xbe: {  	s31 =	sshll.u32 s1, $0xD;
	s1 =	sshrl.u32 s1, $0x2  }
0xbf: {  	s3 =	sand.u32 $0x4000, s31;
	s1 =	sadd.s32 s1, s30  }
0xc0: {  	s0 =	sor.u32 s3, s0;
	s1 =	sshll.u32 s1, $0x11  }
0xc1: {  	s0 =	sor.u32 s1, s0  }
0xc2: {  	s0 =	sadd.s32 $0x8F2B, s0  }
0xc3: {  	[sflag:s0] =	ssyncadd.remote.s32 $0x1  }
0xc4: {  	_ =	sfence.sel $0xFFFF  }
0xc5: {  	[dreg:$0x0] =	wrdreg $0xFFFFFFFF;
	(pc) =	sbr.abs _section_cstart, $3  }
0xc6: {  	[dreg:$0x1] =	wrdreg $0xFFFFFFFF  }
0xc7: {  	_ =	task.clear_ibuf [dreg:s7], $0x2FFFF;
	_ =	strace $0x9FFFFFFF  }
0xc8: {  	(tm) =	ssettm $0x7FFFFFFF  }
0xc9: {  	_ =	shalt  }
tec
execute0_lowered:
.L_overlay_start_1:
0x0: {  	(tag) =	ssettag $0x1  }
0x1: {  	s0 =	srdreg.scid;
	s17 =	stileid.u32  }
0x2: {  	s2 =	sand.u32 $0x1, s0;
	s1 =	sshll.u32 s17, $0x1  }
0x3: {  	s1 =	sor.u32 s2, s1  }
0x4: {  	s3 =	smul.u32 $0x640, s1  }
0x5: {  	s0 =	rddreg [dreg:$0x0]  }
0x6: {  	s4 =	ssub.s32 $0x2, s2;
	s5 =	sadd.s32 $0x21800, s0;
	s9 =	sadd.s32 $0x5F0, s3  }
0x7: {  	s6 =	sadd.s32 $0x21900, s0;
	s14 =	sshrl.u32 s4, $0x1;
	s12 =	sshll.u32 s9, $0x7  }
0x8: {  	s1 =	ssub.s32 s4, s14;
	s4 =	sadd.s32 $0x21880, s0;
	s13 =	sadd.s32 s5, s12  }
0x9: {  	s7 =	sadd.s32 $0x21980, s0;
	s15 =	sadd.s32 s12, s4;
	[dreg:$0x4] =	wrdreg s13  }
0xa: {  	s8 =	sadd.s32 $0x21A00, s0;
	s16 =	sadd.s32 s12, s6;
	[dreg:$0x5] =	wrdreg s15  }
0xb: {  	s10 =	sadd.s32 $0x21A80, s0;
	s18 =	sadd.s32 s12, s7;
	[dreg:$0x6] =	wrdreg s16  }
0xc: {  	s11 =	sadd.s32 $0x21B00, s0;
	s19 =	sadd.s32 s12, s8;
	[dreg:$0x7] =	wrdreg s18  }
0xd: {  	s14 =	sadd.s32 s12, s10;
	[dreg:$0x8] =	wrdreg s19;
	s13 =	sadd.s32 $0x600, s3  }
0xe: {  	s12 =	sadd.s32 s12, s11;
	[dreg:$0x9] =	wrdreg s14;
	s20 =	sshll.u32 s13, $0x7  }
0xf: {  	[dreg:$0xa] =	wrdreg s12;
	s21 =	sadd.s32 s5, s20  }
0x10: {  	s22 =	sadd.s32 s20, s4;
	[dreg:$0xb] =	wrdreg s21  }
0x11: {  	s23 =	sadd.s32 s20, s6;
	[dreg:$0xc] =	wrdreg s22  }
0x12: {  	s24 =	sadd.s32 s20, s7;
	[dreg:$0xd] =	wrdreg s23  }
0x13: {  	s25 =	sadd.s32 s20, s8;
	[dreg:$0xe] =	wrdreg s24  }
0x14: {  	s14 =	sadd.s32 $0x610, s3;
	s15 =	sadd.s32 s20, s10;
	[dreg:$0xf] =	wrdreg s25  }
0x15: {  	s26 =	sshll.u32 s14, $0x7;
	s12 =	sadd.s32 s20, s11;
	[dreg:$0x10] =	wrdreg s15  }
0x16: {  	s16 =	sadd.s32 s5, s26;
	[dreg:$0x11] =	wrdreg s12  }
0x17: {  	s18 =	sadd.s32 s26, s4;
	[dreg:$0x12] =	wrdreg s16  }
0x18: {  	s19 =	sadd.s32 s26, s6;
	[dreg:$0x13] =	wrdreg s18  }
0x19: {  	s20 =	sadd.s32 s26, s7;
	[dreg:$0x14] =	wrdreg s19  }
0x1a: {  	s28 =	simm.s32 $0xCE80;
	[dreg:$0x15] =	wrdreg s20;
	s21 =	sadd.s32 s26, s8  }
0x1b: {  	s15 =	sadd.s32 $0x620, s3;
	s16 =	sadd.s32 s26, s10;
	[dreg:$0x16] =	wrdreg s21  }
0x1c: {  	s12 =	sadd.s32 s26, s11;
	[dreg:$0x17] =	wrdreg s16;
	s22 =	sshll.u32 s15, $0x7  }
0x1d: {  	s29 =	simm.s32 $0xD680;
	[dreg:$0x18] =	wrdreg s12;
	s23 =	sadd.s32 s5, s22  }
0x1e: {  	s30 =	simm.s32 $0xDE80;
	s24 =	sadd.s32 s22, s4;
	[dreg:$0x19] =	wrdreg s23  }
0x1f: {  	s31 =	simm.s32 $0x6;
	s25 =	sadd.s32 s22, s6;
	[dreg:$0x1a] =	wrdreg s24  }
0x20: {  	s16 =	sadd.s32 $0x630, s3;
	s26 =	sadd.s32 s22, s7;
	[dreg:$0x1b] =	wrdreg s25  }
0x21: {  	s3 =	sshrl.u32 s3, $0x3;
	s18 =	sadd.s32 s22, s8;
	[dreg:$0x1c] =	wrdreg s26  }
0x22: {  	s12 =	sadd.s32 s22, s11;
	s19 =	sshll.u32 s16, $0x7;
	[dreg:$0x1d] =	wrdreg s18  }
0x23: {  	s3 =	sadd.s32 s3, s0;
	s18 =	sadd.s32 s22, s10;
	[dreg:$0x1f] =	wrdreg s12  }
0x24: {  	s4 =	sadd.s32 s19, s4;
	s20 =	sadd.s32 s19, s6;
	s12 =	rddreg [dreg:$0x1]  }
0x25: {  	s21 =	sadd.s32 s19, s7;
	s22 =	sadd.s32 s19, s8;
	[dreg:$0x1e] =	wrdreg s18  }
0x26: {  	s23 =	sadd.s32 s19, s10;
	s24 =	smul.u32 $0x64000, s17;
	[smem:$0x7EF] =	sst s4  }
0x27: {  	s25 =	sadd.s32 s19, s11;
	s26 =	smul.u32 $0x32000, s2;
	[smem:$0x7F0] =	sst s20  }
0x28: {  	s10 =	sadd.s32 s5, s19;
	s11 =	sshll.u32 s9, $0x4;
	[smem:$0x7F1] =	sst s21  }
0x29: {  	s19 =	sshll.u32 s14, $0x4;
	s2 =	smul.u32 $0x6400, s2;
	[smem:$0x7F2] =	sst s22  }
0x2a: {  	s3 =	sadd.s32 $0xA00, s3;
	s14 =	sadd.s32 $0x2700, s0;
	[smem:$0x7F3] =	sst s23  }
0x2b: {  	s7 =	simm.s32 $0xF680;
	s8 =	simm.s32 $0xA;
	[smem:$0x7F4] =	sst s25  }
0x2c: {  	s4 =	simm.s32 $0x0;
	[smem:$0x7F5] =	sst s10;
	s6 =	sadd.s32 s12, s11  }
0x2d: {  	s18 =	sshll.u32 s13, $0x4;
	s20 =	sadd.s32 s12, s19;
	s21 =	sshll.u32 s15, $0x4  }
0x2e: {  	s22 =	sshll.u32 s16, $0x4;
	s23 =	smul.u32 $0xC800, s17;
	s11 =	sadd.s32 $0x2400, s0  }
0x2f: {  	s13 =	sadd.s32 $0x2600, s0;
	s25 =	smax.u32 s1, $0x1;
	s16 =	simm.s32 $0x10680  }
0x30: {  	s17 =	simm.s32 $0x10E80;
	s19 =	simm.s32 $0x11680;
	[smem:$0x7FF] =	sst s4  }
0x31: {  	s1 =	simm.s32 $0x7;
	s5 =	sadd.s32 s24, s5;
	[smem:$0x7F6] =	sst s6  }
0x32: {  	s6 =	sadd.s32 s12, s18;
	[smem:$0x7F8] =	sst s20;
	s18 =	simm.s32 $0xFE80  }
0x33: {  	s20 =	simm.s32 $0x11E80;
	s5 =	sadd.s32 s26, s5;
	[smem:$0x7F7] =	sst s6  }
0x34: {  	s6 =	sadd.s32 s12, s21;
	s24 =	sadd.s32 s23, s12;
	s21 =	simm.s32 $0x12680  }
0x35: {  	s23 =	simm.s32 $0x13680;
	[smem:$0x7F9] =	sst s6;
	s6 =	sadd.s32 s12, s22  }
0x36: {  	s2 =	sadd.s32 s2, s24;
	s12 =	sadd.s32 $0x2500, s0;
	[smem:$0x7FA] =	sst s6  }
0x37: {  	s22 =	simm.s32 $0x12E80;
	_ =	strace $0x80000047;
	[dreg:$0x3] =	wrdreg s5  }
0x38: {  	s24 =	simm.s32 $0x13E80;
	s0 =	simm.s32 $0x0;
	[smem:$0x7FB] =	sst s3  }
0x39: {  	v2 =	vlaneseq.u32;
	s26 =	sadd.s32 $0x400, s2;
	s2 =	simm.s32 $0xE680;
	[smem:$0x7FC] =	sst s25  }
0x3a: {  	vm0 =	vmmov $0xffff;
	v1 =	vshrl.u32 v2, $0x3;
	s6 =	simm.s32 $0x9;
	[smem:$0x7FD] =	sst s26;
	s26 =	simm.s32 $0xC680  }
0x3b: {  	v0 =	vand.u32 $0x7, v2;
	v2 =	vor.u32 $0x8, v2;
	v1 =	vmul.u32 $0x8, v1;
	s5 =	simm.s32 $0xEE80;
	s25 =	simm.s32 $0x1;
	s3 =	simm.s32 $0x8  }
.LBB2_1:
0x3c: {  	s9 =	sld [smem:$0x7FB];
	_ =	sdelay $0x1  }
0x3d: {  	[smem:$0x7EE] =	sst s0;
	s0 =	simm.s32 $0xB  }
0x3e: {  	[tilespmem:s4], [sflag:$0xB] =	stream.linear.gather [hbm4b:s9+s4], $0x640, $0x38;
	[tilespmem:$0x14680] =	vst v63  }
0x3f: {  	_ =	swait.ge [sflag:s0], $0x640  }
0x40: {  	[sflag:s0] =	ssyncset.done $0x0  }
0x41: {  	[sflag:s0] =	ssyncadd.s32 $0xFFFFF9C0  }
0x42: {  	v3 =	vld [tilespmem:$0x0];
	_ =	sdelay $0x4  }
0x43: {  	v4 =	vshll.u32 v3, $0x3  }
0x44: {  	v3 =	vand.u32 $0x7, v3;
	v4 =	vand.u32 $0xFFFFFFC0, v4  }
0x45: {  	v3 =	vor.u32 v3, v4  }
0x46: {  	v4 =	vperm.xlane v3, v0;
	_ =	sdelay $0x1  }
0x47: {  	v4 =	vadd.s32 v1, v4;
	_ =	sdelay $0x3  }
0x48: {  	s10 =	simm.s32 $0x680  }
0x49: {  	[tilespmem:s10], [sflag:$0x1] =	stream.indirect_vreg.gather [hbm4b:s11+s4], $0x80, v4, vm0, $0xb8;
	[tilespmem:$0x14680] =	vst v63  }
0x4a: {  	s15 =	simm.s32 $0xE80;
	v3 =	vperm.xlane v3, v2  }
0x4b: {  	[tilespmem:s15], [sflag:$0x1] =	stream.indirect_vreg.gather [hbm4b:s12+s4], $0x80, v4, vm0, $0xb8;
	[tilespmem:$0x14680] =	vst v63  }
0x4c: {  	s0 =	simm.s32 $0x1680;
	v3 =	vadd.s32 v1, v3  }
0x4d: {  	[tilespmem:s0], [sflag:$0x1] =	stream.indirect_vreg.gather [hbm4b:s13+s4], $0x80, v4, vm0, $0xb8;
	[tilespmem:$0x14680] =	vst v63  }
0x4e: {  	s10 =	simm.s32 $0x1E80  }
0x4f: {  	[tilespmem:s10], [sflag:$0x1] =	stream.indirect_vreg.gather [hbm4b:s14+s4], $0x80, v4, vm0, $0xb8;
	[tilespmem:$0x14680] =	vst v63  }
0x50: {  	s15 =	simm.s32 $0x2680  }
0x51: {  	[tilespmem:s15], [sflag:$0x1] =	stream.indirect_vreg.gather [hbm4b:s11+s4], $0x80, v3, vm0, $0xb8;
	[tilespmem:$0x14680] =	vst v63  }
0x52: {  	s0 =	simm.s32 $0x2E80  }
0x53: {  	[tilespmem:s0], [sflag:$0x1] =	stream.indirect_vreg.gather [hbm4b:s12+s4], $0x80, v3, vm0, $0xb8;
	[tilespmem:$0x14680] =	vst v63  }
0x54: {  	s10 =	simm.s32 $0x3680  }
0x55: {  	[tilespmem:s10], [sflag:$0x1] =	stream.indirect_vreg.gather [hbm4b:s13+s4], $0x80, v3, vm0, $0xb8;
	[tilespmem:$0x14680] =	vst v63  }
0x56: {  	s15 =	simm.s32 $0x3E80  }
0x57: {  	[tilespmem:s15], [sflag:$0x1] =	stream.indirect_vreg.gather [hbm4b:s14+s4], $0x80, v3, vm0, $0xb8;
	[tilespmem:$0x14680] =	vst v63  }
0x58: {  	v3 =	vld [tilespmem:$0x10];
	_ =	sdelay $0x4  }
0x59: {  	v60 =	vshll.u32 v3, $0x3  }
0x5a: {  	v3 =	vand.u32 $0x7, v3;
	v4 =	vand.u32 $0xFFFFFFC0, v60  }
0x5b: {  	v3 =	vor.u32 v3, v4  }
0x5c: {  	v4 =	vperm.xlane v3, v0;
	_ =	sdelay $0x1  }
0x5d: {  	v4 =	vadd.s32 v1, v4;
	_ =	sdelay $0x3  }
0x5e: {  	s0 =	simm.s32 $0x4680  }
0x5f: {  	[tilespmem:s0], [sflag:$0x2] =	stream.indirect_vreg.gather [hbm4b:s11+s4], $0x80, v4, vm0, $0xb8;
	[tilespmem:$0x14680] =	vst v63  }
0x60: {  	s10 =	simm.s32 $0x4E80;
	v3 =	vperm.xlane v3, v2  }
0x61: {  	[tilespmem:s10], [sflag:$0x2] =	stream.indirect_vreg.gather [hbm4b:s12+s4], $0x80, v4, vm0, $0xb8;
	[tilespmem:$0x14680] =	vst v63  }
0x62: {  	s15 =	simm.s32 $0x5680;
	v3 =	vadd.s32 v1, v3  }
0x63: {  	[tilespmem:s15], [sflag:$0x2] =	stream.indirect_vreg.gather [hbm4b:s13+s4], $0x80, v4, vm0, $0xb8;
	[tilespmem:$0x14680] =	vst v63  }
0x64: {  	s0 =	simm.s32 $0x5E80  }
0x65: {  	[tilespmem:s0], [sflag:$0x2] =	stream.indirect_vreg.gather [hbm4b:s14+s4], $0x80, v4, vm0, $0xb8;
	[tilespmem:$0x14680] =	vst v63  }
0x66: {  	s9 =	simm.s32 $0x6680  }
0x67: {  	[tilespmem:s9], [sflag:$0x2] =	stream.indirect_vreg.gather [hbm4b:s11+s4], $0x80, v3, vm0, $0xb8;
	[tilespmem:$0x14680] =	vst v63  }
0x68: {  	s10 =	simm.s32 $0x6E80  }
0x69: {  	[tilespmem:s10], [sflag:$0x2] =	stream.indirect_vreg.gather [hbm4b:s12+s4], $0x80, v3, vm0, $0xb8;
	[tilespmem:$0x14680] =	vst v63  }
0x6a: {  	s15 =	simm.s32 $0x7680  }
0x6b: {  	[tilespmem:s15], [sflag:$0x2] =	stream.indirect_vreg.gather [hbm4b:s13+s4], $0x80, v3, vm0, $0xb8;
	[tilespmem:$0x14680] =	vst v63  }
0x6c: {  	s9 =	simm.s32 $0x7E80  }
0x6d: {  	[tilespmem:s9], [sflag:$0x2] =	stream.indirect_vreg.gather [hbm4b:s14+s4], $0x80, v3, vm0, $0xb8;
	[tilespmem:$0x14680] =	vst v63  }
0x6e: {  	v3 =	vld [tilespmem:$0x20];
	_ =	sdelay $0x4  }
0x6f: {  	v61 =	vshll.u32 v3, $0x3  }
0x70: {  	v3 =	vand.u32 $0x7, v3;
	v4 =	vand.u32 $0xFFFFFFC0, v61  }
0x71: {  	v3 =	vor.u32 v3, v4  }
0x72: {  	v4 =	vperm.xlane v3, v0;
	_ =	sdelay $0x1  }
0x73: {  	v4 =	vadd.s32 v1, v4;
	_ =	sdelay $0x3  }
0x74: {  	s10 =	simm.s32 $0x8680  }
0x75: {  	[tilespmem:s10], [sflag:$0x3] =	stream.indirect_vreg.gather [hbm4b:s11+s4], $0x80, v4, vm0, $0xb8;
	[tilespmem:$0x14680] =	vst v63  }
0x76: {  	s15 =	simm.s32 $0x8E80;
	v3 =	vperm.xlane v3, v2  }
0x77: {  	[tilespmem:s15], [sflag:$0x3] =	stream.indirect_vreg.gather [hbm4b:s12+s4], $0x80, v4, vm0, $0xb8;
	[tilespmem:$0x14680] =	vst v63  }
0x78: {  	s9 =	simm.s32 $0x9680;
	v3 =	vadd.s32 v1, v3  }
0x79: {  	[tilespmem:s9], [sflag:$0x3] =	stream.indirect_vreg.gather [hbm4b:s13+s4], $0x80, v4, vm0, $0xb8;
	[tilespmem:$0x14680] =	vst v63  }
0x7a: {  	s10 =	simm.s32 $0x9E80  }
0x7b: {  	[tilespmem:s10], [sflag:$0x3] =	stream.indirect_vreg.gather [hbm4b:s14+s4], $0x80, v4, vm0, $0xb8;
	[tilespmem:$0x14680] =	vst v63  }
0x7c: {  	s15 =	simm.s32 $0xA680  }
0x7d: {  	[tilespmem:s15], [sflag:$0x3] =	stream.indirect_vreg.gather [hbm4b:s11+s4], $0x80, v3, vm0, $0xb8;
	[tilespmem:$0x14680] =	vst v63  }
0x7e: {  	s9 =	simm.s32 $0xAE80  }
0x7f: {  	[tilespmem:s9], [sflag:$0x3] =	stream.indirect_vreg.gather [hbm4b:s12+s4], $0x80, v3, vm0, $0xb8;
	[tilespmem:$0x14680] =	vst v63  }
0x80: {  	s10 =	simm.s32 $0xB680  }
0x81: {  	[tilespmem:s10], [sflag:$0x3] =	stream.indirect_vreg.gather [hbm4b:s13+s4], $0x80, v3, vm0, $0xb8;
	[tilespmem:$0x14680] =	vst v63  }
0x82: {  	s15 =	simm.s32 $0xBE80  }
0x83: {  	[tilespmem:s15], [sflag:$0x3] =	stream.indirect_vreg.gather [hbm4b:s14+s4], $0x80, v3, vm0, $0xb8;
	[tilespmem:$0x14680] =	vst v63  }
0x84: {  	v3 =	vld [tilespmem:$0x30];
	_ =	sdelay $0x4  }
0x85: {  	v62 =	vshll.u32 v3, $0x3  }
0x86: {  	v3 =	vand.u32 $0x7, v3;
	v4 =	vand.u32 $0xFFFFFFC0, v62  }
0x87: {  	v3 =	vor.u32 v3, v4  }
0x88: {  	v4 =	vperm.xlane v3, v0;
	_ =	sdelay $0x1  }
0x89: {  	v4 =	vadd.s32 v1, v4;
	_ =	sdelay $0x4  }
0x8a: {  	[tilespmem:s26], [sflag:$0x4] =	stream.indirect_vreg.gather [hbm4b:s11+s4], $0x80, v4, vm0, $0xb8;
	[tilespmem:$0x14680] =	vst v63  }
0x8b: {  	v3 =	vperm.xlane v3, v2  }
0x8c: {  	[tilespmem:s28], [sflag:$0x4] =	stream.indirect_vreg.gather [hbm4b:s12+s4], $0x80, v4, vm0, $0xb8;
	[tilespmem:$0x14680] =	vst v63  }
0x8d: {  	v3 =	vadd.s32 v1, v3  }
0x8e: {  	[tilespmem:s29], [sflag:$0x4] =	stream.indirect_vreg.gather [hbm4b:s13+s4], $0x80, v4, vm0, $0xb8;
	[tilespmem:$0x14680] =	vst v63  }
0x8f: {  	_ = 	snop  }
0x90: {  	[tilespmem:s30], [sflag:$0x4] =	stream.indirect_vreg.gather [hbm4b:s14+s4], $0x80, v4, vm0, $0xb8;
	[tilespmem:$0x14680] =	vst v63  }
0x91: {  	_ = 	snop  }
0x92: {  	[tilespmem:s2], [sflag:$0x4] =	stream.indirect_vreg.gather [hbm4b:s11+s4], $0x80, v3, vm0, $0xb8;
	[tilespmem:$0x14680] =	vst v63  }
0x93: {  	_ = 	snop  }
0x94: {  	[tilespmem:s5], [sflag:$0x4] =	stream.indirect_vreg.gather [hbm4b:s12+s4], $0x80, v3, vm0, $0xb8;
	[tilespmem:$0x14680] =	vst v63  }
0x95: {  	_ = 	snop  }
0x96: {  	[tilespmem:s7], [sflag:$0x4] =	stream.indirect_vreg.gather [hbm4b:s13+s4], $0x80, v3, vm0, $0xb8;
	[tilespmem:$0x14680] =	vst v63  }
0x97: {  	_ = 	snop  }
0x98: {  	[tilespmem:s18], [sflag:$0x4] =	stream.indirect_vreg.gather [hbm4b:s14+s4], $0x80, v3, vm0, $0xb8;
	[tilespmem:$0x14680] =	vst v63  }
0x99: {  	v3 =	vld [tilespmem:$0x40];
	_ =	sdelay $0x4  }
0x9a: {  	v63 =	vshll.u32 v3, $0x3  }
0x9b: {  	v3 =	vand.u32 $0x7, v3;
	v4 =	vand.u32 $0xFFFFFFC0, v63  }
0x9c: {  	v3 =	vor.u32 v3, v4  }
0x9d: {  	v4 =	vperm.xlane v3, v0;
	_ =	sdelay $0x1  }
0x9e: {  	v4 =	vadd.s32 v1, v4;
	_ =	sdelay $0x4  }
0x9f: {  	[tilespmem:s16], [sflag:$0x5] =	stream.indirect_vreg.gather [hbm4b:s11+s4], $0x80, v4, vm0, $0xb8;
	[tilespmem:$0x14680] =	vst v63  }
0xa0: {  	v3 =	vperm.xlane v3, v2  }
0xa1: {  	[tilespmem:s17], [sflag:$0x5] =	stream.indirect_vreg.gather [hbm4b:s12+s4], $0x80, v4, vm0, $0xb8;
	[tilespmem:$0x14680] =	vst v63  }
0xa2: {  	v3 =	vadd.s32 v1, v3  }
0xa3: {  	[tilespmem:s19], [sflag:$0x5] =	stream.indirect_vreg.gather [hbm4b:s13+s4], $0x80, v4, vm0, $0xb8;
	[tilespmem:$0x14680] =	vst v63  }
0xa4: {  	_ = 	snop  }
0xa5: {  	[tilespmem:s20], [sflag:$0x5] =	stream.indirect_vreg.gather [hbm4b:s14+s4], $0x80, v4, vm0, $0xb8;
	[tilespmem:$0x14680] =	vst v63  }
0xa6: {  	_ = 	snop  }
0xa7: {  	[tilespmem:s21], [sflag:$0x5] =	stream.indirect_vreg.gather [hbm4b:s11+s4], $0x80, v3, vm0, $0xb8;
	[tilespmem:$0x14680] =	vst v63  }
0xa8: {  	_ = 	snop  }
0xa9: {  	[tilespmem:s22], [sflag:$0x5] =	stream.indirect_vreg.gather [hbm4b:s12+s4], $0x80, v3, vm0, $0xb8;
	[tilespmem:$0x14680] =	vst v63  }
0xaa: {  	_ = 	snop  }
0xab: {  	[tilespmem:s23], [sflag:$0x5] =	stream.indirect_vreg.gather [hbm4b:s13+s4], $0x80, v3, vm0, $0xb8;
	[tilespmem:$0x14680] =	vst v63  }
0xac: {  	s9 =	simm.s32 $0x90;
	s10 =	sld [smem:$0x7FD];
	s15 =	simm.s32 $0x0  }
0xad: {  	[tilespmem:s24], [sflag:$0x5] =	stream.indirect_vreg.gather [hbm4b:s14+s4], $0x80, v3, vm0, $0xb8;
	[tilespmem:$0x14680] =	vst v63  }
.LBB2_2:
0xae: {  	_ =	swait.ge [sflag:s25], $0x4000  }
0xaf: {  	s16 =	rddreg [dreg:$0x3];
	[sflag:s25] =	ssyncset.done $0x0  }
0xb0: {  	s19 =	simm.s32 $0x680;
	[sflag:s25] =	ssyncadd.s32 $0xFFFFC000;
	s16 =	sadd.s32 s15, s16  }
0xb1: {  	[hbm4b:s16+s4] =	stream.linear.scatter [tilespmem:s19], [sflag:$0x6], $0x400, $0x38;
	[tilespmem:$0x14680] =	vst v63  }
0xb2: {  	s23 =	simm.s32 $0x2680;
	s17 =	sadd.s32 $0x400, s16  }
0xb3: {  	[hbm4b:s17+s4] =	stream.linear.scatter [tilespmem:s23], [sflag:$0x6], $0x400, $0x38;
	[tilespmem:$0x14680] =	vst v63  }
0xb4: {  	s0 =	simm.s32 $0xA80;
	s26 =	sadd.s32 $0x80, s16  }
0xb5: {  	[hbm4b:s26+s4] =	stream.linear.scatter [tilespmem:s0], [sflag:$0x6], $0x400, $0x38;
	[tilespmem:$0x14680] =	vst v63  }
0xb6: {  	s5 =	simm.s32 $0x2A80;
	s2 =	sadd.s32 $0x480, s16  }
0xb7: {  	[hbm4b:s2+s4] =	stream.linear.scatter [tilespmem:s5], [sflag:$0x6], $0x400, $0x38;
	[tilespmem:$0x14680] =	vst v63  }
0xb8: {  	s20 =	simm.s32 $0xE80;
	s7 =	sadd.s32 $0x100, s16  }
0xb9: {  	[hbm4b:s7+s4] =	stream.linear.scatter [tilespmem:s20], [sflag:$0x6], $0x400, $0x38;
	[tilespmem:$0x14680] =	vst v63  }
0xba: {  	s24 =	simm.s32 $0x2E80;
	s18 =	sadd.s32 $0x500, s16  }
0xbb: {  	[hbm4b:s18+s4] =	stream.linear.scatter [tilespmem:s24], [sflag:$0x6], $0x400, $0x38;
	[tilespmem:$0x14680] =	vst v63  }
0xbc: {  	s22 =	simm.s32 $0x1280;
	s21 =	sadd.s32 $0x180, s16  }
0xbd: {  	[hbm4b:s21+s4] =	stream.linear.scatter [tilespmem:s22], [sflag:$0x6], $0x400, $0x38;
	[tilespmem:$0x14680] =	vst v63  }
0xbe: {  	s25 =	sadd.s32 $0x580, s16;
	s26 =	simm.s32 $0x3280  }
0xbf: {  	[hbm4b:s25+s4] =	stream.linear.scatter [tilespmem:s26], [sflag:$0x6], $0x400, $0x38;
	[tilespmem:$0x14680] =	vst v63  }
0xc0: {  	s0 =	sadd.s32 $0x200, s16;
	s21 =	simm.s32 $0x1680  }
0xc1: {  	[hbm4b:s0+s4] =	stream.linear.scatter [tilespmem:s21], [sflag:$0x6], $0x400, $0x38;
	[tilespmem:$0x14680] =	vst v63  }
0xc2: {  	s2 =	sadd.s32 $0x600, s16;
	s25 =	simm.s32 $0x3680  }
0xc3: {  	[hbm4b:s2+s4] =	stream.linear.scatter [tilespmem:s25], [sflag:$0x6], $0x400, $0x38;
	[tilespmem:$0x14680] =	vst v63  }
0xc4: {  	s5 =	sadd.s32 $0x280, s16;
	s7 =	simm.s32 $0x1A80  }
0xc5: {  	[hbm4b:s5+s4] =	stream.linear.scatter [tilespmem:s7], [sflag:$0x6], $0x400, $0x38;
	[tilespmem:$0x14680] =	vst v63  }
0xc6: {  	s18 =	sadd.s32 $0x680, s16;
	s22 =	simm.s32 $0x3A80  }
0xc7: {  	[hbm4b:s18+s4] =	stream.linear.scatter [tilespmem:s22], [sflag:$0x6], $0x400, $0x38;
	[tilespmem:$0x14680] =	vst v63  }
0xc8: {  	s26 =	sadd.s32 $0x300, s16;
	s22 =	simm.s32 $0x1E80  }
0xc9: {  	[hbm4b:s26+s4] =	stream.linear.scatter [tilespmem:s22], [sflag:$0x6], $0x400, $0x38;
	[tilespmem:$0x14680] =	vst v63  }
0xca: {  	s0 =	sadd.s32 $0x700, s16;
	s26 =	simm.s32 $0x3E80  }
0xcb: {  	[hbm4b:s0+s4] =	stream.linear.scatter [tilespmem:s26], [sflag:$0x6], $0x400, $0x38;
	[tilespmem:$0x14680] =	vst v63  }
0xcc: {  	s2 =	sadd.s32 $0xFFFFFC00, s10;
	s5 =	simm.s32 $0x2280  }
0xcd: {  	[hbm4b:s2+s4] =	stream.linear.scatter [tilespmem:s5], [sflag:$0x6], $0x400, $0x38;
	[tilespmem:$0x14680] =	vst v63  }
0xce: {  	s7 =	sadd.s32 $0xFFFFFC80, s10;
	s18 =	simm.s32 $0x4280  }
0xcf: {  	[hbm4b:s7+s4] =	stream.linear.scatter [tilespmem:s18], [sflag:$0x6], $0x400, $0x38;
	[tilespmem:$0x14680] =	vst v63  }
0xd0: {  	_ =	swait.ge [sflag:s31], $0x800  }
0xd1: {  	[sflag:s31] =	ssyncset.done $0x0  }
0xd2: {  	[sflag:s31] =	ssyncadd.s32 $0xFFFFF800  }
0xd3: {  	_ =	swait.ge [sflag:s31], $0x800  }
0xd4: {  	[sflag:s31] =	ssyncset.done $0x0  }
0xd5: {  	[sflag:s31] =	ssyncadd.s32 $0xFFFFF800  }
0xd6: {  	_ =	swait.ge [sflag:s31], $0x800  }
0xd7: {  	[sflag:s31] =	ssyncset.done $0x0  }
0xd8: {  	[sflag:s31] =	ssyncadd.s32 $0xFFFFF800  }
0xd9: {  	_ =	swait.ge [sflag:s31], $0x800  }
0xda: {  	[sflag:s31] =	ssyncset.done $0x0  }
0xdb: {  	[sflag:s31] =	ssyncadd.s32 $0xFFFFF800  }
0xdc: {  	_ =	swait.ge [sflag:s31], $0x800  }
0xdd: {  	[sflag:s31] =	ssyncset.done $0x0  }
0xde: {  	[sflag:s31] =	ssyncadd.s32 $0xFFFFF800  }
0xdf: {  	_ =	swait.ge [sflag:s31], $0x800  }
0xe0: {  	[sflag:s31] =	ssyncset.done $0x0  }
0xe1: {  	[sflag:s31] =	ssyncadd.s32 $0xFFFFF800  }
0xe2: {  	_ =	swait.ge [sflag:s31], $0x800  }
0xe3: {  	[sflag:s31] =	ssyncset.done $0x0  }
0xe4: {  	[sflag:s31] =	ssyncadd.s32 $0xFFFFF800  }
0xe5: {  	_ =	swait.ge [sflag:s31], $0x800  }
0xe6: {  	[sflag:s31] =	ssyncset.done $0x0  }
0xe7: {  	[sflag:s31] =	ssyncadd.s32 $0xFFFFF800  }
0xe8: {  	v3 =	vld [tilespmem:s9+$0xFFFFFFC0];
	_ =	sdelay $0x4  }
0xe9: {  	v4 =	vshll.u32 v3, $0x3  }
0xea: {  	v3 =	vand.u32 $0x7, v3;
	v4 =	vand.u32 $0xFFFFFFC0, v4  }
0xeb: {  	v3 =	vor.u32 v3, v4  }
0xec: {  	v4 =	vperm.xlane v3, v0;
	_ =	sdelay $0x1  }
0xed: {  	v4 =	vadd.s32 v1, v4;
	_ =	sdelay $0x4  }
0xee: {  	[tilespmem:s19], [sflag:$0x1] =	stream.indirect_vreg.gather [hbm4b:s11+s4], $0x80, v4, vm0, $0xb8;
	[tilespmem:$0x14680] =	vst v63  }
0xef: {  	v3 =	vperm.xlane v3, v2  }
0xf0: {  	[tilespmem:s20], [sflag:$0x1] =	stream.indirect_vreg.gather [hbm4b:s12+s4], $0x80, v4, vm0, $0xb8;
	[tilespmem:$0x14680] =	vst v63  }
0xf1: {  	v3 =	vadd.s32 v1, v3  }
0xf2: {  	[tilespmem:s21], [sflag:$0x1] =	stream.indirect_vreg.gather [hbm4b:s13+s4], $0x80, v4, vm0, $0xb8;
	[tilespmem:$0x14680] =	vst v63  }
0xf3: {  	_ = 	snop  }
0xf4: {  	[tilespmem:s22], [sflag:$0x1] =	stream.indirect_vreg.gather [hbm4b:s14+s4], $0x80, v4, vm0, $0xb8;
	[tilespmem:$0x14680] =	vst v63  }
0xf5: {  	_ = 	snop  }
0xf6: {  	[tilespmem:s23], [sflag:$0x1] =	stream.indirect_vreg.gather [hbm4b:s11+s4], $0x80, v3, vm0, $0xb8;
	[tilespmem:$0x14680] =	vst v63  }
0xf7: {  	_ = 	snop  }
0xf8: {  	[tilespmem:s24], [sflag:$0x1] =	stream.indirect_vreg.gather [hbm4b:s12+s4], $0x80, v3, vm0, $0xb8;
	[tilespmem:$0x14680] =	vst v63  }
0xf9: {  	_ = 	snop  }
0xfa: {  	[tilespmem:s25], [sflag:$0x1] =	stream.indirect_vreg.gather [hbm4b:s13+s4], $0x80, v3, vm0, $0xb8;
	[tilespmem:$0x14680] =	vst v63  }
0xfb: {  	s25 =	simm.s32 $0x2  }
0xfc: {  	[tilespmem:s26], [sflag:$0x1] =	stream.indirect_vreg.gather [hbm4b:s14+s4], $0x80, v3, vm0, $0xb8;
	[tilespmem:$0x14680] =	vst v63  }
0xfd: {  	_ =	swait.ge [sflag:s25], $0x4000  }
0xfe: {  	[sflag:s25] =	ssyncset.done $0x0  }
0xff: {  	s28 =	simm.s32 $0x4680;
	s26 =	sadd.s32 $0x800, s16;
	[sflag:s25] =	ssyncadd.s32 $0xFFFFC000  }
0x100: {  	[hbm4b:s26+s4] =	stream.linear.scatter [tilespmem:s28], [sflag:$0x7], $0x400, $0x38;
	[tilespmem:$0x14680] =	vst v63  }
0x101: {  	s0 =	sadd.s32 $0xC00, s16;
	s2 =	simm.s32 $0x6680  }
0x102: {  	[hbm4b:s0+s4] =	stream.linear.scatter [tilespmem:s2], [sflag:$0x7], $0x400, $0x38;
	[tilespmem:$0x14680] =	vst v63  }
0x103: {  	s5 =	sadd.s32 $0x880, s16;
	s7 =	simm.s32 $0x4A80  }
0x104: {  	[hbm4b:s5+s4] =	stream.linear.scatter [tilespmem:s7], [sflag:$0x7], $0x400, $0x38;
	[tilespmem:$0x14680] =	vst v63  }
0x105: {  	s18 =	sadd.s32 $0xC80, s16;
	s19 =	simm.s32 $0x6A80  }
0x106: {  	[hbm4b:s18+s4] =	stream.linear.scatter [tilespmem:s19], [sflag:$0x7], $0x400, $0x38;
	[tilespmem:$0x14680] =	vst v63  }
0x107: {  	s29 =	simm.s32 $0x4E80;
	s20 =	sadd.s32 $0x900, s16  }
0x108: {  	[hbm4b:s20+s4] =	stream.linear.scatter [tilespmem:s29], [sflag:$0x7], $0x400, $0x38;
	[tilespmem:$0x14680] =	vst v63  }
0x109: {  	s21 =	sadd.s32 $0xD00, s16;
	s5 =	simm.s32 $0x6E80  }
0x10a: {  	[hbm4b:s21+s4] =	stream.linear.scatter [tilespmem:s5], [sflag:$0x7], $0x400, $0x38;
	[tilespmem:$0x14680] =	vst v63  }
0x10b: {  	s22 =	sadd.s32 $0x980, s16;
	s23 =	simm.s32 $0x5280  }
0x10c: {  	[hbm4b:s22+s4] =	stream.linear.scatter [tilespmem:s23], [sflag:$0x7], $0x400, $0x38;
	[tilespmem:$0x14680] =	vst v63  }
0x10d: {  	s24 =	sadd.s32 $0xD80, s16;
	s25 =	simm.s32 $0x7280  }
0x10e: {  	[hbm4b:s24+s4] =	stream.linear.scatter [tilespmem:s25], [sflag:$0x7], $0x400, $0x38;
	[tilespmem:$0x14680] =	vst v63  }
0x10f: {  	s30 =	simm.s32 $0x5680;
	s26 =	sadd.s32 $0xA00, s16  }
0x110: {  	[hbm4b:s26+s4] =	stream.linear.scatter [tilespmem:s30], [sflag:$0x7], $0x400, $0x38;
	[tilespmem:$0x14680] =	vst v63  }
0x111: {  	s0 =	sadd.s32 $0xE00, s16;
	s7 =	simm.s32 $0x7680  }
0x112: {  	[hbm4b:s0+s4] =	stream.linear.scatter [tilespmem:s7], [sflag:$0x7], $0x400, $0x38;
	[tilespmem:$0x14680] =	vst v63  }
0x113: {  	s18 =	sadd.s32 $0xA80, s16;
	s19 =	simm.s32 $0x5A80  }
0x114: {  	[hbm4b:s18+s4] =	stream.linear.scatter [tilespmem:s19], [sflag:$0x7], $0x400, $0x38;
	[tilespmem:$0x14680] =	vst v63  }
0x115: {  	s20 =	sadd.s32 $0xE80, s16;
	s21 =	simm.s32 $0x7A80  }
0x116: {  	[hbm4b:s20+s4] =	stream.linear.scatter [tilespmem:s21], [sflag:$0x7], $0x400, $0x38;
	[tilespmem:$0x14680] =	vst v63  }
0x117: {  	s22 =	sadd.s32 $0xB00, s16;
	s23 =	simm.s32 $0x5E80  }
0x118: {  	[hbm4b:s22+s4] =	stream.linear.scatter [tilespmem:s23], [sflag:$0x7], $0x400, $0x38;
	[tilespmem:$0x14680] =	vst v63  }
0x119: {  	s24 =	sadd.s32 $0xF00, s16;
	s18 =	simm.s32 $0x7E80  }
0x11a: {  	[hbm4b:s24+s4] =	stream.linear.scatter [tilespmem:s18], [sflag:$0x7], $0x400, $0x38;
	[tilespmem:$0x14680] =	vst v63  }
0x11b: {  	s25 =	sadd.s32 $0xFFFFFD00, s10;
	s26 =	simm.s32 $0x6280  }
0x11c: {  	[hbm4b:s25+s4] =	stream.linear.scatter [tilespmem:s26], [sflag:$0x7], $0x400, $0x38;
	[tilespmem:$0x14680] =	vst v63  }
0x11d: {  	s20 =	sadd.s32 $0xFFFFFD80, s10;
	s21 =	simm.s32 $0x8280  }
0x11e: {  	[hbm4b:s20+s4] =	stream.linear.scatter [tilespmem:s21], [sflag:$0x7], $0x400, $0x38;
	[tilespmem:$0x14680] =	vst v63  }
0x11f: {  	_ =	swait.ge [sflag:s1], $0x800  }
0x120: {  	[sflag:s1] =	ssyncset.done $0x0  }
0x121: {  	[sflag:s1] =	ssyncadd.s32 $0xFFFFF800  }
0x122: {  	_ =	swait.ge [sflag:s1], $0x800  }
0x123: {  	[sflag:s1] =	ssyncset.done $0x0  }
0x124: {  	[sflag:s1] =	ssyncadd.s32 $0xFFFFF800  }
0x125: {  	_ =	swait.ge [sflag:s1], $0x800  }
0x126: {  	[sflag:s1] =	ssyncset.done $0x0  }
0x127: {  	[sflag:s1] =	ssyncadd.s32 $0xFFFFF800  }
0x128: {  	_ =	swait.ge [sflag:s1], $0x800  }
0x129: {  	[sflag:s1] =	ssyncset.done $0x0  }
0x12a: {  	[sflag:s1] =	ssyncadd.s32 $0xFFFFF800  }
0x12b: {  	_ =	swait.ge [sflag:s1], $0x800  }
0x12c: {  	[sflag:s1] =	ssyncset.done $0x0  }
0x12d: {  	[sflag:s1] =	ssyncadd.s32 $0xFFFFF800  }
0x12e: {  	_ =	swait.ge [sflag:s1], $0x800  }
0x12f: {  	[sflag:s1] =	ssyncset.done $0x0  }
0x130: {  	[sflag:s1] =	ssyncadd.s32 $0xFFFFF800  }
0x131: {  	_ =	swait.ge [sflag:s1], $0x800  }
0x132: {  	[sflag:s1] =	ssyncset.done $0x0  }
0x133: {  	[sflag:s1] =	ssyncadd.s32 $0xFFFFF800  }
0x134: {  	_ =	swait.ge [sflag:s1], $0x800  }
0x135: {  	[sflag:s1] =	ssyncset.done $0x0  }
0x136: {  	[sflag:s1] =	ssyncadd.s32 $0xFFFFF800  }
0x137: {  	v3 =	vld [tilespmem:s9+$0xFFFFFFD0];
	_ =	sdelay $0x4  }
0x138: {  	v60 =	vshll.u32 v3, $0x3  }
0x139: {  	v3 =	vand.u32 $0x7, v3;
	v4 =	vand.u32 $0xFFFFFFC0, v60  }
0x13a: {  	v3 =	vor.u32 v3, v4  }
0x13b: {  	v4 =	vperm.xlane v3, v0;
	_ =	sdelay $0x1  }
0x13c: {  	v4 =	vadd.s32 v1, v4;
	_ =	sdelay $0x4  }
0x13d: {  	[tilespmem:s28], [sflag:$0x2] =	stream.indirect_vreg.gather [hbm4b:s11+s4], $0x80, v4, vm0, $0xb8;
	[tilespmem:$0x14680] =	vst v63  }
0x13e: {  	v3 =	vperm.xlane v3, v2  }
0x13f: {  	[tilespmem:s29], [sflag:$0x2] =	stream.indirect_vreg.gather [hbm4b:s12+s4], $0x80, v4, vm0, $0xb8;
	[tilespmem:$0x14680] =	vst v63  }
0x140: {  	v3 =	vadd.s32 v1, v3  }
0x141: {  	[tilespmem:s30], [sflag:$0x2] =	stream.indirect_vreg.gather [hbm4b:s13+s4], $0x80, v4, vm0, $0xb8;
	[tilespmem:$0x14680] =	vst v63  }
0x142: {  	_ = 	snop  }
0x143: {  	[tilespmem:s23], [sflag:$0x2] =	stream.indirect_vreg.gather [hbm4b:s14+s4], $0x80, v4, vm0, $0xb8;
	[tilespmem:$0x14680] =	vst v63  }
0x144: {  	_ = 	snop  }
0x145: {  	[tilespmem:s2], [sflag:$0x2] =	stream.indirect_vreg.gather [hbm4b:s11+s4], $0x80, v3, vm0, $0xb8;
	[tilespmem:$0x14680] =	vst v63  }
0x146: {  	_ = 	snop  }
0x147: {  	[tilespmem:s5], [sflag:$0x2] =	stream.indirect_vreg.gather [hbm4b:s12+s4], $0x80, v3, vm0, $0xb8;
	[tilespmem:$0x14680] =	vst v63  }
0x148: {  	_ = 	snop  }
0x149: {  	[tilespmem:s7], [sflag:$0x2] =	stream.indirect_vreg.gather [hbm4b:s13+s4], $0x80, v3, vm0, $0xb8;
	[tilespmem:$0x14680] =	vst v63  }
0x14a: {  	s22 =	simm.s32 $0x3  }
0x14b: {  	[tilespmem:s18], [sflag:$0x2] =	stream.indirect_vreg.gather [hbm4b:s14+s4], $0x80, v3, vm0, $0xb8;
	[tilespmem:$0x14680] =	vst v63  }
0x14c: {  	_ =	swait.ge [sflag:s22], $0x4000  }
0x14d: {  	[sflag:s22] =	ssyncset.done $0x0  }
0x14e: {  	s19 =	simm.s32 $0x8680;
	s23 =	sadd.s32 $0x1000, s16;
	[sflag:s22] =	ssyncadd.s32 $0xFFFFC000  }
0x14f: {  	[hbm4b:s23+s4] =	stream.linear.scatter [tilespmem:s19], [sflag:$0x8], $0x400, $0x38;
	[tilespmem:$0x14680] =	vst v63  }
0x150: {  	s24 =	sadd.s32 $0x1400, s16;
	s23 =	simm.s32 $0xA680  }
0x151: {  	[hbm4b:s24+s4] =	stream.linear.scatter [tilespmem:s23], [sflag:$0x8], $0x400, $0x38;
	[tilespmem:$0x14680] =	vst v63  }
0x152: {  	s25 =	sadd.s32 $0x1080, s16;
	s26 =	simm.s32 $0x8A80  }
0x153: {  	[hbm4b:s25+s4] =	stream.linear.scatter [tilespmem:s26], [sflag:$0x8], $0x400, $0x38;
	[tilespmem:$0x14680] =	vst v63  }
0x154: {  	s2 =	sadd.s32 $0x1480, s16;
	s5 =	simm.s32 $0xAA80  }
0x155: {  	[hbm4b:s2+s4] =	stream.linear.scatter [tilespmem:s5], [sflag:$0x8], $0x400, $0x38;
	[tilespmem:$0x14680] =	vst v63  }
0x156: {  	s20 =	simm.s32 $0x8E80;
	s7 =	sadd.s32 $0x1100, s16  }
0x157: {  	[hbm4b:s7+s4] =	stream.linear.scatter [tilespmem:s20], [sflag:$0x8], $0x400, $0x38;
	[tilespmem:$0x14680] =	vst v63  }
0x158: {  	s18 =	sadd.s32 $0x1500, s16;
	s24 =	simm.s32 $0xAE80  }
0x159: {  	[hbm4b:s18+s4] =	stream.linear.scatter [tilespmem:s24], [sflag:$0x8], $0x400, $0x38;
	[tilespmem:$0x14680] =	vst v63  }
0x15a: {  	s21 =	sadd.s32 $0x1180, s16;
	s22 =	simm.s32 $0x9280  }
0x15b: {  	[hbm4b:s21+s4] =	stream.linear.scatter [tilespmem:s22], [sflag:$0x8], $0x400, $0x38;
	[tilespmem:$0x14680] =	vst v63  }
0x15c: {  	s25 =	sadd.s32 $0x1580, s16;
	s26 =	simm.s32 $0xB280  }
0x15d: {  	[hbm4b:s25+s4] =	stream.linear.scatter [tilespmem:s26], [sflag:$0x8], $0x400, $0x38;
	[tilespmem:$0x14680] =	vst v63  }
0x15e: {  	s0 =	sadd.s32 $0x1200, s16;
	s21 =	simm.s32 $0x9680  }
0x15f: {  	[hbm4b:s0+s4] =	stream.linear.scatter [tilespmem:s21], [sflag:$0x8], $0x400, $0x38;
	[tilespmem:$0x14680] =	vst v63  }
0x160: {  	s2 =	sadd.s32 $0x1600, s16;
	s25 =	simm.s32 $0xB680  }
0x161: {  	[hbm4b:s2+s4] =	stream.linear.scatter [tilespmem:s25], [sflag:$0x8], $0x400, $0x38;
	[tilespmem:$0x14680] =	vst v63  }
0x162: {  	s5 =	sadd.s32 $0x1280, s16;
	s7 =	simm.s32 $0x9A80  }
0x163: {  	[hbm4b:s5+s4] =	stream.linear.scatter [tilespmem:s7], [sflag:$0x8], $0x400, $0x38;
	[tilespmem:$0x14680] =	vst v63  }
0x164: {  	s18 =	sadd.s32 $0x1680, s16;
	s22 =	simm.s32 $0xBA80  }
0x165: {  	[hbm4b:s18+s4] =	stream.linear.scatter [tilespmem:s22], [sflag:$0x8], $0x400, $0x38;
	[tilespmem:$0x14680] =	vst v63  }
0x166: {  	s26 =	sadd.s32 $0x1300, s16;
	s22 =	simm.s32 $0x9E80  }
0x167: {  	[hbm4b:s26+s4] =	stream.linear.scatter [tilespmem:s22], [sflag:$0x8], $0x400, $0x38;
	[tilespmem:$0x14680] =	vst v63  }
0x168: {  	s0 =	sadd.s32 $0x1700, s16;
	s26 =	simm.s32 $0xBE80  }
0x169: {  	[hbm4b:s0+s4] =	stream.linear.scatter [tilespmem:s26], [sflag:$0x8], $0x400, $0x38;
	[tilespmem:$0x14680] =	vst v63  }
0x16a: {  	s2 =	sadd.s32 $0xFFFFFE00, s10;
	s5 =	simm.s32 $0xA280  }
0x16b: {  	[hbm4b:s2+s4] =	stream.linear.scatter [tilespmem:s5], [sflag:$0x8], $0x400, $0x38;
	[tilespmem:$0x14680] =	vst v63  }
0x16c: {  	s7 =	sadd.s32 $0xFFFFFE80, s10;
	s18 =	simm.s32 $0xC280  }
0x16d: {  	[hbm4b:s7+s4] =	stream.linear.scatter [tilespmem:s18], [sflag:$0x8], $0x400, $0x38;
	[tilespmem:$0x14680] =	vst v63  }
0x16e: {  	_ =	swait.ge [sflag:s3], $0x800  }
0x16f: {  	[sflag:s3] =	ssyncset.done $0x0  }
0x170: {  	[sflag:s3] =	ssyncadd.s32 $0xFFFFF800  }
0x171: {  	_ =	swait.ge [sflag:s3], $0x800  }
0x172: {  	[sflag:s3] =	ssyncset.done $0x0  }
0x173: {  	[sflag:s3] =	ssyncadd.s32 $0xFFFFF800  }
0x174: {  	_ =	swait.ge [sflag:s3], $0x800  }
0x175: {  	[sflag:s3] =	ssyncset.done $0x0  }
0x176: {  	[sflag:s3] =	ssyncadd.s32 $0xFFFFF800  }
0x177: {  	_ =	swait.ge [sflag:s3], $0x800  }
0x178: {  	[sflag:s3] =	ssyncset.done $0x0  }
0x179: {  	[sflag:s3] =	ssyncadd.s32 $0xFFFFF800  }
0x17a: {  	_ =	swait.ge [sflag:s3], $0x800  }
0x17b: {  	[sflag:s3] =	ssyncset.done $0x0  }
0x17c: {  	[sflag:s3] =	ssyncadd.s32 $0xFFFFF800  }
0x17d: {  	_ =	swait.ge [sflag:s3], $0x800  }
0x17e: {  	[sflag:s3] =	ssyncset.done $0x0  }
0x17f: {  	[sflag:s3] =	ssyncadd.s32 $0xFFFFF800  }
0x180: {  	_ =	swait.ge [sflag:s3], $0x800  }
0x181: {  	[sflag:s3] =	ssyncset.done $0x0  }
0x182: {  	[sflag:s3] =	ssyncadd.s32 $0xFFFFF800  }
0x183: {  	_ =	swait.ge [sflag:s3], $0x800  }
0x184: {  	[sflag:s3] =	ssyncset.done $0x0  }
0x185: {  	[sflag:s3] =	ssyncadd.s32 $0xFFFFF800  }
0x186: {  	v3 =	vld [tilespmem:s9+$0xFFFFFFE0];
	_ =	sdelay $0x4  }
0x187: {  	v61 =	vshll.u32 v3, $0x3  }
0x188: {  	v3 =	vand.u32 $0x7, v3;
	v4 =	vand.u32 $0xFFFFFFC0, v61  }
0x189: {  	v3 =	vor.u32 v3, v4  }
0x18a: {  	v4 =	vperm.xlane v3, v0;
	_ =	sdelay $0x1  }
0x18b: {  	v4 =	vadd.s32 v1, v4;
	_ =	sdelay $0x4  }
0x18c: {  	[tilespmem:s19], [sflag:$0x3] =	stream.indirect_vreg.gather [hbm4b:s11+s4], $0x80, v4, vm0, $0xb8;
	[tilespmem:$0x14680] =	vst v63  }
0x18d: {  	v3 =	vperm.xlane v3, v2  }
0x18e: {  	[tilespmem:s20], [sflag:$0x3] =	stream.indirect_vreg.gather [hbm4b:s12+s4], $0x80, v4, vm0, $0xb8;
	[tilespmem:$0x14680] =	vst v63  }
0x18f: {  	v3 =	vadd.s32 v1, v3  }
0x190: {  	[tilespmem:s21], [sflag:$0x3] =	stream.indirect_vreg.gather [hbm4b:s13+s4], $0x80, v4, vm0, $0xb8;
	[tilespmem:$0x14680] =	vst v63  }
0x191: {  	_ = 	snop  }
0x192: {  	[tilespmem:s22], [sflag:$0x3] =	stream.indirect_vreg.gather [hbm4b:s14+s4], $0x80, v4, vm0, $0xb8;
	[tilespmem:$0x14680] =	vst v63  }
0x193: {  	_ = 	snop  }
0x194: {  	[tilespmem:s23], [sflag:$0x3] =	stream.indirect_vreg.gather [hbm4b:s11+s4], $0x80, v3, vm0, $0xb8;
	[tilespmem:$0x14680] =	vst v63  }
0x195: {  	_ = 	snop  }
0x196: {  	[tilespmem:s24], [sflag:$0x3] =	stream.indirect_vreg.gather [hbm4b:s12+s4], $0x80, v3, vm0, $0xb8;
	[tilespmem:$0x14680] =	vst v63  }
0x197: {  	_ = 	snop  }
0x198: {  	[tilespmem:s25], [sflag:$0x3] =	stream.indirect_vreg.gather [hbm4b:s13+s4], $0x80, v3, vm0, $0xb8;
	[tilespmem:$0x14680] =	vst v63  }
0x199: {  	s22 =	simm.s32 $0x4  }
0x19a: {  	[tilespmem:s26], [sflag:$0x3] =	stream.indirect_vreg.gather [hbm4b:s14+s4], $0x80, v3, vm0, $0xb8;
	[tilespmem:$0x14680] =	vst v63  }
0x19b: {  	_ =	swait.ge [sflag:s22], $0x4000  }
0x19c: {  	[sflag:s22] =	ssyncset.done $0x0  }
0x19d: {  	s28 =	simm.s32 $0xC680;
	s23 =	sadd.s32 $0x1800, s16;
	[sflag:s22] =	ssyncadd.s32 $0xFFFFC000  }
0x19e: {  	[hbm4b:s23+s4] =	stream.linear.scatter [tilespmem:s28], [sflag:$0x9], $0x400, $0x38;
	[tilespmem:$0x14680] =	vst v63  }
0x19f: {  	s5 =	simm.s32 $0xE680;
	s24 =	sadd.s32 $0x1C00, s16  }
0x1a0: {  	[hbm4b:s24+s4] =	stream.linear.scatter [tilespmem:s5], [sflag:$0x9], $0x400, $0x38;
	[tilespmem:$0x14680] =	vst v63  }
0x1a1: {  	s25 =	sadd.s32 $0x1880, s16;
	s26 =	simm.s32 $0xCA80  }
0x1a2: {  	[hbm4b:s25+s4] =	stream.linear.scatter [tilespmem:s26], [sflag:$0x9], $0x400, $0x38;
	[tilespmem:$0x14680] =	vst v63  }
0x1a3: {  	s0 =	sadd.s32 $0x1C80, s16;
	s2 =	simm.s32 $0xEA80  }
0x1a4: {  	[hbm4b:s0+s4] =	stream.linear.scatter [tilespmem:s2], [sflag:$0x9], $0x400, $0x38;
	[tilespmem:$0x14680] =	vst v63  }
0x1a5: {  	s29 =	simm.s32 $0xCE80;
	s7 =	sadd.s32 $0x1900, s16  }
0x1a6: {  	[hbm4b:s7+s4] =	stream.linear.scatter [tilespmem:s29], [sflag:$0x9], $0x400, $0x38;
	[tilespmem:$0x14680] =	vst v63  }
0x1a7: {  	s18 =	sadd.s32 $0x1D00, s16;
	s7 =	simm.s32 $0xEE80  }
0x1a8: {  	[hbm4b:s18+s4] =	stream.linear.scatter [tilespmem:s7], [sflag:$0x9], $0x400, $0x38;
	[tilespmem:$0x14680] =	vst v63  }
0x1a9: {  	s19 =	sadd.s32 $0x1980, s16;
	s20 =	simm.s32 $0xD280  }
0x1aa: {  	[hbm4b:s19+s4] =	stream.linear.scatter [tilespmem:s20], [sflag:$0x9], $0x400, $0x38;
	[tilespmem:$0x14680] =	vst v63  }
0x1ab: {  	s21 =	sadd.s32 $0x1D80, s16;
	s22 =	simm.s32 $0xF280  }
0x1ac: {  	[hbm4b:s21+s4] =	stream.linear.scatter [tilespmem:s22], [sflag:$0x9], $0x400, $0x38;
	[tilespmem:$0x14680] =	vst v63  }
0x1ad: {  	s30 =	simm.s32 $0xD680;
	s23 =	sadd.s32 $0x1A00, s16  }
0x1ae: {  	[hbm4b:s23+s4] =	stream.linear.scatter [tilespmem:s30], [sflag:$0x9], $0x400, $0x38;
	[tilespmem:$0x14680] =	vst v63  }
0x1af: {  	s24 =	sadd.s32 $0x1E00, s16;
	s18 =	simm.s32 $0xF680  }
0x1b0: {  	[hbm4b:s24+s4] =	stream.linear.scatter [tilespmem:s18], [sflag:$0x9], $0x400, $0x38;
	[tilespmem:$0x14680] =	vst v63  }
0x1b1: {  	s25 =	sadd.s32 $0x1A80, s16;
	s26 =	simm.s32 $0xDA80  }
0x1b2: {  	[hbm4b:s25+s4] =	stream.linear.scatter [tilespmem:s26], [sflag:$0x9], $0x400, $0x38;
	[tilespmem:$0x14680] =	vst v63  }
0x1b3: {  	s0 =	sadd.s32 $0x1E80, s16;
	s2 =	simm.s32 $0xFA80  }
0x1b4: {  	[hbm4b:s0+s4] =	stream.linear.scatter [tilespmem:s2], [sflag:$0x9], $0x400, $0x38;
	[tilespmem:$0x14680] =	vst v63  }
0x1b5: {  	s19 =	sadd.s32 $0x1B00, s16;
	s20 =	simm.s32 $0xDE80  }
0x1b6: {  	[hbm4b:s19+s4] =	stream.linear.scatter [tilespmem:s20], [sflag:$0x9], $0x400, $0x38;
	[tilespmem:$0x14680] =	vst v63  }
0x1b7: {  	s21 =	sadd.s32 $0x1F00, s16;
	s22 =	simm.s32 $0xFE80  }
0x1b8: {  	[hbm4b:s21+s4] =	stream.linear.scatter [tilespmem:s22], [sflag:$0x9], $0x400, $0x38;
	[tilespmem:$0x14680] =	vst v63  }
0x1b9: {  	s23 =	sadd.s32 $0xFFFFFF00, s10;
	s24 =	simm.s32 $0xE280  }
0x1ba: {  	[hbm4b:s23+s4] =	stream.linear.scatter [tilespmem:s24], [sflag:$0x9], $0x400, $0x38;
	[tilespmem:$0x14680] =	vst v63  }
0x1bb: {  	s25 =	sadd.s32 $0xFFFFFF80, s10;
	s26 =	simm.s32 $0x10280  }
0x1bc: {  	[hbm4b:s25+s4] =	stream.linear.scatter [tilespmem:s26], [sflag:$0x9], $0x400, $0x38;
	[tilespmem:$0x14680] =	vst v63  }
0x1bd: {  	_ =	swait.ge [sflag:s6], $0x800  }
0x1be: {  	[sflag:s6] =	ssyncset.done $0x0  }
0x1bf: {  	[sflag:s6] =	ssyncadd.s32 $0xFFFFF800  }
0x1c0: {  	_ =	swait.ge [sflag:s6], $0x800  }
0x1c1: {  	[sflag:s6] =	ssyncset.done $0x0  }
0x1c2: {  	[sflag:s6] =	ssyncadd.s32 $0xFFFFF800  }
0x1c3: {  	_ =	swait.ge [sflag:s6], $0x800  }
0x1c4: {  	[sflag:s6] =	ssyncset.done $0x0  }
0x1c5: {  	[sflag:s6] =	ssyncadd.s32 $0xFFFFF800  }
0x1c6: {  	_ =	swait.ge [sflag:s6], $0x800  }
0x1c7: {  	[sflag:s6] =	ssyncset.done $0x0  }
0x1c8: {  	[sflag:s6] =	ssyncadd.s32 $0xFFFFF800  }
0x1c9: {  	_ =	swait.ge [sflag:s6], $0x800  }
0x1ca: {  	[sflag:s6] =	ssyncset.done $0x0  }
0x1cb: {  	[sflag:s6] =	ssyncadd.s32 $0xFFFFF800  }
0x1cc: {  	_ =	swait.ge [sflag:s6], $0x800  }
0x1cd: {  	[sflag:s6] =	ssyncset.done $0x0  }
0x1ce: {  	[sflag:s6] =	ssyncadd.s32 $0xFFFFF800  }
0x1cf: {  	_ =	swait.ge [sflag:s6], $0x800  }
0x1d0: {  	[sflag:s6] =	ssyncset.done $0x0  }
0x1d1: {  	[sflag:s6] =	ssyncadd.s32 $0xFFFFF800  }
0x1d2: {  	_ =	swait.ge [sflag:s6], $0x800  }
0x1d3: {  	[sflag:s6] =	ssyncset.done $0x0  }
0x1d4: {  	[sflag:s6] =	ssyncadd.s32 $0xFFFFF800  }
0x1d5: {  	v3 =	vld [tilespmem:s9+$0xFFFFFFF0];
	_ =	sdelay $0x4  }
0x1d6: {  	v62 =	vshll.u32 v3, $0x3  }
0x1d7: {  	v3 =	vand.u32 $0x7, v3;
	v4 =	vand.u32 $0xFFFFFFC0, v62  }
0x1d8: {  	v3 =	vor.u32 v3, v4  }
0x1d9: {  	v4 =	vperm.xlane v3, v0;
	_ =	sdelay $0x1  }
0x1da: {  	v4 =	vadd.s32 v1, v4;
	_ =	sdelay $0x4  }
0x1db: {  	[tilespmem:s28], [sflag:$0x4] =	stream.indirect_vreg.gather [hbm4b:s11+s4], $0x80, v4, vm0, $0xb8;
	[tilespmem:$0x14680] =	vst v63  }
0x1dc: {  	v3 =	vperm.xlane v3, v2  }
0x1dd: {  	[tilespmem:s29], [sflag:$0x4] =	stream.indirect_vreg.gather [hbm4b:s12+s4], $0x80, v4, vm0, $0xb8;
	[tilespmem:$0x14680] =	vst v63  }
0x1de: {  	v3 =	vadd.s32 v1, v3  }
0x1df: {  	[tilespmem:s30], [sflag:$0x4] =	stream.indirect_vreg.gather [hbm4b:s13+s4], $0x80, v4, vm0, $0xb8;
	[tilespmem:$0x14680] =	vst v63  }
0x1e0: {  	_ = 	snop  }
0x1e1: {  	[tilespmem:s20], [sflag:$0x4] =	stream.indirect_vreg.gather [hbm4b:s14+s4], $0x80, v4, vm0, $0xb8;
	[tilespmem:$0x14680] =	vst v63  }
0x1e2: {  	_ = 	snop  }
0x1e3: {  	[tilespmem:s5], [sflag:$0x4] =	stream.indirect_vreg.gather [hbm4b:s11+s4], $0x80, v3, vm0, $0xb8;
	[tilespmem:$0x14680] =	vst v63  }
0x1e4: {  	_ = 	snop  }
0x1e5: {  	[tilespmem:s7], [sflag:$0x4] =	stream.indirect_vreg.gather [hbm4b:s12+s4], $0x80, v3, vm0, $0xb8;
	[tilespmem:$0x14680] =	vst v63  }
0x1e6: {  	_ = 	snop  }
0x1e7: {  	[tilespmem:s18], [sflag:$0x4] =	stream.indirect_vreg.gather [hbm4b:s13+s4], $0x80, v3, vm0, $0xb8;
	[tilespmem:$0x14680] =	vst v63  }
0x1e8: {  	s17 =	simm.s32 $0x5  }
0x1e9: {  	[tilespmem:s22], [sflag:$0x4] =	stream.indirect_vreg.gather [hbm4b:s14+s4], $0x80, v3, vm0, $0xb8;
	[tilespmem:$0x14680] =	vst v63  }
0x1ea: {  	_ =	swait.ge [sflag:s17], $0x4000  }
0x1eb: {  	[sflag:s17] =	ssyncset.done $0x0  }
0x1ec: {  	s0 =	simm.s32 $0x10680;
	s19 =	sadd.s32 $0x2000, s16;
	[sflag:s17] =	ssyncadd.s32 $0xFFFFC000  }
0x1ed: {  	[hbm4b:s19+s4] =	stream.linear.scatter [tilespmem:s0], [sflag:$0xA], $0x400, $0x38;
	[tilespmem:$0x14680] =	vst v63  }
0x1ee: {  	s20 =	sadd.s32 $0x2400, s16;
	s22 =	simm.s32 $0x12680  }
0x1ef: {  	[hbm4b:s20+s4] =	stream.linear.scatter [tilespmem:s22], [sflag:$0xA], $0x400, $0x38;
	[tilespmem:$0x14680] =	vst v63  }
0x1f0: {  	s21 =	sadd.s32 $0x2080, s16;
	s23 =	simm.s32 $0x10A80  }
0x1f1: {  	[hbm4b:s21+s4] =	stream.linear.scatter [tilespmem:s23], [sflag:$0xA], $0x400, $0x38;
	[tilespmem:$0x14680] =	vst v63  }
0x1f2: {  	s24 =	sadd.s32 $0x2480, s16;
	s25 =	simm.s32 $0x12A80  }
0x1f3: {  	[hbm4b:s24+s4] =	stream.linear.scatter [tilespmem:s25], [sflag:$0xA], $0x400, $0x38;
	[tilespmem:$0x14680] =	vst v63  }
0x1f4: {  	s19 =	simm.s32 $0x10E80;
	s20 =	sadd.s32 $0x2100, s16  }
0x1f5: {  	[hbm4b:s20+s4] =	stream.linear.scatter [tilespmem:s19], [sflag:$0xA], $0x400, $0x38;
	[tilespmem:$0x14680] =	vst v63  }
0x1f6: {  	s21 =	sadd.s32 $0x2500, s16;
	s23 =	simm.s32 $0x12E80  }
0x1f7: {  	[hbm4b:s21+s4] =	stream.linear.scatter [tilespmem:s23], [sflag:$0xA], $0x400, $0x38;
	[tilespmem:$0x14680] =	vst v63  }
0x1f8: {  	s24 =	sadd.s32 $0x2180, s16;
	s25 =	simm.s32 $0x11280  }
0x1f9: {  	[hbm4b:s24+s4] =	stream.linear.scatter [tilespmem:s25], [sflag:$0xA], $0x400, $0x38;
	[tilespmem:$0x14680] =	vst v63  }
0x1fa: {  	s20 =	sadd.s32 $0x2580, s16;
	s21 =	simm.s32 $0x13280  }
0x1fb: {  	[hbm4b:s20+s4] =	stream.linear.scatter [tilespmem:s21], [sflag:$0xA], $0x400, $0x38;
	[tilespmem:$0x14680] =	vst v63  }
0x1fc: {  	s24 =	sadd.s32 $0x2200, s16;
	s20 =	simm.s32 $0x11680  }
0x1fd: {  	[hbm4b:s24+s4] =	stream.linear.scatter [tilespmem:s20], [sflag:$0xA], $0x400, $0x38;
	[tilespmem:$0x14680] =	vst v63  }
0x1fe: {  	s25 =	sadd.s32 $0x2600, s16;
	s24 =	simm.s32 $0x13680  }
0x1ff: {  	[hbm4b:s25+s4] =	stream.linear.scatter [tilespmem:s24], [sflag:$0xA], $0x400, $0x38;
	[tilespmem:$0x14680] =	vst v63  }
0x200: {  	s21 =	sadd.s32 $0x2280, s16;
	s25 =	simm.s32 $0x11A80  }
0x201: {  	[hbm4b:s21+s4] =	stream.linear.scatter [tilespmem:s25], [sflag:$0xA], $0x400, $0x38;
	[tilespmem:$0x14680] =	vst v63  }
0x202: {  	s21 =	sadd.s32 $0x2680, s16;
	s25 =	simm.s32 $0x13A80  }
0x203: {  	[hbm4b:s21+s4] =	stream.linear.scatter [tilespmem:s25], [sflag:$0xA], $0x400, $0x38;
	[tilespmem:$0x14680] =	vst v63  }
0x204: {  	s25 =	sadd.s32 $0x2300, s16;
	s21 =	simm.s32 $0x11E80  }
0x205: {  	[hbm4b:s25+s4] =	stream.linear.scatter [tilespmem:s21], [sflag:$0xA], $0x400, $0x38;
	[tilespmem:$0x14680] =	vst v63  }
0x206: {  	s16 =	sadd.s32 $0x2700, s16;
	s25 =	simm.s32 $0x13E80  }
0x207: {  	[hbm4b:s16+s4] =	stream.linear.scatter [tilespmem:s25], [sflag:$0xA], $0x400, $0x38;
	[tilespmem:$0x14680] =	vst v63  }
0x208: {  	s17 =	simm.s32 $0x12280  }
0x209: {  	[hbm4b:s10+s4] =	stream.linear.scatter [tilespmem:s17], [sflag:$0xA], $0x400, $0x38;
	[tilespmem:$0x14680] =	vst v63  }
0x20a: {  	s16 =	sadd.s32 $0x80, s10;
	s17 =	simm.s32 $0x14280  }
0x20b: {  	[hbm4b:s16+s4] =	stream.linear.scatter [tilespmem:s17], [sflag:$0xA], $0x400, $0x38;
	[tilespmem:$0x14680] =	vst v63  }
0x20c: {  	_ =	swait.ge [sflag:s8], $0x800  }
0x20d: {  	[sflag:s8] =	ssyncset.done $0x0  }
0x20e: {  	[sflag:s8] =	ssyncadd.s32 $0xFFFFF800  }
0x20f: {  	_ =	swait.ge [sflag:s8], $0x800  }
0x210: {  	[sflag:s8] =	ssyncset.done $0x0  }
0x211: {  	[sflag:s8] =	ssyncadd.s32 $0xFFFFF800  }
0x212: {  	_ =	swait.ge [sflag:s8], $0x800  }
0x213: {  	[sflag:s8] =	ssyncset.done $0x0  }
0x214: {  	[sflag:s8] =	ssyncadd.s32 $0xFFFFF800  }
0x215: {  	_ =	swait.ge [sflag:s8], $0x800  }
0x216: {  	[sflag:s8] =	ssyncset.done $0x0  }
0x217: {  	[sflag:s8] =	ssyncadd.s32 $0xFFFFF800  }
0x218: {  	_ =	swait.ge [sflag:s8], $0x800  }
0x219: {  	[sflag:s8] =	ssyncset.done $0x0  }
0x21a: {  	[sflag:s8] =	ssyncadd.s32 $0xFFFFF800  }
0x21b: {  	_ =	swait.ge [sflag:s8], $0x800  }
0x21c: {  	[sflag:s8] =	ssyncset.done $0x0  }
0x21d: {  	[sflag:s8] =	ssyncadd.s32 $0xFFFFF800  }
0x21e: {  	_ =	swait.ge [sflag:s8], $0x800  }
0x21f: {  	[sflag:s8] =	ssyncset.done $0x0  }
0x220: {  	[sflag:s8] =	ssyncadd.s32 $0xFFFFF800  }
0x221: {  	_ =	swait.ge [sflag:s8], $0x800  }
0x222: {  	[sflag:s8] =	ssyncset.done $0x0  }
0x223: {  	[sflag:s8] =	ssyncadd.s32 $0xFFFFF800  }
0x224: {  	v3 =	vld [tilespmem:s9+$0x0];
	_ =	sdelay $0x4  }
0x225: {  	v63 =	vshll.u32 v3, $0x3  }
0x226: {  	v3 =	vand.u32 $0x7, v3;
	v4 =	vand.u32 $0xFFFFFFC0, v63  }
0x227: {  	v3 =	vor.u32 v3, v4  }
0x228: {  	v4 =	vperm.xlane v3, v0;
	_ =	sdelay $0x1  }
0x229: {  	v4 =	vadd.s32 v1, v4;
	_ =	sdelay $0x4  }
0x22a: {  	[tilespmem:s0], [sflag:$0x5] =	stream.indirect_vreg.gather [hbm4b:s11+s4], $0x80, v4, vm0, $0xb8;
	[tilespmem:$0x14680] =	vst v63  }
0x22b: {  	p0 =	sne.s32 s15, $0x2D000;
	v3 =	vperm.xlane v3, v2  }
0x22c: {  	[tilespmem:s19], [sflag:$0x5] =	stream.indirect_vreg.gather [hbm4b:s12+s4], $0x80, v4, vm0, $0xb8;
	[tilespmem:$0x14680] =	vst v63  }
0x22d: {  	s15 =	sadd.s32 $0x2800, s15;
	s2 =	simm.s32 $0xE680;
	s26 =	simm.s32 $0xC680;
	v3 =	vadd.s32 v1, v3  }
0x22e: {  	[tilespmem:s20], [sflag:$0x5] =	stream.indirect_vreg.gather [hbm4b:s13+s4], $0x80, v4, vm0, $0xb8;
	[tilespmem:$0x14680] =	vst v63  }
0x22f: {  	s28 =	simm.s32 $0xCE80;
	s29 =	simm.s32 $0xD680;
	s30 =	simm.s32 $0xDE80  }
0x230: {  	[tilespmem:s21], [sflag:$0x5] =	stream.indirect_vreg.gather [hbm4b:s14+s4], $0x80, v4, vm0, $0xb8;
	[tilespmem:$0x14680] =	vst v63  }
0x231: {  	s5 =	simm.s32 $0xEE80;
	s7 =	simm.s32 $0xF680;
	s18 =	simm.s32 $0xFE80  }
0x232: {  	[tilespmem:s22], [sflag:$0x5] =	stream.indirect_vreg.gather [hbm4b:s11+s4], $0x80, v3, vm0, $0xb8;
	[tilespmem:$0x14680] =	vst v63  }
0x233: {  	s10 =	sadd.s32 $0x500, s10;
	s16 =	simm.s32 $0x10680;
	s17 =	simm.s32 $0x10E80  }
0x234: {  	[tilespmem:s23], [sflag:$0x5] =	stream.indirect_vreg.gather [hbm4b:s12+s4], $0x80, v3, vm0, $0xb8;
	[tilespmem:$0x14680] =	vst v63  }
.Ltmp0:
0x235: {  	s9 =	sadd.s32 $0x50, s9;
	s19 =	simm.s32 $0x11680;
	(pc) =	sbr.rel @p0 .LBB2_2-.Ltmp0, $4  }
0x236: {  	[tilespmem:s24], [sflag:$0x5] =	stream.indirect_vreg.gather [hbm4b:s13+s4], $0x80, v3, vm0, $0xb8;
	[tilespmem:$0x14680] =	vst v63  }
0x237: {  	s20 =	simm.s32 $0x11E80;
	s21 =	simm.s32 $0x12680;
	s22 =	simm.s32 $0x12E80  }
0x238: {  	[tilespmem:s25], [sflag:$0x5] =	stream.indirect_vreg.gather [hbm4b:s14+s4], $0x80, v3, vm0, $0xb8;
	[tilespmem:$0x14680] =	vst v63  }
0x239: {  	s23 =	simm.s32 $0x13680;
	s24 =	simm.s32 $0x13E80;
	s25 =	simm.s32 $0x1  }
0x23a: {  	_ =	swait.ge [sflag:s25], $0x4000  }
0x23b: {  	[sflag:s25] =	ssyncset.done $0x0  }
0x23c: {  	s10 =	simm.s32 $0x680;
	s9 =	rddreg [dreg:$0x4];
	[sflag:s25] =	ssyncadd.s32 $0xFFFFC000  }
0x23d: {  	[hbm4b:s9+s4] =	stream.linear.scatter [tilespmem:s10], [sflag:$0x6], $0x400, $0x38;
	[tilespmem:$0x14680] =	vst v63  }
0x23e: {  	s0 =	simm.s32 $0x2680;
	s9 =	sadd.s32 $0x400, s9  }
0x23f: {  	[hbm4b:s9+s4] =	stream.linear.scatter [tilespmem:s0], [sflag:$0x6], $0x400, $0x38;
	[tilespmem:$0x14680] =	vst v63  }
0x240: {  	s10 =	rddreg [dreg:$0x5];
	s0 =	simm.s32 $0xA80  }
0x241: {  	[hbm4b:s10+s4] =	stream.linear.scatter [tilespmem:s0], [sflag:$0x6], $0x400, $0x38;
	[tilespmem:$0x14680] =	vst v63  }
0x242: {  	s15 =	simm.s32 $0x2A80;
	s9 =	sadd.s32 $0x400, s10  }
0x243: {  	[hbm4b:s9+s4] =	stream.linear.scatter [tilespmem:s15], [sflag:$0x6], $0x400, $0x38;
	[tilespmem:$0x14680] =	vst v63  }
0x244: {  	s0 =	rddreg [dreg:$0x6];
	s15 =	simm.s32 $0xE80  }
0x245: {  	[hbm4b:s0+s4] =	stream.linear.scatter [tilespmem:s15], [sflag:$0x6], $0x400, $0x38;
	[tilespmem:$0x14680] =	vst v63  }
0x246: {  	s9 =	sadd.s32 $0x400, s0;
	s0 =	simm.s32 $0x2E80  }
0x247: {  	[hbm4b:s9+s4] =	stream.linear.scatter [tilespmem:s0], [sflag:$0x6], $0x400, $0x38;
	[tilespmem:$0x14680] =	vst v63  }
0x248: {  	s10 =	simm.s32 $0x1280;
	s15 =	rddreg [dreg:$0x7]  }
0x249: {  	[hbm4b:s15+s4] =	stream.linear.scatter [tilespmem:s10], [sflag:$0x6], $0x400, $0x38;
	[tilespmem:$0x14680] =	vst v63  }
0x24a: {  	s9 =	sadd.s32 $0x400, s15;
	s15 =	simm.s32 $0x3280  }
0x24b: {  	[hbm4b:s9+s4] =	stream.linear.scatter [tilespmem:s15], [sflag:$0x6], $0x400, $0x38;
	[tilespmem:$0x14680] =	vst v63  }
0x24c: {  	s0 =	rddreg [dreg:$0x8];
	s15 =	simm.s32 $0x1680  }
0x24d: {  	[hbm4b:s0+s4] =	stream.linear.scatter [tilespmem:s15], [sflag:$0x6], $0x400, $0x38;
	[tilespmem:$0x14680] =	vst v63  }
0x24e: {  	s9 =	sadd.s32 $0x400, s0;
	s0 =	simm.s32 $0x3680  }
0x24f: {  	[hbm4b:s9+s4] =	stream.linear.scatter [tilespmem:s0], [sflag:$0x6], $0x400, $0x38;
	[tilespmem:$0x14680] =	vst v63  }
0x250: {  	s10 =	simm.s32 $0x1A80;
	s15 =	rddreg [dreg:$0x9]  }
0x251: {  	[hbm4b:s15+s4] =	stream.linear.scatter [tilespmem:s10], [sflag:$0x6], $0x400, $0x38;
	[tilespmem:$0x14680] =	vst v63  }
0x252: {  	s9 =	sadd.s32 $0x400, s15;
	s15 =	simm.s32 $0x3A80  }
0x253: {  	[hbm4b:s9+s4] =	stream.linear.scatter [tilespmem:s15], [sflag:$0x6], $0x400, $0x38;
	[tilespmem:$0x14680] =	vst v63  }
0x254: {  	s0 =	rddreg [dreg:$0xa];
	s15 =	simm.s32 $0x1E80  }
0x255: {  	[hbm4b:s0+s4] =	stream.linear.scatter [tilespmem:s15], [sflag:$0x6], $0x400, $0x38;
	[tilespmem:$0x14680] =	vst v63  }
0x256: {  	s9 =	sadd.s32 $0x400, s0;
	s0 =	simm.s32 $0x3E80;
	s15 =	sld [smem:$0x7F6]  }
0x257: {  	[hbm4b:s9+s4] =	stream.linear.scatter [tilespmem:s0], [sflag:$0x6], $0x400, $0x38;
	[tilespmem:$0x14680] =	vst v63  }
0x258: {  	s10 =	simm.s32 $0x2280  }
0x259: {  	[hbm4b:s15+s4] =	stream.linear.scatter [tilespmem:s10], [sflag:$0x6], $0x400, $0x38;
	[tilespmem:$0x14680] =	vst v63  }
0x25a: {  	s9 =	sadd.s32 $0x80, s15;
	s15 =	simm.s32 $0x4280  }
0x25b: {  	[hbm4b:s9+s4] =	stream.linear.scatter [tilespmem:s15], [sflag:$0x6], $0x400, $0x38;
	[tilespmem:$0x14680] =	vst v63  }
0x25c: {  	_ =	swait.ge [sflag:s31], $0x800  }
0x25d: {  	[sflag:s31] =	ssyncset.done $0x0  }
0x25e: {  	[sflag:s31] =	ssyncadd.s32 $0xFFFFF800  }
0x25f: {  	_ =	swait.ge [sflag:s31], $0x800  }
0x260: {  	[sflag:s31] =	ssyncset.done $0x0  }
0x261: {  	[sflag:s31] =	ssyncadd.s32 $0xFFFFF800  }
0x262: {  	_ =	swait.ge [sflag:s31], $0x800  }
0x263: {  	[sflag:s31] =	ssyncset.done $0x0  }
0x264: {  	[sflag:s31] =	ssyncadd.s32 $0xFFFFF800  }
0x265: {  	_ =	swait.ge [sflag:s31], $0x800  }
0x266: {  	[sflag:s31] =	ssyncset.done $0x0  }
0x267: {  	[sflag:s31] =	ssyncadd.s32 $0xFFFFF800  }
0x268: {  	_ =	swait.ge [sflag:s31], $0x800  }
0x269: {  	[sflag:s31] =	ssyncset.done $0x0  }
0x26a: {  	[sflag:s31] =	ssyncadd.s32 $0xFFFFF800  }
0x26b: {  	_ =	swait.ge [sflag:s31], $0x800  }
0x26c: {  	[sflag:s31] =	ssyncset.done $0x0  }
0x26d: {  	[sflag:s31] =	ssyncadd.s32 $0xFFFFF800  }
0x26e: {  	_ =	swait.ge [sflag:s31], $0x800  }
0x26f: {  	[sflag:s31] =	ssyncset.done $0x0  }
0x270: {  	[sflag:s31] =	ssyncadd.s32 $0xFFFFF800  }
0x271: {  	_ =	swait.ge [sflag:s31], $0x800  }
0x272: {  	[sflag:s31] =	ssyncset.done $0x0  }
0x273: {  	s10 =	simm.s32 $0x2;
	[sflag:s31] =	ssyncadd.s32 $0xFFFFF800  }
0x274: {  	_ =	swait.ge [sflag:s10], $0x4000  }
0x275: {  	[sflag:s10] =	ssyncset.done $0x0  }
0x276: {  	s0 =	simm.s32 $0x4680;
	s15 =	rddreg [dreg:$0xb];
	[sflag:s10] =	ssyncadd.s32 $0xFFFFC000  }
0x277: {  	[hbm4b:s15+s4] =	stream.linear.scatter [tilespmem:s0], [sflag:$0x7], $0x400, $0x38;
	[tilespmem:$0x14680] =	vst v63  }
0x278: {  	s9 =	sadd.s32 $0x400, s15;
	s15 =	simm.s32 $0x6680  }
0x279: {  	[hbm4b:s9+s4] =	stream.linear.scatter [tilespmem:s15], [sflag:$0x7], $0x400, $0x38;
	[tilespmem:$0x14680] =	vst v63  }
0x27a: {  	s10 =	rddreg [dreg:$0xc];
	s15 =	simm.s32 $0x4A80  }
0x27b: {  	[hbm4b:s10+s4] =	stream.linear.scatter [tilespmem:s15], [sflag:$0x7], $0x400, $0x38;
	[tilespmem:$0x14680] =	vst v63  }
0x27c: {  	s9 =	sadd.s32 $0x400, s10;
	s10 =	simm.s32 $0x6A80  }
0x27d: {  	[hbm4b:s9+s4] =	stream.linear.scatter [tilespmem:s10], [sflag:$0x7], $0x400, $0x38;
	[tilespmem:$0x14680] =	vst v63  }
0x27e: {  	s0 =	simm.s32 $0x4E80;
	s15 =	rddreg [dreg:$0xd]  }
0x27f: {  	[hbm4b:s15+s4] =	stream.linear.scatter [tilespmem:s0], [sflag:$0x7], $0x400, $0x38;
	[tilespmem:$0x14680] =	vst v63  }
0x280: {  	s9 =	sadd.s32 $0x400, s15;
	s15 =	simm.s32 $0x6E80  }
0x281: {  	[hbm4b:s9+s4] =	stream.linear.scatter [tilespmem:s15], [sflag:$0x7], $0x400, $0x38;
	[tilespmem:$0x14680] =	vst v63  }
0x282: {  	s10 =	rddreg [dreg:$0xe];
	s15 =	simm.s32 $0x5280  }
0x283: {  	[hbm4b:s10+s4] =	stream.linear.scatter [tilespmem:s15], [sflag:$0x7], $0x400, $0x38;
	[tilespmem:$0x14680] =	vst v63  }
0x284: {  	s9 =	sadd.s32 $0x400, s10;
	s10 =	simm.s32 $0x7280  }
0x285: {  	[hbm4b:s9+s4] =	stream.linear.scatter [tilespmem:s10], [sflag:$0x7], $0x400, $0x38;
	[tilespmem:$0x14680] =	vst v63  }
0x286: {  	s0 =	simm.s32 $0x5680;
	s15 =	rddreg [dreg:$0xf]  }
0x287: {  	[hbm4b:s15+s4] =	stream.linear.scatter [tilespmem:s0], [sflag:$0x7], $0x400, $0x38;
	[tilespmem:$0x14680] =	vst v63  }
0x288: {  	s9 =	sadd.s32 $0x400, s15;
	s15 =	simm.s32 $0x7680  }
0x289: {  	[hbm4b:s9+s4] =	stream.linear.scatter [tilespmem:s15], [sflag:$0x7], $0x400, $0x38;
	[tilespmem:$0x14680] =	vst v63  }
0x28a: {  	s10 =	rddreg [dreg:$0x10];
	s15 =	simm.s32 $0x5A80  }
0x28b: {  	[hbm4b:s10+s4] =	stream.linear.scatter [tilespmem:s15], [sflag:$0x7], $0x400, $0x38;
	[tilespmem:$0x14680] =	vst v63  }
0x28c: {  	s9 =	sadd.s32 $0x400, s10;
	s10 =	simm.s32 $0x7A80  }
0x28d: {  	[hbm4b:s9+s4] =	stream.linear.scatter [tilespmem:s10], [sflag:$0x7], $0x400, $0x38;
	[tilespmem:$0x14680] =	vst v63  }
0x28e: {  	s0 =	simm.s32 $0x5E80;
	s15 =	rddreg [dreg:$0x11]  }
0x28f: {  	[hbm4b:s15+s4] =	stream.linear.scatter [tilespmem:s0], [sflag:$0x7], $0x400, $0x38;
	[tilespmem:$0x14680] =	vst v63  }
0x290: {  	s9 =	sadd.s32 $0x400, s15;
	s10 =	simm.s32 $0x7E80;
	s15 =	sld [smem:$0x7F7]  }
0x291: {  	[hbm4b:s9+s4] =	stream.linear.scatter [tilespmem:s10], [sflag:$0x7], $0x400, $0x38;
	[tilespmem:$0x14680] =	vst v63  }
0x292: {  	s10 =	simm.s32 $0x6280  }
0x293: {  	[hbm4b:s15+s4] =	stream.linear.scatter [tilespmem:s10], [sflag:$0x7], $0x400, $0x38;
	[tilespmem:$0x14680] =	vst v63  }
0x294: {  	s9 =	sadd.s32 $0x80, s15;
	s15 =	simm.s32 $0x8280  }
0x295: {  	[hbm4b:s9+s4] =	stream.linear.scatter [tilespmem:s15], [sflag:$0x7], $0x400, $0x38;
	[tilespmem:$0x14680] =	vst v63  }
0x296: {  	_ =	swait.ge [sflag:s1], $0x800  }
0x297: {  	[sflag:s1] =	ssyncset.done $0x0  }
0x298: {  	[sflag:s1] =	ssyncadd.s32 $0xFFFFF800  }
0x299: {  	_ =	swait.ge [sflag:s1], $0x800  }
0x29a: {  	[sflag:s1] =	ssyncset.done $0x0  }
0x29b: {  	[sflag:s1] =	ssyncadd.s32 $0xFFFFF800  }
0x29c: {  	_ =	swait.ge [sflag:s1], $0x800  }
0x29d: {  	[sflag:s1] =	ssyncset.done $0x0  }
0x29e: {  	[sflag:s1] =	ssyncadd.s32 $0xFFFFF800  }
0x29f: {  	_ =	swait.ge [sflag:s1], $0x800  }
0x2a0: {  	[sflag:s1] =	ssyncset.done $0x0  }
0x2a1: {  	[sflag:s1] =	ssyncadd.s32 $0xFFFFF800  }
0x2a2: {  	_ =	swait.ge [sflag:s1], $0x800  }
0x2a3: {  	[sflag:s1] =	ssyncset.done $0x0  }
0x2a4: {  	[sflag:s1] =	ssyncadd.s32 $0xFFFFF800  }
0x2a5: {  	_ =	swait.ge [sflag:s1], $0x800  }
0x2a6: {  	[sflag:s1] =	ssyncset.done $0x0  }
0x2a7: {  	[sflag:s1] =	ssyncadd.s32 $0xFFFFF800  }
0x2a8: {  	_ =	swait.ge [sflag:s1], $0x800  }
0x2a9: {  	[sflag:s1] =	ssyncset.done $0x0  }
0x2aa: {  	[sflag:s1] =	ssyncadd.s32 $0xFFFFF800  }
0x2ab: {  	_ =	swait.ge [sflag:s1], $0x800  }
0x2ac: {  	[sflag:s1] =	ssyncset.done $0x0  }
0x2ad: {  	s9 =	simm.s32 $0x3;
	[sflag:s1] =	ssyncadd.s32 $0xFFFFF800  }
0x2ae: {  	_ =	swait.ge [sflag:s9], $0x4000  }
0x2af: {  	[sflag:s9] =	ssyncset.done $0x0  }
0x2b0: {  	s15 =	simm.s32 $0x8680;
	s10 =	rddreg [dreg:$0x12];
	[sflag:s9] =	ssyncadd.s32 $0xFFFFC000  }
0x2b1: {  	[hbm4b:s10+s4] =	stream.linear.scatter [tilespmem:s15], [sflag:$0x8], $0x400, $0x38;
	[tilespmem:$0x14680] =	vst v63  }
0x2b2: {  	s9 =	sadd.s32 $0x400, s10;
	s10 =	simm.s32 $0xA680  }
0x2b3: {  	[hbm4b:s9+s4] =	stream.linear.scatter [tilespmem:s10], [sflag:$0x8], $0x400, $0x38;
	[tilespmem:$0x14680] =	vst v63  }
0x2b4: {  	s15 =	rddreg [dreg:$0x13];
	s10 =	simm.s32 $0x8A80  }
0x2b5: {  	[hbm4b:s15+s4] =	stream.linear.scatter [tilespmem:s10], [sflag:$0x8], $0x400, $0x38;
	[tilespmem:$0x14680] =	vst v63  }
0x2b6: {  	s9 =	sadd.s32 $0x400, s15;
	s15 =	simm.s32 $0xAA80  }
0x2b7: {  	[hbm4b:s9+s4] =	stream.linear.scatter [tilespmem:s15], [sflag:$0x8], $0x400, $0x38;
	[tilespmem:$0x14680] =	vst v63  }
0x2b8: {  	s10 =	rddreg [dreg:$0x14];
	s15 =	simm.s32 $0x8E80  }
0x2b9: {  	[hbm4b:s10+s4] =	stream.linear.scatter [tilespmem:s15], [sflag:$0x8], $0x400, $0x38;
	[tilespmem:$0x14680] =	vst v63  }
0x2ba: {  	s9 =	sadd.s32 $0x400, s10;
	s10 =	simm.s32 $0xAE80  }
0x2bb: {  	[hbm4b:s9+s4] =	stream.linear.scatter [tilespmem:s10], [sflag:$0x8], $0x400, $0x38;
	[tilespmem:$0x14680] =	vst v63  }
0x2bc: {  	s15 =	rddreg [dreg:$0x15];
	s10 =	simm.s32 $0x9280  }
0x2bd: {  	[hbm4b:s15+s4] =	stream.linear.scatter [tilespmem:s10], [sflag:$0x8], $0x400, $0x38;
	[tilespmem:$0x14680] =	vst v63  }
0x2be: {  	s9 =	sadd.s32 $0x400, s15;
	s15 =	simm.s32 $0xB280  }
0x2bf: {  	[hbm4b:s9+s4] =	stream.linear.scatter [tilespmem:s15], [sflag:$0x8], $0x400, $0x38;
	[tilespmem:$0x14680] =	vst v63  }
0x2c0: {  	s10 =	rddreg [dreg:$0x16];
	s15 =	simm.s32 $0x9680  }
0x2c1: {  	[hbm4b:s10+s4] =	stream.linear.scatter [tilespmem:s15], [sflag:$0x8], $0x400, $0x38;
	[tilespmem:$0x14680] =	vst v63  }
0x2c2: {  	s9 =	sadd.s32 $0x400, s10;
	s10 =	simm.s32 $0xB680  }
0x2c3: {  	[hbm4b:s9+s4] =	stream.linear.scatter [tilespmem:s10], [sflag:$0x8], $0x400, $0x38;
	[tilespmem:$0x14680] =	vst v63  }
0x2c4: {  	s15 =	rddreg [dreg:$0x17];
	s10 =	simm.s32 $0x9A80  }
0x2c5: {  	[hbm4b:s15+s4] =	stream.linear.scatter [tilespmem:s10], [sflag:$0x8], $0x400, $0x38;
	[tilespmem:$0x14680] =	vst v63  }
0x2c6: {  	s9 =	sadd.s32 $0x400, s15;
	s15 =	simm.s32 $0xBA80  }
0x2c7: {  	[hbm4b:s9+s4] =	stream.linear.scatter [tilespmem:s15], [sflag:$0x8], $0x400, $0x38;
	[tilespmem:$0x14680] =	vst v63  }
0x2c8: {  	s10 =	rddreg [dreg:$0x18];
	s15 =	simm.s32 $0x9E80  }
0x2c9: {  	[hbm4b:s10+s4] =	stream.linear.scatter [tilespmem:s15], [sflag:$0x8], $0x400, $0x38;
	[tilespmem:$0x14680] =	vst v63  }
0x2ca: {  	s9 =	sadd.s32 $0x400, s10;
	s10 =	simm.s32 $0xBE80;
	s15 =	sld [smem:$0x7F8]  }
0x2cb: {  	[hbm4b:s9+s4] =	stream.linear.scatter [tilespmem:s10], [sflag:$0x8], $0x400, $0x38;
	[tilespmem:$0x14680] =	vst v63  }
0x2cc: {  	s10 =	simm.s32 $0xA280  }
0x2cd: {  	[hbm4b:s15+s4] =	stream.linear.scatter [tilespmem:s10], [sflag:$0x8], $0x400, $0x38;
	[tilespmem:$0x14680] =	vst v63  }
0x2ce: {  	s9 =	sadd.s32 $0x80, s15;
	s15 =	simm.s32 $0xC280  }
0x2cf: {  	[hbm4b:s9+s4] =	stream.linear.scatter [tilespmem:s15], [sflag:$0x8], $0x400, $0x38;
	[tilespmem:$0x14680] =	vst v63  }
0x2d0: {  	_ =	swait.ge [sflag:s3], $0x800  }
0x2d1: {  	[sflag:s3] =	ssyncset.done $0x0  }
0x2d2: {  	[sflag:s3] =	ssyncadd.s32 $0xFFFFF800  }
0x2d3: {  	_ =	swait.ge [sflag:s3], $0x800  }
0x2d4: {  	[sflag:s3] =	ssyncset.done $0x0  }
0x2d5: {  	[sflag:s3] =	ssyncadd.s32 $0xFFFFF800  }
0x2d6: {  	_ =	swait.ge [sflag:s3], $0x800  }
0x2d7: {  	[sflag:s3] =	ssyncset.done $0x0  }
0x2d8: {  	[sflag:s3] =	ssyncadd.s32 $0xFFFFF800  }
0x2d9: {  	_ =	swait.ge [sflag:s3], $0x800  }
0x2da: {  	[sflag:s3] =	ssyncset.done $0x0  }
0x2db: {  	[sflag:s3] =	ssyncadd.s32 $0xFFFFF800  }
0x2dc: {  	_ =	swait.ge [sflag:s3], $0x800  }
0x2dd: {  	[sflag:s3] =	ssyncset.done $0x0  }
0x2de: {  	[sflag:s3] =	ssyncadd.s32 $0xFFFFF800  }
0x2df: {  	_ =	swait.ge [sflag:s3], $0x800  }
0x2e0: {  	[sflag:s3] =	ssyncset.done $0x0  }
0x2e1: {  	[sflag:s3] =	ssyncadd.s32 $0xFFFFF800  }
0x2e2: {  	_ =	swait.ge [sflag:s3], $0x800  }
0x2e3: {  	[sflag:s3] =	ssyncset.done $0x0  }
0x2e4: {  	[sflag:s3] =	ssyncadd.s32 $0xFFFFF800  }
0x2e5: {  	_ =	swait.ge [sflag:s3], $0x800  }
0x2e6: {  	[sflag:s3] =	ssyncset.done $0x0  }
0x2e7: {  	s9 =	simm.s32 $0x4;
	[sflag:s3] =	ssyncadd.s32 $0xFFFFF800  }
0x2e8: {  	_ =	swait.ge [sflag:s9], $0x4000  }
0x2e9: {  	[sflag:s9] =	ssyncset.done $0x0  }
0x2ea: {  	s10 =	rddreg [dreg:$0x19];
	[sflag:s9] =	ssyncadd.s32 $0xFFFFC000  }
0x2eb: {  	[hbm4b:s10+s4] =	stream.linear.scatter [tilespmem:s26], [sflag:$0x9], $0x400, $0x38;
	[tilespmem:$0x14680] =	vst v63  }
0x2ec: {  	s9 =	sadd.s32 $0x400, s10  }
0x2ed: {  	[hbm4b:s9+s4] =	stream.linear.scatter [tilespmem:s2], [sflag:$0x9], $0x400, $0x38;
	[tilespmem:$0x14680] =	vst v63  }
0x2ee: {  	s15 =	rddreg [dreg:$0x1a];
	s10 =	simm.s32 $0xCA80  }
0x2ef: {  	[hbm4b:s15+s4] =	stream.linear.scatter [tilespmem:s10], [sflag:$0x9], $0x400, $0x38;
	[tilespmem:$0x14680] =	vst v63  }
0x2f0: {  	s9 =	sadd.s32 $0x400, s15;
	s15 =	simm.s32 $0xEA80  }
0x2f1: {  	[hbm4b:s9+s4] =	stream.linear.scatter [tilespmem:s15], [sflag:$0x9], $0x400, $0x38;
	[tilespmem:$0x14680] =	vst v63  }
0x2f2: {  	s10 =	rddreg [dreg:$0x1b]  }
0x2f3: {  	[hbm4b:s10+s4] =	stream.linear.scatter [tilespmem:s28], [sflag:$0x9], $0x400, $0x38;
	[tilespmem:$0x14680] =	vst v63  }
0x2f4: {  	s9 =	sadd.s32 $0x400, s10  }
0x2f5: {  	[hbm4b:s9+s4] =	stream.linear.scatter [tilespmem:s5], [sflag:$0x9], $0x400, $0x38;
	[tilespmem:$0x14680] =	vst v63  }
0x2f6: {  	s15 =	rddreg [dreg:$0x1c];
	s10 =	simm.s32 $0xD280  }
0x2f7: {  	[hbm4b:s15+s4] =	stream.linear.scatter [tilespmem:s10], [sflag:$0x9], $0x400, $0x38;
	[tilespmem:$0x14680] =	vst v63  }
0x2f8: {  	s9 =	sadd.s32 $0x400, s15;
	s15 =	simm.s32 $0xF280  }
0x2f9: {  	[hbm4b:s9+s4] =	stream.linear.scatter [tilespmem:s15], [sflag:$0x9], $0x400, $0x38;
	[tilespmem:$0x14680] =	vst v63  }
0x2fa: {  	s10 =	rddreg [dreg:$0x1d]  }
0x2fb: {  	[hbm4b:s10+s4] =	stream.linear.scatter [tilespmem:s29], [sflag:$0x9], $0x400, $0x38;
	[tilespmem:$0x14680] =	vst v63  }
0x2fc: {  	s9 =	sadd.s32 $0x400, s10  }
0x2fd: {  	[hbm4b:s9+s4] =	stream.linear.scatter [tilespmem:s7], [sflag:$0x9], $0x400, $0x38;
	[tilespmem:$0x14680] =	vst v63  }
0x2fe: {  	s15 =	rddreg [dreg:$0x1e];
	s10 =	simm.s32 $0xDA80  }
0x2ff: {  	[hbm4b:s15+s4] =	stream.linear.scatter [tilespmem:s10], [sflag:$0x9], $0x400, $0x38;
	[tilespmem:$0x14680] =	vst v63  }
0x300: {  	s9 =	sadd.s32 $0x400, s15;
	s15 =	simm.s32 $0xFA80  }
0x301: {  	[hbm4b:s9+s4] =	stream.linear.scatter [tilespmem:s15], [sflag:$0x9], $0x400, $0x38;
	[tilespmem:$0x14680] =	vst v63  }
0x302: {  	s10 =	rddreg [dreg:$0x1f]  }
0x303: {  	[hbm4b:s10+s4] =	stream.linear.scatter [tilespmem:s30], [sflag:$0x9], $0x400, $0x38;
	[tilespmem:$0x14680] =	vst v63  }
0x304: {  	s9 =	sadd.s32 $0x400, s10;
	s15 =	sld [smem:$0x7F9]  }
0x305: {  	[hbm4b:s9+s4] =	stream.linear.scatter [tilespmem:s18], [sflag:$0x9], $0x400, $0x38;
	[tilespmem:$0x14680] =	vst v63  }
0x306: {  	s10 =	simm.s32 $0xE280  }
0x307: {  	[hbm4b:s15+s4] =	stream.linear.scatter [tilespmem:s10], [sflag:$0x9], $0x400, $0x38;
	[tilespmem:$0x14680] =	vst v63  }
0x308: {  	s9 =	sadd.s32 $0x80, s15;
	s15 =	simm.s32 $0x10280  }
0x309: {  	[hbm4b:s9+s4] =	stream.linear.scatter [tilespmem:s15], [sflag:$0x9], $0x400, $0x38;
	[tilespmem:$0x14680] =	vst v63  }
0x30a: {  	_ =	swait.ge [sflag:s6], $0x800  }
0x30b: {  	[sflag:s6] =	ssyncset.done $0x0  }
0x30c: {  	[sflag:s6] =	ssyncadd.s32 $0xFFFFF800  }
0x30d: {  	_ =	swait.ge [sflag:s6], $0x800  }
0x30e: {  	[sflag:s6] =	ssyncset.done $0x0  }
0x30f: {  	[sflag:s6] =	ssyncadd.s32 $0xFFFFF800  }
0x310: {  	_ =	swait.ge [sflag:s6], $0x800  }
0x311: {  	[sflag:s6] =	ssyncset.done $0x0  }
0x312: {  	[sflag:s6] =	ssyncadd.s32 $0xFFFFF800  }
0x313: {  	_ =	swait.ge [sflag:s6], $0x800  }
0x314: {  	[sflag:s6] =	ssyncset.done $0x0  }
0x315: {  	[sflag:s6] =	ssyncadd.s32 $0xFFFFF800  }
0x316: {  	_ =	swait.ge [sflag:s6], $0x800  }
0x317: {  	[sflag:s6] =	ssyncset.done $0x0  }
0x318: {  	[sflag:s6] =	ssyncadd.s32 $0xFFFFF800  }
0x319: {  	_ =	swait.ge [sflag:s6], $0x800  }
0x31a: {  	[sflag:s6] =	ssyncset.done $0x0  }
0x31b: {  	[sflag:s6] =	ssyncadd.s32 $0xFFFFF800  }
0x31c: {  	_ =	swait.ge [sflag:s6], $0x800  }
0x31d: {  	[sflag:s6] =	ssyncset.done $0x0  }
0x31e: {  	[sflag:s6] =	ssyncadd.s32 $0xFFFFF800  }
0x31f: {  	_ =	swait.ge [sflag:s6], $0x800  }
0x320: {  	[sflag:s6] =	ssyncset.done $0x0  }
0x321: {  	s9 =	simm.s32 $0x5;
	[sflag:s6] =	ssyncadd.s32 $0xFFFFF800  }
0x322: {  	_ =	swait.ge [sflag:s9], $0x4000  }
0x323: {  	s10 =	sld [smem:$0x7F5]  }
0x324: {  	[sflag:s9] =	ssyncset.done $0x0  }
0x325: {  	[sflag:s9] =	ssyncadd.s32 $0xFFFFC000  }
0x326: {  	[hbm4b:s10+s4] =	stream.linear.scatter [tilespmem:s16], [sflag:$0xA], $0x400, $0x38;
	[tilespmem:$0x14680] =	vst v63  }
0x327: {  	s15 =	sld [smem:$0x7EF];
	s9 =	sadd.s32 $0x400, s10  }
0x328: {  	[hbm4b:s9+s4] =	stream.linear.scatter [tilespmem:s21], [sflag:$0xA], $0x400, $0x38;
	[tilespmem:$0x14680] =	vst v63  }
0x329: {  	s10 =	simm.s32 $0x10A80  }
0x32a: {  	[hbm4b:s15+s4] =	stream.linear.scatter [tilespmem:s10], [sflag:$0xA], $0x400, $0x38;
	[tilespmem:$0x14680] =	vst v63  }
0x32b: {  	s9 =	sadd.s32 $0x400, s15;
	s15 =	simm.s32 $0x12A80;
	s10 =	sld [smem:$0x7F0]  }
0x32c: {  	[hbm4b:s9+s4] =	stream.linear.scatter [tilespmem:s15], [sflag:$0xA], $0x400, $0x38;
	[tilespmem:$0x14680] =	vst v63  }
0x32d: {  	_ = 	snop  }
0x32e: {  	[hbm4b:s10+s4] =	stream.linear.scatter [tilespmem:s17], [sflag:$0xA], $0x400, $0x38;
	[tilespmem:$0x14680] =	vst v63  }
0x32f: {  	s15 =	sld [smem:$0x7F1];
	s9 =	sadd.s32 $0x400, s10  }
0x330: {  	[hbm4b:s9+s4] =	stream.linear.scatter [tilespmem:s22], [sflag:$0xA], $0x400, $0x38;
	[tilespmem:$0x14680] =	vst v63  }
0x331: {  	s10 =	simm.s32 $0x11280  }
0x332: {  	[hbm4b:s15+s4] =	stream.linear.scatter [tilespmem:s10], [sflag:$0xA], $0x400, $0x38;
	[tilespmem:$0x14680] =	vst v63  }
0x333: {  	s9 =	sadd.s32 $0x400, s15;
	s15 =	simm.s32 $0x13280;
	s10 =	sld [smem:$0x7F2]  }
0x334: {  	[hbm4b:s9+s4] =	stream.linear.scatter [tilespmem:s15], [sflag:$0xA], $0x400, $0x38;
	[tilespmem:$0x14680] =	vst v63  }
0x335: {  	_ = 	snop  }
0x336: {  	[hbm4b:s10+s4] =	stream.linear.scatter [tilespmem:s19], [sflag:$0xA], $0x400, $0x38;
	[tilespmem:$0x14680] =	vst v63  }
0x337: {  	s15 =	sld [smem:$0x7F3];
	s9 =	sadd.s32 $0x400, s10  }
0x338: {  	[hbm4b:s9+s4] =	stream.linear.scatter [tilespmem:s23], [sflag:$0xA], $0x400, $0x38;
	[tilespmem:$0x14680] =	vst v63  }
0x339: {  	s10 =	simm.s32 $0x11A80  }
0x33a: {  	[hbm4b:s15+s4] =	stream.linear.scatter [tilespmem:s10], [sflag:$0xA], $0x400, $0x38;
	[tilespmem:$0x14680] =	vst v63  }
0x33b: {  	s9 =	sadd.s32 $0x400, s15;
	s15 =	simm.s32 $0x13A80;
	s10 =	sld [smem:$0x7F4]  }
0x33c: {  	[hbm4b:s9+s4] =	stream.linear.scatter [tilespmem:s15], [sflag:$0xA], $0x400, $0x38;
	[tilespmem:$0x14680] =	vst v63  }
0x33d: {  	_ = 	snop  }
0x33e: {  	[hbm4b:s10+s4] =	stream.linear.scatter [tilespmem:s20], [sflag:$0xA], $0x400, $0x38;
	[tilespmem:$0x14680] =	vst v63  }
0x33f: {  	s15 =	sld [smem:$0x7FA];
	s9 =	sadd.s32 $0x400, s10  }
0x340: {  	[hbm4b:s9+s4] =	stream.linear.scatter [tilespmem:s24], [sflag:$0xA], $0x400, $0x38;
	[tilespmem:$0x14680] =	vst v63  }
0x341: {  	s10 =	simm.s32 $0x12280  }
0x342: {  	[hbm4b:s15+s4] =	stream.linear.scatter [tilespmem:s10], [sflag:$0xA], $0x400, $0x38;
	[tilespmem:$0x14680] =	vst v63  }
0x343: {  	s9 =	sadd.s32 $0x80, s15;
	s15 =	simm.s32 $0x14280  }
0x344: {  	[hbm4b:s9+s4] =	stream.linear.scatter [tilespmem:s15], [sflag:$0xA], $0x400, $0x38;
	[tilespmem:$0x14680] =	vst v63  }
0x345: {  	_ =	swait.ge [sflag:s8], $0x800  }
0x346: {  	[sflag:s8] =	ssyncset.done $0x0  }
0x347: {  	[sflag:s8] =	ssyncadd.s32 $0xFFFFF800  }
0x348: {  	_ =	swait.ge [sflag:s8], $0x800  }
0x349: {  	[sflag:s8] =	ssyncset.done $0x0  }
0x34a: {  	[sflag:s8] =	ssyncadd.s32 $0xFFFFF800  }
0x34b: {  	_ =	swait.ge [sflag:s8], $0x800  }
0x34c: {  	[sflag:s8] =	ssyncset.done $0x0  }
0x34d: {  	[sflag:s8] =	ssyncadd.s32 $0xFFFFF800  }
0x34e: {  	_ =	swait.ge [sflag:s8], $0x800  }
0x34f: {  	[sflag:s8] =	ssyncset.done $0x0  }
0x350: {  	[sflag:s8] =	ssyncadd.s32 $0xFFFFF800  }
0x351: {  	_ =	swait.ge [sflag:s8], $0x800  }
0x352: {  	[sflag:s8] =	ssyncset.done $0x0  }
0x353: {  	[sflag:s8] =	ssyncadd.s32 $0xFFFFF800  }
0x354: {  	_ =	swait.ge [sflag:s8], $0x800  }
0x355: {  	[sflag:s8] =	ssyncset.done $0x0  }
0x356: {  	[sflag:s8] =	ssyncadd.s32 $0xFFFFF800  }
0x357: {  	_ =	swait.ge [sflag:s8], $0x800  }
0x358: {  	[sflag:s8] =	ssyncset.done $0x0  }
0x359: {  	[sflag:s8] =	ssyncadd.s32 $0xFFFFF800  }
0x35a: {  	_ =	swait.ge [sflag:s8], $0x800  }
0x35b: {  	s10 =	sld [smem:$0x7EE]  }
0x35c: {  	s15 =	sld [smem:$0x7FC];
	_ =	sdelay $0x1  }
0x35d: {  	s0 =	sadd.s32 $0x1, s10  }
0x35e: {  	p0 =	sne.s32 s0, s15  }
.Ltmp1:
0x35f: {  	_ = 	snop;
	(pc) =	sbr.rel @p0 .LBB2_1-.Ltmp1, $3  }
0x360: {  	_ =	sdelay $0x1  }
0x361: {  	[sflag:s8] =	ssyncset.done $0x0  }
0x362: {  	[sflag:s8] =	ssyncadd.s32 $0xFFFFF800  }
0x363: {  	_ =	sfence.sel $0x180000  }
0x364: {  	[bflag:$0x0] =	sbarrier.arrive $0xFFFF  }
0x365: {  	_ =	strace $0x90000047  }
0x366: {  	s0 =	stileid.u32;
	[bflag:$0x2] =	sbarrier.arrive $0xFFFF  }
0x367: {  	p0 =	sne.s32 s0, $0x0;
	s0 =	rddreg [dreg:$0x2]  }
0x368: {  	s0 =	sadd.s32 @!p0 $0x100000, s0  }
0x369: {  	[sflag:s0] =	ssyncadd.tile.s32 @!p0 $0x1;
	_ =	shalt  }
.Lfunc_end2:
_tile_overlayer_lowered:
.L_overlay_start_2:
0x36a: {  	(tag) =	ssettag $0x2  }
0x36b: {  	s0 =	rddreg [dreg:$0x0];
	s2 =	stileid.u32  }
0x36c: {  	s1 =	rddreg [dreg:$0x1];
	p0 =	sne.s32 s2, $0x0  }
0x36d: {  	s3 =	rddreg [dreg:$0x2];
	[bflag:$0x3] =	sbarrier.arrive $0xFFFF;
	s2 =	simm.s32 @!p0 $0x1C0B  }
0x36e: {  	[timem:s3], [sflag:s2] =	dma.local @!p0 [hbm:s0], s1  }
0x36f: {  	s0 =	simm.s32 @!p0 $0xB  }
0x370: {  	_ =	swait.ge @!p0 [sflag:s0], s1  }
0x371: {  	s1 =	ssub.s32 @!p0 $0x0, s1;
	[sflag:s0] =	ssyncset.done @!p0 $0x0  }
0x372: {  	[sflag:s0] =	ssyncadd.s32 @!p0 s1  }
0x373: {  	[bflag:$0x3] =	sbarrier.arrive $0xFFFF  }
0x374: {  	_ =	shalt  }

</sc_bundles>
